<compile_context>
chip_gen: v7x
topology: tpu7x:2x2x1
jax: 0.10.2.dev20260603
libtpu: 0.0.44.dev20260713+nightly
codegen_flags: <defaults>
</compile_context>

<pallas_src>
import functools

import jax
import jax.numpy as jnp
from jax import lax
from jax.experimental import pallas as pl
from jax.experimental.pallas import tpu as pltpu
from jax.experimental.pallas import tpu_sc as plsc

N = 10000
E = 320000
EMB = 128
FEAT = 256
L = 5
G = 64

NC = 2
NS = 16
NW = NC * NS
CH = 80
EPT = E // NW
NCHUNK = EPT // CH
RPT = N // NS
CN = N * 16
CPT = CN // NS
NODE_CHUNKS = N // CH

def _h0_body(x0r, x1r, e1r, e2r, out, i0, i1, rows, sem):
    c = lax.axis_index("c")
    s = lax.axis_index("s")
    wid = c * NS + s

    @pl.loop(wid, NODE_CHUNKS, step=NW)
    def _(k):
        b = k * CH
        pltpu.sync_copy(x0r.at[pl.ds(b, CH)], i0)
        pltpu.sync_copy(x1r.at[pl.ds(b, CH)], i1)
        pltpu.async_copy(e1r.at[i0], rows, sem).wait()
        pltpu.async_copy(e2r.at[i1], rows, sem, add=True).wait()
        pltpu.sync_copy(rows, out.at[pl.ds(b, CH)])


ZCH = 200
NZ = N // ZCH


def _spmm_body(hr, etabr, srcr, dstr, cmbr, out, acc,
               sv0, dv0, cv0, rows0, sv1, dv1, cv1, rows1, stage, sem0, sem1):
    c = lax.axis_index("c")
    s = lax.axis_index("s")
    wid = c * NS + s

    @pl.loop(0, ZCH)
    def _(r):
        for cc in range(EMB // 16):
            stage[r, pl.ds(cc * 16, 16)] = jnp.zeros((16,), jnp.float32)

    @pl.loop(s, NZ, step=NS)
    def _(k):
        pltpu.sync_copy(stage, acc.at[pl.ds(k * ZCH, ZCH)])

    plsc.subcore_barrier()

    base = wid * EPT

    @pl.loop(0, NCHUNK)
    def _(k):
        b = base + k * CH
        pltpu.sync_copy(srcr.at[pl.ds(b, CH)], sv0)
        pltpu.sync_copy(dstr.at[pl.ds(b, CH)], dv0)
        pltpu.sync_copy(cmbr.at[pl.ds(b, CH)], cv0)
        pltpu.async_copy(etabr.at[cv0], rows0, sem0).wait()
        pltpu.async_copy(hr.at[sv0], rows0, sem0, add=True).wait()
        pltpu.sync_copy(rows0, acc.at[dv0], add=True)

    plsc.subcore_barrier()

    @pl.loop(s, NZ, step=NS)
    def _(k):
        pltpu.sync_copy(acc.at[pl.ds(k * ZCH, ZCH)], stage)
        pltpu.sync_copy(stage, out.at[pl.ds(c * N + k * ZCH, ZCH)])


@functools.lru_cache(maxsize=None)
def _sc_kernels():
    mesh = plsc.VectorSubcoreMesh(core_axis_name="c", subcore_axis_name="s",
                                  num_cores=NC, num_subcores=NS)
    h0 = pl.kernel(
        _h0_body,
        out_type=jax.ShapeDtypeStruct((N, EMB), jnp.float32),
        mesh=mesh,
        scratch_types=[
            pltpu.VMEM((CH,), jnp.int32),
            pltpu.VMEM((CH,), jnp.int32),
            pltpu.VMEM((CH, EMB), jnp.float32),
            pltpu.SemaphoreType.DMA,
        ],
    )
    spmm = pl.kernel(
        _spmm_body,
        out_type=jax.ShapeDtypeStruct((NC * N, EMB), jnp.float32),
        mesh=mesh,
        scratch_types=[
            pltpu.VMEM_SHARED((N, EMB), jnp.float32),
            pltpu.VMEM((CH,), jnp.int32),
            pltpu.VMEM((CH,), jnp.int32),
            pltpu.VMEM((CH,), jnp.int32),
            pltpu.VMEM((CH, EMB), jnp.float32),
            pltpu.VMEM((CH,), jnp.int32),
            pltpu.VMEM((CH,), jnp.int32),
            pltpu.VMEM((CH,), jnp.int32),
            pltpu.VMEM((CH, EMB), jnp.float32),
            pltpu.VMEM((ZCH, EMB), jnp.float32),
            pltpu.SemaphoreType.DMA,
            pltpu.SemaphoreType.DMA,
        ],
    )
    return h0, spmm


def _h0_sc(x0, x1, emb1p, emb2):
    return _sc_kernels()[0](x0, x1, emb1p, emb2)


def _spmm_sc(h, etab_l, ssrc, sdst, scombo):
    return _sc_kernels()[1](h, etab_l, ssrc, sdst, scombo)


_TB = 1000
_NB = N // _TB


def _dot_hi(a, b):
    return jnp.dot(a, b, preferred_element_type=jnp.float32,
                   precision=lax.Precision.HIGHEST)


def _dot_ref(a, b):
    return jnp.dot(a.astype(jnp.bfloat16), b.astype(jnp.bfloat16),
                   preferred_element_type=jnp.float32)


def _t1_body(p0, p1, hb, et, w1, b1, w2, b2, hm):
    agg = (p0[...] + p1[...]) + (hb[...] + et[12:13, :])
    t = jnp.maximum(_dot_ref(agg, w1[...]) + b1[...], 0.0)
    hm[...] = _dot_ref(t, w2[...]) + b2[...]


def _t1(parts, h, et, w1, b1, w2, b2):
    return pl.pallas_call(
        _t1_body,
        grid=(_NB,),
        in_specs=[
            pl.BlockSpec((_TB, EMB), lambda i: (i, 0)),
            pl.BlockSpec((_TB, EMB), lambda i: (i + _NB, 0)),
            pl.BlockSpec((_TB, EMB), lambda i: (i, 0)),
            pl.BlockSpec((16, EMB), lambda i: (0, 0)),
            pl.BlockSpec((EMB, 2 * EMB), lambda i: (0, 0)),
            pl.BlockSpec((1, 2 * EMB), lambda i: (0, 0)),
            pl.BlockSpec((2 * EMB, EMB), lambda i: (0, 0)),
            pl.BlockSpec((1, EMB), lambda i: (0, 0)),
        ],
        out_specs=pl.BlockSpec((_TB, EMB), lambda i: (i, 0)),
        out_shape=jax.ShapeDtypeStruct((N, EMB), jnp.float32),
    )(parts, parts, h, et, w1, b1, w2, b2)


def _t3_body(hb, bb, fw, fb, w1, b1, g1, bb1, w2, b2, g2, bb2, w3, b3,
             hp_out, out_out, sums, cnts):
    i = pl.program_id(0)
    bvec = jnp.reshape(bb[...], (1, _TB))
    gid = lax.broadcasted_iota(jnp.int32, (G, _TB), 0)
    oh = (gid == bvec).astype(jnp.float32)
    psum = _dot_hi(oh, hb[...])
    pcnt = jnp.broadcast_to(jnp.sum(oh, axis=1, keepdims=True), (G, EMB))

    @pl.when(i == 0)
    def _():
        sums[...] = psum
        cnts[...] = pcnt

    @pl.when(i > 0)
    def _():
        sums[...] = sums[...] + psum
        cnts[...] = cnts[...] + pcnt

    @pl.when(i == _NB - 1)
    def _():
        hp = sums[...] / jnp.maximum(cnts[...], 1.0)
        he = _dot_ref(hp, fw[...]) + fb[...]

        def bn(hx, gg, bbb):
            mean = jnp.mean(hx, axis=0, keepdims=True)
            var = jnp.mean((hx - mean) * (hx - mean), axis=0, keepdims=True)
            return gg * (hx - mean) * lax.rsqrt(var + 1e-5) + bbb

        o = _dot_ref(he, w1[...]) + b1[...]
        o = jnp.maximum(bn(o, g1[...], bb1[...]), 0.0)
        o = _dot_ref(o, w2[...]) + b2[...]
        o = jnp.maximum(bn(o, g2[...], bb2[...]), 0.0)
        o = _dot_ref(o, w3[...]) + b3[...]
        hp_out[...] = hp
        out_out[...] = o


def _t3(h, batch3, fw, fb, w1, b1, g1, bb1, w2, b2, g2, bb2, w3, b3):
    full = lambda r, c: pl.BlockSpec((r, c), lambda i: (0, 0))
    return pl.pallas_call(
        _t3_body,
        grid=(_NB,),
        in_specs=[
            pl.BlockSpec((_TB, EMB), lambda i: (i, 0)),
            pl.BlockSpec((1, 1, _TB), lambda i: (i, 0, 0)),
            full(EMB, FEAT), full(1, FEAT),
            full(FEAT, FEAT), full(1, FEAT), full(1, FEAT), full(1, FEAT),
            full(FEAT, FEAT), full(1, FEAT), full(1, FEAT), full(1, FEAT),
            full(FEAT, FEAT), full(1, FEAT),
        ],
        out_specs=[
            pl.BlockSpec((G, EMB), lambda i: (0, 0)),
            pl.BlockSpec((G, FEAT), lambda i: (0, 0)),
        ],
        out_shape=[
            jax.ShapeDtypeStruct((G, EMB), jnp.float32),
            jax.ShapeDtypeStruct((G, FEAT), jnp.float32),
        ],
        scratch_shapes=[
            pltpu.VMEM((G, EMB), jnp.float32),
            pltpu.VMEM((G, EMB), jnp.float32),
        ],
    )(h, batch3, fw, fb, w1, b1, g1, bb1, w2, b2, g2, bb2, w3, b3)


_IDX0 = tuple(c // 3 for c in range(15)) + (0,)
_IDX1 = tuple(c % 3 for c in range(15)) + (0,)


def kernel(x, edge_index, edge_attr, batch, x_emb1, x_emb2, ee1, ee2, W1, b1,
           W2, b2, bn_g, bn_b, feat_W, feat_b, o_W1, o_b1, o_g1, o_bb1, o_W2,
           o_b2, o_g2, o_bb2, o_W3, o_b3):
    src = edge_index[0]
    dst = edge_index[1]
    combo = edge_attr[:, 0] * 3 + edge_attr[:, 1]
    x0 = x[:, 0]
    x1 = x[:, 1]
    emb1p = jnp.zeros((128, EMB), jnp.float32).at[:x_emb1.shape[0]].set(x_emb1)
    etab = (ee1[:, _IDX0, :] + ee2[:, _IDX1, :]).astype(jnp.float32)
    etab = etab * jnp.array([1.0] * 15 + [0.0], jnp.float32)[None, :, None]

    perm = jnp.argsort(dst, stable=True)
    sdst = dst[perm]
    ssrc = src[perm]
    scombo = combo[perm]

    h = _h0_sc(x0, x1, emb1p, x_emb2)

    for l in range(L):
        parts = _spmm_sc(h, etab[l], ssrc, sdst, scombo)
        agg = (parts[:N] + parts[N:]) + (h + etab[l][12])
        hm = jnp.maximum(agg @ W1[l] + b1[l], 0.0) @ W2[l] + b2[l]
        mean = jnp.mean(hm, axis=0, keepdims=True)
        var = jnp.var(hm, axis=0, keepdims=True)
        h = bn_g[l] * (hm - mean) / jnp.sqrt(var + 1e-5) + bn_b[l]
        if l < L - 1:
            h = jnp.maximum(h, 0.0)

    batch3 = batch.reshape(_NB, 1, _TB)
    hp, out = _t3(h, batch3, feat_W, feat_b.reshape(1, -1),
                  o_W1, o_b1.reshape(1, -1), o_g1.reshape(1, -1),
                  o_bb1.reshape(1, -1),
                  o_W2, o_b2.reshape(1, -1), o_g2.reshape(1, -1),
                  o_bb2.reshape(1, -1),
                  o_W3, o_b3.reshape(1, -1))
    return (hp, out)

# --- scband reference (transcript-rebuilt; emitter-appended) ---
"""Pipeline reference for scband-ginet-154618823031 (READ-ONLY COPY).

The authoritative reference and input builder live on the scoring server;
editing this copy changes nothing except your own understanding.
"""

import jax, jax.numpy as jnp
import numpy as np

N = 10000
E = 320000
EMB = 128
FEAT = 256
L = 5
G = 64

def setup_inputs(seed: int = 0):
    key = jax.random.key(seed)
    ks = jax.random.split(key, 40)
    def p(i, shape):
        return jax.random.normal(ks[i], shape, dtype=jnp.float32) * 0.05
    inp = {}
    inp["x"] = jax.random.randint(ks[0], (N, 2), 0, 3)
    inp["edge_index"] = jax.random.randint(ks[1], (2, E), 0, N)
    inp["edge_attr"] = jax.random.randint(ks[2], (E, 2), 0, 3)
    inp["batch"] = jnp.sort(jax.random.randint(ks[3], (N,), 0, G))
    inp["x_emb1"] = p(4, (119, EMB))
    inp["x_emb2"] = p(5, (3, EMB))
    inp["ee1"] = p(6, (L, 5, EMB))
    inp["ee2"] = p(7, (L, 3, EMB))
    inp["W1"] = p(8, (L, EMB, 2 * EMB))
    inp["b1"] = p(9, (L, 2 * EMB))
    inp["W2"] = p(10, (L, 2 * EMB, EMB))
    inp["b2"] = p(11, (L, EMB))
    inp["bn_g"] = jnp.ones((L, EMB), dtype=jnp.float32)
    inp["bn_b"] = jnp.zeros((L, EMB), dtype=jnp.float32)
    inp["feat_W"] = p(12, (EMB, FEAT))
    inp["feat_b"] = p(13, (FEAT,))
    inp["o_W1"] = p(14, (FEAT, FEAT))
    inp["o_b1"] = p(15, (FEAT,))
    inp["o_g1"] = jnp.ones((FEAT,), dtype=jnp.float32)
    inp["o_bb1"] = jnp.zeros((FEAT,), dtype=jnp.float32)
    inp["o_W2"] = p(16, (FEAT, FEAT))
    inp["o_b2"] = p(17, (FEAT,))
    inp["o_g2"] = jnp.ones((FEAT,), dtype=jnp.float32)
    inp["o_bb2"] = jnp.zeros((FEAT,), dtype=jnp.float32)
    inp["o_W3"] = p(18, (FEAT, FEAT))
    inp["o_b3"] = p(19, (FEAT,))
    return inp

def _bn(h, g, b):
    mean = jnp.mean(h, axis=0, keepdims=True)
    var = jnp.var(h, axis=0, keepdims=True)
    return g * (h - mean) / jnp.sqrt(var + 1e-5) + b

def _forward(x, edge_index, edge_attr, batch, x_emb1, x_emb2, ee1, ee2, W1, b1, W2, b2, bn_g, bn_b, feat_W, feat_b, o_W1, o_b1, o_g1, o_bb1, o_W2, o_b2, o_g2, o_bb2, o_W3, o_b3):
    n = x.shape[0]
    h = x_emb1[x[:, 0]] + x_emb2[x[:, 1]]
    loop = jnp.arange(n, dtype=edge_index.dtype)
    ei = jnp.concatenate([edge_index, jnp.stack([loop, loop])], axis=1)
    self_attr = jnp.concatenate([jnp.full((n, 1), 4, dtype=edge_attr.dtype), jnp.zeros((n, 1), dtype=edge_attr.dtype)], axis=1)
    ea = jnp.concatenate([edge_attr, self_attr], axis=0)
    for l in range(L):
        e_emb = ee1[l][ea[:, 0]] + ee2[l][ea[:, 1]]
        msg = h[ei[0]] + e_emb
        agg = jax.ops.segment_sum(msg, ei[1], num_segments=n)
        hm = jnp.maximum(agg @ W1[l] + b1[l], 0.0) @ W2[l] + b2[l]
        h = _bn(hm, bn_g[l], bn_b[l])
        if l < L - 1:
            h = jnp.maximum(h, 0.0)
    sums = jax.ops.segment_sum(h, batch, num_segments=G)
    cnt = jax.ops.segment_sum(jnp.ones((n, 1), dtype=h.dtype), batch, num_segments=G)
    h_pool = sums / jnp.maximum(cnt, 1.0)
    h_exp = h_pool @ feat_W + feat_b
    o = jnp.maximum(_bn(h_exp @ o_W1 + o_b1, o_g1, o_bb1), 0.0)
    o = jnp.maximum(_bn(o @ o_W2 + o_b2, o_g2, o_bb2), 0.0)
    out = o @ o_W3 + o_b3
    return (h_pool, out)

def reference(x, edge_index, edge_attr, batch, x_emb1, x_emb2, ee1, ee2, W1, b1, W2, b2, bn_g, bn_b, feat_W, feat_b, o_W1, o_b1, o_g1, o_bb1, o_W2, o_b2, o_g2, o_bb2, o_W3, o_b3):
    return _forward(x, edge_index, edge_attr, batch, x_emb1, x_emb2, ee1, ee2, W1, b1, W2, b2, bn_g, bn_b, feat_W, feat_b, o_W1, o_b1, o_g1, o_bb1, o_W2, o_b2, o_g2, o_bb2, o_W3, o_b3)

if __name__ == "__main__":
    import jax
    _d = setup_inputs()
    print(jax.jit(kernel)(*tuple(_d.values())))

</pallas_src>

<mosaic_0001>
#map = affine_map<(d0, d1) -> (0)>
#map1 = affine_map<(d0, d1) -> (0, 0)>
module attributes {stable_mosaic.version = 14 : i64} {
  func.func @_h0_body(%arg0: i32, %arg1: i32, %arg2: memref<10000xi32, #tpu.memory_space<hbm>>, %arg3: memref<10000xi32, #tpu.memory_space<hbm>>, %arg4: memref<128x128xf32, #tpu.memory_space<hbm>>, %arg5: memref<3x128xf32, #tpu.memory_space<hbm>>, %arg6: memref<10000x128xf32, #tpu.memory_space<hbm>>, %arg7: memref<80xi32, #tpu.memory_space<vmem>>, %arg8: memref<80xi32, #tpu.memory_space<vmem>>, %arg9: memref<80x128xf32, #tpu.memory_space<vmem>>, %arg10: memref<!tpu.dma_semaphore, #tpu.memory_space<semaphore_mem>>) attributes {dimension_semantics = [#tpu.dimension_semantics<core_parallel>, #tpu.dimension_semantics<subcore_parallel>], iteration_bounds = array<i64: 2, 16>, scalar_prefetch = 0 : i64, scratch_operands = 4 : i64, tpu.core_type = #tpu.core_type<sc_vector_subcore>, window_params = [{transform_indices = #map}, {transform_indices = #map}, {transform_indices = #map1}, {transform_indices = #map1}, {transform_indices = #map1}]} {
    %mul3A = arith.constant 16 : i32
    %mul3A_0 = arith.muli %arg0, %mul3A : i32
    %add3A = arith.addi %mul3A_0, %arg1 : i32
    %sub3A = arith.constant 125 : i32
    %sub3A_1 = arith.subi %sub3A, %add3A : i32
    %sub3A_2 = arith.constant 32 : i32
    %sub3A_3 = arith.constant 1 : i32
    %sub3A_4 = arith.subi %sub3A_2, %sub3A_3 : i32
    %add3A_5 = arith.addi %sub3A_1, %sub3A_4 : i32
    %div3A = arith.constant 32 : i32
    %div3A_6 = arith.divsi %add3A_5, %div3A : i32
    %while3A = arith.constant 32 : i32
    %while3A_7 = arith.constant 0 : i32
    %while3A_8 = arith.subi %div3A_6, %while3A_7 : i32
    %while3A_9 = arith.addi %while3A_7, %while3A_8 : i32
    %while3A_10 = arith.constant 1 : i32
    %while3A_11 = arith.divsi %while3A_8, %while3A_10 : i32
    %while3A_12 = arith.muli %while3A_11, %while3A_10 : i32
    %while3A_13 = arith.addi %while3A_7, %while3A_12 : i32
    %while3A_14 = arith.constant 1 : i32
    scf.for %while3A_16 = %while3A_7 to %while3A_13 step %while3A_14  : i32 {
      %mul3A_17 = arith.muli %while3A_16, %while3A : i32
      %add3A_18 = arith.addi %add3A, %mul3A_17 : i32
      %mul3A_19 = arith.constant 80 : i32
      %mul3A_20 = arith.muli %add3A_18, %mul3A_19 : i32
      "tpu.region"() ({
        %run_scoped3A = tpu.sem_alloc : memref<!tpu.dma_semaphore, #tpu.memory_space<semaphore_mem>>
        %dma_start3A_31 = tpu.memref_slice %arg2[%mul3A_20] : memref<10000xi32, #tpu.memory_space<hbm>> -> memref<80xi32, #tpu.memory_space<hbm>>
        %dma_start3A_32 = tpu.memref_slice %arg2[%mul3A_20] : memref<10000xi32, #tpu.memory_space<hbm>> -> memref<80xi32, #tpu.memory_space<hbm>>
        tpu.enqueue_dma source(%dma_start3A_32 : memref<80xi32, #tpu.memory_space<hbm>>) target(%arg7 : memref<80xi32, #tpu.memory_space<vmem>>) target_semaphore(%run_scoped3A : memref<!tpu.dma_semaphore, #tpu.memory_space<semaphore_mem>>)
        %dma_wait3A_33 = tpu.memref_slice %arg2[%mul3A_20] : memref<10000xi32, #tpu.memory_space<hbm>> -> memref<80xi32, #tpu.memory_space<hbm>>
        %dma_wait3A_34 = tpu.memref_slice %arg2[%mul3A_20] : memref<10000xi32, #tpu.memory_space<hbm>> -> memref<80xi32, #tpu.memory_space<hbm>>
        tpu.wait_dma2 semaphore(%run_scoped3A : memref<!tpu.dma_semaphore, #tpu.memory_space<semaphore_mem>>) src(%dma_wait3A_34 : memref<80xi32, #tpu.memory_space<hbm>>) dst(%arg7 : memref<80xi32, #tpu.memory_space<vmem>>)
        tpu.yield
      }) : () -> ()
      "tpu.region"() ({
        %run_scoped3A = tpu.sem_alloc : memref<!tpu.dma_semaphore, #tpu.memory_space<semaphore_mem>>
        %dma_start3A_31 = tpu.memref_slice %arg3[%mul3A_20] : memref<10000xi32, #tpu.memory_space<hbm>> -> memref<80xi32, #tpu.memory_space<hbm>>
        %dma_start3A_32 = tpu.memref_slice %arg3[%mul3A_20] : memref<10000xi32, #tpu.memory_space<hbm>> -> memref<80xi32, #tpu.memory_space<hbm>>
        tpu.enqueue_dma source(%dma_start3A_32 : memref<80xi32, #tpu.memory_space<hbm>>) target(%arg8 : memref<80xi32, #tpu.memory_space<vmem>>) target_semaphore(%run_scoped3A : memref<!tpu.dma_semaphore, #tpu.memory_space<semaphore_mem>>)
        %dma_wait3A_33 = tpu.memref_slice %arg3[%mul3A_20] : memref<10000xi32, #tpu.memory_space<hbm>> -> memref<80xi32, #tpu.memory_space<hbm>>
        %dma_wait3A_34 = tpu.memref_slice %arg3[%mul3A_20] : memref<10000xi32, #tpu.memory_space<hbm>> -> memref<80xi32, #tpu.memory_space<hbm>>
        tpu.wait_dma2 semaphore(%run_scoped3A : memref<!tpu.dma_semaphore, #tpu.memory_space<semaphore_mem>>) src(%dma_wait3A_34 : memref<80xi32, #tpu.memory_space<hbm>>) dst(%arg8 : memref<80xi32, #tpu.memory_space<vmem>>)
        tpu.yield
      }) : () -> ()
      %dma_start3A = arith.constant 0 : i32
      %dma_start3A_21 = arith.constant 0 : i32
      %dma_start3A_22 = tpu.memref_slice %arg4[%dma_start3A, %dma_start3A_21] : memref<128x128xf32, #tpu.memory_space<hbm>> -> memref<128x128xf32, #tpu.memory_space<hbm>>
      tpu.enqueue_indirect_dma source(%dma_start3A_22 : memref<128x128xf32, #tpu.memory_space<hbm>>) target(%arg9 : memref<80x128xf32, #tpu.memory_space<vmem>>) offsets(%arg7 : memref<80xi32, #tpu.memory_space<vmem>>) semaphore(%arg10 : memref<!tpu.dma_semaphore, #tpu.memory_space<semaphore_mem>>)
      %dma_wait3A = arith.constant 0 : i32
      %dma_wait3A_23 = arith.constant 0 : i32
      %dma_wait3A_24 = tpu.memref_slice %arg4[%dma_wait3A, %dma_wait3A_23] : memref<128x128xf32, #tpu.memory_space<hbm>> -> memref<128x128xf32, #tpu.memory_space<hbm>>
      tpu.wait_indirect_dma semaphore(%arg10 : memref<!tpu.dma_semaphore, #tpu.memory_space<semaphore_mem>>) src(%dma_wait3A_24 : memref<128x128xf32, #tpu.memory_space<hbm>>) dst(%arg9 : memref<80x128xf32, #tpu.memory_space<vmem>>)
      %dma_start3A_25 = arith.constant 0 : i32
      %dma_start3A_26 = arith.constant 0 : i32
      %dma_start3A_27 = tpu.memref_slice %arg5[%dma_start3A_25, %dma_start3A_26] : memref<3x128xf32, #tpu.memory_space<hbm>> -> memref<3x128xf32, #tpu.memory_space<hbm>>
      tpu.enqueue_indirect_dma source(%dma_start3A_27 : memref<3x128xf32, #tpu.memory_space<hbm>>) target(%arg9 : memref<80x128xf32, #tpu.memory_space<vmem>>) offsets(%arg8 : memref<80xi32, #tpu.memory_space<vmem>>) semaphore(%arg10 : memref<!tpu.dma_semaphore, #tpu.memory_space<semaphore_mem>>) {add = true}
      %dma_wait3A_28 = arith.constant 0 : i32
      %dma_wait3A_29 = arith.constant 0 : i32
      %dma_wait3A_30 = tpu.memref_slice %arg5[%dma_wait3A_28, %dma_wait3A_29] : memref<3x128xf32, #tpu.memory_space<hbm>> -> memref<3x128xf32, #tpu.memory_space<hbm>>
      tpu.wait_indirect_dma semaphore(%arg10 : memref<!tpu.dma_semaphore, #tpu.memory_space<semaphore_mem>>) src(%dma_wait3A_30 : memref<3x128xf32, #tpu.memory_space<hbm>>) dst(%arg9 : memref<80x128xf32, #tpu.memory_space<vmem>>)
      "tpu.region"() ({
        %run_scoped3A = tpu.sem_alloc : memref<!tpu.dma_semaphore, #tpu.memory_space<semaphore_mem>>
        %dma_start3A_31 = arith.constant 0 : i32
        %dma_start3A_32 = tpu.memref_slice %arg6[%mul3A_20, %dma_start3A_31] : memref<10000x128xf32, #tpu.memory_space<hbm>> -> memref<80x128xf32, #tpu.memory_space<hbm>>
        %dma_start3A_33 = arith.constant 0 : i32
        %dma_start3A_34 = tpu.memref_slice %arg6[%mul3A_20, %dma_start3A_33] : memref<10000x128xf32, #tpu.memory_space<hbm>> -> memref<80x128xf32, #tpu.memory_space<hbm>>
        tpu.enqueue_dma source(%arg9 : memref<80x128xf32, #tpu.memory_space<vmem>>) target(%dma_start3A_34 : memref<80x128xf32, #tpu.memory_space<hbm>>) target_semaphore(%run_scoped3A : memref<!tpu.dma_semaphore, #tpu.memory_space<semaphore_mem>>)
        %dma_wait3A_35 = arith.constant 0 : i32
        %dma_wait3A_36 = tpu.memref_slice %arg6[%mul3A_20, %dma_wait3A_35] : memref<10000x128xf32, #tpu.memory_space<hbm>> -> memref<80x128xf32, #tpu.memory_space<hbm>>
        %dma_wait3A_37 = arith.constant 0 : i32
        %dma_wait3A_38 = tpu.memref_slice %arg6[%mul3A_20, %dma_wait3A_37] : memref<10000x128xf32, #tpu.memory_space<hbm>> -> memref<80x128xf32, #tpu.memory_space<hbm>>
        tpu.wait_dma2 semaphore(%run_scoped3A : memref<!tpu.dma_semaphore, #tpu.memory_space<semaphore_mem>>) src(%arg9 : memref<80x128xf32, #tpu.memory_space<vmem>>) dst(%dma_wait3A_38 : memref<80x128xf32, #tpu.memory_space<hbm>>)
        tpu.yield
      }) : () -> ()
    }
    %while3A_15 = arith.constant 1 : i32
    scf.for %while3A_16 = %while3A_13 to %while3A_9 step %while3A_15  : i32 {
      %mul3A_17 = arith.muli %while3A_16, %while3A : i32
      %add3A_18 = arith.addi %add3A, %mul3A_17 : i32
      %mul3A_19 = arith.constant 80 : i32
      %mul3A_20 = arith.muli %add3A_18, %mul3A_19 : i32
      "tpu.region"() ({
        %run_scoped3A = tpu.sem_alloc : memref<!tpu.dma_semaphore, #tpu.memory_space<semaphore_mem>>
        %dma_start3A_31 = tpu.memref_slice %arg2[%mul3A_20] : memref<10000xi32, #tpu.memory_space<hbm>> -> memref<80xi32, #tpu.memory_space<hbm>>
        %dma_start3A_32 = tpu.memref_slice %arg2[%mul3A_20] : memref<10000xi32, #tpu.memory_space<hbm>> -> memref<80xi32, #tpu.memory_space<hbm>>
        tpu.enqueue_dma source(%dma_start3A_32 : memref<80xi32, #tpu.memory_space<hbm>>) target(%arg7 : memref<80xi32, #tpu.memory_space<vmem>>) target_semaphore(%run_scoped3A : memref<!tpu.dma_semaphore, #tpu.memory_space<semaphore_mem>>)
        %dma_wait3A_33 = tpu.memref_slice %arg2[%mul3A_20] : memref<10000xi32, #tpu.memory_space<hbm>> -> memref<80xi32, #tpu.memory_space<hbm>>
        %dma_wait3A_34 = tpu.memref_slice %arg2[%mul3A_20] : memref<10000xi32, #tpu.memory_space<hbm>> -> memref<80xi32, #tpu.memory_space<hbm>>
        tpu.wait_dma2 semaphore(%run_scoped3A : memref<!tpu.dma_semaphore, #tpu.memory_space<semaphore_mem>>) src(%dma_wait3A_34 : memref<80xi32, #tpu.memory_space<hbm>>) dst(%arg7 : memref<80xi32, #tpu.memory_space<vmem>>)
        tpu.yield
      }) : () -> ()
      "tpu.region"() ({
        %run_scoped3A = tpu.sem_alloc : memref<!tpu.dma_semaphore, #tpu.memory_space<semaphore_mem>>
        %dma_start3A_31 = tpu.memref_slice %arg3[%mul3A_20] : memref<10000xi32, #tpu.memory_space<hbm>> -> memref<80xi32, #tpu.memory_space<hbm>>
        %dma_start3A_32 = tpu.memref_slice %arg3[%mul3A_20] : memref<10000xi32, #tpu.memory_space<hbm>> -> memref<80xi32, #tpu.memory_space<hbm>>
        tpu.enqueue_dma source(%dma_start3A_32 : memref<80xi32, #tpu.memory_space<hbm>>) target(%arg8 : memref<80xi32, #tpu.memory_space<vmem>>) target_semaphore(%run_scoped3A : memref<!tpu.dma_semaphore, #tpu.memory_space<semaphore_mem>>)
        %dma_wait3A_33 = tpu.memref_slice %arg3[%mul3A_20] : memref<10000xi32, #tpu.memory_space<hbm>> -> memref<80xi32, #tpu.memory_space<hbm>>
        %dma_wait3A_34 = tpu.memref_slice %arg3[%mul3A_20] : memref<10000xi32, #tpu.memory_space<hbm>> -> memref<80xi32, #tpu.memory_space<hbm>>
        tpu.wait_dma2 semaphore(%run_scoped3A : memref<!tpu.dma_semaphore, #tpu.memory_space<semaphore_mem>>) src(%dma_wait3A_34 : memref<80xi32, #tpu.memory_space<hbm>>) dst(%arg8 : memref<80xi32, #tpu.memory_space<vmem>>)
        tpu.yield
      }) : () -> ()
      %dma_start3A = arith.constant 0 : i32
      %dma_start3A_21 = arith.constant 0 : i32
      %dma_start3A_22 = tpu.memref_slice %arg4[%dma_start3A, %dma_start3A_21] : memref<128x128xf32, #tpu.memory_space<hbm>> -> memref<128x128xf32, #tpu.memory_space<hbm>>
      tpu.enqueue_indirect_dma source(%dma_start3A_22 : memref<128x128xf32, #tpu.memory_space<hbm>>) target(%arg9 : memref<80x128xf32, #tpu.memory_space<vmem>>) offsets(%arg7 : memref<80xi32, #tpu.memory_space<vmem>>) semaphore(%arg10 : memref<!tpu.dma_semaphore, #tpu.memory_space<semaphore_mem>>)
      %dma_wait3A = arith.constant 0 : i32
      %dma_wait3A_23 = arith.constant 0 : i32
      %dma_wait3A_24 = tpu.memref_slice %arg4[%dma_wait3A, %dma_wait3A_23] : memref<128x128xf32, #tpu.memory_space<hbm>> -> memref<128x128xf32, #tpu.memory_space<hbm>>
      tpu.wait_indirect_dma semaphore(%arg10 : memref<!tpu.dma_semaphore, #tpu.memory_space<semaphore_mem>>) src(%dma_wait3A_24 : memref<128x128xf32, #tpu.memory_space<hbm>>) dst(%arg9 : memref<80x128xf32, #tpu.memory_space<vmem>>)
      %dma_start3A_25 = arith.constant 0 : i32
      %dma_start3A_26 = arith.constant 0 : i32
      %dma_start3A_27 = tpu.memref_slice %arg5[%dma_start3A_25, %dma_start3A_26] : memref<3x128xf32, #tpu.memory_space<hbm>> -> memref<3x128xf32, #tpu.memory_space<hbm>>
      tpu.enqueue_indirect_dma source(%dma_start3A_27 : memref<3x128xf32, #tpu.memory_space<hbm>>) target(%arg9 : memref<80x128xf32, #tpu.memory_space<vmem>>) offsets(%arg8 : memref<80xi32, #tpu.memory_space<vmem>>) semaphore(%arg10 : memref<!tpu.dma_semaphore, #tpu.memory_space<semaphore_mem>>) {add = true}
      %dma_wait3A_28 = arith.constant 0 : i32
      %dma_wait3A_29 = arith.constant 0 : i32
      %dma_wait3A_30 = tpu.memref_slice %arg5[%dma_wait3A_28, %dma_wait3A_29] : memref<3x128xf32, #tpu.memory_space<hbm>> -> memref<3x128xf32, #tpu.memory_space<hbm>>
      tpu.wait_indirect_dma semaphore(%arg10 : memref<!tpu.dma_semaphore, #tpu.memory_space<semaphore_mem>>) src(%dma_wait3A_30 : memref<3x128xf32, #tpu.memory_space<hbm>>) dst(%arg9 : memref<80x128xf32, #tpu.memory_space<vmem>>)
      "tpu.region"() ({
        %run_scoped3A = tpu.sem_alloc : memref<!tpu.dma_semaphore, #tpu.memory_space<semaphore_mem>>
        %dma_start3A_31 = arith.constant 0 : i32
        %dma_start3A_32 = tpu.memref_slice %arg6[%mul3A_20, %dma_start3A_31] : memref<10000x128xf32, #tpu.memory_space<hbm>> -> memref<80x128xf32, #tpu.memory_space<hbm>>
        %dma_start3A_33 = arith.constant 0 : i32
        %dma_start3A_34 = tpu.memref_slice %arg6[%mul3A_20, %dma_start3A_33] : memref<10000x128xf32, #tpu.memory_space<hbm>> -> memref<80x128xf32, #tpu.memory_space<hbm>>
        tpu.enqueue_dma source(%arg9 : memref<80x128xf32, #tpu.memory_space<vmem>>) target(%dma_start3A_34 : memref<80x128xf32, #tpu.memory_space<hbm>>) target_semaphore(%run_scoped3A : memref<!tpu.dma_semaphore, #tpu.memory_space<semaphore_mem>>)
        %dma_wait3A_35 = arith.constant 0 : i32
        %dma_wait3A_36 = tpu.memref_slice %arg6[%mul3A_20, %dma_wait3A_35] : memref<10000x128xf32, #tpu.memory_space<hbm>> -> memref<80x128xf32, #tpu.memory_space<hbm>>
        %dma_wait3A_37 = arith.constant 0 : i32
        %dma_wait3A_38 = tpu.memref_slice %arg6[%mul3A_20, %dma_wait3A_37] : memref<10000x128xf32, #tpu.memory_space<hbm>> -> memref<80x128xf32, #tpu.memory_space<hbm>>
        tpu.wait_dma2 semaphore(%run_scoped3A : memref<!tpu.dma_semaphore, #tpu.memory_space<semaphore_mem>>) src(%arg9 : memref<80x128xf32, #tpu.memory_space<vmem>>) dst(%dma_wait3A_38 : memref<80x128xf32, #tpu.memory_space<hbm>>)
        tpu.yield
      }) : () -> ()
    }
    return
  }
}

#map = affine_map<(d0, d1) -> (0, 0)>
#map1 = affine_map<(d0, d1) -> (0)>
module attributes {stable_mosaic.version = 14 : i64} {
  func.func @_spmm_body(%arg0: i32, %arg1: i32, %arg2: memref<10000x128xf32, #tpu.memory_space<hbm>>, %arg3: memref<16x128xf32, #tpu.memory_space<hbm>>, %arg4: memref<320000xi32, #tpu.memory_space<hbm>>, %arg5: memref<320000xi32, #tpu.memory_space<hbm>>, %arg6: memref<320000xi32, #tpu.memory_space<hbm>>, %arg7: memref<20000x128xf32, #tpu.memory_space<hbm>>, %arg8: memref<10000x128xf32, #tpu.memory_space<vmem_shared>>, %arg9: memref<80xi32, #tpu.memory_space<vmem>>, %arg10: memref<80xi32, #tpu.memory_space<vmem>>, %arg11: memref<80xi32, #tpu.memory_space<vmem>>, %arg12: memref<80x128xf32, #tpu.memory_space<vmem>>, %arg13: memref<80xi32, #tpu.memory_space<vmem>>, %arg14: memref<80xi32, #tpu.memory_space<vmem>>, %arg15: memref<80xi32, #tpu.memory_space<vmem>>, %arg16: memref<80x128xf32, #tpu.memory_space<vmem>>, %arg17: memref<200x128xf32, #tpu.memory_space<vmem>>, %arg18: memref<!tpu.dma_semaphore, #tpu.memory_space<semaphore_mem>>, %arg19: memref<!tpu.dma_semaphore, #tpu.memory_space<semaphore_mem>>) attributes {dimension_semantics = [#tpu.dimension_semantics<core_parallel>, #tpu.dimension_semantics<subcore_parallel>], iteration_bounds = array<i64: 2, 16>, scalar_prefetch = 0 : i64, scratch_operands = 12 : i64, tpu.core_type = #tpu.core_type<sc_vector_subcore>, window_params = [{transform_indices = #map}, {transform_indices = #map}, {transform_indices = #map1}, {transform_indices = #map1}, {transform_indices = #map1}, {transform_indices = #map}]} {
    %mul3A = arith.constant 16 : i32
    %mul3A_0 = arith.muli %arg0, %mul3A : i32
    %add3A = arith.addi %mul3A_0, %arg1 : i32
    %scan3A = arith.constant 0 : i32
    %scan3A_1 = arith.constant 200 : i32
    %scan3A_2 = arith.addi %scan3A, %scan3A_1 : i32
    %scan3A_3 = arith.constant 1 : i32
    scf.for %scan3A_46 = %scan3A to %scan3A_2 step %scan3A_3  : i32 {
      %mul3A_47 = arith.constant 1 : i32
      %mul3A_48 = arith.muli %scan3A_46, %mul3A_47 : i32
      %add3A_49 = arith.constant 0 : i32
      %add3A_50 = arith.addi %add3A_49, %mul3A_48 : i32
      %broadcast_in_dim3A = arith.constant 0.000000e+00 : f32
      %broadcast_in_dim3A_51 = vector.broadcast %broadcast_in_dim3A : f32 to vector<16xf32>
      %swap3A = arith.index_cast %add3A_50 : i32 to index
      %swap3A_52 = arith.constant 0 : index
      %swap3A_53 = tpu.vector_load %arg17[%swap3A, %swap3A_52] {strides = array<i32>} : memref<200x128xf32, #tpu.memory_space<vmem>>, vector<1x16xf32>,
      %swap3A_54 = vector.shape_cast %swap3A_53 : vector<1x16xf32> to vector<16xf32>
      %swap3A_55 = vector.shape_cast %broadcast_in_dim3A_51 : vector<16xf32> to vector<1x16xf32>
      tpu.vector_store %arg17[%swap3A, %swap3A_52], %swap3A_55 {strides = array<i32>} : memref<200x128xf32, #tpu.memory_space<vmem>>, vector<1x16xf32>,
      %broadcast_in_dim3A_56 = arith.constant 0.000000e+00 : f32
      %broadcast_in_dim3A_57 = vector.broadcast %broadcast_in_dim3A_56 : f32 to vector<16xf32>
      %swap3A_58 = arith.index_cast %add3A_50 : i32 to index
      %swap3A_59 = arith.constant 16 : index
      %swap3A_60 = tpu.vector_load %arg17[%swap3A_58, %swap3A_59] {strides = array<i32>} : memref<200x128xf32, #tpu.memory_space<vmem>>, vector<1x16xf32>,
      %swap3A_61 = vector.shape_cast %swap3A_60 : vector<1x16xf32> to vector<16xf32>
      %swap3A_62 = vector.shape_cast %broadcast_in_dim3A_57 : vector<16xf32> to vector<1x16xf32>
      tpu.vector_store %arg17[%swap3A_58, %swap3A_59], %swap3A_62 {strides = array<i32>} : memref<200x128xf32, #tpu.memory_space<vmem>>, vector<1x16xf32>,
      %broadcast_in_dim3A_63 = arith.constant 0.000000e+00 : f32
      %broadcast_in_dim3A_64 = vector.broadcast %broadcast_in_dim3A_63 : f32 to vector<16xf32>
      %swap3A_65 = arith.index_cast %add3A_50 : i32 to index
      %swap3A_66 = arith.constant 32 : index
      %swap3A_67 = tpu.vector_load %arg17[%swap3A_65, %swap3A_66] {strides = array<i32>} : memref<200x128xf32, #tpu.memory_space<vmem>>, vector<1x16xf32>,
      %swap3A_68 = vector.shape_cast %swap3A_67 : vector<1x16xf32> to vector<16xf32>
      %swap3A_69 = vector.shape_cast %broadcast_in_dim3A_64 : vector<16xf32> to vector<1x16xf32>
      tpu.vector_store %arg17[%swap3A_65, %swap3A_66], %swap3A_69 {strides = array<i32>} : memref<200x128xf32, #tpu.memory_space<vmem>>, vector<1x16xf32>,
      %broadcast_in_dim3A_70 = arith.constant 0.000000e+00 : f32
      %broadcast_in_dim3A_71 = vector.broadcast %broadcast_in_dim3A_70 : f32 to vector<16xf32>
      %swap3A_72 = arith.index_cast %add3A_50 : i32 to index
      %swap3A_73 = arith.constant 48 : index
      %swap3A_74 = tpu.vector_load %arg17[%swap3A_72, %swap3A_73] {strides = array<i32>} : memref<200x128xf32, #tpu.memory_space<vmem>>, vector<1x16xf32>,
      %swap3A_75 = vector.shape_cast %swap3A_74 : vector<1x16xf32> to vector<16xf32>
      %swap3A_76 = vector.shape_cast %broadcast_in_dim3A_71 : vector<16xf32> to vector<1x16xf32>
      tpu.vector_store %arg17[%swap3A_72, %swap3A_73], %swap3A_76 {strides = array<i32>} : memref<200x128xf32, #tpu.memory_space<vmem>>, vector<1x16xf32>,
      %broadcast_in_dim3A_77 = arith.constant 0.000000e+00 : f32
      %broadcast_in_dim3A_78 = vector.broadcast %broadcast_in_dim3A_77 : f32 to vector<16xf32>
      %swap3A_79 = arith.index_cast %add3A_50 : i32 to index
      %swap3A_80 = arith.constant 64 : index
      %swap3A_81 = tpu.vector_load %arg17[%swap3A_79, %swap3A_80] {strides = array<i32>} : memref<200x128xf32, #tpu.memory_space<vmem>>, vector<1x16xf32>,
      %swap3A_82 = vector.shape_cast %swap3A_81 : vector<1x16xf32> to vector<16xf32>
      %swap3A_83 = vector.shape_cast %broadcast_in_dim3A_78 : vector<16xf32> to vector<1x16xf32>
      tpu.vector_store %arg17[%swap3A_79, %swap3A_80], %swap3A_83 {strides = array<i32>} : memref<200x128xf32, #tpu.memory_space<vmem>>, vector<1x16xf32>,
      %broadcast_in_dim3A_84 = arith.constant 0.000000e+00 : f32
      %broadcast_in_dim3A_85 = vector.broadcast %broadcast_in_dim3A_84 : f32 to vector<16xf32>
      %swap3A_86 = arith.index_cast %add3A_50 : i32 to index
      %swap3A_87 = arith.constant 80 : index
      %swap3A_88 = tpu.vector_load %arg17[%swap3A_86, %swap3A_87] {strides = array<i32>} : memref<200x128xf32, #tpu.memory_space<vmem>>, vector<1x16xf32>,
      %swap3A_89 = vector.shape_cast %swap3A_88 : vector<1x16xf32> to vector<16xf32>
      %swap3A_90 = vector.shape_cast %broadcast_in_dim3A_85 : vector<16xf32> to vector<1x16xf32>
      tpu.vector_store %arg17[%swap3A_86, %swap3A_87], %swap3A_90 {strides = array<i32>} : memref<200x128xf32, #tpu.memory_space<vmem>>, vector<1x16xf32>,
      %broadcast_in_dim3A_91 = arith.constant 0.000000e+00 : f32
      %broadcast_in_dim3A_92 = vector.broadcast %broadcast_in_dim3A_91 : f32 to vector<16xf32>
      %swap3A_93 = arith.index_cast %add3A_50 : i32 to index
      %swap3A_94 = arith.constant 96 : index
      %swap3A_95 = tpu.vector_load %arg17[%swap3A_93, %swap3A_94] {strides = array<i32>} : memref<200x128xf32, #tpu.memory_space<vmem>>, vector<1x16xf32>,
      %swap3A_96 = vector.shape_cast %swap3A_95 : vector<1x16xf32> to vector<16xf32>
      %swap3A_97 = vector.shape_cast %broadcast_in_dim3A_92 : vector<16xf32> to vector<1x16xf32>
      tpu.vector_store %arg17[%swap3A_93, %swap3A_94], %swap3A_97 {strides = array<i32>} : memref<200x128xf32, #tpu.memory_space<vmem>>, vector<1x16xf32>,
      %broadcast_in_dim3A_98 = arith.constant 0.000000e+00 : f32
      %broadcast_in_dim3A_99 = vector.broadcast %broadcast_in_dim3A_98 : f32 to vector<16xf32>
      %swap3A_100 = arith.index_cast %add3A_50 : i32 to index
      %swap3A_101 = arith.constant 112 : index
      %swap3A_102 = tpu.vector_load %arg17[%swap3A_100, %swap3A_101] {strides = array<i32>} : memref<200x128xf32, #tpu.memory_space<vmem>>, vector<1x16xf32>,
      %swap3A_103 = vector.shape_cast %swap3A_102 : vector<1x16xf32> to vector<16xf32>
      %swap3A_104 = vector.shape_cast %broadcast_in_dim3A_99 : vector<16xf32> to vector<1x16xf32>
      tpu.vector_store %arg17[%swap3A_100, %swap3A_101], %swap3A_104 {strides = array<i32>} : memref<200x128xf32, #tpu.memory_space<vmem>>, vector<1x16xf32>,
    }
    %scan3A_4 = arith.constant 200 : i32
    %sub3A = arith.constant 50 : i32
    %sub3A_5 = arith.subi %sub3A, %arg1 : i32
    %sub3A_6 = arith.constant 16 : i32
    %sub3A_7 = arith.constant 1 : i32
    %sub3A_8 = arith.subi %sub3A_6, %sub3A_7 : i32
    %add3A_9 = arith.addi %sub3A_5, %sub3A_8 : i32
    %div3A = arith.constant 16 : i32
    %div3A_10 = arith.divsi %add3A_9, %div3A : i32
    %while3A = arith.constant 16 : i32
    %while3A_11 = arith.constant 0 : i32
    %while3A_12 = arith.subi %div3A_10, %while3A_11 : i32
    %while3A_13 = arith.addi %while3A_11, %while3A_12 : i32
    %while3A_14 = arith.constant 1 : i32
    %while3A_15 = arith.divsi %while3A_12, %while3A_14 : i32
    %while3A_16 = arith.muli %while3A_15, %while3A_14 : i32
    %while3A_17 = arith.addi %while3A_11, %while3A_16 : i32
    %while3A_18 = arith.constant 1 : i32
    scf.for %while3A_46 = %while3A_11 to %while3A_17 step %while3A_18  : i32 {
      %mul3A_47 = arith.muli %while3A_46, %while3A : i32
      %add3A_48 = arith.addi %arg1, %mul3A_47 : i32
      %mul3A_49 = arith.constant 200 : i32
      %mul3A_50 = arith.muli %add3A_48, %mul3A_49 : i32
      "tpu.region"() ({
        %run_scoped3A = tpu.sem_alloc : memref<!tpu.dma_semaphore, #tpu.memory_space<semaphore_mem>>
        %dma_start3A = arith.constant 0 : i32
        %dma_start3A_51 = tpu.memref_slice %arg8[%mul3A_50, %dma_start3A] : memref<10000x128xf32, #tpu.memory_space<vmem_shared>> -> memref<200x128xf32, #tpu.memory_space<vmem_shared>>
        %dma_start3A_52 = arith.constant 0 : i32
        %dma_start3A_53 = tpu.memref_slice %arg8[%mul3A_50, %dma_start3A_52] : memref<10000x128xf32, #tpu.memory_space<vmem_shared>> -> memref<200x128xf32, #tpu.memory_space<vmem_shared>>
        tpu.enqueue_dma source(%arg17 : memref<200x128xf32, #tpu.memory_space<vmem>>) target(%dma_start3A_53 : memref<200x128xf32, #tpu.memory_space<vmem_shared>>) target_semaphore(%run_scoped3A : memref<!tpu.dma_semaphore, #tpu.memory_space<semaphore_mem>>)
        %dma_wait3A = arith.constant 0 : i32
        %dma_wait3A_54 = tpu.memref_slice %arg8[%mul3A_50, %dma_wait3A] : memref<10000x128xf32, #tpu.memory_space<vmem_shared>> -> memref<200x128xf32, #tpu.memory_space<vmem_shared>>
        %dma_wait3A_55 = arith.constant 0 : i32
        %dma_wait3A_56 = tpu.memref_slice %arg8[%mul3A_50, %dma_wait3A_55] : memref<10000x128xf32, #tpu.memory_space<vmem_shared>> -> memref<200x128xf32, #tpu.memory_space<vmem_shared>>
        tpu.wait_dma2 semaphore(%run_scoped3A : memref<!tpu.dma_semaphore, #tpu.memory_space<semaphore_mem>>) src(%arg17 : memref<200x128xf32, #tpu.memory_space<vmem>>) dst(%dma_wait3A_56 : memref<200x128xf32, #tpu.memory_space<vmem_shared>>)
        tpu.yield
      }) : () -> ()
    }
    %while3A_19 = arith.constant 1 : i32
    scf.for %while3A_46 = %while3A_17 to %while3A_13 step %while3A_19  : i32 {
      %mul3A_47 = arith.muli %while3A_46, %while3A : i32
      %add3A_48 = arith.addi %arg1, %mul3A_47 : i32
      %mul3A_49 = arith.constant 200 : i32
      %mul3A_50 = arith.muli %add3A_48, %mul3A_49 : i32
      "tpu.region"() ({
        %run_scoped3A = tpu.sem_alloc : memref<!tpu.dma_semaphore, #tpu.memory_space<semaphore_mem>>
        %dma_start3A = arith.constant 0 : i32
        %dma_start3A_51 = tpu.memref_slice %arg8[%mul3A_50, %dma_start3A] : memref<10000x128xf32, #tpu.memory_space<vmem_shared>> -> memref<200x128xf32, #tpu.memory_space<vmem_shared>>
        %dma_start3A_52 = arith.constant 0 : i32
        %dma_start3A_53 = tpu.memref_slice %arg8[%mul3A_50, %dma_start3A_52] : memref<10000x128xf32, #tpu.memory_space<vmem_shared>> -> memref<200x128xf32, #tpu.memory_space<vmem_shared>>
        tpu.enqueue_dma source(%arg17 : memref<200x128xf32, #tpu.memory_space<vmem>>) target(%dma_start3A_53 : memref<200x128xf32, #tpu.memory_space<vmem_shared>>) target_semaphore(%run_scoped3A : memref<!tpu.dma_semaphore, #tpu.memory_space<semaphore_mem>>)
        %dma_wait3A = arith.constant 0 : i32
        %dma_wait3A_54 = tpu.memref_slice %arg8[%mul3A_50, %dma_wait3A] : memref<10000x128xf32, #tpu.memory_space<vmem_shared>> -> memref<200x128xf32, #tpu.memory_space<vmem_shared>>
        %dma_wait3A_55 = arith.constant 0 : i32
        %dma_wait3A_56 = tpu.memref_slice %arg8[%mul3A_50, %dma_wait3A_55] : memref<10000x128xf32, #tpu.memory_space<vmem_shared>> -> memref<200x128xf32, #tpu.memory_space<vmem_shared>>
        tpu.wait_dma2 semaphore(%run_scoped3A : memref<!tpu.dma_semaphore, #tpu.memory_space<semaphore_mem>>) src(%arg17 : memref<200x128xf32, #tpu.memory_space<vmem>>) dst(%dma_wait3A_56 : memref<200x128xf32, #tpu.memory_space<vmem_shared>>)
        tpu.yield
      }) : () -> ()
    }
    %barrier3A = arith.constant 0 : index
    tpu.barrier barrier_id(%barrier3A)
    %mul3A_20 = arith.constant 10000 : i32
    %mul3A_21 = arith.muli %add3A, %mul3A_20 : i32
    %scan3A_22 = arith.constant 0 : i32
    %scan3A_23 = arith.constant 125 : i32
    %scan3A_24 = arith.addi %scan3A_22, %scan3A_23 : i32
    %scan3A_25 = arith.constant 1 : i32
    scf.for %scan3A_46 = %scan3A_22 to %scan3A_24 step %scan3A_25  : i32 {
      %mul3A_47 = arith.constant 1 : i32
      %mul3A_48 = arith.muli %scan3A_46, %mul3A_47 : i32
      %add3A_49 = arith.constant 0 : i32
      %add3A_50 = arith.addi %add3A_49, %mul3A_48 : i32
      %mul3A_51 = arith.constant 80 : i32
      %mul3A_52 = arith.muli %add3A_50, %mul3A_51 : i32
      %add3A_53 = arith.addi %mul3A_21, %mul3A_52 : i32
      "tpu.region"() ({
        %run_scoped3A = tpu.sem_alloc : memref<!tpu.dma_semaphore, #tpu.memory_space<semaphore_mem>>
        %dma_start3A_64 = tpu.memref_slice %arg4[%add3A_53] : memref<320000xi32, #tpu.memory_space<hbm>> -> memref<80xi32, #tpu.memory_space<hbm>>
        %dma_start3A_65 = tpu.memref_slice %arg4[%add3A_53] : memref<320000xi32, #tpu.memory_space<hbm>> -> memref<80xi32, #tpu.memory_space<hbm>>
        tpu.enqueue_dma source(%dma_start3A_65 : memref<80xi32, #tpu.memory_space<hbm>>) target(%arg9 : memref<80xi32, #tpu.memory_space<vmem>>) target_semaphore(%run_scoped3A : memref<!tpu.dma_semaphore, #tpu.memory_space<semaphore_mem>>)
        %dma_wait3A_66 = tpu.memref_slice %arg4[%add3A_53] : memref<320000xi32, #tpu.memory_space<hbm>> -> memref<80xi32, #tpu.memory_space<hbm>>
        %dma_wait3A_67 = tpu.memref_slice %arg4[%add3A_53] : memref<320000xi32, #tpu.memory_space<hbm>> -> memref<80xi32, #tpu.memory_space<hbm>>
        tpu.wait_dma2 semaphore(%run_scoped3A : memref<!tpu.dma_semaphore, #tpu.memory_space<semaphore_mem>>) src(%dma_wait3A_67 : memref<80xi32, #tpu.memory_space<hbm>>) dst(%arg9 : memref<80xi32, #tpu.memory_space<vmem>>)
        tpu.yield
      }) : () -> ()
      "tpu.region"() ({
        %run_scoped3A = tpu.sem_alloc : memref<!tpu.dma_semaphore, #tpu.memory_space<semaphore_mem>>
        %dma_start3A_64 = tpu.memref_slice %arg5[%add3A_53] : memref<320000xi32, #tpu.memory_space<hbm>> -> memref<80xi32, #tpu.memory_space<hbm>>
        %dma_start3A_65 = tpu.memref_slice %arg5[%add3A_53] : memref<320000xi32, #tpu.memory_space<hbm>> -> memref<80xi32, #tpu.memory_space<hbm>>
        tpu.enqueue_dma source(%dma_start3A_65 : memref<80xi32, #tpu.memory_space<hbm>>) target(%arg10 : memref<80xi32, #tpu.memory_space<vmem>>) target_semaphore(%run_scoped3A : memref<!tpu.dma_semaphore, #tpu.memory_space<semaphore_mem>>)
        %dma_wait3A_66 = tpu.memref_slice %arg5[%add3A_53] : memref<320000xi32, #tpu.memory_space<hbm>> -> memref<80xi32, #tpu.memory_space<hbm>>
        %dma_wait3A_67 = tpu.memref_slice %arg5[%add3A_53] : memref<320000xi32, #tpu.memory_space<hbm>> -> memref<80xi32, #tpu.memory_space<hbm>>
        tpu.wait_dma2 semaphore(%run_scoped3A : memref<!tpu.dma_semaphore, #tpu.memory_space<semaphore_mem>>) src(%dma_wait3A_67 : memref<80xi32, #tpu.memory_space<hbm>>) dst(%arg10 : memref<80xi32, #tpu.memory_space<vmem>>)
        tpu.yield
      }) : () -> ()
      "tpu.region"() ({
        %run_scoped3A = tpu.sem_alloc : memref<!tpu.dma_semaphore, #tpu.memory_space<semaphore_mem>>
        %dma_start3A_64 = tpu.memref_slice %arg6[%add3A_53] : memref<320000xi32, #tpu.memory_space<hbm>> -> memref<80xi32, #tpu.memory_space<hbm>>
        %dma_start3A_65 = tpu.memref_slice %arg6[%add3A_53] : memref<320000xi32, #tpu.memory_space<hbm>> -> memref<80xi32, #tpu.memory_space<hbm>>
        tpu.enqueue_dma source(%dma_start3A_65 : memref<80xi32, #tpu.memory_space<hbm>>) target(%arg11 : memref<80xi32, #tpu.memory_space<vmem>>) target_semaphore(%run_scoped3A : memref<!tpu.dma_semaphore, #tpu.memory_space<semaphore_mem>>)
        %dma_wait3A_66 = tpu.memref_slice %arg6[%add3A_53] : memref<320000xi32, #tpu.memory_space<hbm>> -> memref<80xi32, #tpu.memory_space<hbm>>
        %dma_wait3A_67 = tpu.memref_slice %arg6[%add3A_53] : memref<320000xi32, #tpu.memory_space<hbm>> -> memref<80xi32, #tpu.memory_space<hbm>>
        tpu.wait_dma2 semaphore(%run_scoped3A : memref<!tpu.dma_semaphore, #tpu.memory_space<semaphore_mem>>) src(%dma_wait3A_67 : memref<80xi32, #tpu.memory_space<hbm>>) dst(%arg11 : memref<80xi32, #tpu.memory_space<vmem>>)
        tpu.yield
      }) : () -> ()
      %dma_start3A = arith.constant 0 : i32
      %dma_start3A_54 = arith.constant 0 : i32
      %dma_start3A_55 = tpu.memref_slice %arg3[%dma_start3A, %dma_start3A_54] : memref<16x128xf32, #tpu.memory_space<hbm>> -> memref<16x128xf32, #tpu.memory_space<hbm>>
      tpu.enqueue_indirect_dma source(%dma_start3A_55 : memref<16x128xf32, #tpu.memory_space<hbm>>) target(%arg12 : memref<80x128xf32, #tpu.memory_space<vmem>>) offsets(%arg11 : memref<80xi32, #tpu.memory_space<vmem>>) semaphore(%arg18 : memref<!tpu.dma_semaphore, #tpu.memory_space<semaphore_mem>>)
      %dma_wait3A = arith.constant 0 : i32
      %dma_wait3A_56 = arith.constant 0 : i32
      %dma_wait3A_57 = tpu.memref_slice %arg3[%dma_wait3A, %dma_wait3A_56] : memref<16x128xf32, #tpu.memory_space<hbm>> -> memref<16x128xf32, #tpu.memory_space<hbm>>
      tpu.wait_indirect_dma semaphore(%arg18 : memref<!tpu.dma_semaphore, #tpu.memory_space<semaphore_mem>>) src(%dma_wait3A_57 : memref<16x128xf32, #tpu.memory_space<hbm>>) dst(%arg12 : memref<80x128xf32, #tpu.memory_space<vmem>>)
      %dma_start3A_58 = arith.constant 0 : i32
      %dma_start3A_59 = arith.constant 0 : i32
      %dma_start3A_60 = tpu.memref_slice %arg2[%dma_start3A_58, %dma_start3A_59] : memref<10000x128xf32, #tpu.memory_space<hbm>> -> memref<10000x128xf32, #tpu.memory_space<hbm>>
      tpu.enqueue_indirect_dma source(%dma_start3A_60 : memref<10000x128xf32, #tpu.memory_space<hbm>>) target(%arg12 : memref<80x128xf32, #tpu.memory_space<vmem>>) offsets(%arg9 : memref<80xi32, #tpu.memory_space<vmem>>) semaphore(%arg18 : memref<!tpu.dma_semaphore, #tpu.memory_space<semaphore_mem>>) {add = true}
      %dma_wait3A_61 = arith.constant 0 : i32
      %dma_wait3A_62 = arith.constant 0 : i32
      %dma_wait3A_63 = tpu.memref_slice %arg2[%dma_wait3A_61, %dma_wait3A_62] : memref<10000x128xf32, #tpu.memory_space<hbm>> -> memref<10000x128xf32, #tpu.memory_space<hbm>>
      tpu.wait_indirect_dma semaphore(%arg18 : memref<!tpu.dma_semaphore, #tpu.memory_space<semaphore_mem>>) src(%dma_wait3A_63 : memref<10000x128xf32, #tpu.memory_space<hbm>>) dst(%arg12 : memref<80x128xf32, #tpu.memory_space<vmem>>)
      "tpu.region"() ({
        %run_scoped3A = tpu.sem_alloc : memref<!tpu.dma_semaphore, #tpu.memory_space<semaphore_mem>>
        %dma_start3A_64 = arith.constant 0 : i32
        %dma_start3A_65 = arith.constant 0 : i32
        %dma_start3A_66 = tpu.memref_slice %arg8[%dma_start3A_64, %dma_start3A_65] : memref<10000x128xf32, #tpu.memory_space<vmem_shared>> -> memref<10000x128xf32, #tpu.memory_space<vmem_shared>>
        tpu.enqueue_indirect_dma source(%arg12 : memref<80x128xf32, #tpu.memory_space<vmem>>) target(%dma_start3A_66 : memref<10000x128xf32, #tpu.memory_space<vmem_shared>>) offsets(%arg10 : memref<80xi32, #tpu.memory_space<vmem>>) semaphore(%run_scoped3A : memref<!tpu.dma_semaphore, #tpu.memory_space<semaphore_mem>>) {add = true}
        %dma_wait3A_67 = arith.constant 0 : i32
        %dma_wait3A_68 = arith.constant 0 : i32
        %dma_wait3A_69 = tpu.memref_slice %arg8[%dma_wait3A_67, %dma_wait3A_68] : memref<10000x128xf32, #tpu.memory_space<vmem_shared>> -> memref<10000x128xf32, #tpu.memory_space<vmem_shared>>
        tpu.wait_indirect_dma semaphore(%run_scoped3A : memref<!tpu.dma_semaphore, #tpu.memory_space<semaphore_mem>>) src(%arg12 : memref<80x128xf32, #tpu.memory_space<vmem>>) dst(%dma_wait3A_69 : memref<10000x128xf32, #tpu.memory_space<vmem_shared>>)
        tpu.yield
      }) : () -> ()
    }
    %scan3A_26 = arith.constant 125 : i32
    %barrier3A_27 = arith.constant 0 : index
    tpu.barrier barrier_id(%barrier3A_27)
    %sub3A_28 = arith.constant 50 : i32
    %sub3A_29 = arith.subi %sub3A_28, %arg1 : i32
    %sub3A_30 = arith.constant 16 : i32
    %sub3A_31 = arith.constant 1 : i32
    %sub3A_32 = arith.subi %sub3A_30, %sub3A_31 : i32
    %add3A_33 = arith.addi %sub3A_29, %sub3A_32 : i32
    %div3A_34 = arith.constant 16 : i32
    %div3A_35 = arith.divsi %add3A_33, %div3A_34 : i32
    %while3A_36 = arith.constant 16 : i32
    %while3A_37 = arith.constant 0 : i32
    %while3A_38 = arith.subi %div3A_35, %while3A_37 : i32
    %while3A_39 = arith.addi %while3A_37, %while3A_38 : i32
    %while3A_40 = arith.constant 1 : i32
    %while3A_41 = arith.divsi %while3A_38, %while3A_40 : i32
    %while3A_42 = arith.muli %while3A_41, %while3A_40 : i32
    %while3A_43 = arith.addi %while3A_37, %while3A_42 : i32
    %while3A_44 = arith.constant 1 : i32
    scf.for %while3A_46 = %while3A_37 to %while3A_43 step %while3A_44  : i32 {
      %mul3A_47 = arith.muli %while3A_46, %while3A_36 : i32
      %add3A_48 = arith.addi %arg1, %mul3A_47 : i32
      %mul3A_49 = arith.constant 200 : i32
      %mul3A_50 = arith.muli %add3A_48, %mul3A_49 : i32
      "tpu.region"() ({
        %run_scoped3A = tpu.sem_alloc : memref<!tpu.dma_semaphore, #tpu.memory_space<semaphore_mem>>
        %dma_start3A = arith.constant 0 : i32
        %dma_start3A_56 = tpu.memref_slice %arg8[%mul3A_50, %dma_start3A] : memref<10000x128xf32, #tpu.memory_space<vmem_shared>> -> memref<200x128xf32, #tpu.memory_space<vmem_shared>>
        %dma_start3A_57 = arith.constant 0 : i32
        %dma_start3A_58 = tpu.memref_slice %arg8[%mul3A_50, %dma_start3A_57] : memref<10000x128xf32, #tpu.memory_space<vmem_shared>> -> memref<200x128xf32, #tpu.memory_space<vmem_shared>>
        tpu.enqueue_dma source(%dma_start3A_58 : memref<200x128xf32, #tpu.memory_space<vmem_shared>>) target(%arg17 : memref<200x128xf32, #tpu.memory_space<vmem>>) target_semaphore(%run_scoped3A : memref<!tpu.dma_semaphore, #tpu.memory_space<semaphore_mem>>)
        %dma_wait3A = arith.constant 0 : i32
        %dma_wait3A_59 = tpu.memref_slice %arg8[%mul3A_50, %dma_wait3A] : memref<10000x128xf32, #tpu.memory_space<vmem_shared>> -> memref<200x128xf32, #tpu.memory_space<vmem_shared>>
        %dma_wait3A_60 = arith.constant 0 : i32
        %dma_wait3A_61 = tpu.memref_slice %arg8[%mul3A_50, %dma_wait3A_60] : memref<10000x128xf32, #tpu.memory_space<vmem_shared>> -> memref<200x128xf32, #tpu.memory_space<vmem_shared>>
        tpu.wait_dma2 semaphore(%run_scoped3A : memref<!tpu.dma_semaphore, #tpu.memory_space<semaphore_mem>>) src(%dma_wait3A_61 : memref<200x128xf32, #tpu.memory_space<vmem_shared>>) dst(%arg17 : memref<200x128xf32, #tpu.memory_space<vmem>>)
        tpu.yield
      }) : () -> ()
      %mul3A_51 = arith.constant 10000 : i32
      %mul3A_52 = arith.muli %arg0, %mul3A_51 : i32
      %mul3A_53 = arith.constant 200 : i32
      %mul3A_54 = arith.muli %add3A_48, %mul3A_53 : i32
      %add3A_55 = arith.addi %mul3A_52, %mul3A_54 : i32
      "tpu.region"() ({
        %run_scoped3A = tpu.sem_alloc : memref<!tpu.dma_semaphore, #tpu.memory_space<semaphore_mem>>
        %dma_start3A = arith.constant 0 : i32
        %dma_start3A_56 = tpu.memref_slice %arg7[%add3A_55, %dma_start3A] : memref<20000x128xf32, #tpu.memory_space<hbm>> -> memref<200x128xf32, #tpu.memory_space<hbm>>
        %dma_start3A_57 = arith.constant 0 : i32
        %dma_start3A_58 = tpu.memref_slice %arg7[%add3A_55, %dma_start3A_57] : memref<20000x128xf32, #tpu.memory_space<hbm>> -> memref<200x128xf32, #tpu.memory_space<hbm>>
        tpu.enqueue_dma source(%arg17 : memref<200x128xf32, #tpu.memory_space<vmem>>) target(%dma_start3A_58 : memref<200x128xf32, #tpu.memory_space<hbm>>) target_semaphore(%run_scoped3A : memref<!tpu.dma_semaphore, #tpu.memory_space<semaphore_mem>>)
        %dma_wait3A = arith.constant 0 : i32
        %dma_wait3A_59 = tpu.memref_slice %arg7[%add3A_55, %dma_wait3A] : memref<20000x128xf32, #tpu.memory_space<hbm>> -> memref<200x128xf32, #tpu.memory_space<hbm>>
        %dma_wait3A_60 = arith.constant 0 : i32
        %dma_wait3A_61 = tpu.memref_slice %arg7[%add3A_55, %dma_wait3A_60] : memref<20000x128xf32, #tpu.memory_space<hbm>> -> memref<200x128xf32, #tpu.memory_space<hbm>>
        tpu.wait_dma2 semaphore(%run_scoped3A : memref<!tpu.dma_semaphore, #tpu.memory_space<semaphore_mem>>) src(%arg17 : memref<200x128xf32, #tpu.memory_space<vmem>>) dst(%dma_wait3A_61 : memref<200x128xf32, #tpu.memory_space<hbm>>)
        tpu.yield
      }) : () -> ()
    }
    %while3A_45 = arith.constant 1 : i32
    scf.for %while3A_46 = %while3A_43 to %while3A_39 step %while3A_45  : i32 {
      %mul3A_47 = arith.muli %while3A_46, %while3A_36 : i32
      %add3A_48 = arith.addi %arg1, %mul3A_47 : i32
      %mul3A_49 = arith.constant 200 : i32
      %mul3A_50 = arith.muli %add3A_48, %mul3A_49 : i32
      "tpu.region"() ({
        %run_scoped3A = tpu.sem_alloc : memref<!tpu.dma_semaphore, #tpu.memory_space<semaphore_mem>>
        %dma_start3A = arith.constant 0 : i32
        %dma_start3A_56 = tpu.memref_slice %arg8[%mul3A_50, %dma_start3A] : memref<10000x128xf32, #tpu.memory_space<vmem_shared>> -> memref<200x128xf32, #tpu.memory_space<vmem_shared>>
        %dma_start3A_57 = arith.constant 0 : i32
        %dma_start3A_58 = tpu.memref_slice %arg8[%mul3A_50, %dma_start3A_57] : memref<10000x128xf32, #tpu.memory_space<vmem_shared>> -> memref<200x128xf32, #tpu.memory_space<vmem_shared>>
        tpu.enqueue_dma source(%dma_start3A_58 : memref<200x128xf32, #tpu.memory_space<vmem_shared>>) target(%arg17 : memref<200x128xf32, #tpu.memory_space<vmem>>) target_semaphore(%run_scoped3A : memref<!tpu.dma_semaphore, #tpu.memory_space<semaphore_mem>>)
        %dma_wait3A = arith.constant 0 : i32
        %dma_wait3A_59 = tpu.memref_slice %arg8[%mul3A_50, %dma_wait3A] : memref<10000x128xf32, #tpu.memory_space<vmem_shared>> -> memref<200x128xf32, #tpu.memory_space<vmem_shared>>
        %dma_wait3A_60 = arith.constant 0 : i32
        %dma_wait3A_61 = tpu.memref_slice %arg8[%mul3A_50, %dma_wait3A_60] : memref<10000x128xf32, #tpu.memory_space<vmem_shared>> -> memref<200x128xf32, #tpu.memory_space<vmem_shared>>
        tpu.wait_dma2 semaphore(%run_scoped3A : memref<!tpu.dma_semaphore, #tpu.memory_space<semaphore_mem>>) src(%dma_wait3A_61 : memref<200x128xf32, #tpu.memory_space<vmem_shared>>) dst(%arg17 : memref<200x128xf32, #tpu.memory_space<vmem>>)
        tpu.yield
      }) : () -> ()
      %mul3A_51 = arith.constant 10000 : i32
      %mul3A_52 = arith.muli %arg0, %mul3A_51 : i32
      %mul3A_53 = arith.constant 200 : i32
      %mul3A_54 = arith.muli %add3A_48, %mul3A_53 : i32
      %add3A_55 = arith.addi %mul3A_52, %mul3A_54 : i32
      "tpu.region"() ({
        %run_scoped3A = tpu.sem_alloc : memref<!tpu.dma_semaphore, #tpu.memory_space<semaphore_mem>>
        %dma_start3A = arith.constant 0 : i32
        %dma_start3A_56 = tpu.memref_slice %arg7[%add3A_55, %dma_start3A] : memref<20000x128xf32, #tpu.memory_space<hbm>> -> memref<200x128xf32, #tpu.memory_space<hbm>>
        %dma_start3A_57 = arith.constant 0 : i32
        %dma_start3A_58 = tpu.memref_slice %arg7[%add3A_55, %dma_start3A_57] : memref<20000x128xf32, #tpu.memory_space<hbm>> -> memref<200x128xf32, #tpu.memory_space<hbm>>
        tpu.enqueue_dma source(%arg17 : memref<200x128xf32, #tpu.memory_space<vmem>>) target(%dma_start3A_58 : memref<200x128xf32, #tpu.memory_space<hbm>>) target_semaphore(%run_scoped3A : memref<!tpu.dma_semaphore, #tpu.memory_space<semaphore_mem>>)
        %dma_wait3A = arith.constant 0 : i32
        %dma_wait3A_59 = tpu.memref_slice %arg7[%add3A_55, %dma_wait3A] : memref<20000x128xf32, #tpu.memory_space<hbm>> -> memref<200x128xf32, #tpu.memory_space<hbm>>
        %dma_wait3A_60 = arith.constant 0 : i32
        %dma_wait3A_61 = tpu.memref_slice %arg7[%add3A_55, %dma_wait3A_60] : memref<20000x128xf32, #tpu.memory_space<hbm>> -> memref<200x128xf32, #tpu.memory_space<hbm>>
        tpu.wait_dma2 semaphore(%run_scoped3A : memref<!tpu.dma_semaphore, #tpu.memory_space<semaphore_mem>>) src(%arg17 : memref<200x128xf32, #tpu.memory_space<vmem>>) dst(%dma_wait3A_61 : memref<200x128xf32, #tpu.memory_space<hbm>>)
        tpu.yield
      }) : () -> ()
    }
    return
  }
}

#map = affine_map<(d0, d1) -> (0, 0)>
#map1 = affine_map<(d0, d1) -> (0)>
module attributes {stable_mosaic.version = 14 : i64} {
  func.func @_spmm_body(%arg0: i32, %arg1: i32, %arg2: memref<10000x128xf32, #tpu.memory_space<hbm>>, %arg3: memref<16x128xf32, #tpu.memory_space<hbm>>, %arg4: memref<320000xi32, #tpu.memory_space<hbm>>, %arg5: memref<320000xi32, #tpu.memory_space<hbm>>, %arg6: memref<320000xi32, #tpu.memory_space<hbm>>, %arg7: memref<20000x128xf32, #tpu.memory_space<hbm>>, %arg8: memref<10000x128xf32, #tpu.memory_space<vmem_shared>>, %arg9: memref<80xi32, #tpu.memory_space<vmem>>, %arg10: memref<80xi32, #tpu.memory_space<vmem>>, %arg11: memref<80xi32, #tpu.memory_space<vmem>>, %arg12: memref<80x128xf32, #tpu.memory_space<vmem>>, %arg13: memref<80xi32, #tpu.memory_space<vmem>>, %arg14: memref<80xi32, #tpu.memory_space<vmem>>, %arg15: memref<80xi32, #tpu.memory_space<vmem>>, %arg16: memref<80x128xf32, #tpu.memory_space<vmem>>, %arg17: memref<200x128xf32, #tpu.memory_space<vmem>>, %arg18: memref<!tpu.dma_semaphore, #tpu.memory_space<semaphore_mem>>, %arg19: memref<!tpu.dma_semaphore, #tpu.memory_space<semaphore_mem>>) attributes {dimension_semantics = [#tpu.dimension_semantics<core_parallel>, #tpu.dimension_semantics<subcore_parallel>], iteration_bounds = array<i64: 2, 16>, scalar_prefetch = 0 : i64, scratch_operands = 12 : i64, tpu.core_type = #tpu.core_type<sc_vector_subcore>, window_params = [{transform_indices = #map}, {transform_indices = #map}, {transform_indices = #map1}, {transform_indices = #map1}, {transform_indices = #map1}, {transform_indices = #map}]} {
    %mul3A = arith.constant 16 : i32
    %mul3A_0 = arith.muli %arg0, %mul3A : i32
    %add3A = arith.addi %mul3A_0, %arg1 : i32
    %scan3A = arith.constant 0 : i32
    %scan3A_1 = arith.constant 200 : i32
    %scan3A_2 = arith.addi %scan3A, %scan3A_1 : i32
    %scan3A_3 = arith.constant 1 : i32
    scf.for %scan3A_46 = %scan3A to %scan3A_2 step %scan3A_3  : i32 {
      %mul3A_47 = arith.constant 1 : i32
      %mul3A_48 = arith.muli %scan3A_46, %mul3A_47 : i32
      %add3A_49 = arith.constant 0 : i32
      %add3A_50 = arith.addi %add3A_49, %mul3A_48 : i32
      %broadcast_in_dim3A = arith.constant 0.000000e+00 : f32
      %broadcast_in_dim3A_51 = vector.broadcast %broadcast_in_dim3A : f32 to vector<16xf32>
      %swap3A = arith.index_cast %add3A_50 : i32 to index
      %swap3A_52 = arith.constant 0 : index
      %swap3A_53 = tpu.vector_load %arg17[%swap3A, %swap3A_52] {strides = array<i32>} : memref<200x128xf32, #tpu.memory_space<vmem>>, vector<1x16xf32>,
      %swap3A_54 = vector.shape_cast %swap3A_53 : vector<1x16xf32> to vector<16xf32>
      %swap3A_55 = vector.shape_cast %broadcast_in_dim3A_51 : vector<16xf32> to vector<1x16xf32>
      tpu.vector_store %arg17[%swap3A, %swap3A_52], %swap3A_55 {strides = array<i32>} : memref<200x128xf32, #tpu.memory_space<vmem>>, vector<1x16xf32>,
      %broadcast_in_dim3A_56 = arith.constant 0.000000e+00 : f32
      %broadcast_in_dim3A_57 = vector.broadcast %broadcast_in_dim3A_56 : f32 to vector<16xf32>
      %swap3A_58 = arith.index_cast %add3A_50 : i32 to index
      %swap3A_59 = arith.constant 16 : index
      %swap3A_60 = tpu.vector_load %arg17[%swap3A_58, %swap3A_59] {strides = array<i32>} : memref<200x128xf32, #tpu.memory_space<vmem>>, vector<1x16xf32>,
      %swap3A_61 = vector.shape_cast %swap3A_60 : vector<1x16xf32> to vector<16xf32>
      %swap3A_62 = vector.shape_cast %broadcast_in_dim3A_57 : vector<16xf32> to vector<1x16xf32>
      tpu.vector_store %arg17[%swap3A_58, %swap3A_59], %swap3A_62 {strides = array<i32>} : memref<200x128xf32, #tpu.memory_space<vmem>>, vector<1x16xf32>,
      %broadcast_in_dim3A_63 = arith.constant 0.000000e+00 : f32
      %broadcast_in_dim3A_64 = vector.broadcast %broadcast_in_dim3A_63 : f32 to vector<16xf32>
      %swap3A_65 = arith.index_cast %add3A_50 : i32 to index
      %swap3A_66 = arith.constant 32 : index
      %swap3A_67 = tpu.vector_load %arg17[%swap3A_65, %swap3A_66] {strides = array<i32>} : memref<200x128xf32, #tpu.memory_space<vmem>>, vector<1x16xf32>,
      %swap3A_68 = vector.shape_cast %swap3A_67 : vector<1x16xf32> to vector<16xf32>
      %swap3A_69 = vector.shape_cast %broadcast_in_dim3A_64 : vector<16xf32> to vector<1x16xf32>
      tpu.vector_store %arg17[%swap3A_65, %swap3A_66], %swap3A_69 {strides = array<i32>} : memref<200x128xf32, #tpu.memory_space<vmem>>, vector<1x16xf32>,
      %broadcast_in_dim3A_70 = arith.constant 0.000000e+00 : f32
      %broadcast_in_dim3A_71 = vector.broadcast %broadcast_in_dim3A_70 : f32 to vector<16xf32>
      %swap3A_72 = arith.index_cast %add3A_50 : i32 to index
      %swap3A_73 = arith.constant 48 : index
      %swap3A_74 = tpu.vector_load %arg17[%swap3A_72, %swap3A_73] {strides = array<i32>} : memref<200x128xf32, #tpu.memory_space<vmem>>, vector<1x16xf32>,
      %swap3A_75 = vector.shape_cast %swap3A_74 : vector<1x16xf32> to vector<16xf32>
      %swap3A_76 = vector.shape_cast %broadcast_in_dim3A_71 : vector<16xf32> to vector<1x16xf32>
      tpu.vector_store %arg17[%swap3A_72, %swap3A_73], %swap3A_76 {strides = array<i32>} : memref<200x128xf32, #tpu.memory_space<vmem>>, vector<1x16xf32>,
      %broadcast_in_dim3A_77 = arith.constant 0.000000e+00 : f32
      %broadcast_in_dim3A_78 = vector.broadcast %broadcast_in_dim3A_77 : f32 to vector<16xf32>
      %swap3A_79 = arith.index_cast %add3A_50 : i32 to index
      %swap3A_80 = arith.constant 64 : index
      %swap3A_81 = tpu.vector_load %arg17[%swap3A_79, %swap3A_80] {strides = array<i32>} : memref<200x128xf32, #tpu.memory_space<vmem>>, vector<1x16xf32>,
      %swap3A_82 = vector.shape_cast %swap3A_81 : vector<1x16xf32> to vector<16xf32>
      %swap3A_83 = vector.shape_cast %broadcast_in_dim3A_78 : vector<16xf32> to vector<1x16xf32>
      tpu.vector_store %arg17[%swap3A_79, %swap3A_80], %swap3A_83 {strides = array<i32>} : memref<200x128xf32, #tpu.memory_space<vmem>>, vector<1x16xf32>,
      %broadcast_in_dim3A_84 = arith.constant 0.000000e+00 : f32
      %broadcast_in_dim3A_85 = vector.broadcast %broadcast_in_dim3A_84 : f32 to vector<16xf32>
      %swap3A_86 = arith.index_cast %add3A_50 : i32 to index
      %swap3A_87 = arith.constant 80 : index
      %swap3A_88 = tpu.vector_load %arg17[%swap3A_86, %swap3A_87] {strides = array<i32>} : memref<200x128xf32, #tpu.memory_space<vmem>>, vector<1x16xf32>,
      %swap3A_89 = vector.shape_cast %swap3A_88 : vector<1x16xf32> to vector<16xf32>
      %swap3A_90 = vector.shape_cast %broadcast_in_dim3A_85 : vector<16xf32> to vector<1x16xf32>
      tpu.vector_store %arg17[%swap3A_86, %swap3A_87], %swap3A_90 {strides = array<i32>} : memref<200x128xf32, #tpu.memory_space<vmem>>, vector<1x16xf32>,
      %broadcast_in_dim3A_91 = arith.constant 0.000000e+00 : f32
      %broadcast_in_dim3A_92 = vector.broadcast %broadcast_in_dim3A_91 : f32 to vector<16xf32>
      %swap3A_93 = arith.index_cast %add3A_50 : i32 to index
      %swap3A_94 = arith.constant 96 : index
      %swap3A_95 = tpu.vector_load %arg17[%swap3A_93, %swap3A_94] {strides = array<i32>} : memref<200x128xf32, #tpu.memory_space<vmem>>, vector<1x16xf32>,
      %swap3A_96 = vector.shape_cast %swap3A_95 : vector<1x16xf32> to vector<16xf32>
      %swap3A_97 = vector.shape_cast %broadcast_in_dim3A_92 : vector<16xf32> to vector<1x16xf32>
      tpu.vector_store %arg17[%swap3A_93, %swap3A_94], %swap3A_97 {strides = array<i32>} : memref<200x128xf32, #tpu.memory_space<vmem>>, vector<1x16xf32>,
      %broadcast_in_dim3A_98 = arith.constant 0.000000e+00 : f32
      %broadcast_in_dim3A_99 = vector.broadcast %broadcast_in_dim3A_98 : f32 to vector<16xf32>
      %swap3A_100 = arith.index_cast %add3A_50 : i32 to index
      %swap3A_101 = arith.constant 112 : index
      %swap3A_102 = tpu.vector_load %arg17[%swap3A_100, %swap3A_101] {strides = array<i32>} : memref<200x128xf32, #tpu.memory_space<vmem>>, vector<1x16xf32>,
      %swap3A_103 = vector.shape_cast %swap3A_102 : vector<1x16xf32> to vector<16xf32>
      %swap3A_104 = vector.shape_cast %broadcast_in_dim3A_99 : vector<16xf32> to vector<1x16xf32>
      tpu.vector_store %arg17[%swap3A_100, %swap3A_101], %swap3A_104 {strides = array<i32>} : memref<200x128xf32, #tpu.memory_space<vmem>>, vector<1x16xf32>,
    }
    %scan3A_4 = arith.constant 200 : i32
    %sub3A = arith.constant 50 : i32
    %sub3A_5 = arith.subi %sub3A, %arg1 : i32
    %sub3A_6 = arith.constant 16 : i32
    %sub3A_7 = arith.constant 1 : i32
    %sub3A_8 = arith.subi %sub3A_6, %sub3A_7 : i32
    %add3A_9 = arith.addi %sub3A_5, %sub3A_8 : i32
    %div3A = arith.constant 16 : i32
    %div3A_10 = arith.divsi %add3A_9, %div3A : i32
    %while3A = arith.constant 16 : i32
    %while3A_11 = arith.constant 0 : i32
    %while3A_12 = arith.subi %div3A_10, %while3A_11 : i32
    %while3A_13 = arith.addi %while3A_11, %while3A_12 : i32
    %while3A_14 = arith.constant 1 : i32
    %while3A_15 = arith.divsi %while3A_12, %while3A_14 : i32
    %while3A_16 = arith.muli %while3A_15, %while3A_14 : i32
    %while3A_17 = arith.addi %while3A_11, %while3A_16 : i32
    %while3A_18 = arith.constant 1 : i32
    scf.for %while3A_46 = %while3A_11 to %while3A_17 step %while3A_18  : i32 {
      %mul3A_47 = arith.muli %while3A_46, %while3A : i32
      %add3A_48 = arith.addi %arg1, %mul3A_47 : i32
      %mul3A_49 = arith.constant 200 : i32
      %mul3A_50 = arith.muli %add3A_48, %mul3A_49 : i32
      "tpu.region"() ({
        %run_scoped3A = tpu.sem_alloc : memref<!tpu.dma_semaphore, #tpu.memory_space<semaphore_mem>>
        %dma_start3A = arith.constant 0 : i32
        %dma_start3A_51 = tpu.memref_slice %arg8[%mul3A_50, %dma_start3A] : memref<10000x128xf32, #tpu.memory_space<vmem_shared>> -> memref<200x128xf32, #tpu.memory_space<vmem_shared>>
        %dma_start3A_52 = arith.constant 0 : i32
        %dma_start3A_53 = tpu.memref_slice %arg8[%mul3A_50, %dma_start3A_52] : memref<10000x128xf32, #tpu.memory_space<vmem_shared>> -> memref<200x128xf32, #tpu.memory_space<vmem_shared>>
        tpu.enqueue_dma source(%arg17 : memref<200x128xf32, #tpu.memory_space<vmem>>) target(%dma_start3A_53 : memref<200x128xf32, #tpu.memory_space<vmem_shared>>) target_semaphore(%run_scoped3A : memref<!tpu.dma_semaphore, #tpu.memory_space<semaphore_mem>>)
        %dma_wait3A = arith.constant 0 : i32
        %dma_wait3A_54 = tpu.memref_slice %arg8[%mul3A_50, %dma_wait3A] : memref<10000x128xf32, #tpu.memory_space<vmem_shared>> -> memref<200x128xf32, #tpu.memory_space<vmem_shared>>
        %dma_wait3A_55 = arith.constant 0 : i32
        %dma_wait3A_56 = tpu.memref_slice %arg8[%mul3A_50, %dma_wait3A_55] : memref<10000x128xf32, #tpu.memory_space<vmem_shared>> -> memref<200x128xf32, #tpu.memory_space<vmem_shared>>
        tpu.wait_dma2 semaphore(%run_scoped3A : memref<!tpu.dma_semaphore, #tpu.memory_space<semaphore_mem>>) src(%arg17 : memref<200x128xf32, #tpu.memory_space<vmem>>) dst(%dma_wait3A_56 : memref<200x128xf32, #tpu.memory_space<vmem_shared>>)
        tpu.yield
      }) : () -> ()
    }
    %while3A_19 = arith.constant 1 : i32
    scf.for %while3A_46 = %while3A_17 to %while3A_13 step %while3A_19  : i32 {
      %mul3A_47 = arith.muli %while3A_46, %while3A : i32
      %add3A_48 = arith.addi %arg1, %mul3A_47 : i32
      %mul3A_49 = arith.constant 200 : i32
      %mul3A_50 = arith.muli %add3A_48, %mul3A_49 : i32
      "tpu.region"() ({
        %run_scoped3A = tpu.sem_alloc : memref<!tpu.dma_semaphore, #tpu.memory_space<semaphore_mem>>
        %dma_start3A = arith.constant 0 : i32
        %dma_start3A_51 = tpu.memref_slice %arg8[%mul3A_50, %dma_start3A] : memref<10000x128xf32, #tpu.memory_space<vmem_shared>> -> memref<200x128xf32, #tpu.memory_space<vmem_shared>>
        %dma_start3A_52 = arith.constant 0 : i32
        %dma_start3A_53 = tpu.memref_slice %arg8[%mul3A_50, %dma_start3A_52] : memref<10000x128xf32, #tpu.memory_space<vmem_shared>> -> memref<200x128xf32, #tpu.memory_space<vmem_shared>>
        tpu.enqueue_dma source(%arg17 : memref<200x128xf32, #tpu.memory_space<vmem>>) target(%dma_start3A_53 : memref<200x128xf32, #tpu.memory_space<vmem_shared>>) target_semaphore(%run_scoped3A : memref<!tpu.dma_semaphore, #tpu.memory_space<semaphore_mem>>)
        %dma_wait3A = arith.constant 0 : i32
        %dma_wait3A_54 = tpu.memref_slice %arg8[%mul3A_50, %dma_wait3A] : memref<10000x128xf32, #tpu.memory_space<vmem_shared>> -> memref<200x128xf32, #tpu.memory_space<vmem_shared>>
        %dma_wait3A_55 = arith.constant 0 : i32
        %dma_wait3A_56 = tpu.memref_slice %arg8[%mul3A_50, %dma_wait3A_55] : memref<10000x128xf32, #tpu.memory_space<vmem_shared>> -> memref<200x128xf32, #tpu.memory_space<vmem_shared>>
        tpu.wait_dma2 semaphore(%run_scoped3A : memref<!tpu.dma_semaphore, #tpu.memory_space<semaphore_mem>>) src(%arg17 : memref<200x128xf32, #tpu.memory_space<vmem>>) dst(%dma_wait3A_56 : memref<200x128xf32, #tpu.memory_space<vmem_shared>>)
        tpu.yield
      }) : () -> ()
    }
    %barrier3A = arith.constant 0 : index
    tpu.barrier barrier_id(%barrier3A)
    %mul3A_20 = arith.constant 10000 : i32
    %mul3A_21 = arith.muli %add3A, %mul3A_20 : i32
    %scan3A_22 = arith.constant 0 : i32
    %scan3A_23 = arith.constant 125 : i32
    %scan3A_24 = arith.addi %scan3A_22, %scan3A_23 : i32
    %scan3A_25 = arith.constant 1 : i32
    scf.for %scan3A_46 = %scan3A_22 to %scan3A_24 step %scan3A_25  : i32 {
      %mul3A_47 = arith.constant 1 : i32
      %mul3A_48 = arith.muli %scan3A_46, %mul3A_47 : i32
      %add3A_49 = arith.constant 0 : i32
      %add3A_50 = arith.addi %add3A_49, %mul3A_48 : i32
      %mul3A_51 = arith.constant 80 : i32
      %mul3A_52 = arith.muli %add3A_50, %mul3A_51 : i32
      %add3A_53 = arith.addi %mul3A_21, %mul3A_52 : i32
      "tpu.region"() ({
        %run_scoped3A = tpu.sem_alloc : memref<!tpu.dma_semaphore, #tpu.memory_space<semaphore_mem>>
        %dma_start3A_64 = tpu.memref_slice %arg4[%add3A_53] : memref<320000xi32, #tpu.memory_space<hbm>> -> memref<80xi32, #tpu.memory_space<hbm>>
        %dma_start3A_65 = tpu.memref_slice %arg4[%add3A_53] : memref<320000xi32, #tpu.memory_space<hbm>> -> memref<80xi32, #tpu.memory_space<hbm>>
        tpu.enqueue_dma source(%dma_start3A_65 : memref<80xi32, #tpu.memory_space<hbm>>) target(%arg9 : memref<80xi32, #tpu.memory_space<vmem>>) target_semaphore(%run_scoped3A : memref<!tpu.dma_semaphore, #tpu.memory_space<semaphore_mem>>)
        %dma_wait3A_66 = tpu.memref_slice %arg4[%add3A_53] : memref<320000xi32, #tpu.memory_space<hbm>> -> memref<80xi32, #tpu.memory_space<hbm>>
        %dma_wait3A_67 = tpu.memref_slice %arg4[%add3A_53] : memref<320000xi32, #tpu.memory_space<hbm>> -> memref<80xi32, #tpu.memory_space<hbm>>
        tpu.wait_dma2 semaphore(%run_scoped3A : memref<!tpu.dma_semaphore, #tpu.memory_space<semaphore_mem>>) src(%dma_wait3A_67 : memref<80xi32, #tpu.memory_space<hbm>>) dst(%arg9 : memref<80xi32, #tpu.memory_space<vmem>>)
        tpu.yield
      }) : () -> ()
      "tpu.region"() ({
        %run_scoped3A = tpu.sem_alloc : memref<!tpu.dma_semaphore, #tpu.memory_space<semaphore_mem>>
        %dma_start3A_64 = tpu.memref_slice %arg5[%add3A_53] : memref<320000xi32, #tpu.memory_space<hbm>> -> memref<80xi32, #tpu.memory_space<hbm>>
        %dma_start3A_65 = tpu.memref_slice %arg5[%add3A_53] : memref<320000xi32, #tpu.memory_space<hbm>> -> memref<80xi32, #tpu.memory_space<hbm>>
        tpu.enqueue_dma source(%dma_start3A_65 : memref<80xi32, #tpu.memory_space<hbm>>) target(%arg10 : memref<80xi32, #tpu.memory_space<vmem>>) target_semaphore(%run_scoped3A : memref<!tpu.dma_semaphore, #tpu.memory_space<semaphore_mem>>)
        %dma_wait3A_66 = tpu.memref_slice %arg5[%add3A_53] : memref<320000xi32, #tpu.memory_space<hbm>> -> memref<80xi32, #tpu.memory_space<hbm>>
        %dma_wait3A_67 = tpu.memref_slice %arg5[%add3A_53] : memref<320000xi32, #tpu.memory_space<hbm>> -> memref<80xi32, #tpu.memory_space<hbm>>
        tpu.wait_dma2 semaphore(%run_scoped3A : memref<!tpu.dma_semaphore, #tpu.memory_space<semaphore_mem>>) src(%dma_wait3A_67 : memref<80xi32, #tpu.memory_space<hbm>>) dst(%arg10 : memref<80xi32, #tpu.memory_space<vmem>>)
        tpu.yield
      }) : () -> ()
      "tpu.region"() ({
        %run_scoped3A = tpu.sem_alloc : memref<!tpu.dma_semaphore, #tpu.memory_space<semaphore_mem>>
        %dma_start3A_64 = tpu.memref_slice %arg6[%add3A_53] : memref<320000xi32, #tpu.memory_space<hbm>> -> memref<80xi32, #tpu.memory_space<hbm>>
        %dma_start3A_65 = tpu.memref_slice %arg6[%add3A_53] : memref<320000xi32, #tpu.memory_space<hbm>> -> memref<80xi32, #tpu.memory_space<hbm>>
        tpu.enqueue_dma source(%dma_start3A_65 : memref<80xi32, #tpu.memory_space<hbm>>) target(%arg11 : memref<80xi32, #tpu.memory_space<vmem>>) target_semaphore(%run_scoped3A : memref<!tpu.dma_semaphore, #tpu.memory_space<semaphore_mem>>)
        %dma_wait3A_66 = tpu.memref_slice %arg6[%add3A_53] : memref<320000xi32, #tpu.memory_space<hbm>> -> memref<80xi32, #tpu.memory_space<hbm>>
        %dma_wait3A_67 = tpu.memref_slice %arg6[%add3A_53] : memref<320000xi32, #tpu.memory_space<hbm>> -> memref<80xi32, #tpu.memory_space<hbm>>
        tpu.wait_dma2 semaphore(%run_scoped3A : memref<!tpu.dma_semaphore, #tpu.memory_space<semaphore_mem>>) src(%dma_wait3A_67 : memref<80xi32, #tpu.memory_space<hbm>>) dst(%arg11 : memref<80xi32, #tpu.memory_space<vmem>>)
        tpu.yield
      }) : () -> ()
      %dma_start3A = arith.constant 0 : i32
      %dma_start3A_54 = arith.constant 0 : i32
      %dma_start3A_55 = tpu.memref_slice %arg3[%dma_start3A, %dma_start3A_54] : memref<16x128xf32, #tpu.memory_space<hbm>> -> memref<16x128xf32, #tpu.memory_space<hbm>>
      tpu.enqueue_indirect_dma source(%dma_start3A_55 : memref<16x128xf32, #tpu.memory_space<hbm>>) target(%arg12 : memref<80x128xf32, #tpu.memory_space<vmem>>) offsets(%arg11 : memref<80xi32, #tpu.memory_space<vmem>>) semaphore(%arg18 : memref<!tpu.dma_semaphore, #tpu.memory_space<semaphore_mem>>)
      %dma_wait3A = arith.constant 0 : i32
      %dma_wait3A_56 = arith.constant 0 : i32
      %dma_wait3A_57 = tpu.memref_slice %arg3[%dma_wait3A, %dma_wait3A_56] : memref<16x128xf32, #tpu.memory_space<hbm>> -> memref<16x128xf32, #tpu.memory_space<hbm>>
      tpu.wait_indirect_dma semaphore(%arg18 : memref<!tpu.dma_semaphore, #tpu.memory_space<semaphore_mem>>) src(%dma_wait3A_57 : memref<16x128xf32, #tpu.memory_space<hbm>>) dst(%arg12 : memref<80x128xf32, #tpu.memory_space<vmem>>)
      %dma_start3A_58 = arith.constant 0 : i32
      %dma_start3A_59 = arith.constant 0 : i32
      %dma_start3A_60 = tpu.memref_slice %arg2[%dma_start3A_58, %dma_start3A_59] : memref<10000x128xf32, #tpu.memory_space<hbm>> -> memref<10000x128xf32, #tpu.memory_space<hbm>>
      tpu.enqueue_indirect_dma source(%dma_start3A_60 : memref<10000x128xf32, #tpu.memory_space<hbm>>) target(%arg12 : memref<80x128xf32, #tpu.memory_space<vmem>>) offsets(%arg9 : memref<80xi32, #tpu.memory_space<vmem>>) semaphore(%arg18 : memref<!tpu.dma_semaphore, #tpu.memory_space<semaphore_mem>>) {add = true}
      %dma_wait3A_61 = arith.constant 0 : i32
      %dma_wait3A_62 = arith.constant 0 : i32
      %dma_wait3A_63 = tpu.memref_slice %arg2[%dma_wait3A_61, %dma_wait3A_62] : memref<10000x128xf32, #tpu.memory_space<hbm>> -> memref<10000x128xf32, #tpu.memory_space<hbm>>
      tpu.wait_indirect_dma semaphore(%arg18 : memref<!tpu.dma_semaphore, #tpu.memory_space<semaphore_mem>>) src(%dma_wait3A_63 : memref<10000x128xf32, #tpu.memory_space<hbm>>) dst(%arg12 : memref<80x128xf32, #tpu.memory_space<vmem>>)
      "tpu.region"() ({
        %run_scoped3A = tpu.sem_alloc : memref<!tpu.dma_semaphore, #tpu.memory_space<semaphore_mem>>
        %dma_start3A_64 = arith.constant 0 : i32
        %dma_start3A_65 = arith.constant 0 : i32
        %dma_start3A_66 = tpu.memref_slice %arg8[%dma_start3A_64, %dma_start3A_65] : memref<10000x128xf32, #tpu.memory_space<vmem_shared>> -> memref<10000x128xf32, #tpu.memory_space<vmem_shared>>
        tpu.enqueue_indirect_dma source(%arg12 : memref<80x128xf32, #tpu.memory_space<vmem>>) target(%dma_start3A_66 : memref<10000x128xf32, #tpu.memory_space<vmem_shared>>) offsets(%arg10 : memref<80xi32, #tpu.memory_space<vmem>>) semaphore(%run_scoped3A : memref<!tpu.dma_semaphore, #tpu.memory_space<semaphore_mem>>) {add = true}
        %dma_wait3A_67 = arith.constant 0 : i32
        %dma_wait3A_68 = arith.constant 0 : i32
        %dma_wait3A_69 = tpu.memref_slice %arg8[%dma_wait3A_67, %dma_wait3A_68] : memref<10000x128xf32, #tpu.memory_space<vmem_shared>> -> memref<10000x128xf32, #tpu.memory_space<vmem_shared>>
        tpu.wait_indirect_dma semaphore(%run_scoped3A : memref<!tpu.dma_semaphore, #tpu.memory_space<semaphore_mem>>) src(%arg12 : memref<80x128xf32, #tpu.memory_space<vmem>>) dst(%dma_wait3A_69 : memref<10000x128xf32, #tpu.memory_space<vmem_shared>>)
        tpu.yield
      }) : () -> ()
    }
    %scan3A_26 = arith.constant 125 : i32
    %barrier3A_27 = arith.constant 0 : index
    tpu.barrier barrier_id(%barrier3A_27)
    %sub3A_28 = arith.constant 50 : i32
    %sub3A_29 = arith.subi %sub3A_28, %arg1 : i32
    %sub3A_30 = arith.constant 16 : i32
    %sub3A_31 = arith.constant 1 : i32
    %sub3A_32 = arith.subi %sub3A_30, %sub3A_31 : i32
    %add3A_33 = arith.addi %sub3A_29, %sub3A_32 : i32
    %div3A_34 = arith.constant 16 : i32
    %div3A_35 = arith.divsi %add3A_33, %div3A_34 : i32
    %while3A_36 = arith.constant 16 : i32
    %while3A_37 = arith.constant 0 : i32
    %while3A_38 = arith.subi %div3A_35, %while3A_37 : i32
    %while3A_39 = arith.addi %while3A_37, %while3A_38 : i32
    %while3A_40 = arith.constant 1 : i32
    %while3A_41 = arith.divsi %while3A_38, %while3A_40 : i32
    %while3A_42 = arith.muli %while3A_41, %while3A_40 : i32
    %while3A_43 = arith.addi %while3A_37, %while3A_42 : i32
    %while3A_44 = arith.constant 1 : i32
    scf.for %while3A_46 = %while3A_37 to %while3A_43 step %while3A_44  : i32 {
      %mul3A_47 = arith.muli %while3A_46, %while3A_36 : i32
      %add3A_48 = arith.addi %arg1, %mul3A_47 : i32
      %mul3A_49 = arith.constant 200 : i32
      %mul3A_50 = arith.muli %add3A_48, %mul3A_49 : i32
      "tpu.region"() ({
        %run_scoped3A = tpu.sem_alloc : memref<!tpu.dma_semaphore, #tpu.memory_space<semaphore_mem>>
        %dma_start3A = arith.constant 0 : i32
        %dma_start3A_56 = tpu.memref_slice %arg8[%mul3A_50, %dma_start3A] : memref<10000x128xf32, #tpu.memory_space<vmem_shared>> -> memref<200x128xf32, #tpu.memory_space<vmem_shared>>
        %dma_start3A_57 = arith.constant 0 : i32
        %dma_start3A_58 = tpu.memref_slice %arg8[%mul3A_50, %dma_start3A_57] : memref<10000x128xf32, #tpu.memory_space<vmem_shared>> -> memref<200x128xf32, #tpu.memory_space<vmem_shared>>
        tpu.enqueue_dma source(%dma_start3A_58 : memref<200x128xf32, #tpu.memory_space<vmem_shared>>) target(%arg17 : memref<200x128xf32, #tpu.memory_space<vmem>>) target_semaphore(%run_scoped3A : memref<!tpu.dma_semaphore, #tpu.memory_space<semaphore_mem>>)
        %dma_wait3A = arith.constant 0 : i32
        %dma_wait3A_59 = tpu.memref_slice %arg8[%mul3A_50, %dma_wait3A] : memref<10000x128xf32, #tpu.memory_space<vmem_shared>> -> memref<200x128xf32, #tpu.memory_space<vmem_shared>>
        %dma_wait3A_60 = arith.constant 0 : i32
        %dma_wait3A_61 = tpu.memref_slice %arg8[%mul3A_50, %dma_wait3A_60] : memref<10000x128xf32, #tpu.memory_space<vmem_shared>> -> memref<200x128xf32, #tpu.memory_space<vmem_shared>>
        tpu.wait_dma2 semaphore(%run_scoped3A : memref<!tpu.dma_semaphore, #tpu.memory_space<semaphore_mem>>) src(%dma_wait3A_61 : memref<200x128xf32, #tpu.memory_space<vmem_shared>>) dst(%arg17 : memref<200x128xf32, #tpu.memory_space<vmem>>)
        tpu.yield
      }) : () -> ()
      %mul3A_51 = arith.constant 10000 : i32
      %mul3A_52 = arith.muli %arg0, %mul3A_51 : i32
      %mul3A_53 = arith.constant 200 : i32
      %mul3A_54 = arith.muli %add3A_48, %mul3A_53 : i32
      %add3A_55 = arith.addi %mul3A_52, %mul3A_54 : i32
      "tpu.region"() ({
        %run_scoped3A = tpu.sem_alloc : memref<!tpu.dma_semaphore, #tpu.memory_space<semaphore_mem>>
        %dma_start3A = arith.constant 0 : i32
        %dma_start3A_56 = tpu.memref_slice %arg7[%add3A_55, %dma_start3A] : memref<20000x128xf32, #tpu.memory_space<hbm>> -> memref<200x128xf32, #tpu.memory_space<hbm>>
        %dma_start3A_57 = arith.constant 0 : i32
        %dma_start3A_58 = tpu.memref_slice %arg7[%add3A_55, %dma_start3A_57] : memref<20000x128xf32, #tpu.memory_space<hbm>> -> memref<200x128xf32, #tpu.memory_space<hbm>>
        tpu.enqueue_dma source(%arg17 : memref<200x128xf32, #tpu.memory_space<vmem>>) target(%dma_start3A_58 : memref<200x128xf32, #tpu.memory_space<hbm>>) target_semaphore(%run_scoped3A : memref<!tpu.dma_semaphore, #tpu.memory_space<semaphore_mem>>)
        %dma_wait3A = arith.constant 0 : i32
        %dma_wait3A_59 = tpu.memref_slice %arg7[%add3A_55, %dma_wait3A] : memref<20000x128xf32, #tpu.memory_space<hbm>> -> memref<200x128xf32, #tpu.memory_space<hbm>>
        %dma_wait3A_60 = arith.constant 0 : i32
        %dma_wait3A_61 = tpu.memref_slice %arg7[%add3A_55, %dma_wait3A_60] : memref<20000x128xf32, #tpu.memory_space<hbm>> -> memref<200x128xf32, #tpu.memory_space<hbm>>
        tpu.wait_dma2 semaphore(%run_scoped3A : memref<!tpu.dma_semaphore, #tpu.memory_space<semaphore_mem>>) src(%arg17 : memref<200x128xf32, #tpu.memory_space<vmem>>) dst(%dma_wait3A_61 : memref<200x128xf32, #tpu.memory_space<hbm>>)
        tpu.yield
      }) : () -> ()
    }
    %while3A_45 = arith.constant 1 : i32
    scf.for %while3A_46 = %while3A_43 to %while3A_39 step %while3A_45  : i32 {
      %mul3A_47 = arith.muli %while3A_46, %while3A_36 : i32
      %add3A_48 = arith.addi %arg1, %mul3A_47 : i32
      %mul3A_49 = arith.constant 200 : i32
      %mul3A_50 = arith.muli %add3A_48, %mul3A_49 : i32
      "tpu.region"() ({
        %run_scoped3A = tpu.sem_alloc : memref<!tpu.dma_semaphore, #tpu.memory_space<semaphore_mem>>
        %dma_start3A = arith.constant 0 : i32
        %dma_start3A_56 = tpu.memref_slice %arg8[%mul3A_50, %dma_start3A] : memref<10000x128xf32, #tpu.memory_space<vmem_shared>> -> memref<200x128xf32, #tpu.memory_space<vmem_shared>>
        %dma_start3A_57 = arith.constant 0 : i32
        %dma_start3A_58 = tpu.memref_slice %arg8[%mul3A_50, %dma_start3A_57] : memref<10000x128xf32, #tpu.memory_space<vmem_shared>> -> memref<200x128xf32, #tpu.memory_space<vmem_shared>>
        tpu.enqueue_dma source(%dma_start3A_58 : memref<200x128xf32, #tpu.memory_space<vmem_shared>>) target(%arg17 : memref<200x128xf32, #tpu.memory_space<vmem>>) target_semaphore(%run_scoped3A : memref<!tpu.dma_semaphore, #tpu.memory_space<semaphore_mem>>)
        %dma_wait3A = arith.constant 0 : i32
        %dma_wait3A_59 = tpu.memref_slice %arg8[%mul3A_50, %dma_wait3A] : memref<10000x128xf32, #tpu.memory_space<vmem_shared>> -> memref<200x128xf32, #tpu.memory_space<vmem_shared>>
        %dma_wait3A_60 = arith.constant 0 : i32
        %dma_wait3A_61 = tpu.memref_slice %arg8[%mul3A_50, %dma_wait3A_60] : memref<10000x128xf32, #tpu.memory_space<vmem_shared>> -> memref<200x128xf32, #tpu.memory_space<vmem_shared>>
        tpu.wait_dma2 semaphore(%run_scoped3A : memref<!tpu.dma_semaphore, #tpu.memory_space<semaphore_mem>>) src(%dma_wait3A_61 : memref<200x128xf32, #tpu.memory_space<vmem_shared>>) dst(%arg17 : memref<200x128xf32, #tpu.memory_space<vmem>>)
        tpu.yield
      }) : () -> ()
      %mul3A_51 = arith.constant 10000 : i32
      %mul3A_52 = arith.muli %arg0, %mul3A_51 : i32
      %mul3A_53 = arith.constant 200 : i32
      %mul3A_54 = arith.muli %add3A_48, %mul3A_53 : i32
      %add3A_55 = arith.addi %mul3A_52, %mul3A_54 : i32
      "tpu.region"() ({
        %run_scoped3A = tpu.sem_alloc : memref<!tpu.dma_semaphore, #tpu.memory_space<semaphore_mem>>
        %dma_start3A = arith.constant 0 : i32
        %dma_start3A_56 = tpu.memref_slice %arg7[%add3A_55, %dma_start3A] : memref<20000x128xf32, #tpu.memory_space<hbm>> -> memref<200x128xf32, #tpu.memory_space<hbm>>
        %dma_start3A_57 = arith.constant 0 : i32
        %dma_start3A_58 = tpu.memref_slice %arg7[%add3A_55, %dma_start3A_57] : memref<20000x128xf32, #tpu.memory_space<hbm>> -> memref<200x128xf32, #tpu.memory_space<hbm>>
        tpu.enqueue_dma source(%arg17 : memref<200x128xf32, #tpu.memory_space<vmem>>) target(%dma_start3A_58 : memref<200x128xf32, #tpu.memory_space<hbm>>) target_semaphore(%run_scoped3A : memref<!tpu.dma_semaphore, #tpu.memory_space<semaphore_mem>>)
        %dma_wait3A = arith.constant 0 : i32
        %dma_wait3A_59 = tpu.memref_slice %arg7[%add3A_55, %dma_wait3A] : memref<20000x128xf32, #tpu.memory_space<hbm>> -> memref<200x128xf32, #tpu.memory_space<hbm>>
        %dma_wait3A_60 = arith.constant 0 : i32
        %dma_wait3A_61 = tpu.memref_slice %arg7[%add3A_55, %dma_wait3A_60] : memref<20000x128xf32, #tpu.memory_space<hbm>> -> memref<200x128xf32, #tpu.memory_space<hbm>>
        tpu.wait_dma2 semaphore(%run_scoped3A : memref<!tpu.dma_semaphore, #tpu.memory_space<semaphore_mem>>) src(%arg17 : memref<200x128xf32, #tpu.memory_space<vmem>>) dst(%dma_wait3A_61 : memref<200x128xf32, #tpu.memory_space<hbm>>)
        tpu.yield
      }) : () -> ()
    }
    return
  }
}

#map = affine_map<(d0, d1) -> (0, 0)>
#map1 = affine_map<(d0, d1) -> (0)>
module attributes {stable_mosaic.version = 14 : i64} {
  func.func @_spmm_body(%arg0: i32, %arg1: i32, %arg2: memref<10000x128xf32, #tpu.memory_space<hbm>>, %arg3: memref<16x128xf32, #tpu.memory_space<hbm>>, %arg4: memref<320000xi32, #tpu.memory_space<hbm>>, %arg5: memref<320000xi32, #tpu.memory_space<hbm>>, %arg6: memref<320000xi32, #tpu.memory_space<hbm>>, %arg7: memref<20000x128xf32, #tpu.memory_space<hbm>>, %arg8: memref<10000x128xf32, #tpu.memory_space<vmem_shared>>, %arg9: memref<80xi32, #tpu.memory_space<vmem>>, %arg10: memref<80xi32, #tpu.memory_space<vmem>>, %arg11: memref<80xi32, #tpu.memory_space<vmem>>, %arg12: memref<80x128xf32, #tpu.memory_space<vmem>>, %arg13: memref<80xi32, #tpu.memory_space<vmem>>, %arg14: memref<80xi32, #tpu.memory_space<vmem>>, %arg15: memref<80xi32, #tpu.memory_space<vmem>>, %arg16: memref<80x128xf32, #tpu.memory_space<vmem>>, %arg17: memref<200x128xf32, #tpu.memory_space<vmem>>, %arg18: memref<!tpu.dma_semaphore, #tpu.memory_space<semaphore_mem>>, %arg19: memref<!tpu.dma_semaphore, #tpu.memory_space<semaphore_mem>>) attributes {dimension_semantics = [#tpu.dimension_semantics<core_parallel>, #tpu.dimension_semantics<subcore_parallel>], iteration_bounds = array<i64: 2, 16>, scalar_prefetch = 0 : i64, scratch_operands = 12 : i64, tpu.core_type = #tpu.core_type<sc_vector_subcore>, window_params = [{transform_indices = #map}, {transform_indices = #map}, {transform_indices = #map1}, {transform_indices = #map1}, {transform_indices = #map1}, {transform_indices = #map}]} {
    %mul3A = arith.constant 16 : i32
    %mul3A_0 = arith.muli %arg0, %mul3A : i32
    %add3A = arith.addi %mul3A_0, %arg1 : i32
    %scan3A = arith.constant 0 : i32
    %scan3A_1 = arith.constant 200 : i32
    %scan3A_2 = arith.addi %scan3A, %scan3A_1 : i32
    %scan3A_3 = arith.constant 1 : i32
    scf.for %scan3A_46 = %scan3A to %scan3A_2 step %scan3A_3  : i32 {
      %mul3A_47 = arith.constant 1 : i32
      %mul3A_48 = arith.muli %scan3A_46, %mul3A_47 : i32
      %add3A_49 = arith.constant 0 : i32
      %add3A_50 = arith.addi %add3A_49, %mul3A_48 : i32
      %broadcast_in_dim3A = arith.constant 0.000000e+00 : f32
      %broadcast_in_dim3A_51 = vector.broadcast %broadcast_in_dim3A : f32 to vector<16xf32>
      %swap3A = arith.index_cast %add3A_50 : i32 to index
      %swap3A_52 = arith.constant 0 : index
      %swap3A_53 = tpu.vector_load %arg17[%swap3A, %swap3A_52] {strides = array<i32>} : memref<200x128xf32, #tpu.memory_space<vmem>>, vector<1x16xf32>,
      %swap3A_54 = vector.shape_cast %swap3A_53 : vector<1x16xf32> to vector<16xf32>
      %swap3A_55 = vector.shape_cast %broadcast_in_dim3A_51 : vector<16xf32> to vector<1x16xf32>
      tpu.vector_store %arg17[%swap3A, %swap3A_52], %swap3A_55 {strides = array<i32>} : memref<200x128xf32, #tpu.memory_space<vmem>>, vector<1x16xf32>,
      %broadcast_in_dim3A_56 = arith.constant 0.000000e+00 : f32
      %broadcast_in_dim3A_57 = vector.broadcast %broadcast_in_dim3A_56 : f32 to vector<16xf32>
      %swap3A_58 = arith.index_cast %add3A_50 : i32 to index
      %swap3A_59 = arith.constant 16 : index
      %swap3A_60 = tpu.vector_load %arg17[%swap3A_58, %swap3A_59] {strides = array<i32>} : memref<200x128xf32, #tpu.memory_space<vmem>>, vector<1x16xf32>,
      %swap3A_61 = vector.shape_cast %swap3A_60 : vector<1x16xf32> to vector<16xf32>
      %swap3A_62 = vector.shape_cast %broadcast_in_dim3A_57 : vector<16xf32> to vector<1x16xf32>
      tpu.vector_store %arg17[%swap3A_58, %swap3A_59], %swap3A_62 {strides = array<i32>} : memref<200x128xf32, #tpu.memory_space<vmem>>, vector<1x16xf32>,
      %broadcast_in_dim3A_63 = arith.constant 0.000000e+00 : f32
      %broadcast_in_dim3A_64 = vector.broadcast %broadcast_in_dim3A_63 : f32 to vector<16xf32>
      %swap3A_65 = arith.index_cast %add3A_50 : i32 to index
      %swap3A_66 = arith.constant 32 : index
      %swap3A_67 = tpu.vector_load %arg17[%swap3A_65, %swap3A_66] {strides = array<i32>} : memref<200x128xf32, #tpu.memory_space<vmem>>, vector<1x16xf32>,
      %swap3A_68 = vector.shape_cast %swap3A_67 : vector<1x16xf32> to vector<16xf32>
      %swap3A_69 = vector.shape_cast %broadcast_in_dim3A_64 : vector<16xf32> to vector<1x16xf32>
      tpu.vector_store %arg17[%swap3A_65, %swap3A_66], %swap3A_69 {strides = array<i32>} : memref<200x128xf32, #tpu.memory_space<vmem>>, vector<1x16xf32>,
      %broadcast_in_dim3A_70 = arith.constant 0.000000e+00 : f32
      %broadcast_in_dim3A_71 = vector.broadcast %broadcast_in_dim3A_70 : f32 to vector<16xf32>
      %swap3A_72 = arith.index_cast %add3A_50 : i32 to index
      %swap3A_73 = arith.constant 48 : index
      %swap3A_74 = tpu.vector_load %arg17[%swap3A_72, %swap3A_73] {strides = array<i32>} : memref<200x128xf32, #tpu.memory_space<vmem>>, vector<1x16xf32>,
      %swap3A_75 = vector.shape_cast %swap3A_74 : vector<1x16xf32> to vector<16xf32>
      %swap3A_76 = vector.shape_cast %broadcast_in_dim3A_71 : vector<16xf32> to vector<1x16xf32>
      tpu.vector_store %arg17[%swap3A_72, %swap3A_73], %swap3A_76 {strides = array<i32>} : memref<200x128xf32, #tpu.memory_space<vmem>>, vector<1x16xf32>,
      %broadcast_in_dim3A_77 = arith.constant 0.000000e+00 : f32
      %broadcast_in_dim3A_78 = vector.broadcast %broadcast_in_dim3A_77 : f32 to vector<16xf32>
      %swap3A_79 = arith.index_cast %add3A_50 : i32 to index
      %swap3A_80 = arith.constant 64 : index
      %swap3A_81 = tpu.vector_load %arg17[%swap3A_79, %swap3A_80] {strides = array<i32>} : memref<200x128xf32, #tpu.memory_space<vmem>>, vector<1x16xf32>,
      %swap3A_82 = vector.shape_cast %swap3A_81 : vector<1x16xf32> to vector<16xf32>
      %swap3A_83 = vector.shape_cast %broadcast_in_dim3A_78 : vector<16xf32> to vector<1x16xf32>
      tpu.vector_store %arg17[%swap3A_79, %swap3A_80], %swap3A_83 {strides = array<i32>} : memref<200x128xf32, #tpu.memory_space<vmem>>, vector<1x16xf32>,
      %broadcast_in_dim3A_84 = arith.constant 0.000000e+00 : f32
      %broadcast_in_dim3A_85 = vector.broadcast %broadcast_in_dim3A_84 : f32 to vector<16xf32>
      %swap3A_86 = arith.index_cast %add3A_50 : i32 to index
      %swap3A_87 = arith.constant 80 : index
      %swap3A_88 = tpu.vector_load %arg17[%swap3A_86, %swap3A_87] {strides = array<i32>} : memref<200x128xf32, #tpu.memory_space<vmem>>, vector<1x16xf32>,
      %swap3A_89 = vector.shape_cast %swap3A_88 : vector<1x16xf32> to vector<16xf32>
      %swap3A_90 = vector.shape_cast %broadcast_in_dim3A_85 : vector<16xf32> to vector<1x16xf32>
      tpu.vector_store %arg17[%swap3A_86, %swap3A_87], %swap3A_90 {strides = array<i32>} : memref<200x128xf32, #tpu.memory_space<vmem>>, vector<1x16xf32>,
      %broadcast_in_dim3A_91 = arith.constant 0.000000e+00 : f32
      %broadcast_in_dim3A_92 = vector.broadcast %broadcast_in_dim3A_91 : f32 to vector<16xf32>
      %swap3A_93 = arith.index_cast %add3A_50 : i32 to index
      %swap3A_94 = arith.constant 96 : index
      %swap3A_95 = tpu.vector_load %arg17[%swap3A_93, %swap3A_94] {strides = array<i32>} : memref<200x128xf32, #tpu.memory_space<vmem>>, vector<1x16xf32>,
      %swap3A_96 = vector.shape_cast %swap3A_95 : vector<1x16xf32> to vector<16xf32>
      %swap3A_97 = vector.shape_cast %broadcast_in_dim3A_92 : vector<16xf32> to vector<1x16xf32>
      tpu.vector_store %arg17[%swap3A_93, %swap3A_94], %swap3A_97 {strides = array<i32>} : memref<200x128xf32, #tpu.memory_space<vmem>>, vector<1x16xf32>,
      %broadcast_in_dim3A_98 = arith.constant 0.000000e+00 : f32
      %broadcast_in_dim3A_99 = vector.broadcast %broadcast_in_dim3A_98 : f32 to vector<16xf32>
      %swap3A_100 = arith.index_cast %add3A_50 : i32 to index
      %swap3A_101 = arith.constant 112 : index
      %swap3A_102 = tpu.vector_load %arg17[%swap3A_100, %swap3A_101] {strides = array<i32>} : memref<200x128xf32, #tpu.memory_space<vmem>>, vector<1x16xf32>,
      %swap3A_103 = vector.shape_cast %swap3A_102 : vector<1x16xf32> to vector<16xf32>
      %swap3A_104 = vector.shape_cast %broadcast_in_dim3A_99 : vector<16xf32> to vector<1x16xf32>
      tpu.vector_store %arg17[%swap3A_100, %swap3A_101], %swap3A_104 {strides = array<i32>} : memref<200x128xf32, #tpu.memory_space<vmem>>, vector<1x16xf32>,
    }
    %scan3A_4 = arith.constant 200 : i32
    %sub3A = arith.constant 50 : i32
    %sub3A_5 = arith.subi %sub3A, %arg1 : i32
    %sub3A_6 = arith.constant 16 : i32
    %sub3A_7 = arith.constant 1 : i32
    %sub3A_8 = arith.subi %sub3A_6, %sub3A_7 : i32
    %add3A_9 = arith.addi %sub3A_5, %sub3A_8 : i32
    %div3A = arith.constant 16 : i32
    %div3A_10 = arith.divsi %add3A_9, %div3A : i32
    %while3A = arith.constant 16 : i32
    %while3A_11 = arith.constant 0 : i32
    %while3A_12 = arith.subi %div3A_10, %while3A_11 : i32
    %while3A_13 = arith.addi %while3A_11, %while3A_12 : i32
    %while3A_14 = arith.constant 1 : i32
    %while3A_15 = arith.divsi %while3A_12, %while3A_14 : i32
    %while3A_16 = arith.muli %while3A_15, %while3A_14 : i32
    %while3A_17 = arith.addi %while3A_11, %while3A_16 : i32
    %while3A_18 = arith.constant 1 : i32
    scf.for %while3A_46 = %while3A_11 to %while3A_17 step %while3A_18  : i32 {
      %mul3A_47 = arith.muli %while3A_46, %while3A : i32
      %add3A_48 = arith.addi %arg1, %mul3A_47 : i32
      %mul3A_49 = arith.constant 200 : i32
      %mul3A_50 = arith.muli %add3A_48, %mul3A_49 : i32
      "tpu.region"() ({
        %run_scoped3A = tpu.sem_alloc : memref<!tpu.dma_semaphore, #tpu.memory_space<semaphore_mem>>
        %dma_start3A = arith.constant 0 : i32
        %dma_start3A_51 = tpu.memref_slice %arg8[%mul3A_50, %dma_start3A] : memref<10000x128xf32, #tpu.memory_space<vmem_shared>> -> memref<200x128xf32, #tpu.memory_space<vmem_shared>>
        %dma_start3A_52 = arith.constant 0 : i32
        %dma_start3A_53 = tpu.memref_slice %arg8[%mul3A_50, %dma_start3A_52] : memref<10000x128xf32, #tpu.memory_space<vmem_shared>> -> memref<200x128xf32, #tpu.memory_space<vmem_shared>>
        tpu.enqueue_dma source(%arg17 : memref<200x128xf32, #tpu.memory_space<vmem>>) target(%dma_start3A_53 : memref<200x128xf32, #tpu.memory_space<vmem_shared>>) target_semaphore(%run_scoped3A : memref<!tpu.dma_semaphore, #tpu.memory_space<semaphore_mem>>)
        %dma_wait3A = arith.constant 0 : i32
        %dma_wait3A_54 = tpu.memref_slice %arg8[%mul3A_50, %dma_wait3A] : memref<10000x128xf32, #tpu.memory_space<vmem_shared>> -> memref<200x128xf32, #tpu.memory_space<vmem_shared>>
        %dma_wait3A_55 = arith.constant 0 : i32
        %dma_wait3A_56 = tpu.memref_slice %arg8[%mul3A_50, %dma_wait3A_55] : memref<10000x128xf32, #tpu.memory_space<vmem_shared>> -> memref<200x128xf32, #tpu.memory_space<vmem_shared>>
        tpu.wait_dma2 semaphore(%run_scoped3A : memref<!tpu.dma_semaphore, #tpu.memory_space<semaphore_mem>>) src(%arg17 : memref<200x128xf32, #tpu.memory_space<vmem>>) dst(%dma_wait3A_56 : memref<200x128xf32, #tpu.memory_space<vmem_shared>>)
        tpu.yield
      }) : () -> ()
    }
    %while3A_19 = arith.constant 1 : i32
    scf.for %while3A_46 = %while3A_17 to %while3A_13 step %while3A_19  : i32 {
      %mul3A_47 = arith.muli %while3A_46, %while3A : i32
      %add3A_48 = arith.addi %arg1, %mul3A_47 : i32
      %mul3A_49 = arith.constant 200 : i32
      %mul3A_50 = arith.muli %add3A_48, %mul3A_49 : i32
      "tpu.region"() ({
        %run_scoped3A = tpu.sem_alloc : memref<!tpu.dma_semaphore, #tpu.memory_space<semaphore_mem>>
        %dma_start3A = arith.constant 0 : i32
        %dma_start3A_51 = tpu.memref_slice %arg8[%mul3A_50, %dma_start3A] : memref<10000x128xf32, #tpu.memory_space<vmem_shared>> -> memref<200x128xf32, #tpu.memory_space<vmem_shared>>
        %dma_start3A_52 = arith.constant 0 : i32
        %dma_start3A_53 = tpu.memref_slice %arg8[%mul3A_50, %dma_start3A_52] : memref<10000x128xf32, #tpu.memory_space<vmem_shared>> -> memref<200x128xf32, #tpu.memory_space<vmem_shared>>
        tpu.enqueue_dma source(%arg17 : memref<200x128xf32, #tpu.memory_space<vmem>>) target(%dma_start3A_53 : memref<200x128xf32, #tpu.memory_space<vmem_shared>>) target_semaphore(%run_scoped3A : memref<!tpu.dma_semaphore, #tpu.memory_space<semaphore_mem>>)
        %dma_wait3A = arith.constant 0 : i32
        %dma_wait3A_54 = tpu.memref_slice %arg8[%mul3A_50, %dma_wait3A] : memref<10000x128xf32, #tpu.memory_space<vmem_shared>> -> memref<200x128xf32, #tpu.memory_space<vmem_shared>>
        %dma_wait3A_55 = arith.constant 0 : i32
        %dma_wait3A_56 = tpu.memref_slice %arg8[%mul3A_50, %dma_wait3A_55] : memref<10000x128xf32, #tpu.memory_space<vmem_shared>> -> memref<200x128xf32, #tpu.memory_space<vmem_shared>>
        tpu.wait_dma2 semaphore(%run_scoped3A : memref<!tpu.dma_semaphore, #tpu.memory_space<semaphore_mem>>) src(%arg17 : memref<200x128xf32, #tpu.memory_space<vmem>>) dst(%dma_wait3A_56 : memref<200x128xf32, #tpu.memory_space<vmem_shared>>)
        tpu.yield
      }) : () -> ()
    }
    %barrier3A = arith.constant 0 : index
    tpu.barrier barrier_id(%barrier3A)
    %mul3A_20 = arith.constant 10000 : i32
    %mul3A_21 = arith.muli %add3A, %mul3A_20 : i32
    %scan3A_22 = arith.constant 0 : i32
    %scan3A_23 = arith.constant 125 : i32
    %scan3A_24 = arith.addi %scan3A_22, %scan3A_23 : i32
    %scan3A_25 = arith.constant 1 : i32
    scf.for %scan3A_46 = %scan3A_22 to %scan3A_24 step %scan3A_25  : i32 {
      %mul3A_47 = arith.constant 1 : i32
      %mul3A_48 = arith.muli %scan3A_46, %mul3A_47 : i32
      %add3A_49 = arith.constant 0 : i32
      %add3A_50 = arith.addi %add3A_49, %mul3A_48 : i32
      %mul3A_51 = arith.constant 80 : i32
      %mul3A_52 = arith.muli %add3A_50, %mul3A_51 : i32
      %add3A_53 = arith.addi %mul3A_21, %mul3A_52 : i32
      "tpu.region"() ({
        %run_scoped3A = tpu.sem_alloc : memref<!tpu.dma_semaphore, #tpu.memory_space<semaphore_mem>>
        %dma_start3A_64 = tpu.memref_slice %arg4[%add3A_53] : memref<320000xi32, #tpu.memory_space<hbm>> -> memref<80xi32, #tpu.memory_space<hbm>>
        %dma_start3A_65 = tpu.memref_slice %arg4[%add3A_53] : memref<320000xi32, #tpu.memory_space<hbm>> -> memref<80xi32, #tpu.memory_space<hbm>>
        tpu.enqueue_dma source(%dma_start3A_65 : memref<80xi32, #tpu.memory_space<hbm>>) target(%arg9 : memref<80xi32, #tpu.memory_space<vmem>>) target_semaphore(%run_scoped3A : memref<!tpu.dma_semaphore, #tpu.memory_space<semaphore_mem>>)
        %dma_wait3A_66 = tpu.memref_slice %arg4[%add3A_53] : memref<320000xi32, #tpu.memory_space<hbm>> -> memref<80xi32, #tpu.memory_space<hbm>>
        %dma_wait3A_67 = tpu.memref_slice %arg4[%add3A_53] : memref<320000xi32, #tpu.memory_space<hbm>> -> memref<80xi32, #tpu.memory_space<hbm>>
        tpu.wait_dma2 semaphore(%run_scoped3A : memref<!tpu.dma_semaphore, #tpu.memory_space<semaphore_mem>>) src(%dma_wait3A_67 : memref<80xi32, #tpu.memory_space<hbm>>) dst(%arg9 : memref<80xi32, #tpu.memory_space<vmem>>)
        tpu.yield
      }) : () -> ()
      "tpu.region"() ({
        %run_scoped3A = tpu.sem_alloc : memref<!tpu.dma_semaphore, #tpu.memory_space<semaphore_mem>>
        %dma_start3A_64 = tpu.memref_slice %arg5[%add3A_53] : memref<320000xi32, #tpu.memory_space<hbm>> -> memref<80xi32, #tpu.memory_space<hbm>>
        %dma_start3A_65 = tpu.memref_slice %arg5[%add3A_53] : memref<320000xi32, #tpu.memory_space<hbm>> -> memref<80xi32, #tpu.memory_space<hbm>>
        tpu.enqueue_dma source(%dma_start3A_65 : memref<80xi32, #tpu.memory_space<hbm>>) target(%arg10 : memref<80xi32, #tpu.memory_space<vmem>>) target_semaphore(%run_scoped3A : memref<!tpu.dma_semaphore, #tpu.memory_space<semaphore_mem>>)
        %dma_wait3A_66 = tpu.memref_slice %arg5[%add3A_53] : memref<320000xi32, #tpu.memory_space<hbm>> -> memref<80xi32, #tpu.memory_space<hbm>>
        %dma_wait3A_67 = tpu.memref_slice %arg5[%add3A_53] : memref<320000xi32, #tpu.memory_space<hbm>> -> memref<80xi32, #tpu.memory_space<hbm>>
        tpu.wait_dma2 semaphore(%run_scoped3A : memref<!tpu.dma_semaphore, #tpu.memory_space<semaphore_mem>>) src(%dma_wait3A_67 : memref<80xi32, #tpu.memory_space<hbm>>) dst(%arg10 : memref<80xi32, #tpu.memory_space<vmem>>)
        tpu.yield
      }) : () -> ()
      "tpu.region"() ({
        %run_scoped3A = tpu.sem_alloc : memref<!tpu.dma_semaphore, #tpu.memory_space<semaphore_mem>>
        %dma_start3A_64 = tpu.memref_slice %arg6[%add3A_53] : memref<320000xi32, #tpu.memory_space<hbm>> -> memref<80xi32, #tpu.memory_space<hbm>>
        %dma_start3A_65 = tpu.memref_slice %arg6[%add3A_53] : memref<320000xi32, #tpu.memory_space<hbm>> -> memref<80xi32, #tpu.memory_space<hbm>>
        tpu.enqueue_dma source(%dma_start3A_65 : memref<80xi32, #tpu.memory_space<hbm>>) target(%arg11 : memref<80xi32, #tpu.memory_space<vmem>>) target_semaphore(%run_scoped3A : memref<!tpu.dma_semaphore, #tpu.memory_space<semaphore_mem>>)
        %dma_wait3A_66 = tpu.memref_slice %arg6[%add3A_53] : memref<320000xi32, #tpu.memory_space<hbm>> -> memref<80xi32, #tpu.memory_space<hbm>>
        %dma_wait3A_67 = tpu.memref_slice %arg6[%add3A_53] : memref<320000xi32, #tpu.memory_space<hbm>> -> memref<80xi32, #tpu.memory_space<hbm>>
        tpu.wait_dma2 semaphore(%run_scoped3A : memref<!tpu.dma_semaphore, #tpu.memory_space<semaphore_mem>>) src(%dma_wait3A_67 : memref<80xi32, #tpu.memory_space<hbm>>) dst(%arg11 : memref<80xi32, #tpu.memory_space<vmem>>)
        tpu.yield
      }) : () -> ()
      %dma_start3A = arith.constant 0 : i32
      %dma_start3A_54 = arith.constant 0 : i32
      %dma_start3A_55 = tpu.memref_slice %arg3[%dma_start3A, %dma_start3A_54] : memref<16x128xf32, #tpu.memory_space<hbm>> -> memref<16x128xf32, #tpu.memory_space<hbm>>
      tpu.enqueue_indirect_dma source(%dma_start3A_55 : memref<16x128xf32, #tpu.memory_space<hbm>>) target(%arg12 : memref<80x128xf32, #tpu.memory_space<vmem>>) offsets(%arg11 : memref<80xi32, #tpu.memory_space<vmem>>) semaphore(%arg18 : memref<!tpu.dma_semaphore, #tpu.memory_space<semaphore_mem>>)
      %dma_wait3A = arith.constant 0 : i32
      %dma_wait3A_56 = arith.constant 0 : i32
      %dma_wait3A_57 = tpu.memref_slice %arg3[%dma_wait3A, %dma_wait3A_56] : memref<16x128xf32, #tpu.memory_space<hbm>> -> memref<16x128xf32, #tpu.memory_space<hbm>>
      tpu.wait_indirect_dma semaphore(%arg18 : memref<!tpu.dma_semaphore, #tpu.memory_space<semaphore_mem>>) src(%dma_wait3A_57 : memref<16x128xf32, #tpu.memory_space<hbm>>) dst(%arg12 : memref<80x128xf32, #tpu.memory_space<vmem>>)
      %dma_start3A_58 = arith.constant 0 : i32
      %dma_start3A_59 = arith.constant 0 : i32
      %dma_start3A_60 = tpu.memref_slice %arg2[%dma_start3A_58, %dma_start3A_59] : memref<10000x128xf32, #tpu.memory_space<hbm>> -> memref<10000x128xf32, #tpu.memory_space<hbm>>
      tpu.enqueue_indirect_dma source(%dma_start3A_60 : memref<10000x128xf32, #tpu.memory_space<hbm>>) target(%arg12 : memref<80x128xf32, #tpu.memory_space<vmem>>) offsets(%arg9 : memref<80xi32, #tpu.memory_space<vmem>>) semaphore(%arg18 : memref<!tpu.dma_semaphore, #tpu.memory_space<semaphore_mem>>) {add = true}
      %dma_wait3A_61 = arith.constant 0 : i32
      %dma_wait3A_62 = arith.constant 0 : i32
      %dma_wait3A_63 = tpu.memref_slice %arg2[%dma_wait3A_61, %dma_wait3A_62] : memref<10000x128xf32, #tpu.memory_space<hbm>> -> memref<10000x128xf32, #tpu.memory_space<hbm>>
      tpu.wait_indirect_dma semaphore(%arg18 : memref<!tpu.dma_semaphore, #tpu.memory_space<semaphore_mem>>) src(%dma_wait3A_63 : memref<10000x128xf32, #tpu.memory_space<hbm>>) dst(%arg12 : memref<80x128xf32, #tpu.memory_space<vmem>>)
      "tpu.region"() ({
        %run_scoped3A = tpu.sem_alloc : memref<!tpu.dma_semaphore, #tpu.memory_space<semaphore_mem>>
        %dma_start3A_64 = arith.constant 0 : i32
        %dma_start3A_65 = arith.constant 0 : i32
        %dma_start3A_66 = tpu.memref_slice %arg8[%dma_start3A_64, %dma_start3A_65] : memref<10000x128xf32, #tpu.memory_space<vmem_shared>> -> memref<10000x128xf32, #tpu.memory_space<vmem_shared>>
        tpu.enqueue_indirect_dma source(%arg12 : memref<80x128xf32, #tpu.memory_space<vmem>>) target(%dma_start3A_66 : memref<10000x128xf32, #tpu.memory_space<vmem_shared>>) offsets(%arg10 : memref<80xi32, #tpu.memory_space<vmem>>) semaphore(%run_scoped3A : memref<!tpu.dma_semaphore, #tpu.memory_space<semaphore_mem>>) {add = true}
        %dma_wait3A_67 = arith.constant 0 : i32
        %dma_wait3A_68 = arith.constant 0 : i32
        %dma_wait3A_69 = tpu.memref_slice %arg8[%dma_wait3A_67, %dma_wait3A_68] : memref<10000x128xf32, #tpu.memory_space<vmem_shared>> -> memref<10000x128xf32, #tpu.memory_space<vmem_shared>>
        tpu.wait_indirect_dma semaphore(%run_scoped3A : memref<!tpu.dma_semaphore, #tpu.memory_space<semaphore_mem>>) src(%arg12 : memref<80x128xf32, #tpu.memory_space<vmem>>) dst(%dma_wait3A_69 : memref<10000x128xf32, #tpu.memory_space<vmem_shared>>)
        tpu.yield
      }) : () -> ()
    }
    %scan3A_26 = arith.constant 125 : i32
    %barrier3A_27 = arith.constant 0 : index
    tpu.barrier barrier_id(%barrier3A_27)
    %sub3A_28 = arith.constant 50 : i32
    %sub3A_29 = arith.subi %sub3A_28, %arg1 : i32
    %sub3A_30 = arith.constant 16 : i32
    %sub3A_31 = arith.constant 1 : i32
    %sub3A_32 = arith.subi %sub3A_30, %sub3A_31 : i32
    %add3A_33 = arith.addi %sub3A_29, %sub3A_32 : i32
    %div3A_34 = arith.constant 16 : i32
    %div3A_35 = arith.divsi %add3A_33, %div3A_34 : i32
    %while3A_36 = arith.constant 16 : i32
    %while3A_37 = arith.constant 0 : i32
    %while3A_38 = arith.subi %div3A_35, %while3A_37 : i32
    %while3A_39 = arith.addi %while3A_37, %while3A_38 : i32
    %while3A_40 = arith.constant 1 : i32
    %while3A_41 = arith.divsi %while3A_38, %while3A_40 : i32
    %while3A_42 = arith.muli %while3A_41, %while3A_40 : i32
    %while3A_43 = arith.addi %while3A_37, %while3A_42 : i32
    %while3A_44 = arith.constant 1 : i32
    scf.for %while3A_46 = %while3A_37 to %while3A_43 step %while3A_44  : i32 {
      %mul3A_47 = arith.muli %while3A_46, %while3A_36 : i32
      %add3A_48 = arith.addi %arg1, %mul3A_47 : i32
      %mul3A_49 = arith.constant 200 : i32
      %mul3A_50 = arith.muli %add3A_48, %mul3A_49 : i32
      "tpu.region"() ({
        %run_scoped3A = tpu.sem_alloc : memref<!tpu.dma_semaphore, #tpu.memory_space<semaphore_mem>>
        %dma_start3A = arith.constant 0 : i32
        %dma_start3A_56 = tpu.memref_slice %arg8[%mul3A_50, %dma_start3A] : memref<10000x128xf32, #tpu.memory_space<vmem_shared>> -> memref<200x128xf32, #tpu.memory_space<vmem_shared>>
        %dma_start3A_57 = arith.constant 0 : i32
        %dma_start3A_58 = tpu.memref_slice %arg8[%mul3A_50, %dma_start3A_57] : memref<10000x128xf32, #tpu.memory_space<vmem_shared>> -> memref<200x128xf32, #tpu.memory_space<vmem_shared>>
        tpu.enqueue_dma source(%dma_start3A_58 : memref<200x128xf32, #tpu.memory_space<vmem_shared>>) target(%arg17 : memref<200x128xf32, #tpu.memory_space<vmem>>) target_semaphore(%run_scoped3A : memref<!tpu.dma_semaphore, #tpu.memory_space<semaphore_mem>>)
        %dma_wait3A = arith.constant 0 : i32
        %dma_wait3A_59 = tpu.memref_slice %arg8[%mul3A_50, %dma_wait3A] : memref<10000x128xf32, #tpu.memory_space<vmem_shared>> -> memref<200x128xf32, #tpu.memory_space<vmem_shared>>
        %dma_wait3A_60 = arith.constant 0 : i32
        %dma_wait3A_61 = tpu.memref_slice %arg8[%mul3A_50, %dma_wait3A_60] : memref<10000x128xf32, #tpu.memory_space<vmem_shared>> -> memref<200x128xf32, #tpu.memory_space<vmem_shared>>
        tpu.wait_dma2 semaphore(%run_scoped3A : memref<!tpu.dma_semaphore, #tpu.memory_space<semaphore_mem>>) src(%dma_wait3A_61 : memref<200x128xf32, #tpu.memory_space<vmem_shared>>) dst(%arg17 : memref<200x128xf32, #tpu.memory_space<vmem>>)
        tpu.yield
      }) : () -> ()
      %mul3A_51 = arith.constant 10000 : i32
      %mul3A_52 = arith.muli %arg0, %mul3A_51 : i32
      %mul3A_53 = arith.constant 200 : i32
      %mul3A_54 = arith.muli %add3A_48, %mul3A_53 : i32
      %add3A_55 = arith.addi %mul3A_52, %mul3A_54 : i32
      "tpu.region"() ({
        %run_scoped3A = tpu.sem_alloc : memref<!tpu.dma_semaphore, #tpu.memory_space<semaphore_mem>>
        %dma_start3A = arith.constant 0 : i32
        %dma_start3A_56 = tpu.memref_slice %arg7[%add3A_55, %dma_start3A] : memref<20000x128xf32, #tpu.memory_space<hbm>> -> memref<200x128xf32, #tpu.memory_space<hbm>>
        %dma_start3A_57 = arith.constant 0 : i32
        %dma_start3A_58 = tpu.memref_slice %arg7[%add3A_55, %dma_start3A_57] : memref<20000x128xf32, #tpu.memory_space<hbm>> -> memref<200x128xf32, #tpu.memory_space<hbm>>
        tpu.enqueue_dma source(%arg17 : memref<200x128xf32, #tpu.memory_space<vmem>>) target(%dma_start3A_58 : memref<200x128xf32, #tpu.memory_space<hbm>>) target_semaphore(%run_scoped3A : memref<!tpu.dma_semaphore, #tpu.memory_space<semaphore_mem>>)
        %dma_wait3A = arith.constant 0 : i32
        %dma_wait3A_59 = tpu.memref_slice %arg7[%add3A_55, %dma_wait3A] : memref<20000x128xf32, #tpu.memory_space<hbm>> -> memref<200x128xf32, #tpu.memory_space<hbm>>
        %dma_wait3A_60 = arith.constant 0 : i32
        %dma_wait3A_61 = tpu.memref_slice %arg7[%add3A_55, %dma_wait3A_60] : memref<20000x128xf32, #tpu.memory_space<hbm>> -> memref<200x128xf32, #tpu.memory_space<hbm>>
        tpu.wait_dma2 semaphore(%run_scoped3A : memref<!tpu.dma_semaphore, #tpu.memory_space<semaphore_mem>>) src(%arg17 : memref<200x128xf32, #tpu.memory_space<vmem>>) dst(%dma_wait3A_61 : memref<200x128xf32, #tpu.memory_space<hbm>>)
        tpu.yield
      }) : () -> ()
    }
    %while3A_45 = arith.constant 1 : i32
    scf.for %while3A_46 = %while3A_43 to %while3A_39 step %while3A_45  : i32 {
      %mul3A_47 = arith.muli %while3A_46, %while3A_36 : i32
      %add3A_48 = arith.addi %arg1, %mul3A_47 : i32
      %mul3A_49 = arith.constant 200 : i32
      %mul3A_50 = arith.muli %add3A_48, %mul3A_49 : i32
      "tpu.region"() ({
        %run_scoped3A = tpu.sem_alloc : memref<!tpu.dma_semaphore, #tpu.memory_space<semaphore_mem>>
        %dma_start3A = arith.constant 0 : i32
        %dma_start3A_56 = tpu.memref_slice %arg8[%mul3A_50, %dma_start3A] : memref<10000x128xf32, #tpu.memory_space<vmem_shared>> -> memref<200x128xf32, #tpu.memory_space<vmem_shared>>
        %dma_start3A_57 = arith.constant 0 : i32
        %dma_start3A_58 = tpu.memref_slice %arg8[%mul3A_50, %dma_start3A_57] : memref<10000x128xf32, #tpu.memory_space<vmem_shared>> -> memref<200x128xf32, #tpu.memory_space<vmem_shared>>
        tpu.enqueue_dma source(%dma_start3A_58 : memref<200x128xf32, #tpu.memory_space<vmem_shared>>) target(%arg17 : memref<200x128xf32, #tpu.memory_space<vmem>>) target_semaphore(%run_scoped3A : memref<!tpu.dma_semaphore, #tpu.memory_space<semaphore_mem>>)
        %dma_wait3A = arith.constant 0 : i32
        %dma_wait3A_59 = tpu.memref_slice %arg8[%mul3A_50, %dma_wait3A] : memref<10000x128xf32, #tpu.memory_space<vmem_shared>> -> memref<200x128xf32, #tpu.memory_space<vmem_shared>>
        %dma_wait3A_60 = arith.constant 0 : i32
        %dma_wait3A_61 = tpu.memref_slice %arg8[%mul3A_50, %dma_wait3A_60] : memref<10000x128xf32, #tpu.memory_space<vmem_shared>> -> memref<200x128xf32, #tpu.memory_space<vmem_shared>>
        tpu.wait_dma2 semaphore(%run_scoped3A : memref<!tpu.dma_semaphore, #tpu.memory_space<semaphore_mem>>) src(%dma_wait3A_61 : memref<200x128xf32, #tpu.memory_space<vmem_shared>>) dst(%arg17 : memref<200x128xf32, #tpu.memory_space<vmem>>)
        tpu.yield
      }) : () -> ()
      %mul3A_51 = arith.constant 10000 : i32
      %mul3A_52 = arith.muli %arg0, %mul3A_51 : i32
      %mul3A_53 = arith.constant 200 : i32
      %mul3A_54 = arith.muli %add3A_48, %mul3A_53 : i32
      %add3A_55 = arith.addi %mul3A_52, %mul3A_54 : i32
      "tpu.region"() ({
        %run_scoped3A = tpu.sem_alloc : memref<!tpu.dma_semaphore, #tpu.memory_space<semaphore_mem>>
        %dma_start3A = arith.constant 0 : i32
        %dma_start3A_56 = tpu.memref_slice %arg7[%add3A_55, %dma_start3A] : memref<20000x128xf32, #tpu.memory_space<hbm>> -> memref<200x128xf32, #tpu.memory_space<hbm>>
        %dma_start3A_57 = arith.constant 0 : i32
        %dma_start3A_58 = tpu.memref_slice %arg7[%add3A_55, %dma_start3A_57] : memref<20000x128xf32, #tpu.memory_space<hbm>> -> memref<200x128xf32, #tpu.memory_space<hbm>>
        tpu.enqueue_dma source(%arg17 : memref<200x128xf32, #tpu.memory_space<vmem>>) target(%dma_start3A_58 : memref<200x128xf32, #tpu.memory_space<hbm>>) target_semaphore(%run_scoped3A : memref<!tpu.dma_semaphore, #tpu.memory_space<semaphore_mem>>)
        %dma_wait3A = arith.constant 0 : i32
        %dma_wait3A_59 = tpu.memref_slice %arg7[%add3A_55, %dma_wait3A] : memref<20000x128xf32, #tpu.memory_space<hbm>> -> memref<200x128xf32, #tpu.memory_space<hbm>>
        %dma_wait3A_60 = arith.constant 0 : i32
        %dma_wait3A_61 = tpu.memref_slice %arg7[%add3A_55, %dma_wait3A_60] : memref<20000x128xf32, #tpu.memory_space<hbm>> -> memref<200x128xf32, #tpu.memory_space<hbm>>
        tpu.wait_dma2 semaphore(%run_scoped3A : memref<!tpu.dma_semaphore, #tpu.memory_space<semaphore_mem>>) src(%arg17 : memref<200x128xf32, #tpu.memory_space<vmem>>) dst(%dma_wait3A_61 : memref<200x128xf32, #tpu.memory_space<hbm>>)
        tpu.yield
      }) : () -> ()
    }
    return
  }
}

#map = affine_map<(d0, d1) -> (0, 0)>
#map1 = affine_map<(d0, d1) -> (0)>
module attributes {stable_mosaic.version = 14 : i64} {
  func.func @_spmm_body(%arg0: i32, %arg1: i32, %arg2: memref<10000x128xf32, #tpu.memory_space<hbm>>, %arg3: memref<16x128xf32, #tpu.memory_space<hbm>>, %arg4: memref<320000xi32, #tpu.memory_space<hbm>>, %arg5: memref<320000xi32, #tpu.memory_space<hbm>>, %arg6: memref<320000xi32, #tpu.memory_space<hbm>>, %arg7: memref<20000x128xf32, #tpu.memory_space<hbm>>, %arg8: memref<10000x128xf32, #tpu.memory_space<vmem_shared>>, %arg9: memref<80xi32, #tpu.memory_space<vmem>>, %arg10: memref<80xi32, #tpu.memory_space<vmem>>, %arg11: memref<80xi32, #tpu.memory_space<vmem>>, %arg12: memref<80x128xf32, #tpu.memory_space<vmem>>, %arg13: memref<80xi32, #tpu.memory_space<vmem>>, %arg14: memref<80xi32, #tpu.memory_space<vmem>>, %arg15: memref<80xi32, #tpu.memory_space<vmem>>, %arg16: memref<80x128xf32, #tpu.memory_space<vmem>>, %arg17: memref<200x128xf32, #tpu.memory_space<vmem>>, %arg18: memref<!tpu.dma_semaphore, #tpu.memory_space<semaphore_mem>>, %arg19: memref<!tpu.dma_semaphore, #tpu.memory_space<semaphore_mem>>) attributes {dimension_semantics = [#tpu.dimension_semantics<core_parallel>, #tpu.dimension_semantics<subcore_parallel>], iteration_bounds = array<i64: 2, 16>, scalar_prefetch = 0 : i64, scratch_operands = 12 : i64, tpu.core_type = #tpu.core_type<sc_vector_subcore>, window_params = [{transform_indices = #map}, {transform_indices = #map}, {transform_indices = #map1}, {transform_indices = #map1}, {transform_indices = #map1}, {transform_indices = #map}]} {
    %mul3A = arith.constant 16 : i32
    %mul3A_0 = arith.muli %arg0, %mul3A : i32
    %add3A = arith.addi %mul3A_0, %arg1 : i32
    %scan3A = arith.constant 0 : i32
    %scan3A_1 = arith.constant 200 : i32
    %scan3A_2 = arith.addi %scan3A, %scan3A_1 : i32
    %scan3A_3 = arith.constant 1 : i32
    scf.for %scan3A_46 = %scan3A to %scan3A_2 step %scan3A_3  : i32 {
      %mul3A_47 = arith.constant 1 : i32
      %mul3A_48 = arith.muli %scan3A_46, %mul3A_47 : i32
      %add3A_49 = arith.constant 0 : i32
      %add3A_50 = arith.addi %add3A_49, %mul3A_48 : i32
      %broadcast_in_dim3A = arith.constant 0.000000e+00 : f32
      %broadcast_in_dim3A_51 = vector.broadcast %broadcast_in_dim3A : f32 to vector<16xf32>
      %swap3A = arith.index_cast %add3A_50 : i32 to index
      %swap3A_52 = arith.constant 0 : index
      %swap3A_53 = tpu.vector_load %arg17[%swap3A, %swap3A_52] {strides = array<i32>} : memref<200x128xf32, #tpu.memory_space<vmem>>, vector<1x16xf32>,
      %swap3A_54 = vector.shape_cast %swap3A_53 : vector<1x16xf32> to vector<16xf32>
      %swap3A_55 = vector.shape_cast %broadcast_in_dim3A_51 : vector<16xf32> to vector<1x16xf32>
      tpu.vector_store %arg17[%swap3A, %swap3A_52], %swap3A_55 {strides = array<i32>} : memref<200x128xf32, #tpu.memory_space<vmem>>, vector<1x16xf32>,
      %broadcast_in_dim3A_56 = arith.constant 0.000000e+00 : f32
      %broadcast_in_dim3A_57 = vector.broadcast %broadcast_in_dim3A_56 : f32 to vector<16xf32>
      %swap3A_58 = arith.index_cast %add3A_50 : i32 to index
      %swap3A_59 = arith.constant 16 : index
      %swap3A_60 = tpu.vector_load %arg17[%swap3A_58, %swap3A_59] {strides = array<i32>} : memref<200x128xf32, #tpu.memory_space<vmem>>, vector<1x16xf32>,
      %swap3A_61 = vector.shape_cast %swap3A_60 : vector<1x16xf32> to vector<16xf32>
      %swap3A_62 = vector.shape_cast %broadcast_in_dim3A_57 : vector<16xf32> to vector<1x16xf32>
      tpu.vector_store %arg17[%swap3A_58, %swap3A_59], %swap3A_62 {strides = array<i32>} : memref<200x128xf32, #tpu.memory_space<vmem>>, vector<1x16xf32>,
      %broadcast_in_dim3A_63 = arith.constant 0.000000e+00 : f32
      %broadcast_in_dim3A_64 = vector.broadcast %broadcast_in_dim3A_63 : f32 to vector<16xf32>
      %swap3A_65 = arith.index_cast %add3A_50 : i32 to index
      %swap3A_66 = arith.constant 32 : index
      %swap3A_67 = tpu.vector_load %arg17[%swap3A_65, %swap3A_66] {strides = array<i32>} : memref<200x128xf32, #tpu.memory_space<vmem>>, vector<1x16xf32>,
      %swap3A_68 = vector.shape_cast %swap3A_67 : vector<1x16xf32> to vector<16xf32>
      %swap3A_69 = vector.shape_cast %broadcast_in_dim3A_64 : vector<16xf32> to vector<1x16xf32>
      tpu.vector_store %arg17[%swap3A_65, %swap3A_66], %swap3A_69 {strides = array<i32>} : memref<200x128xf32, #tpu.memory_space<vmem>>, vector<1x16xf32>,
      %broadcast_in_dim3A_70 = arith.constant 0.000000e+00 : f32
      %broadcast_in_dim3A_71 = vector.broadcast %broadcast_in_dim3A_70 : f32 to vector<16xf32>
      %swap3A_72 = arith.index_cast %add3A_50 : i32 to index
      %swap3A_73 = arith.constant 48 : index
      %swap3A_74 = tpu.vector_load %arg17[%swap3A_72, %swap3A_73] {strides = array<i32>} : memref<200x128xf32, #tpu.memory_space<vmem>>, vector<1x16xf32>,
      %swap3A_75 = vector.shape_cast %swap3A_74 : vector<1x16xf32> to vector<16xf32>
      %swap3A_76 = vector.shape_cast %broadcast_in_dim3A_71 : vector<16xf32> to vector<1x16xf32>
      tpu.vector_store %arg17[%swap3A_72, %swap3A_73], %swap3A_76 {strides = array<i32>} : memref<200x128xf32, #tpu.memory_space<vmem>>, vector<1x16xf32>,
      %broadcast_in_dim3A_77 = arith.constant 0.000000e+00 : f32
      %broadcast_in_dim3A_78 = vector.broadcast %broadcast_in_dim3A_77 : f32 to vector<16xf32>
      %swap3A_79 = arith.index_cast %add3A_50 : i32 to index
      %swap3A_80 = arith.constant 64 : index
      %swap3A_81 = tpu.vector_load %arg17[%swap3A_79, %swap3A_80] {strides = array<i32>} : memref<200x128xf32, #tpu.memory_space<vmem>>, vector<1x16xf32>,
      %swap3A_82 = vector.shape_cast %swap3A_81 : vector<1x16xf32> to vector<16xf32>
      %swap3A_83 = vector.shape_cast %broadcast_in_dim3A_78 : vector<16xf32> to vector<1x16xf32>
      tpu.vector_store %arg17[%swap3A_79, %swap3A_80], %swap3A_83 {strides = array<i32>} : memref<200x128xf32, #tpu.memory_space<vmem>>, vector<1x16xf32>,
      %broadcast_in_dim3A_84 = arith.constant 0.000000e+00 : f32
      %broadcast_in_dim3A_85 = vector.broadcast %broadcast_in_dim3A_84 : f32 to vector<16xf32>
      %swap3A_86 = arith.index_cast %add3A_50 : i32 to index
      %swap3A_87 = arith.constant 80 : index
      %swap3A_88 = tpu.vector_load %arg17[%swap3A_86, %swap3A_87] {strides = array<i32>} : memref<200x128xf32, #tpu.memory_space<vmem>>, vector<1x16xf32>,
      %swap3A_89 = vector.shape_cast %swap3A_88 : vector<1x16xf32> to vector<16xf32>
      %swap3A_90 = vector.shape_cast %broadcast_in_dim3A_85 : vector<16xf32> to vector<1x16xf32>
      tpu.vector_store %arg17[%swap3A_86, %swap3A_87], %swap3A_90 {strides = array<i32>} : memref<200x128xf32, #tpu.memory_space<vmem>>, vector<1x16xf32>,
      %broadcast_in_dim3A_91 = arith.constant 0.000000e+00 : f32
      %broadcast_in_dim3A_92 = vector.broadcast %broadcast_in_dim3A_91 : f32 to vector<16xf32>
      %swap3A_93 = arith.index_cast %add3A_50 : i32 to index
      %swap3A_94 = arith.constant 96 : index
      %swap3A_95 = tpu.vector_load %arg17[%swap3A_93, %swap3A_94] {strides = array<i32>} : memref<200x128xf32, #tpu.memory_space<vmem>>, vector<1x16xf32>,
      %swap3A_96 = vector.shape_cast %swap3A_95 : vector<1x16xf32> to vector<16xf32>
      %swap3A_97 = vector.shape_cast %broadcast_in_dim3A_92 : vector<16xf32> to vector<1x16xf32>
      tpu.vector_store %arg17[%swap3A_93, %swap3A_94], %swap3A_97 {strides = array<i32>} : memref<200x128xf32, #tpu.memory_space<vmem>>, vector<1x16xf32>,
      %broadcast_in_dim3A_98 = arith.constant 0.000000e+00 : f32
      %broadcast_in_dim3A_99 = vector.broadcast %broadcast_in_dim3A_98 : f32 to vector<16xf32>
      %swap3A_100 = arith.index_cast %add3A_50 : i32 to index
      %swap3A_101 = arith.constant 112 : index
      %swap3A_102 = tpu.vector_load %arg17[%swap3A_100, %swap3A_101] {strides = array<i32>} : memref<200x128xf32, #tpu.memory_space<vmem>>, vector<1x16xf32>,
      %swap3A_103 = vector.shape_cast %swap3A_102 : vector<1x16xf32> to vector<16xf32>
      %swap3A_104 = vector.shape_cast %broadcast_in_dim3A_99 : vector<16xf32> to vector<1x16xf32>
      tpu.vector_store %arg17[%swap3A_100, %swap3A_101], %swap3A_104 {strides = array<i32>} : memref<200x128xf32, #tpu.memory_space<vmem>>, vector<1x16xf32>,
    }
    %scan3A_4 = arith.constant 200 : i32
    %sub3A = arith.constant 50 : i32
    %sub3A_5 = arith.subi %sub3A, %arg1 : i32
    %sub3A_6 = arith.constant 16 : i32
    %sub3A_7 = arith.constant 1 : i32
    %sub3A_8 = arith.subi %sub3A_6, %sub3A_7 : i32
    %add3A_9 = arith.addi %sub3A_5, %sub3A_8 : i32
    %div3A = arith.constant 16 : i32
    %div3A_10 = arith.divsi %add3A_9, %div3A : i32
    %while3A = arith.constant 16 : i32
    %while3A_11 = arith.constant 0 : i32
    %while3A_12 = arith.subi %div3A_10, %while3A_11 : i32
    %while3A_13 = arith.addi %while3A_11, %while3A_12 : i32
    %while3A_14 = arith.constant 1 : i32
    %while3A_15 = arith.divsi %while3A_12, %while3A_14 : i32
    %while3A_16 = arith.muli %while3A_15, %while3A_14 : i32
    %while3A_17 = arith.addi %while3A_11, %while3A_16 : i32
    %while3A_18 = arith.constant 1 : i32
    scf.for %while3A_46 = %while3A_11 to %while3A_17 step %while3A_18  : i32 {
      %mul3A_47 = arith.muli %while3A_46, %while3A : i32
      %add3A_48 = arith.addi %arg1, %mul3A_47 : i32
      %mul3A_49 = arith.constant 200 : i32
      %mul3A_50 = arith.muli %add3A_48, %mul3A_49 : i32
      "tpu.region"() ({
        %run_scoped3A = tpu.sem_alloc : memref<!tpu.dma_semaphore, #tpu.memory_space<semaphore_mem>>
        %dma_start3A = arith.constant 0 : i32
        %dma_start3A_51 = tpu.memref_slice %arg8[%mul3A_50, %dma_start3A] : memref<10000x128xf32, #tpu.memory_space<vmem_shared>> -> memref<200x128xf32, #tpu.memory_space<vmem_shared>>
        %dma_start3A_52 = arith.constant 0 : i32
        %dma_start3A_53 = tpu.memref_slice %arg8[%mul3A_50, %dma_start3A_52] : memref<10000x128xf32, #tpu.memory_space<vmem_shared>> -> memref<200x128xf32, #tpu.memory_space<vmem_shared>>
        tpu.enqueue_dma source(%arg17 : memref<200x128xf32, #tpu.memory_space<vmem>>) target(%dma_start3A_53 : memref<200x128xf32, #tpu.memory_space<vmem_shared>>) target_semaphore(%run_scoped3A : memref<!tpu.dma_semaphore, #tpu.memory_space<semaphore_mem>>)
        %dma_wait3A = arith.constant 0 : i32
        %dma_wait3A_54 = tpu.memref_slice %arg8[%mul3A_50, %dma_wait3A] : memref<10000x128xf32, #tpu.memory_space<vmem_shared>> -> memref<200x128xf32, #tpu.memory_space<vmem_shared>>
        %dma_wait3A_55 = arith.constant 0 : i32
        %dma_wait3A_56 = tpu.memref_slice %arg8[%mul3A_50, %dma_wait3A_55] : memref<10000x128xf32, #tpu.memory_space<vmem_shared>> -> memref<200x128xf32, #tpu.memory_space<vmem_shared>>
        tpu.wait_dma2 semaphore(%run_scoped3A : memref<!tpu.dma_semaphore, #tpu.memory_space<semaphore_mem>>) src(%arg17 : memref<200x128xf32, #tpu.memory_space<vmem>>) dst(%dma_wait3A_56 : memref<200x128xf32, #tpu.memory_space<vmem_shared>>)
        tpu.yield
      }) : () -> ()
    }
    %while3A_19 = arith.constant 1 : i32
    scf.for %while3A_46 = %while3A_17 to %while3A_13 step %while3A_19  : i32 {
      %mul3A_47 = arith.muli %while3A_46, %while3A : i32
      %add3A_48 = arith.addi %arg1, %mul3A_47 : i32
      %mul3A_49 = arith.constant 200 : i32
      %mul3A_50 = arith.muli %add3A_48, %mul3A_49 : i32
      "tpu.region"() ({
        %run_scoped3A = tpu.sem_alloc : memref<!tpu.dma_semaphore, #tpu.memory_space<semaphore_mem>>
        %dma_start3A = arith.constant 0 : i32
        %dma_start3A_51 = tpu.memref_slice %arg8[%mul3A_50, %dma_start3A] : memref<10000x128xf32, #tpu.memory_space<vmem_shared>> -> memref<200x128xf32, #tpu.memory_space<vmem_shared>>
        %dma_start3A_52 = arith.constant 0 : i32
        %dma_start3A_53 = tpu.memref_slice %arg8[%mul3A_50, %dma_start3A_52] : memref<10000x128xf32, #tpu.memory_space<vmem_shared>> -> memref<200x128xf32, #tpu.memory_space<vmem_shared>>
        tpu.enqueue_dma source(%arg17 : memref<200x128xf32, #tpu.memory_space<vmem>>) target(%dma_start3A_53 : memref<200x128xf32, #tpu.memory_space<vmem_shared>>) target_semaphore(%run_scoped3A : memref<!tpu.dma_semaphore, #tpu.memory_space<semaphore_mem>>)
        %dma_wait3A = arith.constant 0 : i32
        %dma_wait3A_54 = tpu.memref_slice %arg8[%mul3A_50, %dma_wait3A] : memref<10000x128xf32, #tpu.memory_space<vmem_shared>> -> memref<200x128xf32, #tpu.memory_space<vmem_shared>>
        %dma_wait3A_55 = arith.constant 0 : i32
        %dma_wait3A_56 = tpu.memref_slice %arg8[%mul3A_50, %dma_wait3A_55] : memref<10000x128xf32, #tpu.memory_space<vmem_shared>> -> memref<200x128xf32, #tpu.memory_space<vmem_shared>>
        tpu.wait_dma2 semaphore(%run_scoped3A : memref<!tpu.dma_semaphore, #tpu.memory_space<semaphore_mem>>) src(%arg17 : memref<200x128xf32, #tpu.memory_space<vmem>>) dst(%dma_wait3A_56 : memref<200x128xf32, #tpu.memory_space<vmem_shared>>)
        tpu.yield
      }) : () -> ()
    }
    %barrier3A = arith.constant 0 : index
    tpu.barrier barrier_id(%barrier3A)
    %mul3A_20 = arith.constant 10000 : i32
    %mul3A_21 = arith.muli %add3A, %mul3A_20 : i32
    %scan3A_22 = arith.constant 0 : i32
    %scan3A_23 = arith.constant 125 : i32
    %scan3A_24 = arith.addi %scan3A_22, %scan3A_23 : i32
    %scan3A_25 = arith.constant 1 : i32
    scf.for %scan3A_46 = %scan3A_22 to %scan3A_24 step %scan3A_25  : i32 {
      %mul3A_47 = arith.constant 1 : i32
      %mul3A_48 = arith.muli %scan3A_46, %mul3A_47 : i32
      %add3A_49 = arith.constant 0 : i32
      %add3A_50 = arith.addi %add3A_49, %mul3A_48 : i32
      %mul3A_51 = arith.constant 80 : i32
      %mul3A_52 = arith.muli %add3A_50, %mul3A_51 : i32
      %add3A_53 = arith.addi %mul3A_21, %mul3A_52 : i32
      "tpu.region"() ({
        %run_scoped3A = tpu.sem_alloc : memref<!tpu.dma_semaphore, #tpu.memory_space<semaphore_mem>>
        %dma_start3A_64 = tpu.memref_slice %arg4[%add3A_53] : memref<320000xi32, #tpu.memory_space<hbm>> -> memref<80xi32, #tpu.memory_space<hbm>>
        %dma_start3A_65 = tpu.memref_slice %arg4[%add3A_53] : memref<320000xi32, #tpu.memory_space<hbm>> -> memref<80xi32, #tpu.memory_space<hbm>>
        tpu.enqueue_dma source(%dma_start3A_65 : memref<80xi32, #tpu.memory_space<hbm>>) target(%arg9 : memref<80xi32, #tpu.memory_space<vmem>>) target_semaphore(%run_scoped3A : memref<!tpu.dma_semaphore, #tpu.memory_space<semaphore_mem>>)
        %dma_wait3A_66 = tpu.memref_slice %arg4[%add3A_53] : memref<320000xi32, #tpu.memory_space<hbm>> -> memref<80xi32, #tpu.memory_space<hbm>>
        %dma_wait3A_67 = tpu.memref_slice %arg4[%add3A_53] : memref<320000xi32, #tpu.memory_space<hbm>> -> memref<80xi32, #tpu.memory_space<hbm>>
        tpu.wait_dma2 semaphore(%run_scoped3A : memref<!tpu.dma_semaphore, #tpu.memory_space<semaphore_mem>>) src(%dma_wait3A_67 : memref<80xi32, #tpu.memory_space<hbm>>) dst(%arg9 : memref<80xi32, #tpu.memory_space<vmem>>)
        tpu.yield
      }) : () -> ()
      "tpu.region"() ({
        %run_scoped3A = tpu.sem_alloc : memref<!tpu.dma_semaphore, #tpu.memory_space<semaphore_mem>>
        %dma_start3A_64 = tpu.memref_slice %arg5[%add3A_53] : memref<320000xi32, #tpu.memory_space<hbm>> -> memref<80xi32, #tpu.memory_space<hbm>>
        %dma_start3A_65 = tpu.memref_slice %arg5[%add3A_53] : memref<320000xi32, #tpu.memory_space<hbm>> -> memref<80xi32, #tpu.memory_space<hbm>>
        tpu.enqueue_dma source(%dma_start3A_65 : memref<80xi32, #tpu.memory_space<hbm>>) target(%arg10 : memref<80xi32, #tpu.memory_space<vmem>>) target_semaphore(%run_scoped3A : memref<!tpu.dma_semaphore, #tpu.memory_space<semaphore_mem>>)
        %dma_wait3A_66 = tpu.memref_slice %arg5[%add3A_53] : memref<320000xi32, #tpu.memory_space<hbm>> -> memref<80xi32, #tpu.memory_space<hbm>>
        %dma_wait3A_67 = tpu.memref_slice %arg5[%add3A_53] : memref<320000xi32, #tpu.memory_space<hbm>> -> memref<80xi32, #tpu.memory_space<hbm>>
        tpu.wait_dma2 semaphore(%run_scoped3A : memref<!tpu.dma_semaphore, #tpu.memory_space<semaphore_mem>>) src(%dma_wait3A_67 : memref<80xi32, #tpu.memory_space<hbm>>) dst(%arg10 : memref<80xi32, #tpu.memory_space<vmem>>)
        tpu.yield
      }) : () -> ()
      "tpu.region"() ({
        %run_scoped3A = tpu.sem_alloc : memref<!tpu.dma_semaphore, #tpu.memory_space<semaphore_mem>>
        %dma_start3A_64 = tpu.memref_slice %arg6[%add3A_53] : memref<320000xi32, #tpu.memory_space<hbm>> -> memref<80xi32, #tpu.memory_space<hbm>>
        %dma_start3A_65 = tpu.memref_slice %arg6[%add3A_53] : memref<320000xi32, #tpu.memory_space<hbm>> -> memref<80xi32, #tpu.memory_space<hbm>>
        tpu.enqueue_dma source(%dma_start3A_65 : memref<80xi32, #tpu.memory_space<hbm>>) target(%arg11 : memref<80xi32, #tpu.memory_space<vmem>>) target_semaphore(%run_scoped3A : memref<!tpu.dma_semaphore, #tpu.memory_space<semaphore_mem>>)
        %dma_wait3A_66 = tpu.memref_slice %arg6[%add3A_53] : memref<320000xi32, #tpu.memory_space<hbm>> -> memref<80xi32, #tpu.memory_space<hbm>>
        %dma_wait3A_67 = tpu.memref_slice %arg6[%add3A_53] : memref<320000xi32, #tpu.memory_space<hbm>> -> memref<80xi32, #tpu.memory_space<hbm>>
        tpu.wait_dma2 semaphore(%run_scoped3A : memref<!tpu.dma_semaphore, #tpu.memory_space<semaphore_mem>>) src(%dma_wait3A_67 : memref<80xi32, #tpu.memory_space<hbm>>) dst(%arg11 : memref<80xi32, #tpu.memory_space<vmem>>)
        tpu.yield
      }) : () -> ()
      %dma_start3A = arith.constant 0 : i32
      %dma_start3A_54 = arith.constant 0 : i32
      %dma_start3A_55 = tpu.memref_slice %arg3[%dma_start3A, %dma_start3A_54] : memref<16x128xf32, #tpu.memory_space<hbm>> -> memref<16x128xf32, #tpu.memory_space<hbm>>
      tpu.enqueue_indirect_dma source(%dma_start3A_55 : memref<16x128xf32, #tpu.memory_space<hbm>>) target(%arg12 : memref<80x128xf32, #tpu.memory_space<vmem>>) offsets(%arg11 : memref<80xi32, #tpu.memory_space<vmem>>) semaphore(%arg18 : memref<!tpu.dma_semaphore, #tpu.memory_space<semaphore_mem>>)
      %dma_wait3A = arith.constant 0 : i32
      %dma_wait3A_56 = arith.constant 0 : i32
      %dma_wait3A_57 = tpu.memref_slice %arg3[%dma_wait3A, %dma_wait3A_56] : memref<16x128xf32, #tpu.memory_space<hbm>> -> memref<16x128xf32, #tpu.memory_space<hbm>>
      tpu.wait_indirect_dma semaphore(%arg18 : memref<!tpu.dma_semaphore, #tpu.memory_space<semaphore_mem>>) src(%dma_wait3A_57 : memref<16x128xf32, #tpu.memory_space<hbm>>) dst(%arg12 : memref<80x128xf32, #tpu.memory_space<vmem>>)
      %dma_start3A_58 = arith.constant 0 : i32
      %dma_start3A_59 = arith.constant 0 : i32
      %dma_start3A_60 = tpu.memref_slice %arg2[%dma_start3A_58, %dma_start3A_59] : memref<10000x128xf32, #tpu.memory_space<hbm>> -> memref<10000x128xf32, #tpu.memory_space<hbm>>
      tpu.enqueue_indirect_dma source(%dma_start3A_60 : memref<10000x128xf32, #tpu.memory_space<hbm>>) target(%arg12 : memref<80x128xf32, #tpu.memory_space<vmem>>) offsets(%arg9 : memref<80xi32, #tpu.memory_space<vmem>>) semaphore(%arg18 : memref<!tpu.dma_semaphore, #tpu.memory_space<semaphore_mem>>) {add = true}
      %dma_wait3A_61 = arith.constant 0 : i32
      %dma_wait3A_62 = arith.constant 0 : i32
      %dma_wait3A_63 = tpu.memref_slice %arg2[%dma_wait3A_61, %dma_wait3A_62] : memref<10000x128xf32, #tpu.memory_space<hbm>> -> memref<10000x128xf32, #tpu.memory_space<hbm>>
      tpu.wait_indirect_dma semaphore(%arg18 : memref<!tpu.dma_semaphore, #tpu.memory_space<semaphore_mem>>) src(%dma_wait3A_63 : memref<10000x128xf32, #tpu.memory_space<hbm>>) dst(%arg12 : memref<80x128xf32, #tpu.memory_space<vmem>>)
      "tpu.region"() ({
        %run_scoped3A = tpu.sem_alloc : memref<!tpu.dma_semaphore, #tpu.memory_space<semaphore_mem>>
        %dma_start3A_64 = arith.constant 0 : i32
        %dma_start3A_65 = arith.constant 0 : i32
        %dma_start3A_66 = tpu.memref_slice %arg8[%dma_start3A_64, %dma_start3A_65] : memref<10000x128xf32, #tpu.memory_space<vmem_shared>> -> memref<10000x128xf32, #tpu.memory_space<vmem_shared>>
        tpu.enqueue_indirect_dma source(%arg12 : memref<80x128xf32, #tpu.memory_space<vmem>>) target(%dma_start3A_66 : memref<10000x128xf32, #tpu.memory_space<vmem_shared>>) offsets(%arg10 : memref<80xi32, #tpu.memory_space<vmem>>) semaphore(%run_scoped3A : memref<!tpu.dma_semaphore, #tpu.memory_space<semaphore_mem>>) {add = true}
        %dma_wait3A_67 = arith.constant 0 : i32
        %dma_wait3A_68 = arith.constant 0 : i32
        %dma_wait3A_69 = tpu.memref_slice %arg8[%dma_wait3A_67, %dma_wait3A_68] : memref<10000x128xf32, #tpu.memory_space<vmem_shared>> -> memref<10000x128xf32, #tpu.memory_space<vmem_shared>>
        tpu.wait_indirect_dma semaphore(%run_scoped3A : memref<!tpu.dma_semaphore, #tpu.memory_space<semaphore_mem>>) src(%arg12 : memref<80x128xf32, #tpu.memory_space<vmem>>) dst(%dma_wait3A_69 : memref<10000x128xf32, #tpu.memory_space<vmem_shared>>)
        tpu.yield
      }) : () -> ()
    }
    %scan3A_26 = arith.constant 125 : i32
    %barrier3A_27 = arith.constant 0 : index
    tpu.barrier barrier_id(%barrier3A_27)
    %sub3A_28 = arith.constant 50 : i32
    %sub3A_29 = arith.subi %sub3A_28, %arg1 : i32
    %sub3A_30 = arith.constant 16 : i32
    %sub3A_31 = arith.constant 1 : i32
    %sub3A_32 = arith.subi %sub3A_30, %sub3A_31 : i32
    %add3A_33 = arith.addi %sub3A_29, %sub3A_32 : i32
    %div3A_34 = arith.constant 16 : i32
    %div3A_35 = arith.divsi %add3A_33, %div3A_34 : i32
    %while3A_36 = arith.constant 16 : i32
    %while3A_37 = arith.constant 0 : i32
    %while3A_38 = arith.subi %div3A_35, %while3A_37 : i32
    %while3A_39 = arith.addi %while3A_37, %while3A_38 : i32
    %while3A_40 = arith.constant 1 : i32
    %while3A_41 = arith.divsi %while3A_38, %while3A_40 : i32
    %while3A_42 = arith.muli %while3A_41, %while3A_40 : i32
    %while3A_43 = arith.addi %while3A_37, %while3A_42 : i32
    %while3A_44 = arith.constant 1 : i32
    scf.for %while3A_46 = %while3A_37 to %while3A_43 step %while3A_44  : i32 {
      %mul3A_47 = arith.muli %while3A_46, %while3A_36 : i32
      %add3A_48 = arith.addi %arg1, %mul3A_47 : i32
      %mul3A_49 = arith.constant 200 : i32
      %mul3A_50 = arith.muli %add3A_48, %mul3A_49 : i32
      "tpu.region"() ({
        %run_scoped3A = tpu.sem_alloc : memref<!tpu.dma_semaphore, #tpu.memory_space<semaphore_mem>>
        %dma_start3A = arith.constant 0 : i32
        %dma_start3A_56 = tpu.memref_slice %arg8[%mul3A_50, %dma_start3A] : memref<10000x128xf32, #tpu.memory_space<vmem_shared>> -> memref<200x128xf32, #tpu.memory_space<vmem_shared>>
        %dma_start3A_57 = arith.constant 0 : i32
        %dma_start3A_58 = tpu.memref_slice %arg8[%mul3A_50, %dma_start3A_57] : memref<10000x128xf32, #tpu.memory_space<vmem_shared>> -> memref<200x128xf32, #tpu.memory_space<vmem_shared>>
        tpu.enqueue_dma source(%dma_start3A_58 : memref<200x128xf32, #tpu.memory_space<vmem_shared>>) target(%arg17 : memref<200x128xf32, #tpu.memory_space<vmem>>) target_semaphore(%run_scoped3A : memref<!tpu.dma_semaphore, #tpu.memory_space<semaphore_mem>>)
        %dma_wait3A = arith.constant 0 : i32
        %dma_wait3A_59 = tpu.memref_slice %arg8[%mul3A_50, %dma_wait3A] : memref<10000x128xf32, #tpu.memory_space<vmem_shared>> -> memref<200x128xf32, #tpu.memory_space<vmem_shared>>
        %dma_wait3A_60 = arith.constant 0 : i32
        %dma_wait3A_61 = tpu.memref_slice %arg8[%mul3A_50, %dma_wait3A_60] : memref<10000x128xf32, #tpu.memory_space<vmem_shared>> -> memref<200x128xf32, #tpu.memory_space<vmem_shared>>
        tpu.wait_dma2 semaphore(%run_scoped3A : memref<!tpu.dma_semaphore, #tpu.memory_space<semaphore_mem>>) src(%dma_wait3A_61 : memref<200x128xf32, #tpu.memory_space<vmem_shared>>) dst(%arg17 : memref<200x128xf32, #tpu.memory_space<vmem>>)
        tpu.yield
      }) : () -> ()
      %mul3A_51 = arith.constant 10000 : i32
      %mul3A_52 = arith.muli %arg0, %mul3A_51 : i32
      %mul3A_53 = arith.constant 200 : i32
      %mul3A_54 = arith.muli %add3A_48, %mul3A_53 : i32
      %add3A_55 = arith.addi %mul3A_52, %mul3A_54 : i32
      "tpu.region"() ({
        %run_scoped3A = tpu.sem_alloc : memref<!tpu.dma_semaphore, #tpu.memory_space<semaphore_mem>>
        %dma_start3A = arith.constant 0 : i32
        %dma_start3A_56 = tpu.memref_slice %arg7[%add3A_55, %dma_start3A] : memref<20000x128xf32, #tpu.memory_space<hbm>> -> memref<200x128xf32, #tpu.memory_space<hbm>>
        %dma_start3A_57 = arith.constant 0 : i32
        %dma_start3A_58 = tpu.memref_slice %arg7[%add3A_55, %dma_start3A_57] : memref<20000x128xf32, #tpu.memory_space<hbm>> -> memref<200x128xf32, #tpu.memory_space<hbm>>
        tpu.enqueue_dma source(%arg17 : memref<200x128xf32, #tpu.memory_space<vmem>>) target(%dma_start3A_58 : memref<200x128xf32, #tpu.memory_space<hbm>>) target_semaphore(%run_scoped3A : memref<!tpu.dma_semaphore, #tpu.memory_space<semaphore_mem>>)
        %dma_wait3A = arith.constant 0 : i32
        %dma_wait3A_59 = tpu.memref_slice %arg7[%add3A_55, %dma_wait3A] : memref<20000x128xf32, #tpu.memory_space<hbm>> -> memref<200x128xf32, #tpu.memory_space<hbm>>
        %dma_wait3A_60 = arith.constant 0 : i32
        %dma_wait3A_61 = tpu.memref_slice %arg7[%add3A_55, %dma_wait3A_60] : memref<20000x128xf32, #tpu.memory_space<hbm>> -> memref<200x128xf32, #tpu.memory_space<hbm>>
        tpu.wait_dma2 semaphore(%run_scoped3A : memref<!tpu.dma_semaphore, #tpu.memory_space<semaphore_mem>>) src(%arg17 : memref<200x128xf32, #tpu.memory_space<vmem>>) dst(%dma_wait3A_61 : memref<200x128xf32, #tpu.memory_space<hbm>>)
        tpu.yield
      }) : () -> ()
    }
    %while3A_45 = arith.constant 1 : i32
    scf.for %while3A_46 = %while3A_43 to %while3A_39 step %while3A_45  : i32 {
      %mul3A_47 = arith.muli %while3A_46, %while3A_36 : i32
      %add3A_48 = arith.addi %arg1, %mul3A_47 : i32
      %mul3A_49 = arith.constant 200 : i32
      %mul3A_50 = arith.muli %add3A_48, %mul3A_49 : i32
      "tpu.region"() ({
        %run_scoped3A = tpu.sem_alloc : memref<!tpu.dma_semaphore, #tpu.memory_space<semaphore_mem>>
        %dma_start3A = arith.constant 0 : i32
        %dma_start3A_56 = tpu.memref_slice %arg8[%mul3A_50, %dma_start3A] : memref<10000x128xf32, #tpu.memory_space<vmem_shared>> -> memref<200x128xf32, #tpu.memory_space<vmem_shared>>
        %dma_start3A_57 = arith.constant 0 : i32
        %dma_start3A_58 = tpu.memref_slice %arg8[%mul3A_50, %dma_start3A_57] : memref<10000x128xf32, #tpu.memory_space<vmem_shared>> -> memref<200x128xf32, #tpu.memory_space<vmem_shared>>
        tpu.enqueue_dma source(%dma_start3A_58 : memref<200x128xf32, #tpu.memory_space<vmem_shared>>) target(%arg17 : memref<200x128xf32, #tpu.memory_space<vmem>>) target_semaphore(%run_scoped3A : memref<!tpu.dma_semaphore, #tpu.memory_space<semaphore_mem>>)
        %dma_wait3A = arith.constant 0 : i32
        %dma_wait3A_59 = tpu.memref_slice %arg8[%mul3A_50, %dma_wait3A] : memref<10000x128xf32, #tpu.memory_space<vmem_shared>> -> memref<200x128xf32, #tpu.memory_space<vmem_shared>>
        %dma_wait3A_60 = arith.constant 0 : i32
        %dma_wait3A_61 = tpu.memref_slice %arg8[%mul3A_50, %dma_wait3A_60] : memref<10000x128xf32, #tpu.memory_space<vmem_shared>> -> memref<200x128xf32, #tpu.memory_space<vmem_shared>>
        tpu.wait_dma2 semaphore(%run_scoped3A : memref<!tpu.dma_semaphore, #tpu.memory_space<semaphore_mem>>) src(%dma_wait3A_61 : memref<200x128xf32, #tpu.memory_space<vmem_shared>>) dst(%arg17 : memref<200x128xf32, #tpu.memory_space<vmem>>)
        tpu.yield
      }) : () -> ()
      %mul3A_51 = arith.constant 10000 : i32
      %mul3A_52 = arith.muli %arg0, %mul3A_51 : i32
      %mul3A_53 = arith.constant 200 : i32
      %mul3A_54 = arith.muli %add3A_48, %mul3A_53 : i32
      %add3A_55 = arith.addi %mul3A_52, %mul3A_54 : i32
      "tpu.region"() ({
        %run_scoped3A = tpu.sem_alloc : memref<!tpu.dma_semaphore, #tpu.memory_space<semaphore_mem>>
        %dma_start3A = arith.constant 0 : i32
        %dma_start3A_56 = tpu.memref_slice %arg7[%add3A_55, %dma_start3A] : memref<20000x128xf32, #tpu.memory_space<hbm>> -> memref<200x128xf32, #tpu.memory_space<hbm>>
        %dma_start3A_57 = arith.constant 0 : i32
        %dma_start3A_58 = tpu.memref_slice %arg7[%add3A_55, %dma_start3A_57] : memref<20000x128xf32, #tpu.memory_space<hbm>> -> memref<200x128xf32, #tpu.memory_space<hbm>>
        tpu.enqueue_dma source(%arg17 : memref<200x128xf32, #tpu.memory_space<vmem>>) target(%dma_start3A_58 : memref<200x128xf32, #tpu.memory_space<hbm>>) target_semaphore(%run_scoped3A : memref<!tpu.dma_semaphore, #tpu.memory_space<semaphore_mem>>)
        %dma_wait3A = arith.constant 0 : i32
        %dma_wait3A_59 = tpu.memref_slice %arg7[%add3A_55, %dma_wait3A] : memref<20000x128xf32, #tpu.memory_space<hbm>> -> memref<200x128xf32, #tpu.memory_space<hbm>>
        %dma_wait3A_60 = arith.constant 0 : i32
        %dma_wait3A_61 = tpu.memref_slice %arg7[%add3A_55, %dma_wait3A_60] : memref<20000x128xf32, #tpu.memory_space<hbm>> -> memref<200x128xf32, #tpu.memory_space<hbm>>
        tpu.wait_dma2 semaphore(%run_scoped3A : memref<!tpu.dma_semaphore, #tpu.memory_space<semaphore_mem>>) src(%arg17 : memref<200x128xf32, #tpu.memory_space<vmem>>) dst(%dma_wait3A_61 : memref<200x128xf32, #tpu.memory_space<hbm>>)
        tpu.yield
      }) : () -> ()
    }
    return
  }
}

#map = affine_map<(d0, d1) -> (0, 0)>
#map1 = affine_map<(d0, d1) -> (0)>
module attributes {stable_mosaic.version = 14 : i64} {
  func.func @_spmm_body(%arg0: i32, %arg1: i32, %arg2: memref<10000x128xf32, #tpu.memory_space<hbm>>, %arg3: memref<16x128xf32, #tpu.memory_space<hbm>>, %arg4: memref<320000xi32, #tpu.memory_space<hbm>>, %arg5: memref<320000xi32, #tpu.memory_space<hbm>>, %arg6: memref<320000xi32, #tpu.memory_space<hbm>>, %arg7: memref<20000x128xf32, #tpu.memory_space<hbm>>, %arg8: memref<10000x128xf32, #tpu.memory_space<vmem_shared>>, %arg9: memref<80xi32, #tpu.memory_space<vmem>>, %arg10: memref<80xi32, #tpu.memory_space<vmem>>, %arg11: memref<80xi32, #tpu.memory_space<vmem>>, %arg12: memref<80x128xf32, #tpu.memory_space<vmem>>, %arg13: memref<80xi32, #tpu.memory_space<vmem>>, %arg14: memref<80xi32, #tpu.memory_space<vmem>>, %arg15: memref<80xi32, #tpu.memory_space<vmem>>, %arg16: memref<80x128xf32, #tpu.memory_space<vmem>>, %arg17: memref<200x128xf32, #tpu.memory_space<vmem>>, %arg18: memref<!tpu.dma_semaphore, #tpu.memory_space<semaphore_mem>>, %arg19: memref<!tpu.dma_semaphore, #tpu.memory_space<semaphore_mem>>) attributes {dimension_semantics = [#tpu.dimension_semantics<core_parallel>, #tpu.dimension_semantics<subcore_parallel>], iteration_bounds = array<i64: 2, 16>, scalar_prefetch = 0 : i64, scratch_operands = 12 : i64, tpu.core_type = #tpu.core_type<sc_vector_subcore>, window_params = [{transform_indices = #map}, {transform_indices = #map}, {transform_indices = #map1}, {transform_indices = #map1}, {transform_indices = #map1}, {transform_indices = #map}]} {
    %mul3A = arith.constant 16 : i32
    %mul3A_0 = arith.muli %arg0, %mul3A : i32
    %add3A = arith.addi %mul3A_0, %arg1 : i32
    %scan3A = arith.constant 0 : i32
    %scan3A_1 = arith.constant 200 : i32
    %scan3A_2 = arith.addi %scan3A, %scan3A_1 : i32
    %scan3A_3 = arith.constant 1 : i32
    scf.for %scan3A_46 = %scan3A to %scan3A_2 step %scan3A_3  : i32 {
      %mul3A_47 = arith.constant 1 : i32
      %mul3A_48 = arith.muli %scan3A_46, %mul3A_47 : i32
      %add3A_49 = arith.constant 0 : i32
      %add3A_50 = arith.addi %add3A_49, %mul3A_48 : i32
      %broadcast_in_dim3A = arith.constant 0.000000e+00 : f32
      %broadcast_in_dim3A_51 = vector.broadcast %broadcast_in_dim3A : f32 to vector<16xf32>
      %swap3A = arith.index_cast %add3A_50 : i32 to index
      %swap3A_52 = arith.constant 0 : index
      %swap3A_53 = tpu.vector_load %arg17[%swap3A, %swap3A_52] {strides = array<i32>} : memref<200x128xf32, #tpu.memory_space<vmem>>, vector<1x16xf32>,
      %swap3A_54 = vector.shape_cast %swap3A_53 : vector<1x16xf32> to vector<16xf32>
      %swap3A_55 = vector.shape_cast %broadcast_in_dim3A_51 : vector<16xf32> to vector<1x16xf32>
      tpu.vector_store %arg17[%swap3A, %swap3A_52], %swap3A_55 {strides = array<i32>} : memref<200x128xf32, #tpu.memory_space<vmem>>, vector<1x16xf32>,
      %broadcast_in_dim3A_56 = arith.constant 0.000000e+00 : f32
      %broadcast_in_dim3A_57 = vector.broadcast %broadcast_in_dim3A_56 : f32 to vector<16xf32>
      %swap3A_58 = arith.index_cast %add3A_50 : i32 to index
      %swap3A_59 = arith.constant 16 : index
      %swap3A_60 = tpu.vector_load %arg17[%swap3A_58, %swap3A_59] {strides = array<i32>} : memref<200x128xf32, #tpu.memory_space<vmem>>, vector<1x16xf32>,
      %swap3A_61 = vector.shape_cast %swap3A_60 : vector<1x16xf32> to vector<16xf32>
      %swap3A_62 = vector.shape_cast %broadcast_in_dim3A_57 : vector<16xf32> to vector<1x16xf32>
      tpu.vector_store %arg17[%swap3A_58, %swap3A_59], %swap3A_62 {strides = array<i32>} : memref<200x128xf32, #tpu.memory_space<vmem>>, vector<1x16xf32>,
      %broadcast_in_dim3A_63 = arith.constant 0.000000e+00 : f32
      %broadcast_in_dim3A_64 = vector.broadcast %broadcast_in_dim3A_63 : f32 to vector<16xf32>
      %swap3A_65 = arith.index_cast %add3A_50 : i32 to index
      %swap3A_66 = arith.constant 32 : index
      %swap3A_67 = tpu.vector_load %arg17[%swap3A_65, %swap3A_66] {strides = array<i32>} : memref<200x128xf32, #tpu.memory_space<vmem>>, vector<1x16xf32>,
      %swap3A_68 = vector.shape_cast %swap3A_67 : vector<1x16xf32> to vector<16xf32>
      %swap3A_69 = vector.shape_cast %broadcast_in_dim3A_64 : vector<16xf32> to vector<1x16xf32>
      tpu.vector_store %arg17[%swap3A_65, %swap3A_66], %swap3A_69 {strides = array<i32>} : memref<200x128xf32, #tpu.memory_space<vmem>>, vector<1x16xf32>,
      %broadcast_in_dim3A_70 = arith.constant 0.000000e+00 : f32
      %broadcast_in_dim3A_71 = vector.broadcast %broadcast_in_dim3A_70 : f32 to vector<16xf32>
      %swap3A_72 = arith.index_cast %add3A_50 : i32 to index
      %swap3A_73 = arith.constant 48 : index
      %swap3A_74 = tpu.vector_load %arg17[%swap3A_72, %swap3A_73] {strides = array<i32>} : memref<200x128xf32, #tpu.memory_space<vmem>>, vector<1x16xf32>,
      %swap3A_75 = vector.shape_cast %swap3A_74 : vector<1x16xf32> to vector<16xf32>
      %swap3A_76 = vector.shape_cast %broadcast_in_dim3A_71 : vector<16xf32> to vector<1x16xf32>
      tpu.vector_store %arg17[%swap3A_72, %swap3A_73], %swap3A_76 {strides = array<i32>} : memref<200x128xf32, #tpu.memory_space<vmem>>, vector<1x16xf32>,
      %broadcast_in_dim3A_77 = arith.constant 0.000000e+00 : f32
      %broadcast_in_dim3A_78 = vector.broadcast %broadcast_in_dim3A_77 : f32 to vector<16xf32>
      %swap3A_79 = arith.index_cast %add3A_50 : i32 to index
      %swap3A_80 = arith.constant 64 : index
      %swap3A_81 = tpu.vector_load %arg17[%swap3A_79, %swap3A_80] {strides = array<i32>} : memref<200x128xf32, #tpu.memory_space<vmem>>, vector<1x16xf32>,
      %swap3A_82 = vector.shape_cast %swap3A_81 : vector<1x16xf32> to vector<16xf32>
      %swap3A_83 = vector.shape_cast %broadcast_in_dim3A_78 : vector<16xf32> to vector<1x16xf32>
      tpu.vector_store %arg17[%swap3A_79, %swap3A_80], %swap3A_83 {strides = array<i32>} : memref<200x128xf32, #tpu.memory_space<vmem>>, vector<1x16xf32>,
      %broadcast_in_dim3A_84 = arith.constant 0.000000e+00 : f32
      %broadcast_in_dim3A_85 = vector.broadcast %broadcast_in_dim3A_84 : f32 to vector<16xf32>
      %swap3A_86 = arith.index_cast %add3A_50 : i32 to index
      %swap3A_87 = arith.constant 80 : index
      %swap3A_88 = tpu.vector_load %arg17[%swap3A_86, %swap3A_87] {strides = array<i32>} : memref<200x128xf32, #tpu.memory_space<vmem>>, vector<1x16xf32>,
      %swap3A_89 = vector.shape_cast %swap3A_88 : vector<1x16xf32> to vector<16xf32>
      %swap3A_90 = vector.shape_cast %broadcast_in_dim3A_85 : vector<16xf32> to vector<1x16xf32>
      tpu.vector_store %arg17[%swap3A_86, %swap3A_87], %swap3A_90 {strides = array<i32>} : memref<200x128xf32, #tpu.memory_space<vmem>>, vector<1x16xf32>,
      %broadcast_in_dim3A_91 = arith.constant 0.000000e+00 : f32
      %broadcast_in_dim3A_92 = vector.broadcast %broadcast_in_dim3A_91 : f32 to vector<16xf32>
      %swap3A_93 = arith.index_cast %add3A_50 : i32 to index
      %swap3A_94 = arith.constant 96 : index
      %swap3A_95 = tpu.vector_load %arg17[%swap3A_93, %swap3A_94] {strides = array<i32>} : memref<200x128xf32, #tpu.memory_space<vmem>>, vector<1x16xf32>,
      %swap3A_96 = vector.shape_cast %swap3A_95 : vector<1x16xf32> to vector<16xf32>
      %swap3A_97 = vector.shape_cast %broadcast_in_dim3A_92 : vector<16xf32> to vector<1x16xf32>
      tpu.vector_store %arg17[%swap3A_93, %swap3A_94], %swap3A_97 {strides = array<i32>} : memref<200x128xf32, #tpu.memory_space<vmem>>, vector<1x16xf32>,
      %broadcast_in_dim3A_98 = arith.constant 0.000000e+00 : f32
      %broadcast_in_dim3A_99 = vector.broadcast %broadcast_in_dim3A_98 : f32 to vector<16xf32>
      %swap3A_100 = arith.index_cast %add3A_50 : i32 to index
      %swap3A_101 = arith.constant 112 : index
      %swap3A_102 = tpu.vector_load %arg17[%swap3A_100, %swap3A_101] {strides = array<i32>} : memref<200x128xf32, #tpu.memory_space<vmem>>, vector<1x16xf32>,
      %swap3A_103 = vector.shape_cast %swap3A_102 : vector<1x16xf32> to vector<16xf32>
      %swap3A_104 = vector.shape_cast %broadcast_in_dim3A_99 : vector<16xf32> to vector<1x16xf32>
      tpu.vector_store %arg17[%swap3A_100, %swap3A_101], %swap3A_104 {strides = array<i32>} : memref<200x128xf32, #tpu.memory_space<vmem>>, vector<1x16xf32>,
    }
    %scan3A_4 = arith.constant 200 : i32
    %sub3A = arith.constant 50 : i32
    %sub3A_5 = arith.subi %sub3A, %arg1 : i32
    %sub3A_6 = arith.constant 16 : i32
    %sub3A_7 = arith.constant 1 : i32
    %sub3A_8 = arith.subi %sub3A_6, %sub3A_7 : i32
    %add3A_9 = arith.addi %sub3A_5, %sub3A_8 : i32
    %div3A = arith.constant 16 : i32
    %div3A_10 = arith.divsi %add3A_9, %div3A : i32
    %while3A = arith.constant 16 : i32
    %while3A_11 = arith.constant 0 : i32
    %while3A_12 = arith.subi %div3A_10, %while3A_11 : i32
    %while3A_13 = arith.addi %while3A_11, %while3A_12 : i32
    %while3A_14 = arith.constant 1 : i32
    %while3A_15 = arith.divsi %while3A_12, %while3A_14 : i32
    %while3A_16 = arith.muli %while3A_15, %while3A_14 : i32
    %while3A_17 = arith.addi %while3A_11, %while3A_16 : i32
    %while3A_18 = arith.constant 1 : i32
    scf.for %while3A_46 = %while3A_11 to %while3A_17 step %while3A_18  : i32 {
      %mul3A_47 = arith.muli %while3A_46, %while3A : i32
      %add3A_48 = arith.addi %arg1, %mul3A_47 : i32
      %mul3A_49 = arith.constant 200 : i32
      %mul3A_50 = arith.muli %add3A_48, %mul3A_49 : i32
      "tpu.region"() ({
        %run_scoped3A = tpu.sem_alloc : memref<!tpu.dma_semaphore, #tpu.memory_space<semaphore_mem>>
        %dma_start3A = arith.constant 0 : i32
        %dma_start3A_51 = tpu.memref_slice %arg8[%mul3A_50, %dma_start3A] : memref<10000x128xf32, #tpu.memory_space<vmem_shared>> -> memref<200x128xf32, #tpu.memory_space<vmem_shared>>
        %dma_start3A_52 = arith.constant 0 : i32
        %dma_start3A_53 = tpu.memref_slice %arg8[%mul3A_50, %dma_start3A_52] : memref<10000x128xf32, #tpu.memory_space<vmem_shared>> -> memref<200x128xf32, #tpu.memory_space<vmem_shared>>
        tpu.enqueue_dma source(%arg17 : memref<200x128xf32, #tpu.memory_space<vmem>>) target(%dma_start3A_53 : memref<200x128xf32, #tpu.memory_space<vmem_shared>>) target_semaphore(%run_scoped3A : memref<!tpu.dma_semaphore, #tpu.memory_space<semaphore_mem>>)
        %dma_wait3A = arith.constant 0 : i32
        %dma_wait3A_54 = tpu.memref_slice %arg8[%mul3A_50, %dma_wait3A] : memref<10000x128xf32, #tpu.memory_space<vmem_shared>> -> memref<200x128xf32, #tpu.memory_space<vmem_shared>>
        %dma_wait3A_55 = arith.constant 0 : i32
        %dma_wait3A_56 = tpu.memref_slice %arg8[%mul3A_50, %dma_wait3A_55] : memref<10000x128xf32, #tpu.memory_space<vmem_shared>> -> memref<200x128xf32, #tpu.memory_space<vmem_shared>>
        tpu.wait_dma2 semaphore(%run_scoped3A : memref<!tpu.dma_semaphore, #tpu.memory_space<semaphore_mem>>) src(%arg17 : memref<200x128xf32, #tpu.memory_space<vmem>>) dst(%dma_wait3A_56 : memref<200x128xf32, #tpu.memory_space<vmem_shared>>)
        tpu.yield
      }) : () -> ()
    }
    %while3A_19 = arith.constant 1 : i32
    scf.for %while3A_46 = %while3A_17 to %while3A_13 step %while3A_19  : i32 {
      %mul3A_47 = arith.muli %while3A_46, %while3A : i32
      %add3A_48 = arith.addi %arg1, %mul3A_47 : i32
      %mul3A_49 = arith.constant 200 : i32
      %mul3A_50 = arith.muli %add3A_48, %mul3A_49 : i32
      "tpu.region"() ({
        %run_scoped3A = tpu.sem_alloc : memref<!tpu.dma_semaphore, #tpu.memory_space<semaphore_mem>>
        %dma_start3A = arith.constant 0 : i32
        %dma_start3A_51 = tpu.memref_slice %arg8[%mul3A_50, %dma_start3A] : memref<10000x128xf32, #tpu.memory_space<vmem_shared>> -> memref<200x128xf32, #tpu.memory_space<vmem_shared>>
        %dma_start3A_52 = arith.constant 0 : i32
        %dma_start3A_53 = tpu.memref_slice %arg8[%mul3A_50, %dma_start3A_52] : memref<10000x128xf32, #tpu.memory_space<vmem_shared>> -> memref<200x128xf32, #tpu.memory_space<vmem_shared>>
        tpu.enqueue_dma source(%arg17 : memref<200x128xf32, #tpu.memory_space<vmem>>) target(%dma_start3A_53 : memref<200x128xf32, #tpu.memory_space<vmem_shared>>) target_semaphore(%run_scoped3A : memref<!tpu.dma_semaphore, #tpu.memory_space<semaphore_mem>>)
        %dma_wait3A = arith.constant 0 : i32
        %dma_wait3A_54 = tpu.memref_slice %arg8[%mul3A_50, %dma_wait3A] : memref<10000x128xf32, #tpu.memory_space<vmem_shared>> -> memref<200x128xf32, #tpu.memory_space<vmem_shared>>
        %dma_wait3A_55 = arith.constant 0 : i32
        %dma_wait3A_56 = tpu.memref_slice %arg8[%mul3A_50, %dma_wait3A_55] : memref<10000x128xf32, #tpu.memory_space<vmem_shared>> -> memref<200x128xf32, #tpu.memory_space<vmem_shared>>
        tpu.wait_dma2 semaphore(%run_scoped3A : memref<!tpu.dma_semaphore, #tpu.memory_space<semaphore_mem>>) src(%arg17 : memref<200x128xf32, #tpu.memory_space<vmem>>) dst(%dma_wait3A_56 : memref<200x128xf32, #tpu.memory_space<vmem_shared>>)
        tpu.yield
      }) : () -> ()
    }
    %barrier3A = arith.constant 0 : index
    tpu.barrier barrier_id(%barrier3A)
    %mul3A_20 = arith.constant 10000 : i32
    %mul3A_21 = arith.muli %add3A, %mul3A_20 : i32
    %scan3A_22 = arith.constant 0 : i32
    %scan3A_23 = arith.constant 125 : i32
    %scan3A_24 = arith.addi %scan3A_22, %scan3A_23 : i32
    %scan3A_25 = arith.constant 1 : i32
    scf.for %scan3A_46 = %scan3A_22 to %scan3A_24 step %scan3A_25  : i32 {
      %mul3A_47 = arith.constant 1 : i32
      %mul3A_48 = arith.muli %scan3A_46, %mul3A_47 : i32
      %add3A_49 = arith.constant 0 : i32
      %add3A_50 = arith.addi %add3A_49, %mul3A_48 : i32
      %mul3A_51 = arith.constant 80 : i32
      %mul3A_52 = arith.muli %add3A_50, %mul3A_51 : i32
      %add3A_53 = arith.addi %mul3A_21, %mul3A_52 : i32
      "tpu.region"() ({
        %run_scoped3A = tpu.sem_alloc : memref<!tpu.dma_semaphore, #tpu.memory_space<semaphore_mem>>
        %dma_start3A_64 = tpu.memref_slice %arg4[%add3A_53] : memref<320000xi32, #tpu.memory_space<hbm>> -> memref<80xi32, #tpu.memory_space<hbm>>
        %dma_start3A_65 = tpu.memref_slice %arg4[%add3A_53] : memref<320000xi32, #tpu.memory_space<hbm>> -> memref<80xi32, #tpu.memory_space<hbm>>
        tpu.enqueue_dma source(%dma_start3A_65 : memref<80xi32, #tpu.memory_space<hbm>>) target(%arg9 : memref<80xi32, #tpu.memory_space<vmem>>) target_semaphore(%run_scoped3A : memref<!tpu.dma_semaphore, #tpu.memory_space<semaphore_mem>>)
        %dma_wait3A_66 = tpu.memref_slice %arg4[%add3A_53] : memref<320000xi32, #tpu.memory_space<hbm>> -> memref<80xi32, #tpu.memory_space<hbm>>
        %dma_wait3A_67 = tpu.memref_slice %arg4[%add3A_53] : memref<320000xi32, #tpu.memory_space<hbm>> -> memref<80xi32, #tpu.memory_space<hbm>>
        tpu.wait_dma2 semaphore(%run_scoped3A : memref<!tpu.dma_semaphore, #tpu.memory_space<semaphore_mem>>) src(%dma_wait3A_67 : memref<80xi32, #tpu.memory_space<hbm>>) dst(%arg9 : memref<80xi32, #tpu.memory_space<vmem>>)
        tpu.yield
      }) : () -> ()
      "tpu.region"() ({
        %run_scoped3A = tpu.sem_alloc : memref<!tpu.dma_semaphore, #tpu.memory_space<semaphore_mem>>
        %dma_start3A_64 = tpu.memref_slice %arg5[%add3A_53] : memref<320000xi32, #tpu.memory_space<hbm>> -> memref<80xi32, #tpu.memory_space<hbm>>
        %dma_start3A_65 = tpu.memref_slice %arg5[%add3A_53] : memref<320000xi32, #tpu.memory_space<hbm>> -> memref<80xi32, #tpu.memory_space<hbm>>
        tpu.enqueue_dma source(%dma_start3A_65 : memref<80xi32, #tpu.memory_space<hbm>>) target(%arg10 : memref<80xi32, #tpu.memory_space<vmem>>) target_semaphore(%run_scoped3A : memref<!tpu.dma_semaphore, #tpu.memory_space<semaphore_mem>>)
        %dma_wait3A_66 = tpu.memref_slice %arg5[%add3A_53] : memref<320000xi32, #tpu.memory_space<hbm>> -> memref<80xi32, #tpu.memory_space<hbm>>
        %dma_wait3A_67 = tpu.memref_slice %arg5[%add3A_53] : memref<320000xi32, #tpu.memory_space<hbm>> -> memref<80xi32, #tpu.memory_space<hbm>>
        tpu.wait_dma2 semaphore(%run_scoped3A : memref<!tpu.dma_semaphore, #tpu.memory_space<semaphore_mem>>) src(%dma_wait3A_67 : memref<80xi32, #tpu.memory_space<hbm>>) dst(%arg10 : memref<80xi32, #tpu.memory_space<vmem>>)
        tpu.yield
      }) : () -> ()
      "tpu.region"() ({
        %run_scoped3A = tpu.sem_alloc : memref<!tpu.dma_semaphore, #tpu.memory_space<semaphore_mem>>
        %dma_start3A_64 = tpu.memref_slice %arg6[%add3A_53] : memref<320000xi32, #tpu.memory_space<hbm>> -> memref<80xi32, #tpu.memory_space<hbm>>
        %dma_start3A_65 = tpu.memref_slice %arg6[%add3A_53] : memref<320000xi32, #tpu.memory_space<hbm>> -> memref<80xi32, #tpu.memory_space<hbm>>
        tpu.enqueue_dma source(%dma_start3A_65 : memref<80xi32, #tpu.memory_space<hbm>>) target(%arg11 : memref<80xi32, #tpu.memory_space<vmem>>) target_semaphore(%run_scoped3A : memref<!tpu.dma_semaphore, #tpu.memory_space<semaphore_mem>>)
        %dma_wait3A_66 = tpu.memref_slice %arg6[%add3A_53] : memref<320000xi32, #tpu.memory_space<hbm>> -> memref<80xi32, #tpu.memory_space<hbm>>
        %dma_wait3A_67 = tpu.memref_slice %arg6[%add3A_53] : memref<320000xi32, #tpu.memory_space<hbm>> -> memref<80xi32, #tpu.memory_space<hbm>>
        tpu.wait_dma2 semaphore(%run_scoped3A : memref<!tpu.dma_semaphore, #tpu.memory_space<semaphore_mem>>) src(%dma_wait3A_67 : memref<80xi32, #tpu.memory_space<hbm>>) dst(%arg11 : memref<80xi32, #tpu.memory_space<vmem>>)
        tpu.yield
      }) : () -> ()
      %dma_start3A = arith.constant 0 : i32
      %dma_start3A_54 = arith.constant 0 : i32
      %dma_start3A_55 = tpu.memref_slice %arg3[%dma_start3A, %dma_start3A_54] : memref<16x128xf32, #tpu.memory_space<hbm>> -> memref<16x128xf32, #tpu.memory_space<hbm>>
      tpu.enqueue_indirect_dma source(%dma_start3A_55 : memref<16x128xf32, #tpu.memory_space<hbm>>) target(%arg12 : memref<80x128xf32, #tpu.memory_space<vmem>>) offsets(%arg11 : memref<80xi32, #tpu.memory_space<vmem>>) semaphore(%arg18 : memref<!tpu.dma_semaphore, #tpu.memory_space<semaphore_mem>>)
      %dma_wait3A = arith.constant 0 : i32
      %dma_wait3A_56 = arith.constant 0 : i32
      %dma_wait3A_57 = tpu.memref_slice %arg3[%dma_wait3A, %dma_wait3A_56] : memref<16x128xf32, #tpu.memory_space<hbm>> -> memref<16x128xf32, #tpu.memory_space<hbm>>
      tpu.wait_indirect_dma semaphore(%arg18 : memref<!tpu.dma_semaphore, #tpu.memory_space<semaphore_mem>>) src(%dma_wait3A_57 : memref<16x128xf32, #tpu.memory_space<hbm>>) dst(%arg12 : memref<80x128xf32, #tpu.memory_space<vmem>>)
      %dma_start3A_58 = arith.constant 0 : i32
      %dma_start3A_59 = arith.constant 0 : i32
      %dma_start3A_60 = tpu.memref_slice %arg2[%dma_start3A_58, %dma_start3A_59] : memref<10000x128xf32, #tpu.memory_space<hbm>> -> memref<10000x128xf32, #tpu.memory_space<hbm>>
      tpu.enqueue_indirect_dma source(%dma_start3A_60 : memref<10000x128xf32, #tpu.memory_space<hbm>>) target(%arg12 : memref<80x128xf32, #tpu.memory_space<vmem>>) offsets(%arg9 : memref<80xi32, #tpu.memory_space<vmem>>) semaphore(%arg18 : memref<!tpu.dma_semaphore, #tpu.memory_space<semaphore_mem>>) {add = true}
      %dma_wait3A_61 = arith.constant 0 : i32
      %dma_wait3A_62 = arith.constant 0 : i32
      %dma_wait3A_63 = tpu.memref_slice %arg2[%dma_wait3A_61, %dma_wait3A_62] : memref<10000x128xf32, #tpu.memory_space<hbm>> -> memref<10000x128xf32, #tpu.memory_space<hbm>>
      tpu.wait_indirect_dma semaphore(%arg18 : memref<!tpu.dma_semaphore, #tpu.memory_space<semaphore_mem>>) src(%dma_wait3A_63 : memref<10000x128xf32, #tpu.memory_space<hbm>>) dst(%arg12 : memref<80x128xf32, #tpu.memory_space<vmem>>)
      "tpu.region"() ({
        %run_scoped3A = tpu.sem_alloc : memref<!tpu.dma_semaphore, #tpu.memory_space<semaphore_mem>>
        %dma_start3A_64 = arith.constant 0 : i32
        %dma_start3A_65 = arith.constant 0 : i32
        %dma_start3A_66 = tpu.memref_slice %arg8[%dma_start3A_64, %dma_start3A_65] : memref<10000x128xf32, #tpu.memory_space<vmem_shared>> -> memref<10000x128xf32, #tpu.memory_space<vmem_shared>>
        tpu.enqueue_indirect_dma source(%arg12 : memref<80x128xf32, #tpu.memory_space<vmem>>) target(%dma_start3A_66 : memref<10000x128xf32, #tpu.memory_space<vmem_shared>>) offsets(%arg10 : memref<80xi32, #tpu.memory_space<vmem>>) semaphore(%run_scoped3A : memref<!tpu.dma_semaphore, #tpu.memory_space<semaphore_mem>>) {add = true}
        %dma_wait3A_67 = arith.constant 0 : i32
        %dma_wait3A_68 = arith.constant 0 : i32
        %dma_wait3A_69 = tpu.memref_slice %arg8[%dma_wait3A_67, %dma_wait3A_68] : memref<10000x128xf32, #tpu.memory_space<vmem_shared>> -> memref<10000x128xf32, #tpu.memory_space<vmem_shared>>
        tpu.wait_indirect_dma semaphore(%run_scoped3A : memref<!tpu.dma_semaphore, #tpu.memory_space<semaphore_mem>>) src(%arg12 : memref<80x128xf32, #tpu.memory_space<vmem>>) dst(%dma_wait3A_69 : memref<10000x128xf32, #tpu.memory_space<vmem_shared>>)
        tpu.yield
      }) : () -> ()
    }
    %scan3A_26 = arith.constant 125 : i32
    %barrier3A_27 = arith.constant 0 : index
    tpu.barrier barrier_id(%barrier3A_27)
    %sub3A_28 = arith.constant 50 : i32
    %sub3A_29 = arith.subi %sub3A_28, %arg1 : i32
    %sub3A_30 = arith.constant 16 : i32
    %sub3A_31 = arith.constant 1 : i32
    %sub3A_32 = arith.subi %sub3A_30, %sub3A_31 : i32
    %add3A_33 = arith.addi %sub3A_29, %sub3A_32 : i32
    %div3A_34 = arith.constant 16 : i32
    %div3A_35 = arith.divsi %add3A_33, %div3A_34 : i32
    %while3A_36 = arith.constant 16 : i32
    %while3A_37 = arith.constant 0 : i32
    %while3A_38 = arith.subi %div3A_35, %while3A_37 : i32
    %while3A_39 = arith.addi %while3A_37, %while3A_38 : i32
    %while3A_40 = arith.constant 1 : i32
    %while3A_41 = arith.divsi %while3A_38, %while3A_40 : i32
    %while3A_42 = arith.muli %while3A_41, %while3A_40 : i32
    %while3A_43 = arith.addi %while3A_37, %while3A_42 : i32
    %while3A_44 = arith.constant 1 : i32
    scf.for %while3A_46 = %while3A_37 to %while3A_43 step %while3A_44  : i32 {
      %mul3A_47 = arith.muli %while3A_46, %while3A_36 : i32
      %add3A_48 = arith.addi %arg1, %mul3A_47 : i32
      %mul3A_49 = arith.constant 200 : i32
      %mul3A_50 = arith.muli %add3A_48, %mul3A_49 : i32
      "tpu.region"() ({
        %run_scoped3A = tpu.sem_alloc : memref<!tpu.dma_semaphore, #tpu.memory_space<semaphore_mem>>
        %dma_start3A = arith.constant 0 : i32
        %dma_start3A_56 = tpu.memref_slice %arg8[%mul3A_50, %dma_start3A] : memref<10000x128xf32, #tpu.memory_space<vmem_shared>> -> memref<200x128xf32, #tpu.memory_space<vmem_shared>>
        %dma_start3A_57 = arith.constant 0 : i32
        %dma_start3A_58 = tpu.memref_slice %arg8[%mul3A_50, %dma_start3A_57] : memref<10000x128xf32, #tpu.memory_space<vmem_shared>> -> memref<200x128xf32, #tpu.memory_space<vmem_shared>>
        tpu.enqueue_dma source(%dma_start3A_58 : memref<200x128xf32, #tpu.memory_space<vmem_shared>>) target(%arg17 : memref<200x128xf32, #tpu.memory_space<vmem>>) target_semaphore(%run_scoped3A : memref<!tpu.dma_semaphore, #tpu.memory_space<semaphore_mem>>)
        %dma_wait3A = arith.constant 0 : i32
        %dma_wait3A_59 = tpu.memref_slice %arg8[%mul3A_50, %dma_wait3A] : memref<10000x128xf32, #tpu.memory_space<vmem_shared>> -> memref<200x128xf32, #tpu.memory_space<vmem_shared>>
        %dma_wait3A_60 = arith.constant 0 : i32
        %dma_wait3A_61 = tpu.memref_slice %arg8[%mul3A_50, %dma_wait3A_60] : memref<10000x128xf32, #tpu.memory_space<vmem_shared>> -> memref<200x128xf32, #tpu.memory_space<vmem_shared>>
        tpu.wait_dma2 semaphore(%run_scoped3A : memref<!tpu.dma_semaphore, #tpu.memory_space<semaphore_mem>>) src(%dma_wait3A_61 : memref<200x128xf32, #tpu.memory_space<vmem_shared>>) dst(%arg17 : memref<200x128xf32, #tpu.memory_space<vmem>>)
        tpu.yield
      }) : () -> ()
      %mul3A_51 = arith.constant 10000 : i32
      %mul3A_52 = arith.muli %arg0, %mul3A_51 : i32
      %mul3A_53 = arith.constant 200 : i32
      %mul3A_54 = arith.muli %add3A_48, %mul3A_53 : i32
      %add3A_55 = arith.addi %mul3A_52, %mul3A_54 : i32
      "tpu.region"() ({
        %run_scoped3A = tpu.sem_alloc : memref<!tpu.dma_semaphore, #tpu.memory_space<semaphore_mem>>
        %dma_start3A = arith.constant 0 : i32
        %dma_start3A_56 = tpu.memref_slice %arg7[%add3A_55, %dma_start3A] : memref<20000x128xf32, #tpu.memory_space<hbm>> -> memref<200x128xf32, #tpu.memory_space<hbm>>
        %dma_start3A_57 = arith.constant 0 : i32
        %dma_start3A_58 = tpu.memref_slice %arg7[%add3A_55, %dma_start3A_57] : memref<20000x128xf32, #tpu.memory_space<hbm>> -> memref<200x128xf32, #tpu.memory_space<hbm>>
        tpu.enqueue_dma source(%arg17 : memref<200x128xf32, #tpu.memory_space<vmem>>) target(%dma_start3A_58 : memref<200x128xf32, #tpu.memory_space<hbm>>) target_semaphore(%run_scoped3A : memref<!tpu.dma_semaphore, #tpu.memory_space<semaphore_mem>>)
        %dma_wait3A = arith.constant 0 : i32
        %dma_wait3A_59 = tpu.memref_slice %arg7[%add3A_55, %dma_wait3A] : memref<20000x128xf32, #tpu.memory_space<hbm>> -> memref<200x128xf32, #tpu.memory_space<hbm>>
        %dma_wait3A_60 = arith.constant 0 : i32
        %dma_wait3A_61 = tpu.memref_slice %arg7[%add3A_55, %dma_wait3A_60] : memref<20000x128xf32, #tpu.memory_space<hbm>> -> memref<200x128xf32, #tpu.memory_space<hbm>>
        tpu.wait_dma2 semaphore(%run_scoped3A : memref<!tpu.dma_semaphore, #tpu.memory_space<semaphore_mem>>) src(%arg17 : memref<200x128xf32, #tpu.memory_space<vmem>>) dst(%dma_wait3A_61 : memref<200x128xf32, #tpu.memory_space<hbm>>)
        tpu.yield
      }) : () -> ()
    }
    %while3A_45 = arith.constant 1 : i32
    scf.for %while3A_46 = %while3A_43 to %while3A_39 step %while3A_45  : i32 {
      %mul3A_47 = arith.muli %while3A_46, %while3A_36 : i32
      %add3A_48 = arith.addi %arg1, %mul3A_47 : i32
      %mul3A_49 = arith.constant 200 : i32
      %mul3A_50 = arith.muli %add3A_48, %mul3A_49 : i32
      "tpu.region"() ({
        %run_scoped3A = tpu.sem_alloc : memref<!tpu.dma_semaphore, #tpu.memory_space<semaphore_mem>>
        %dma_start3A = arith.constant 0 : i32
        %dma_start3A_56 = tpu.memref_slice %arg8[%mul3A_50, %dma_start3A] : memref<10000x128xf32, #tpu.memory_space<vmem_shared>> -> memref<200x128xf32, #tpu.memory_space<vmem_shared>>
        %dma_start3A_57 = arith.constant 0 : i32
        %dma_start3A_58 = tpu.memref_slice %arg8[%mul3A_50, %dma_start3A_57] : memref<10000x128xf32, #tpu.memory_space<vmem_shared>> -> memref<200x128xf32, #tpu.memory_space<vmem_shared>>
        tpu.enqueue_dma source(%dma_start3A_58 : memref<200x128xf32, #tpu.memory_space<vmem_shared>>) target(%arg17 : memref<200x128xf32, #tpu.memory_space<vmem>>) target_semaphore(%run_scoped3A : memref<!tpu.dma_semaphore, #tpu.memory_space<semaphore_mem>>)
        %dma_wait3A = arith.constant 0 : i32
        %dma_wait3A_59 = tpu.memref_slice %arg8[%mul3A_50, %dma_wait3A] : memref<10000x128xf32, #tpu.memory_space<vmem_shared>> -> memref<200x128xf32, #tpu.memory_space<vmem_shared>>
        %dma_wait3A_60 = arith.constant 0 : i32
        %dma_wait3A_61 = tpu.memref_slice %arg8[%mul3A_50, %dma_wait3A_60] : memref<10000x128xf32, #tpu.memory_space<vmem_shared>> -> memref<200x128xf32, #tpu.memory_space<vmem_shared>>
        tpu.wait_dma2 semaphore(%run_scoped3A : memref<!tpu.dma_semaphore, #tpu.memory_space<semaphore_mem>>) src(%dma_wait3A_61 : memref<200x128xf32, #tpu.memory_space<vmem_shared>>) dst(%arg17 : memref<200x128xf32, #tpu.memory_space<vmem>>)
        tpu.yield
      }) : () -> ()
      %mul3A_51 = arith.constant 10000 : i32
      %mul3A_52 = arith.muli %arg0, %mul3A_51 : i32
      %mul3A_53 = arith.constant 200 : i32
      %mul3A_54 = arith.muli %add3A_48, %mul3A_53 : i32
      %add3A_55 = arith.addi %mul3A_52, %mul3A_54 : i32
      "tpu.region"() ({
        %run_scoped3A = tpu.sem_alloc : memref<!tpu.dma_semaphore, #tpu.memory_space<semaphore_mem>>
        %dma_start3A = arith.constant 0 : i32
        %dma_start3A_56 = tpu.memref_slice %arg7[%add3A_55, %dma_start3A] : memref<20000x128xf32, #tpu.memory_space<hbm>> -> memref<200x128xf32, #tpu.memory_space<hbm>>
        %dma_start3A_57 = arith.constant 0 : i32
        %dma_start3A_58 = tpu.memref_slice %arg7[%add3A_55, %dma_start3A_57] : memref<20000x128xf32, #tpu.memory_space<hbm>> -> memref<200x128xf32, #tpu.memory_space<hbm>>
        tpu.enqueue_dma source(%arg17 : memref<200x128xf32, #tpu.memory_space<vmem>>) target(%dma_start3A_58 : memref<200x128xf32, #tpu.memory_space<hbm>>) target_semaphore(%run_scoped3A : memref<!tpu.dma_semaphore, #tpu.memory_space<semaphore_mem>>)
        %dma_wait3A = arith.constant 0 : i32
        %dma_wait3A_59 = tpu.memref_slice %arg7[%add3A_55, %dma_wait3A] : memref<20000x128xf32, #tpu.memory_space<hbm>> -> memref<200x128xf32, #tpu.memory_space<hbm>>
        %dma_wait3A_60 = arith.constant 0 : i32
        %dma_wait3A_61 = tpu.memref_slice %arg7[%add3A_55, %dma_wait3A_60] : memref<20000x128xf32, #tpu.memory_space<hbm>> -> memref<200x128xf32, #tpu.memory_space<hbm>>
        tpu.wait_dma2 semaphore(%run_scoped3A : memref<!tpu.dma_semaphore, #tpu.memory_space<semaphore_mem>>) src(%arg17 : memref<200x128xf32, #tpu.memory_space<vmem>>) dst(%dma_wait3A_61 : memref<200x128xf32, #tpu.memory_space<hbm>>)
        tpu.yield
      }) : () -> ()
    }
    return
  }
}

module attributes {stable_mosaic.version = 14 : i64} {
  func.func @_t3_body(%arg0: i32, %arg1: memref<1000x128xf32, #tpu.memory_space<vmem>>, %arg2: memref<1x1x1000xi32, #tpu.memory_space<vmem>>, %arg3: memref<128x256xf32, #tpu.memory_space<vmem>>, %arg4: memref<1x256xf32, #tpu.memory_space<vmem>>, %arg5: memref<256x256xf32, #tpu.memory_space<vmem>>, %arg6: memref<1x256xf32, #tpu.memory_space<vmem>>, %arg7: memref<1x256xf32, #tpu.memory_space<vmem>>, %arg8: memref<1x256xf32, #tpu.memory_space<vmem>>, %arg9: memref<256x256xf32, #tpu.memory_space<vmem>>, %arg10: memref<1x256xf32, #tpu.memory_space<vmem>>, %arg11: memref<1x256xf32, #tpu.memory_space<vmem>>, %arg12: memref<1x256xf32, #tpu.memory_space<vmem>>, %arg13: memref<256x256xf32, #tpu.memory_space<vmem>>, %arg14: memref<1x256xf32, #tpu.memory_space<vmem>>, %arg15: memref<64x128xf32, #tpu.memory_space<vmem>>, %arg16: memref<64x256xf32, #tpu.memory_space<vmem>>, %arg17: memref<64x128xf32, #tpu.memory_space<vmem>>, %arg18: memref<64x128xf32, #tpu.memory_space<vmem>>) attributes {dimension_semantics = [#tpu.dimension_semantics<arbitrary>], iteration_bounds = array<i64: 10>, scalar_prefetch = 0 : i64, scratch_operands = 2 : i64, tpu.core_type = #tpu.core_type<tc>, window_params = [{transform_indices = @transform_0, window_bounds = array<i64: 1000, 128>}, {transform_indices = @transform_1, window_bounds = array<i64: 1, 1, 1000>}, {pipeline_mode = #tpu.pipeline_mode<synchronous>, transform_indices = @transform_2, window_bounds = array<i64: 128, 256>}, {pipeline_mode = #tpu.pipeline_mode<synchronous>, transform_indices = @transform_3, window_bounds = array<i64: 1, 256>}, {pipeline_mode = #tpu.pipeline_mode<synchronous>, transform_indices = @transform_4, window_bounds = array<i64: 256, 256>}, {pipeline_mode = #tpu.pipeline_mode<synchronous>, transform_indices = @transform_5, window_bounds = array<i64: 1, 256>}, {pipeline_mode = #tpu.pipeline_mode<synchronous>, transform_indices = @transform_6, window_bounds = array<i64: 1, 256>}, {pipeline_mode = #tpu.pipeline_mode<synchronous>, transform_indices = @transform_7, window_bounds = array<i64: 1, 256>}, {pipeline_mode = #tpu.pipeline_mode<synchronous>, transform_indices = @transform_8, window_bounds = array<i64: 256, 256>}, {pipeline_mode = #tpu.pipeline_mode<synchronous>, transform_indices = @transform_9, window_bounds = array<i64: 1, 256>}, {pipeline_mode = #tpu.pipeline_mode<synchronous>, transform_indices = @transform_10, window_bounds = array<i64: 1, 256>}, {pipeline_mode = #tpu.pipeline_mode<synchronous>, transform_indices = @transform_11, window_bounds = array<i64: 1, 256>}, {pipeline_mode = #tpu.pipeline_mode<synchronous>, transform_indices = @transform_12, window_bounds = array<i64: 256, 256>}, {pipeline_mode = #tpu.pipeline_mode<synchronous>, transform_indices = @transform_13, window_bounds = array<i64: 1, 256>}, {pipeline_mode = #tpu.pipeline_mode<synchronous>, transform_indices = @transform_14, window_bounds = array<i64: 64, 128>}, {pipeline_mode = #tpu.pipeline_mode<synchronous>, transform_indices = @transform_15, window_bounds = array<i64: 64, 256>}]} {
    %get3A = arith.constant 0 : index
    %get3A_0 = arith.constant 0 : index
    %get3A_1 = arith.constant 0 : index
    %get3A_2 = vector.load %arg2[%get3A, %get3A_0, %get3A_1] : memref<1x1x1000xi32, #tpu.memory_space<vmem>>, vector<1x1x1000xi32>
    %reshape3A = vector.shape_cast %get3A_2 : vector<1x1x1000xi32> to vector<1x1000xi32>
    %iota3A = tpu.iota {dimensions = array<i32: 0>} : vector<64x1000xi32>
    %eq3A = vector.broadcast %reshape3A : vector<1x1000xi32> to vector<64x1000xi32>
    %eq3A_3 = arith.cmpi eq, %iota3A, %eq3A : vector<64x1000xi32>
    %convert_element_type3A = arith.extui %eq3A_3 : vector<64x1000xi1> to vector<64x1000xi32>
    %convert_element_type3A_4 = arith.sitofp %convert_element_type3A : vector<64x1000xi32> to vector<64x1000xf32>
    %get3A_5 = arith.constant 0 : index
    %get3A_6 = arith.constant 0 : index
    %get3A_7 = vector.load %arg1[%get3A_5, %get3A_6] : memref<1000x128xf32, #tpu.memory_space<vmem>>, vector<1000x128xf32>
    %dot_general3A = arith.constant dense<0.000000e+00> : vector<64x128xf32>
    %dot_general3A_8 = tpu.matmul %convert_element_type3A_4, %get3A_7, %dot_general3A {dimension_numbers = #tpu.dot_dimension_numbers<[1], [0], [0], [1], [0, 0, 1, 1], [], []>, precision = #tpu.contract_precision<fp32>, transpose_lhs_hint = false} : vector<64x1000xf32>, vector<1000x128xf32>, vector<64x128xf32> -> vector<64x128xf32>
    %reduce_sum3A = arith.constant dense<0.000000e+00> : vector<64xf32>
    %reduce_sum3A_9 = vector.multi_reduction <add>, %convert_element_type3A_4, %reduce_sum3A [1] : vector<64x1000xf32> to vector<64xf32>
    %broadcast_in_dim3A = vector.shape_cast %reduce_sum3A_9 : vector<64xf32> to vector<64x1xf32>
    %broadcast_in_dim3A_10 = vector.shape_cast %broadcast_in_dim3A : vector<64x1xf32> to vector<64x1xf32>
    %broadcast_in_dim3A_11 = vector.broadcast %broadcast_in_dim3A_10 : vector<64x1xf32> to vector<64x128xf32>
    %eq3A_12 = arith.constant 0 : i32
    %eq3A_13 = arith.cmpi eq, %arg0, %eq3A_12 : i32
    %convert_element_type3A_14 = arith.extui %eq3A_13 : i1 to i32
    %cond3A = arith.constant 0 : i32
    %cond3A_15 = arith.cmpi ne, %convert_element_type3A_14, %cond3A : i32
    scf.if %cond3A_15 {
      %swap3A = arith.constant 0 : index
      %swap3A_25 = arith.constant 0 : index
      %swap3A_26 = vector.load %arg17[%swap3A, %swap3A_25] : memref<64x128xf32, #tpu.memory_space<vmem>>, vector<64x128xf32>
      tpu.vector_store %arg17[%swap3A, %swap3A_25], %dot_general3A_8 {strides = array<i32>} : memref<64x128xf32, #tpu.memory_space<vmem>>, vector<64x128xf32>,
      %swap3A_27 = arith.constant 0 : index
      %swap3A_28 = arith.constant 0 : index
      %swap3A_29 = vector.load %arg18[%swap3A_27, %swap3A_28] : memref<64x128xf32, #tpu.memory_space<vmem>>, vector<64x128xf32>
      tpu.vector_store %arg18[%swap3A_27, %swap3A_28], %broadcast_in_dim3A_11 {strides = array<i32>} : memref<64x128xf32, #tpu.memory_space<vmem>>, vector<64x128xf32>,
    } else {
    }
    %gt3A = arith.constant 0 : i32
    %gt3A_16 = arith.cmpi sgt, %arg0, %gt3A : i32
    %convert_element_type3A_17 = arith.extui %gt3A_16 : i1 to i32
    %cond3A_18 = arith.constant 0 : i32
    %cond3A_19 = arith.cmpi ne, %convert_element_type3A_17, %cond3A_18 : i32
    scf.if %cond3A_19 {
      %get3A_25 = arith.constant 0 : index
      %get3A_26 = arith.constant 0 : index
      %get3A_27 = vector.load %arg17[%get3A_25, %get3A_26] : memref<64x128xf32, #tpu.memory_space<vmem>>, vector<64x128xf32>
      %add3A = arith.addf %get3A_27, %dot_general3A_8 : vector<64x128xf32>
      %swap3A = arith.constant 0 : index
      %swap3A_28 = arith.constant 0 : index
      %swap3A_29 = vector.load %arg17[%swap3A, %swap3A_28] : memref<64x128xf32, #tpu.memory_space<vmem>>, vector<64x128xf32>
      tpu.vector_store %arg17[%swap3A, %swap3A_28], %add3A {strides = array<i32>} : memref<64x128xf32, #tpu.memory_space<vmem>>, vector<64x128xf32>,
      %get3A_30 = arith.constant 0 : index
      %get3A_31 = arith.constant 0 : index
      %get3A_32 = vector.load %arg18[%get3A_30, %get3A_31] : memref<64x128xf32, #tpu.memory_space<vmem>>, vector<64x128xf32>
      %add3A_33 = arith.addf %get3A_32, %broadcast_in_dim3A_11 : vector<64x128xf32>
      %swap3A_34 = arith.constant 0 : index
      %swap3A_35 = arith.constant 0 : index
      %swap3A_36 = vector.load %arg18[%swap3A_34, %swap3A_35] : memref<64x128xf32, #tpu.memory_space<vmem>>, vector<64x128xf32>
      tpu.vector_store %arg18[%swap3A_34, %swap3A_35], %add3A_33 {strides = array<i32>} : memref<64x128xf32, #tpu.memory_space<vmem>>, vector<64x128xf32>,
    } else {
    }
    %eq3A_20 = arith.constant 9 : i32
    %eq3A_21 = arith.cmpi eq, %arg0, %eq3A_20 : i32
    %convert_element_type3A_22 = arith.extui %eq3A_21 : i1 to i32
    %cond3A_23 = arith.constant 0 : i32
    %cond3A_24 = arith.cmpi ne, %convert_element_type3A_22, %cond3A_23 : i32
    scf.if %cond3A_24 {
      %get3A_25 = arith.constant 0 : index
      %get3A_26 = arith.constant 0 : index
      %get3A_27 = vector.load %arg17[%get3A_25, %get3A_26] : memref<64x128xf32, #tpu.memory_space<vmem>>, vector<64x128xf32>
      %get3A_28 = arith.constant 0 : index
      %get3A_29 = arith.constant 0 : index
      %get3A_30 = vector.load %arg18[%get3A_28, %get3A_29] : memref<64x128xf32, #tpu.memory_space<vmem>>, vector<64x128xf32>
      %max3A = arith.constant 1.000000e+00 : f32
      %max3A_31 = vector.broadcast %max3A : f32 to vector<64x128xf32>
      %max3A_32 = arith.maximumf %get3A_30, %max3A_31 : vector<64x128xf32>
      %div3A = arith.divf %get3A_27, %max3A_32 : vector<64x128xf32>
      %get3A_33 = arith.constant 0 : index
      %get3A_34 = arith.constant 0 : index
      %get3A_35 = vector.load %arg3[%get3A_33, %get3A_34] : memref<128x256xf32, #tpu.memory_space<vmem>>, vector<128x256xf32>
      %convert_element_type3A_36 = arith.truncf %div3A : vector<64x128xf32> to vector<64x128xbf16>
      %convert_element_type3A_37 = arith.truncf %get3A_35 : vector<128x256xf32> to vector<128x256xbf16>
      %dot_general3A_38 = arith.constant dense<0.000000e+00> : vector<64x256xf32>
      %dot_general3A_39 = tpu.matmul %convert_element_type3A_36, %convert_element_type3A_37, %dot_general3A_38 {dimension_numbers = #tpu.dot_dimension_numbers<[1], [0], [0], [1], [0, 0, 1, 1], [], []>, transpose_lhs_hint = false} : vector<64x128xbf16>, vector<128x256xbf16>, vector<64x256xf32> -> vector<64x256xf32>
      %get3A_40 = arith.constant 0 : index
      %get3A_41 = arith.constant 0 : index
      %get3A_42 = vector.load %arg4[%get3A_40, %get3A_41] : memref<1x256xf32, #tpu.memory_space<vmem>>, vector<1x256xf32>
      %add3A = vector.broadcast %get3A_42 : vector<1x256xf32> to vector<64x256xf32>
      %add3A_43 = arith.addf %dot_general3A_39, %add3A : vector<64x256xf32>
      %get3A_44 = arith.constant 0 : index
      %get3A_45 = arith.constant 0 : index
      %get3A_46 = vector.load %arg5[%get3A_44, %get3A_45] : memref<256x256xf32, #tpu.memory_space<vmem>>, vector<256x256xf32>
      %convert_element_type3A_47 = arith.truncf %add3A_43 : vector<64x256xf32> to vector<64x256xbf16>
      %convert_element_type3A_48 = arith.truncf %get3A_46 : vector<256x256xf32> to vector<256x256xbf16>
      %dot_general3A_49 = arith.constant dense<0.000000e+00> : vector<64x256xf32>
      %dot_general3A_50 = tpu.matmul %convert_element_type3A_47, %convert_element_type3A_48, %dot_general3A_49 {dimension_numbers = #tpu.dot_dimension_numbers<[1], [0], [0], [1], [0, 0, 1, 1], [], []>, transpose_lhs_hint = false} : vector<64x256xbf16>, vector<256x256xbf16>, vector<64x256xf32> -> vector<64x256xf32>
      %get3A_51 = arith.constant 0 : index
      %get3A_52 = arith.constant 0 : index
      %get3A_53 = vector.load %arg6[%get3A_51, %get3A_52] : memref<1x256xf32, #tpu.memory_space<vmem>>, vector<1x256xf32>
      %add3A_54 = vector.broadcast %get3A_53 : vector<1x256xf32> to vector<64x256xf32>
      %add3A_55 = arith.addf %dot_general3A_50, %add3A_54 : vector<64x256xf32>
      %get3A_56 = arith.constant 0 : index
      %get3A_57 = arith.constant 0 : index
      %get3A_58 = vector.load %arg7[%get3A_56, %get3A_57] : memref<1x256xf32, #tpu.memory_space<vmem>>, vector<1x256xf32>
      %get3A_59 = arith.constant 0 : index
      %get3A_60 = arith.constant 0 : index
      %get3A_61 = vector.load %arg8[%get3A_59, %get3A_60] : memref<1x256xf32, #tpu.memory_space<vmem>>, vector<1x256xf32>
      %reduce_sum3A_62 = arith.constant dense<0.000000e+00> : vector<256xf32>
      %reduce_sum3A_63 = vector.multi_reduction <add>, %add3A_55, %reduce_sum3A_62 [0] : vector<64x256xf32> to vector<256xf32>
      %broadcast_in_dim3A_64 = vector.shape_cast %reduce_sum3A_63 : vector<256xf32> to vector<1x256xf32>
      %div3A_65 = arith.constant 6.400000e+01 : f32
      %div3A_66 = vector.broadcast %div3A_65 : f32 to vector<1x256xf32>
      %div3A_67 = arith.divf %broadcast_in_dim3A_64, %div3A_66 : vector<1x256xf32>
      %sub3A = vector.broadcast %div3A_67 : vector<1x256xf32> to vector<64x256xf32>
      %sub3A_68 = arith.subf %add3A_55, %sub3A : vector<64x256xf32>
      %sub3A_69 = vector.broadcast %div3A_67 : vector<1x256xf32> to vector<64x256xf32>
      %sub3A_70 = arith.subf %add3A_55, %sub3A_69 : vector<64x256xf32>
      %mul3A = arith.mulf %sub3A_68, %sub3A_70 : vector<64x256xf32>
      %reduce_sum3A_71 = arith.constant dense<0.000000e+00> : vector<256xf32>
      %reduce_sum3A_72 = vector.multi_reduction <add>, %mul3A, %reduce_sum3A_71 [0] : vector<64x256xf32> to vector<256xf32>
      %broadcast_in_dim3A_73 = vector.shape_cast %reduce_sum3A_72 : vector<256xf32> to vector<1x256xf32>
      %div3A_74 = arith.constant 6.400000e+01 : f32
      %div3A_75 = vector.broadcast %div3A_74 : f32 to vector<1x256xf32>
      %div3A_76 = arith.divf %broadcast_in_dim3A_73, %div3A_75 : vector<1x256xf32>
      %sub3A_77 = vector.broadcast %div3A_67 : vector<1x256xf32> to vector<64x256xf32>
      %sub3A_78 = arith.subf %add3A_55, %sub3A_77 : vector<64x256xf32>
      %mul3A_79 = vector.broadcast %get3A_58 : vector<1x256xf32> to vector<64x256xf32>
      %mul3A_80 = arith.mulf %mul3A_79, %sub3A_78 : vector<64x256xf32>
      %add3A_81 = arith.constant 9.99999974E-6 : f32
      %add3A_82 = vector.broadcast %add3A_81 : f32 to vector<1x256xf32>
      %add3A_83 = arith.addf %div3A_76, %add3A_82 : vector<1x256xf32>
      %rsqrt3A = math.rsqrt %add3A_83 : vector<1x256xf32>
      %mul3A_84 = vector.broadcast %rsqrt3A : vector<1x256xf32> to vector<64x256xf32>
      %mul3A_85 = arith.mulf %mul3A_80, %mul3A_84 : vector<64x256xf32>
      %add3A_86 = vector.broadcast %get3A_61 : vector<1x256xf32> to vector<64x256xf32>
      %add3A_87 = arith.addf %mul3A_85, %add3A_86 : vector<64x256xf32>
      %max3A_88 = arith.constant 0.000000e+00 : f32
      %max3A_89 = vector.broadcast %max3A_88 : f32 to vector<64x256xf32>
      %max3A_90 = arith.maximumf %add3A_87, %max3A_89 : vector<64x256xf32>
      %get3A_91 = arith.constant 0 : index
      %get3A_92 = arith.constant 0 : index
      %get3A_93 = vector.load %arg9[%get3A_91, %get3A_92] : memref<256x256xf32, #tpu.memory_space<vmem>>, vector<256x256xf32>
      %convert_element_type3A_94 = arith.truncf %max3A_90 : vector<64x256xf32> to vector<64x256xbf16>
      %convert_element_type3A_95 = arith.truncf %get3A_93 : vector<256x256xf32> to vector<256x256xbf16>
      %dot_general3A_96 = arith.constant dense<0.000000e+00> : vector<64x256xf32>
      %dot_general3A_97 = tpu.matmul %convert_element_type3A_94, %convert_element_type3A_95, %dot_general3A_96 {dimension_numbers = #tpu.dot_dimension_numbers<[1], [0], [0], [1], [0, 0, 1, 1], [], []>, transpose_lhs_hint = false} : vector<64x256xbf16>, vector<256x256xbf16>, vector<64x256xf32> -> vector<64x256xf32>
      %get3A_98 = arith.constant 0 : index
      %get3A_99 = arith.constant 0 : index
      %get3A_100 = vector.load %arg10[%get3A_98, %get3A_99] : memref<1x256xf32, #tpu.memory_space<vmem>>, vector<1x256xf32>
      %add3A_101 = vector.broadcast %get3A_100 : vector<1x256xf32> to vector<64x256xf32>
      %add3A_102 = arith.addf %dot_general3A_97, %add3A_101 : vector<64x256xf32>
      %get3A_103 = arith.constant 0 : index
      %get3A_104 = arith.constant 0 : index
      %get3A_105 = vector.load %arg11[%get3A_103, %get3A_104] : memref<1x256xf32, #tpu.memory_space<vmem>>, vector<1x256xf32>
      %get3A_106 = arith.constant 0 : index
      %get3A_107 = arith.constant 0 : index
      %get3A_108 = vector.load %arg12[%get3A_106, %get3A_107] : memref<1x256xf32, #tpu.memory_space<vmem>>, vector<1x256xf32>
      %reduce_sum3A_109 = arith.constant dense<0.000000e+00> : vector<256xf32>
      %reduce_sum3A_110 = vector.multi_reduction <add>, %add3A_102, %reduce_sum3A_109 [0] : vector<64x256xf32> to vector<256xf32>
      %broadcast_in_dim3A_111 = vector.shape_cast %reduce_sum3A_110 : vector<256xf32> to vector<1x256xf32>
      %div3A_112 = arith.constant 6.400000e+01 : f32
      %div3A_113 = vector.broadcast %div3A_112 : f32 to vector<1x256xf32>
      %div3A_114 = arith.divf %broadcast_in_dim3A_111, %div3A_113 : vector<1x256xf32>
      %sub3A_115 = vector.broadcast %div3A_114 : vector<1x256xf32> to vector<64x256xf32>
      %sub3A_116 = arith.subf %add3A_102, %sub3A_115 : vector<64x256xf32>
      %sub3A_117 = vector.broadcast %div3A_114 : vector<1x256xf32> to vector<64x256xf32>
      %sub3A_118 = arith.subf %add3A_102, %sub3A_117 : vector<64x256xf32>
      %mul3A_119 = arith.mulf %sub3A_116, %sub3A_118 : vector<64x256xf32>
      %reduce_sum3A_120 = arith.constant dense<0.000000e+00> : vector<256xf32>
      %reduce_sum3A_121 = vector.multi_reduction <add>, %mul3A_119, %reduce_sum3A_120 [0] : vector<64x256xf32> to vector<256xf32>
      %broadcast_in_dim3A_122 = vector.shape_cast %reduce_sum3A_121 : vector<256xf32> to vector<1x256xf32>
      %div3A_123 = arith.constant 6.400000e+01 : f32
      %div3A_124 = vector.broadcast %div3A_123 : f32 to vector<1x256xf32>
      %div3A_125 = arith.divf %broadcast_in_dim3A_122, %div3A_124 : vector<1x256xf32>
      %sub3A_126 = vector.broadcast %div3A_114 : vector<1x256xf32> to vector<64x256xf32>
      %sub3A_127 = arith.subf %add3A_102, %sub3A_126 : vector<64x256xf32>
      %mul3A_128 = vector.broadcast %get3A_105 : vector<1x256xf32> to vector<64x256xf32>
      %mul3A_129 = arith.mulf %mul3A_128, %sub3A_127 : vector<64x256xf32>
      %add3A_130 = arith.constant 9.99999974E-6 : f32
      %add3A_131 = vector.broadcast %add3A_130 : f32 to vector<1x256xf32>
      %add3A_132 = arith.addf %div3A_125, %add3A_131 : vector<1x256xf32>
      %rsqrt3A_133 = math.rsqrt %add3A_132 : vector<1x256xf32>
      %mul3A_134 = vector.broadcast %rsqrt3A_133 : vector<1x256xf32> to vector<64x256xf32>
      %mul3A_135 = arith.mulf %mul3A_129, %mul3A_134 : vector<64x256xf32>
      %add3A_136 = vector.broadcast %get3A_108 : vector<1x256xf32> to vector<64x256xf32>
      %add3A_137 = arith.addf %mul3A_135, %add3A_136 : vector<64x256xf32>
      %max3A_138 = arith.constant 0.000000e+00 : f32
      %max3A_139 = vector.broadcast %max3A_138 : f32 to vector<64x256xf32>
      %max3A_140 = arith.maximumf %add3A_137, %max3A_139 : vector<64x256xf32>
      %get3A_141 = arith.constant 0 : index
      %get3A_142 = arith.constant 0 : index
      %get3A_143 = vector.load %arg13[%get3A_141, %get3A_142] : memref<256x256xf32, #tpu.memory_space<vmem>>, vector<256x256xf32>
      %convert_element_type3A_144 = arith.truncf %max3A_140 : vector<64x256xf32> to vector<64x256xbf16>
      %convert_element_type3A_145 = arith.truncf %get3A_143 : vector<256x256xf32> to vector<256x256xbf16>
      %dot_general3A_146 = arith.constant dense<0.000000e+00> : vector<64x256xf32>
      %dot_general3A_147 = tpu.matmul %convert_element_type3A_144, %convert_element_type3A_145, %dot_general3A_146 {dimension_numbers = #tpu.dot_dimension_numbers<[1], [0], [0], [1], [0, 0, 1, 1], [], []>, transpose_lhs_hint = false} : vector<64x256xbf16>, vector<256x256xbf16>, vector<64x256xf32> -> vector<64x256xf32>
      %get3A_148 = arith.constant 0 : index
      %get3A_149 = arith.constant 0 : index
      %get3A_150 = vector.load %arg14[%get3A_148, %get3A_149] : memref<1x256xf32, #tpu.memory_space<vmem>>, vector<1x256xf32>
      %add3A_151 = vector.broadcast %get3A_150 : vector<1x256xf32> to vector<64x256xf32>
      %add3A_152 = arith.addf %dot_general3A_147, %add3A_151 : vector<64x256xf32>
      %swap3A = arith.constant 0 : index
      %swap3A_153 = arith.constant 0 : index
      %swap3A_154 = vector.load %arg15[%swap3A, %swap3A_153] : memref<64x128xf32, #tpu.memory_space<vmem>>, vector<64x128xf32>
      tpu.vector_store %arg15[%swap3A, %swap3A_153], %div3A {strides = array<i32>} : memref<64x128xf32, #tpu.memory_space<vmem>>, vector<64x128xf32>,
      %swap3A_155 = arith.constant 0 : index
      %swap3A_156 = arith.constant 0 : index
      %swap3A_157 = vector.load %arg16[%swap3A_155, %swap3A_156] : memref<64x256xf32, #tpu.memory_space<vmem>>, vector<64x256xf32>
      tpu.vector_store %arg16[%swap3A_155, %swap3A_156], %add3A_152 {strides = array<i32>} : memref<64x256xf32, #tpu.memory_space<vmem>>, vector<64x256xf32>,
    } else {
    }
    return
  }
  func.func @transform_0(%arg0: i32) -> (i32, i32) {
    %c0_i32 = arith.constant 0 : i32
    %c0_i32_0 = arith.constant 0 : i32
    return %arg0, %c0_i32 : i32, i32
  }
  func.func @transform_1(%arg0: i32) -> (i32, i32, i32) {
    %c0_i32 = arith.constant 0 : i32
    %c0_i32_0 = arith.constant 0 : i32
    %c0_i32_1 = arith.constant 0 : i32
    return %arg0, %c0_i32, %c0_i32_0 : i32, i32, i32
  }
  func.func @transform_2(%arg0: i32) -> (i32, i32) {
    %c0_i32 = arith.constant 0 : i32
    %c0_i32_0 = arith.constant 0 : i32
    %c0_i32_1 = arith.constant 0 : i32
    return %c0_i32, %c0_i32_0 : i32, i32
  }
  func.func @transform_3(%arg0: i32) -> (i32, i32) {
    %c0_i32 = arith.constant 0 : i32
    %c0_i32_0 = arith.constant 0 : i32
    %c0_i32_1 = arith.constant 0 : i32
    return %c0_i32, %c0_i32_0 : i32, i32
  }
  func.func @transform_4(%arg0: i32) -> (i32, i32) {
    %c0_i32 = arith.constant 0 : i32
    %c0_i32_0 = arith.constant 0 : i32
    %c0_i32_1 = arith.constant 0 : i32
    return %c0_i32, %c0_i32_0 : i32, i32
  }
  func.func @transform_5(%arg0: i32) -> (i32, i32) {
    %c0_i32 = arith.constant 0 : i32
    %c0_i32_0 = arith.constant 0 : i32
    %c0_i32_1 = arith.constant 0 : i32
    return %c0_i32, %c0_i32_0 : i32, i32
  }
  func.func @transform_6(%arg0: i32) -> (i32, i32) {
    %c0_i32 = arith.constant 0 : i32
    %c0_i32_0 = arith.constant 0 : i32
    %c0_i32_1 = arith.constant 0 : i32
    return %c0_i32, %c0_i32_0 : i32, i32
  }
  func.func @transform_7(%arg0: i32) -> (i32, i32) {
    %c0_i32 = arith.constant 0 : i32
    %c0_i32_0 = arith.constant 0 : i32
    %c0_i32_1 = arith.constant 0 : i32
    return %c0_i32, %c0_i32_0 : i32, i32
  }
  func.func @transform_8(%arg0: i32) -> (i32, i32) {
    %c0_i32 = arith.constant 0 : i32
    %c0_i32_0 = arith.constant 0 : i32
    %c0_i32_1 = arith.constant 0 : i32
    return %c0_i32, %c0_i32_0 : i32, i32
  }
  func.func @transform_9(%arg0: i32) -> (i32, i32) {
    %c0_i32 = arith.constant 0 : i32
    %c0_i32_0 = arith.constant 0 : i32
    %c0_i32_1 = arith.constant 0 : i32
    return %c0_i32, %c0_i32_0 : i32, i32
  }
  func.func @transform_10(%arg0: i32) -> (i32, i32) {
    %c0_i32 = arith.constant 0 : i32
    %c0_i32_0 = arith.constant 0 : i32
    %c0_i32_1 = arith.constant 0 : i32
    return %c0_i32, %c0_i32_0 : i32, i32
  }
  func.func @transform_11(%arg0: i32) -> (i32, i32) {
    %c0_i32 = arith.constant 0 : i32
    %c0_i32_0 = arith.constant 0 : i32
    %c0_i32_1 = arith.constant 0 : i32
    return %c0_i32, %c0_i32_0 : i32, i32
  }
  func.func @transform_12(%arg0: i32) -> (i32, i32) {
    %c0_i32 = arith.constant 0 : i32
    %c0_i32_0 = arith.constant 0 : i32
    %c0_i32_1 = arith.constant 0 : i32
    return %c0_i32, %c0_i32_0 : i32, i32
  }
  func.func @transform_13(%arg0: i32) -> (i32, i32) {
    %c0_i32 = arith.constant 0 : i32
    %c0_i32_0 = arith.constant 0 : i32
    %c0_i32_1 = arith.constant 0 : i32
    return %c0_i32, %c0_i32_0 : i32, i32
  }
  func.func @transform_14(%arg0: i32) -> (i32, i32) {
    %c0_i32 = arith.constant 0 : i32
    %c0_i32_0 = arith.constant 0 : i32
    %c0_i32_1 = arith.constant 0 : i32
    return %c0_i32, %c0_i32_0 : i32, i32
  }
  func.func @transform_15(%arg0: i32) -> (i32, i32) {
    %c0_i32 = arith.constant 0 : i32
    %c0_i32_0 = arith.constant 0 : i32
    %c0_i32_1 = arith.constant 0 : i32
    return %c0_i32, %c0_i32_0 : i32, i32
  }
}

</mosaic_0001>

<sc_bundles>
// kernel: gather_offload_async_start.1
scs
__scs_entry_jumppad:
0x0: {  	(pc) =	sbr.rel $0x88, $3  }
0x1: {  	(tag) =	ssettag $0x0;
	lr =	simm.s32 $0x1  }
0x2: {  	[smem:$0x3F87] =	sst lr;
	_ =	strace $0xD0000000  }
0x3: {  	_ = 	snop  }
0x4: {  	_ = 	snop  }
0x5: {  	_ = 	snop  }
0x6: {  	_ = 	snop  }
0x7: {  	_ = 	snop  }
__scs_overlays_trampoline_lowered:
0x8: {  	[smem:$0x3F96] =	sst s0  }
0x9: {  	[smem:$0x3F97] =	sst s1  }
0xa: {  	[smem:$0x3F98] =	sst s2  }
0xb: {  	[smem:$0x3F99] =	sst s3  }
0xc: {  	[smem:$0x3F9A] =	sst s4  }
0xd: {  	[smem:$0x3F9B] =	sst s5  }
0xe: {  	[smem:$0x3F9C] =	sst s6  }
0xf: {  	[smem:$0x3F9D] =	sst s7  }
0x10: {  	[smem:$0x3F9E] =	sst s8  }
0x11: {  	[smem:$0x3F9F] =	sst s9;
	s0 =	simm.s32 @!p0 $0x0  }
0x12: {  	s1 =	sld [smem:$0x3F85];
	s0 =	simm.s32 @p0 $0x1  }
0x13: {  	[smem:$0x3FA0] =	sst s0;
	s0 =	simm.s32 @!p1 $0x0  }
0x14: {  	s2 =	sld [smem:$0x3F84];
	s0 =	simm.s32 @p1 $0x1  }
0x15: {  	[smem:$0x3FA1] =	sst s0;
	s0 =	simm.s32 @!p2 $0x0  }
0x16: {  	s3 =	sld [smem:$0x3FDB];
	s0 =	simm.s32 @p2 $0x1  }
0x17: {  	s4 =	simm.s32 $0x1BF5;
	[smem:$0x3FA3] =	sst s0  }
0x18: {  	s0 =	sld [smem:$0x3F86];
	_ =	swait.ge [sflag:s4], $0x0  }
0x19: {  	s7 =	sld [smem:$0x3F87]  }
0x1a: {  	s8 =	sadd.s32 $0xFFFFE003, lr  }
0x1b: {  	s9 =	sadd.s32 $0xFFFFFEF7, lr;
	s5 =	simm.s32 $0xFFFFFFFF;
	p2 =	slt.u32 s8, $0xFFFFF086  }
0x1c: {  	p1 =	slt.u32 s9, $0xF7A;
	s5 =	simm.s32 @!p2 $0x0  }
0x1d: {  	s5 =	simm.s32 @p1 $0x1;
	p0 =	seq.s32 s7, s2  }
0x1e: {  	s7 =	smul.u32 @!p0 $0xF7A, s2;
	p2 =	seq.s32 @!p0 s5, $0x0  }
0x1f: {  	s9 =	smul.u32 $0xF7A, s1;
	s8 =	simm.s32 @!p0 $0x1BF5;
	p2 =	por !p2, p0  }
0x20: {  	[sflag:s8] =	ssyncset.s32 @!p0 $0xFFFFF086;
	s6 =	sadd.s32 @!p0 s3, s7;
	s7 =	simm.s32 @!p0 $0x108  }
0x21: {  	s3 =	sadd.s32 s3, s9;
	s6 =	sadd.s32 @!p0 $0x88, s6;
	s7 =	simm.s32 @p2 $0x1082  }
0x22: {  	[simem:s7], [sflag:s8] =	dma.local @!p0 [hbm:s6], $0xF7A  }
0x23: {  	s9 =	sor.u32 $0xD0000000, s2;
	s6 =	simm.s32 $0x108;
	_ =	swait.ge @!p0 [sflag:s8], $0x0  }
0x24: {  	s3 =	sadd.s32 $0x88, s3;
	s6 =	simm.s32 @!p1 $0x1082;
	[sflag:s4] =	ssyncset.s32 $0xFFFFF086  }
0x25: {  	[simem:s6], [sflag:s4] =	dma.local [hbm:s3], $0xF7A  }
0x26: {  	[smem:$0x3F87] =	sst s1;
	(tag) =	ssettag s2;
	_ =	strace s9  }
0x27: {  	s1 =	sld [smem:$0x3F97]  }
0x28: {  	s2 =	sld [smem:$0x3F98]  }
0x29: {  	s4 =	sld [smem:$0x3F9A]  }
0x2a: {  	p0 =	seq.s32 s5, $0x0;
	s5 =	sld [smem:$0x3F9B]  }
0x2b: {  	s6 =	sld [smem:$0x3F9C]  }
0x2c: {  	s7 =	sld [smem:$0x3F9D]  }
0x2d: {  	s3 =	simm.s32 $0x108;
	s8 =	sld [smem:$0x3F9E]  }
0x2e: {  	s3 =	simm.s32 @!p0 $0x1082;
	s9 =	sld [smem:$0x3F9F]  }
0x2f: {  	lr =	sadd.s32 s0, s3;
	s0 =	sld [smem:$0x3F96]  }
0x30: {  	s3 =	sld [smem:$0x3F99]  }
0x31: {  	[smem:$0x3FA2] =	sst s10  }
0x32: {  	s10 =	sld [smem:$0x3FA0];
	_ =	sdelay $0x3  }
0x33: {  	p0 =	seq.s32 s10, $0x1;
	s10 =	sld [smem:$0x3FA2];
	_ =	sdelay $0x3  }
0x34: {  	[smem:$0x3FA2] =	sst s10  }
0x35: {  	s10 =	sld [smem:$0x3FA1];
	_ =	sdelay $0x3  }
0x36: {  	p1 =	seq.s32 s10, $0x1;
	s10 =	sld [smem:$0x3FA2];
	_ =	sdelay $0x3  }
0x37: {  	[smem:$0x3FA2] =	sst s10  }
0x38: {  	s10 =	sld [smem:$0x3FA3]  }
0x39: {  	_ = 	snop;
	(pc) =	sbr.ind lr, $3  }
0x3a: {  	_ = 	snop  }
0x3b: {  	_ = 	snop  }
0x3c: {  	p2 =	seq.s32 s10, $0x1;
	s10 =	sld [smem:$0x3FA2]  }
0x3d: {  	_ =	shalt  }
0x3e: {  	_ =	shalt  }
0x3f: {  	_ =	shalt  }
0x40: {  	_ =	shalt  }
0x41: {  	_ =	shalt  }
0x42: {  	_ =	shalt  }
0x43: {  	_ =	shalt  }
0x44: {  	_ =	shalt  }
0x45: {  	_ =	shalt  }
0x46: {  	_ =	shalt  }
0x47: {  	_ =	shalt  }
0x48: {  	_ =	shalt  }
0x49: {  	_ =	shalt  }
0x4a: {  	_ =	shalt  }
0x4b: {  	_ =	shalt  }
0x4c: {  	_ =	shalt  }
0x4d: {  	_ =	shalt  }
0x4e: {  	_ =	shalt  }
0x4f: {  	_ =	shalt  }
0x50: {  	_ =	shalt  }
0x51: {  	_ =	shalt  }
0x52: {  	_ =	shalt  }
0x53: {  	_ =	shalt  }
0x54: {  	_ =	shalt  }
0x55: {  	_ =	shalt  }
0x56: {  	_ =	shalt  }
0x57: {  	_ =	shalt  }
0x58: {  	_ =	shalt  }
0x59: {  	_ =	shalt  }
0x5a: {  	_ =	shalt  }
0x5b: {  	_ =	shalt  }
0x5c: {  	_ =	shalt  }
0x5d: {  	_ =	shalt  }
0x5e: {  	_ =	shalt  }
0x5f: {  	_ =	shalt  }
0x60: {  	_ =	shalt  }
0x61: {  	_ =	shalt  }
0x62: {  	_ =	shalt  }
0x63: {  	_ =	shalt  }
0x64: {  	_ =	shalt  }
0x65: {  	_ =	shalt  }
0x66: {  	_ =	shalt  }
0x67: {  	_ =	shalt  }
0x68: {  	_ =	shalt  }
0x69: {  	_ =	shalt  }
0x6a: {  	_ =	shalt  }
0x6b: {  	_ =	shalt  }
0x6c: {  	_ =	shalt  }
0x6d: {  	_ =	shalt  }
0x6e: {  	_ =	shalt  }
0x6f: {  	_ =	shalt  }
0x70: {  	_ =	shalt  }
0x71: {  	_ =	shalt  }
0x72: {  	_ =	shalt  }
0x73: {  	_ =	shalt  }
0x74: {  	_ =	shalt  }
0x75: {  	_ =	shalt  }
0x76: {  	_ =	shalt  }
0x77: {  	_ =	shalt  }
0x78: {  	_ =	shalt  }
0x79: {  	_ =	shalt  }
0x7a: {  	_ =	shalt  }
0x7b: {  	_ =	shalt  }
0x7c: {  	_ =	shalt  }
0x7d: {  	_ =	shalt  }
0x7e: {  	_ =	shalt  }
0x7f: {  	_ =	shalt  }
0x80: {  	_ =	shalt  }
0x81: {  	_ =	shalt  }
0x82: {  	_ =	shalt  }
0x83: {  	_ =	shalt  }
0x84: {  	_ =	shalt  }
0x85: {  	_ =	shalt  }
0x86: {  	_ =	shalt  }
0x87: {  	_ =	shalt  }
.Lfunc_end0:
.L_simem_size_0:
called_computation.1_lowered:
.L_overlay_start_0:
0x88: {  	s2 =	sld [smem:$0x3FD9]  }
0x89: {  	s3 =	sld [smem:$0x3FFE];
	_ =	sdelay $0x1  }
0x8a: {  	s1 =	srdreg.scid  }
0x8b: {  	s0 =	sand.u32 $0x1, s1  }
0x8c: {  	s16 =	sshll.u32 s0, $0xA;
	s2 =	sadd.s32 s3, s2  }
0x8d: {  	s2 =	sadd.s32 s2, s16  }
0x8e: {  	[smem:$0x3FAE] =	sst s2  }
0x8f: {  	_ = 	snop  }
0x90: {  	(tm) =	ssettm $0x1  }
0x91: {  	s17 =	sld [smem:$0x3FFB];
	_ =	sdelay $0x3  }
0x92: {  	_ =	strace s17  }
0x93: {  	s2 =	sld [smem:$0x3FFC];
	_ =	sdelay $0x3  }
0x94: {  	_ =	strace s2  }
0x95: {  	s2 =	sld [smem:$0x3FFD];
	_ =	sdelay $0x3  }
0x96: {  	_ =	strace s2  }
0x97: {  	_ =	strace $0x8FFFFFFF  }
0x98: {  	s18 =	sld [smem:$0x3FDB];
	_ =	sdelay $0x1  }
0x99: {  	s19 =	simm.s32 $_scs_section_size  }
0x9a: {  	s4 =	simm.s32 $_size__tile_overlayer_lowered;
	s5 =	simm.s32 $_tile_overlayer_lowered  }
0x9b: {  	s22 =	simm.s32 $0x1BFF;
	s21 =	sshll.u32 s5, $0x1;
	s2 =	sadd.s32 s19, s18  }
0x9c: {  	s6 =	simm.s32 $0x0;
	s20 =	sshll.u32 s4, $0x1;
	s4 =	sadd.s32 s21, s2  }
0x9d: {  	[timem:s6], [sflag:s22] =	dma.local [hbm:s4], s20  }
0x9e: {  	_ =	swait.ge [sflag:s22], s20  }
0x9f: {  	s3 =	ssub.s32 $0x0, s20;
	[sflag:s22] =	ssyncset.done $0x0  }
0xa0: {  	[sflag:s22] =	ssyncadd.s32 s3;
	_ =	sdelay $0x1  }
0xa1: {  	s23 =	simm.s32 $0x1B8B  }
0xa2: {  	_ =	swait.ge [sflag:s23], $0x1  }
0xa3: {  	[sflag:s23] =	ssyncset.done $0x0  }
0xa4: {  	s25 =	simm.s32 $0x1B8E;
	s24 =	sld [smem:$0x3FFE];
	[sflag:s23] =	ssyncadd.s32 $0xFFFFFFFF  }
0xa5: {  	s26 =	simm.s32 $execute0_lowered;
	[smem:$0x3FD2] =	sst s25  }
0xa6: {  	s4 =	sshll.u32 s26, $0x1;
	_ =	strace $0x80000046;
	[dreg:$0x1] =	wrdreg $0xFFFFFFFF  }
0xa7: {  	s28 =	simm.s32 $_size_execute0_lowered;
	s2 =	sadd.s32 s2, s4;
	[dreg:$0x0] =	wrdreg $0x0  }
0xa8: {  	s4 =	sshll.u32 s28, $0x1;
	[dreg:$0x2] =	wrdreg s2  }
0xa9: {  	[dreg:$0x3] =	wrdreg s4  }
0xaa: {  	[dreg:$0x4] =	wrdreg $0xC0  }
0xab: {  	_ =	task [dreg:s6], $0x5FFFF  }
0xac: {  	[dreg:$0x1] =	wrdreg $0xFFFFFFFF  }
0xad: {  	[dreg:$0x0] =	wrdreg $0x60  }
0xae: {  	[dreg:$0x2] =	wrdreg s24  }
0xaf: {  	[dreg:$0x3] =	wrdreg $0xA  }
0xb0: {  	_ =	task.clear_ibuf [dreg:s6], $0x4FFFF;
	_ =	strace $0x90000046  }
0xb1: {  	s29 =	simm.s32 $0xA;
	_ =	strace $0x80000048  }
0xb2: {  	_ =	swait.ge [sflag:s29], $0x1  }
0xb3: {  	[sflag:s29] =	ssyncadd.s32 $0xFFFFFFFF  }
0xb4: {  	_ =	strace $0x90000048  }
0xb5: {  	_ =	sfence  }
0xb6: {  	s30 =	sld [smem:$0x0];
	_ =	sdelay $0x2  }
0xb7: {  	s31 =	sshll.u32 s1, $0xD;
	s1 =	sshrl.u32 s1, $0x2  }
0xb8: {  	s3 =	sand.u32 $0x4000, s31;
	s1 =	sadd.s32 s1, s30  }
0xb9: {  	s0 =	sor.u32 s3, s0;
	s1 =	sshll.u32 s1, $0x11  }
0xba: {  	s0 =	sor.u32 s1, s0  }
0xbb: {  	s0 =	sadd.s32 $0x8F2B, s0  }
0xbc: {  	[sflag:s0] =	ssyncadd.remote.s32 $0x1  }
0xbd: {  	_ =	sfence.sel $0xFFFF  }
0xbe: {  	[dreg:$0x0] =	wrdreg $0xFFFFFFFF;
	(pc) =	sbr.abs _section_cstart, $3  }
0xbf: {  	[dreg:$0x1] =	wrdreg $0xFFFFFFFF  }
0xc0: {  	_ =	task.clear_ibuf [dreg:s6], $0x2FFFF;
	_ =	strace $0x9FFFFFFF  }
0xc1: {  	(tm) =	ssettm $0x7FFFFFFF  }
tec
execute0_lowered:
.L_overlay_start_1:
0x0: {  	(tag) =	ssettag $0x1  }
0x1: {  	s8 =	rddreg [dreg:$0x0]  }
0x2: {  	s0 =	rddreg [dreg:$0x1];
	_ =	strace $0x80000047;
	s1 =	stileid.u32  }
0x3: {  	s3 =	srdreg.scid;
	s4 =	simm.s32 $0x1;
	s7 =	simm.s32 $0x1  }
0x4: {  	s9 =	simm.s32 $0x1;
	s10 =	simm.s32 $0x3;
	s13 =	simm.s32 $0x0  }
0x5: {  	s12 =	simm.s32 $0x0;
	s5 =	sand.u32 $0x1, s3;
	s6 =	sshll.u32 s1, $0x1  }
0x6: {  	s2 =	sadd.s32 $0x2600, s8;
	s3 =	sadd.s32 $0x16200, s8;
	s5 =	sor.u32 s6, s5  }
.Ltmp0:
0x7: {  	[sflag:s4] =	ssyncpa.u1 $0x0;
	p0 =	slt.u32 s5, $0x9;
	(pc) =	sbr.rel .LBB2_1-.Ltmp0, $4  }
0x8: {  	s6 =	simm.s32 $0x2;
	s7 =	simm.s32 @!p0 $0x0;
	p0 =	sne.s32 s5, $0x8  }
0x9: {  	[sflag:s6] =	ssyncpa.u1 $0x0;
	s5 =	smul.u32 $0x1F40, s5;
	s9 =	simm.s32 @!p0 $0x0  }
0xa: {  	s8 =	sadd.s32 $0x20000, s8;
	[sflag:s10] =	ssyncpa.u1 $0x0;
	s7 =	sadd.s32 s9, s7  }
0xb: {  	vm0 =	vmmov $0xffff;
	s10 =	simm.s32 $0x0;
	s11 =	smov.u32 s5;
	s9 =	sadd.s32 $0x1, s7  }
.LBB2_4:
0xc: {  	v2 =	vnsel vm1, $0x0, v2  }
0xd: {  	vm1 =	vgt.s32 v0, $0x0;
	v2 =	vmin.u32 v2, $0x4E1FF  }
0xe: {  	v0 =	vnsel vm1, $0x0, v0  }
0xf: {  	v0 =	vmin.u32 v0, $0x4E1FF  }
0x10: {  	[tilespmem:s18], [sflag:$0x1] =	stream.indirect_vreg.gather [hbm4b:s2+s10], $0x1, v1, vm0, $0x4038;
	[tilespmem:$0x7D00] =	vst v63  }
0x11: {  	(ifvalue) =	ssetifvalue $0x7FFFFFFF  }
0x12: {  	[tilespmem:s15], [sflag:$0x1] =	stream.indirect_vreg.gather [hbm4b:s2+s10], $0x1, v2, vm0, $0x4038;
	[tilespmem:$0x7D00] =	vst v63  }
0x13: {  	s29 =	sadd.s32 $0x10, s15;
	(ifvalue) =	ssetifvalue $0x7FFFFFFF  }
0x14: {  	[tilespmem:s29], [sflag:$0x1] =	stream.indirect_vreg.gather [hbm4b:s2+s10], $0x1, v0, vm0, $0x4038;
	[tilespmem:$0x7D00] =	vst v63  }
0x15: {  	_ =	swait.ge [sflag:s4], $0x1F40  }
0x16: {  	s30 =	sshrl.u32 s13, $0x3;
	[sflag:s4] =	ssyncset.done $0x0  }
0x17: {  	s31 =	sand.u32 $0x7, s13;
	s15 =	sadd.s32 s8, s30;
	[sflag:s4] =	ssyncadd.s32 $0xFFFFE0C0  }
0x18: {  	[hbm4b:s15+s31] =	stream.linear.scatter [tilespmem:s14], [sflag:$0x3], $0x1F40, $0x38;
	[tilespmem:$0x7D00] =	vst v63  }
.LBB2_5:
0x19: {  	s15 =	sadd.s32 $0x3E800, s11  }
0x1a: {  	p1 =	sgt.s32 s15, $0x4E1FF  }
0x1b: {  	s15 =	smov.u32 @p1 s5;
	p1 =	sne.s32 s12, s9  }
.Ltmp1:
0x1c: {  	p0 =	slt.u32 s12, $0x2;
	(pc) =	sbr.rel @!p1 .LBB2_6-.Ltmp1, $4  }
0x1d: {  	s14 =	simm.s32 @!p0 $0x3  }
0x1e: {  	_ =	swait.ge @!p0 [sflag:s14], $0x1F40  }
0x1f: {  	s16 =	sadd.s32 $0x1, s12;
	s13 =	smov.u32 s11;
	[sflag:s14] =	ssyncset.done @!p0 $0x0  }
0x20: {  	s12 =	smov.u32 s16;
	s11 =	smov.u32 s15;
	[sflag:s14] =	ssyncadd.s32 @!p0 $0xFFFFE0C0  }
.LBB2_1:
0x21: {  	p0 =	sge.u32 s12, s7  }
0x22: {  	s14 =	sxor.u32 @!p0 $0x1, s12  }
0x23: {  	s14 =	smul.u32 @!p0 $0x7D00, s14  }
0x24: {  	s31 =	sadd.s32 $0xFFFFFFFF, s12;
	s15 =	sshrl.u32 @!p0 s11, $0x3  }
0x25: {  	s16 =	sand.u32 @!p0 $0x7, s11;
	s15 =	sadd.s32 @!p0 s3, s15;
	s14 =	sshra.s32 @!p0 s14, $0x2  }
0x26: {  	[tilespmem:s14], [sflag:$0x2] =	stream.linear.gather @!p0 [hbm4b:s15+s16], $0x1F40, $0x38;
	[tilespmem:$0x7D00] =	vst v63  }
0x27: {  	p0 =	sge.u32 s31, s7  }
.Ltmp2:
0x28: {  	_ = 	snop;
	(pc) =	sbr.rel @p0 .LBB2_5-.Ltmp2, $1  }
0x29: {  	_ =	sdelay $0x3  }
0x2a: {  	s14 =	sand.u32 $0x1, s12  }
0x2b: {  	_ =	swait.ge [sflag:s6], $0x1F40;
	p0 =	seq.s32 s14, $0x1;
	s14 =	simm.s32 $0x1F40  }
0x2c: {  	[sflag:s6] =	ssyncset.done $0x0;
	s14 =	simm.s32 @!p0 $0x0  }
0x2d: {  	[sflag:s6] =	ssyncadd.s32 $0xFFFFE0C0;
	(ifvalue) =	ssetifvalue $0x7FFFFFFF;
	v0 =	vld.msk [tilespmem:s14+$0x0 ss:$0x1], $0xffff;
	_ =	sdelay $0x4  }
0x2e: {  	s15 =	sadd.s32 $0x10, s14;
	vm1 =	vgt.s32 v0, $0x0  }
0x2f: {  	v2 =	vld.msk [tilespmem:s15+$0x0 ss:$0x1], $0xffff;
	v1 =	vnsel vm1, $0x0, v0  }
0x30: {  	v1 =	vmin.u32 v1, $0x4E1FF;
	_ =	sdelay $0x2  }
0x31: {  	s17 =	simm.s32 $0x20;
	s14 =	sadd.s32 $0x3E80, s14;
	s16 =	sadd.s32 $0x10, s15  }
0x32: {  	s15 =	sadd.s32 $0x10, s14;
	s18 =	smov.u32 s14;
	v0 =	vld.msk [tilespmem:s16+$0x0 ss:$0x1], $0xffff;
	vm1 =	vgt.s32 v2, $0x0;
	(ifvalue) =	ssetifvalue $0x7FFFFFFF  }
.LBB2_3:
0x33: {  	[tilespmem:s18], [sflag:$0x1] =	stream.indirect_vreg.gather [hbm4b:s2+s10], $0x1, v1, vm0, $0x4038;
	[tilespmem:$0x7D00] =	vst v63  }
0x34: {  	s17 =	sadd.s32 $0x10, s17  }
0x35: {  	v2 =	vnsel vm1, $0x0, v2;
	p0 =	slt.u32 s17, $0x1F30  }
.Ltmp3:
0x36: {  	s18 =	smov.u32 s15;
	v1 =	vmin.u32 v2, $0x4E1FF;
	(pc) =	sbr.rel @p0 .LBB2_3-.Ltmp3, $3  }
0x37: {  	_ =	sdelay $0x1  }
0x38: {  	s16 =	sadd.s32 $0x10, s16  }
0x39: {  	vm1 =	vgt.s32 v0, $0x0;
	s15 =	sadd.s32 $0x10, s15;
	v2 =	vmov v0;
	(ifvalue) =	ssetifvalue $0x7FFFFFFF;
	v0 =	vld.msk [tilespmem:s16+$0x0 ss:$0x1], $0xffff  }
.Ltmp4:
0x3a: {  	_ = 	snop;
	(pc) =	sbr.rel .LBB2_4-.Ltmp4, $1  }
0x3b: {  	_ =	sdelay $0x3  }
.LBB2_6:
0x3c: {  	_ =	sfence.sel $0x180000  }
0x3d: {  	s2 =	simm.s32 $0x2;
	[bflag:$0x0] =	sbarrier.arrive $0xFFFF  }
0x3e: {  	s30 =	simm.s32 $0x3;
	[sflag:s2] =	ssyncpa.u1 $0x1  }
0x3f: {  	s31 =	simm.s32 $0x1;
	[sflag:s30] =	ssyncpa.u1 $0x1  }
0x40: {  	[sflag:s31] =	ssyncpa.u1 $0x1  }
0x41: {  	p0 =	sne.s32 s1, $0x0;
	_ =	strace $0x90000047  }
0x42: {  	s0 =	sadd.s32 @!p0 $0x100000, s0;
	[bflag:$0x2] =	sbarrier.arrive $0xFFFF  }
0x43: {  	[sflag:s0] =	ssyncadd.tile.s32 @!p0 $0x1;
	_ =	shalt  }
.Lfunc_end2:
_tile_overlayer_lowered:
.L_overlay_start_2:
0x44: {  	(tag) =	ssettag $0x2  }
0x45: {  	s0 =	rddreg [dreg:$0x0];
	s2 =	stileid.u32  }
0x46: {  	s1 =	rddreg [dreg:$0x1];
	p0 =	sne.s32 s2, $0x0  }
0x47: {  	s3 =	rddreg [dreg:$0x2];
	[bflag:$0x3] =	sbarrier.arrive $0xFFFF;
	s2 =	simm.s32 @!p0 $0x1C01  }
0x48: {  	[timem:s3], [sflag:s2] =	dma.local @!p0 [hbm:s0], s1  }
0x49: {  	s0 =	simm.s32 @!p0 $0x1  }
0x4a: {  	_ =	swait.ge @!p0 [sflag:s0], s1  }
0x4b: {  	s1 =	ssub.s32 @!p0 $0x0, s1;
	[sflag:s0] =	ssyncset.done @!p0 $0x0  }
0x4c: {  	[sflag:s0] =	ssyncadd.s32 @!p0 s1  }
0x4d: {  	[bflag:$0x3] =	sbarrier.arrive $0xFFFF  }
0x4e: {  	_ =	shalt  }

// kernel: gather_offload_async_start.2
scs
__scs_entry_jumppad:
0x0: {  	(pc) =	sbr.rel $0x88, $3  }
0x1: {  	(tag) =	ssettag $0x0;
	lr =	simm.s32 $0x1  }
0x2: {  	[smem:$0x3F87] =	sst lr;
	_ =	strace $0xD0000000  }
0x3: {  	_ = 	snop  }
0x4: {  	_ = 	snop  }
0x5: {  	_ = 	snop  }
0x6: {  	_ = 	snop  }
0x7: {  	_ = 	snop  }
__scs_overlays_trampoline_lowered:
0x8: {  	[smem:$0x3F96] =	sst s0  }
0x9: {  	[smem:$0x3F97] =	sst s1  }
0xa: {  	[smem:$0x3F98] =	sst s2  }
0xb: {  	[smem:$0x3F99] =	sst s3  }
0xc: {  	[smem:$0x3F9A] =	sst s4  }
0xd: {  	[smem:$0x3F9B] =	sst s5  }
0xe: {  	[smem:$0x3F9C] =	sst s6  }
0xf: {  	[smem:$0x3F9D] =	sst s7  }
0x10: {  	[smem:$0x3F9E] =	sst s8  }
0x11: {  	[smem:$0x3F9F] =	sst s9;
	s0 =	simm.s32 @!p0 $0x0  }
0x12: {  	s1 =	sld [smem:$0x3F85];
	s0 =	simm.s32 @p0 $0x1  }
0x13: {  	[smem:$0x3FA0] =	sst s0;
	s0 =	simm.s32 @!p1 $0x0  }
0x14: {  	s2 =	sld [smem:$0x3F84];
	s0 =	simm.s32 @p1 $0x1  }
0x15: {  	[smem:$0x3FA1] =	sst s0;
	s0 =	simm.s32 @!p2 $0x0  }
0x16: {  	s3 =	sld [smem:$0x3FDB];
	s0 =	simm.s32 @p2 $0x1  }
0x17: {  	s4 =	simm.s32 $0x1BF5;
	[smem:$0x3FA3] =	sst s0  }
0x18: {  	s0 =	sld [smem:$0x3F86];
	_ =	swait.ge [sflag:s4], $0x0  }
0x19: {  	s7 =	sld [smem:$0x3F87]  }
0x1a: {  	s8 =	sadd.s32 $0xFFFFE003, lr  }
0x1b: {  	s9 =	sadd.s32 $0xFFFFFEF7, lr;
	s5 =	simm.s32 $0xFFFFFFFF;
	p2 =	slt.u32 s8, $0xFFFFF086  }
0x1c: {  	p1 =	slt.u32 s9, $0xF7A;
	s5 =	simm.s32 @!p2 $0x0  }
0x1d: {  	s5 =	simm.s32 @p1 $0x1;
	p0 =	seq.s32 s7, s2  }
0x1e: {  	s7 =	smul.u32 @!p0 $0xF7A, s2;
	p2 =	seq.s32 @!p0 s5, $0x0  }
0x1f: {  	s9 =	smul.u32 $0xF7A, s1;
	s8 =	simm.s32 @!p0 $0x1BF5;
	p2 =	por !p2, p0  }
0x20: {  	[sflag:s8] =	ssyncset.s32 @!p0 $0xFFFFF086;
	s6 =	sadd.s32 @!p0 s3, s7;
	s7 =	simm.s32 @!p0 $0x108  }
0x21: {  	s3 =	sadd.s32 s3, s9;
	s6 =	sadd.s32 @!p0 $0x88, s6;
	s7 =	simm.s32 @p2 $0x1082  }
0x22: {  	[simem:s7], [sflag:s8] =	dma.local @!p0 [hbm:s6], $0xF7A  }
0x23: {  	s9 =	sor.u32 $0xD0000000, s2;
	s6 =	simm.s32 $0x108;
	_ =	swait.ge @!p0 [sflag:s8], $0x0  }
0x24: {  	s3 =	sadd.s32 $0x88, s3;
	s6 =	simm.s32 @!p1 $0x1082;
	[sflag:s4] =	ssyncset.s32 $0xFFFFF086  }
0x25: {  	[simem:s6], [sflag:s4] =	dma.local [hbm:s3], $0xF7A  }
0x26: {  	[smem:$0x3F87] =	sst s1;
	(tag) =	ssettag s2;
	_ =	strace s9  }
0x27: {  	s1 =	sld [smem:$0x3F97]  }
0x28: {  	s2 =	sld [smem:$0x3F98]  }
0x29: {  	s4 =	sld [smem:$0x3F9A]  }
0x2a: {  	p0 =	seq.s32 s5, $0x0;
	s5 =	sld [smem:$0x3F9B]  }
0x2b: {  	s6 =	sld [smem:$0x3F9C]  }
0x2c: {  	s7 =	sld [smem:$0x3F9D]  }
0x2d: {  	s3 =	simm.s32 $0x108;
	s8 =	sld [smem:$0x3F9E]  }
0x2e: {  	s3 =	simm.s32 @!p0 $0x1082;
	s9 =	sld [smem:$0x3F9F]  }
0x2f: {  	lr =	sadd.s32 s0, s3;
	s0 =	sld [smem:$0x3F96]  }
0x30: {  	s3 =	sld [smem:$0x3F99]  }
0x31: {  	[smem:$0x3FA2] =	sst s10  }
0x32: {  	s10 =	sld [smem:$0x3FA0];
	_ =	sdelay $0x3  }
0x33: {  	p0 =	seq.s32 s10, $0x1;
	s10 =	sld [smem:$0x3FA2];
	_ =	sdelay $0x3  }
0x34: {  	[smem:$0x3FA2] =	sst s10  }
0x35: {  	s10 =	sld [smem:$0x3FA1];
	_ =	sdelay $0x3  }
0x36: {  	p1 =	seq.s32 s10, $0x1;
	s10 =	sld [smem:$0x3FA2];
	_ =	sdelay $0x3  }
0x37: {  	[smem:$0x3FA2] =	sst s10  }
0x38: {  	s10 =	sld [smem:$0x3FA3]  }
0x39: {  	_ = 	snop;
	(pc) =	sbr.ind lr, $3  }
0x3a: {  	_ = 	snop  }
0x3b: {  	_ = 	snop  }
0x3c: {  	p2 =	seq.s32 s10, $0x1;
	s10 =	sld [smem:$0x3FA2]  }
0x3d: {  	_ =	shalt  }
0x3e: {  	_ =	shalt  }
0x3f: {  	_ =	shalt  }
0x40: {  	_ =	shalt  }
0x41: {  	_ =	shalt  }
0x42: {  	_ =	shalt  }
0x43: {  	_ =	shalt  }
0x44: {  	_ =	shalt  }
0x45: {  	_ =	shalt  }
0x46: {  	_ =	shalt  }
0x47: {  	_ =	shalt  }
0x48: {  	_ =	shalt  }
0x49: {  	_ =	shalt  }
0x4a: {  	_ =	shalt  }
0x4b: {  	_ =	shalt  }
0x4c: {  	_ =	shalt  }
0x4d: {  	_ =	shalt  }
0x4e: {  	_ =	shalt  }
0x4f: {  	_ =	shalt  }
0x50: {  	_ =	shalt  }
0x51: {  	_ =	shalt  }
0x52: {  	_ =	shalt  }
0x53: {  	_ =	shalt  }
0x54: {  	_ =	shalt  }
0x55: {  	_ =	shalt  }
0x56: {  	_ =	shalt  }
0x57: {  	_ =	shalt  }
0x58: {  	_ =	shalt  }
0x59: {  	_ =	shalt  }
0x5a: {  	_ =	shalt  }
0x5b: {  	_ =	shalt  }
0x5c: {  	_ =	shalt  }
0x5d: {  	_ =	shalt  }
0x5e: {  	_ =	shalt  }
0x5f: {  	_ =	shalt  }
0x60: {  	_ =	shalt  }
0x61: {  	_ =	shalt  }
0x62: {  	_ =	shalt  }
0x63: {  	_ =	shalt  }
0x64: {  	_ =	shalt  }
0x65: {  	_ =	shalt  }
0x66: {  	_ =	shalt  }
0x67: {  	_ =	shalt  }
0x68: {  	_ =	shalt  }
0x69: {  	_ =	shalt  }
0x6a: {  	_ =	shalt  }
0x6b: {  	_ =	shalt  }
0x6c: {  	_ =	shalt  }
0x6d: {  	_ =	shalt  }
0x6e: {  	_ =	shalt  }
0x6f: {  	_ =	shalt  }
0x70: {  	_ =	shalt  }
0x71: {  	_ =	shalt  }
0x72: {  	_ =	shalt  }
0x73: {  	_ =	shalt  }
0x74: {  	_ =	shalt  }
0x75: {  	_ =	shalt  }
0x76: {  	_ =	shalt  }
0x77: {  	_ =	shalt  }
0x78: {  	_ =	shalt  }
0x79: {  	_ =	shalt  }
0x7a: {  	_ =	shalt  }
0x7b: {  	_ =	shalt  }
0x7c: {  	_ =	shalt  }
0x7d: {  	_ =	shalt  }
0x7e: {  	_ =	shalt  }
0x7f: {  	_ =	shalt  }
0x80: {  	_ =	shalt  }
0x81: {  	_ =	shalt  }
0x82: {  	_ =	shalt  }
0x83: {  	_ =	shalt  }
0x84: {  	_ =	shalt  }
0x85: {  	_ =	shalt  }
0x86: {  	_ =	shalt  }
0x87: {  	_ =	shalt  }
.Lfunc_end0:
.L_simem_size_0:
called_computation.2_lowered:
.L_overlay_start_0:
0x88: {  	s2 =	sld [smem:$0x3FD9]  }
0x89: {  	s3 =	sld [smem:$0x3FFE];
	_ =	sdelay $0x1  }
0x8a: {  	s1 =	srdreg.scid  }
0x8b: {  	s0 =	sand.u32 $0x1, s1  }
0x8c: {  	s17 =	sshll.u32 s0, $0xA;
	s2 =	sadd.s32 s3, s2  }
0x8d: {  	s2 =	sadd.s32 s2, s17  }
0x8e: {  	[smem:$0x3FAE] =	sst s2  }
0x8f: {  	_ = 	snop  }
0x90: {  	(tm) =	ssettm $0x1  }
0x91: {  	s18 =	sld [smem:$0x3FFB];
	_ =	sdelay $0x3  }
0x92: {  	_ =	strace s18  }
0x93: {  	s2 =	sld [smem:$0x3FFC];
	_ =	sdelay $0x3  }
0x94: {  	_ =	strace s2  }
0x95: {  	s2 =	sld [smem:$0x3FFD];
	_ =	sdelay $0x3  }
0x96: {  	_ =	strace s2  }
0x97: {  	_ =	strace $0x8FFFFFFF  }
0x98: {  	s19 =	sld [smem:$0x3FDB];
	_ =	sdelay $0x1  }
0x99: {  	s20 =	simm.s32 $_scs_section_size  }
0x9a: {  	s4 =	simm.s32 $_size__tile_overlayer_lowered;
	s5 =	simm.s32 $_tile_overlayer_lowered  }
0x9b: {  	s6 =	simm.s32 $0x1BFF;
	s21 =	sshll.u32 s5, $0x1;
	s3 =	sadd.s32 s20, s19  }
0x9c: {  	s22 =	simm.s32 $0x0;
	s4 =	sshll.u32 s4, $0x1;
	s5 =	sadd.s32 s21, s3  }
0x9d: {  	[timem:s22], [sflag:s6] =	dma.local [hbm:s5], s4  }
0x9e: {  	_ =	swait.ge [sflag:s6], s4  }
0x9f: {  	s4 =	ssub.s32 $0x0, s4;
	[sflag:s6] =	ssyncset.done $0x0  }
0xa0: {  	[sflag:s6] =	ssyncadd.s32 s4;
	_ =	sdelay $0x1  }
0xa1: {  	s23 =	simm.s32 $0x1B8B  }
0xa2: {  	_ =	swait.ge [sflag:s23], $0x1  }
0xa3: {  	[sflag:s23] =	ssyncset.done $0x0  }
0xa4: {  	[sflag:s23] =	ssyncadd.s32 $0xFFFFFFFF  }
0xa5: {  	s4 =	sld [smem:$0x0]  }
0xa6: {  	s5 =	sand.u32 $0xFFFFFFFE, s1  }
0xa7: {  	p0 =	sne.s32 s1, s5  }
0xa8: {  	s5 =	sshll.u32 @p0 s5, $0xE  }
0xa9: {  	s5 =	sadd.s32 @p0 $0x11B8D, s5;
	s6 =	sshll.u32 @p0 s4, $0x11  }
0xaa: {  	s5 =	sor.u32 @p0 s6, s5  }
0xab: {  	[sflag:s5] =	ssyncadd.remote.s32 @p0 $0x1;
	_ =	sdelay $0x1  }
0xac: {  	s5 =	simm.s32 @p0 $0x1B8D  }
0xad: {  	_ =	swait.eq @p0 [sflag:s5], $0x1  }
0xae: {  	[sflag:s5] =	ssyncadd.s32 @p0 $0xFFFFFFFF  }
0xaf: {  	s6 =	sshll.u32 @!p0 s1, $0xE  }
0xb0: {  	s6 =	sor.u32 @!p0 $0x4000, s6;
	s5 =	simm.s32 @!p0 $0x1B8D  }
0xb1: {  	s4 =	sshll.u32 @!p0 s4, $0x11;
	s6 =	sadd.s32 @!p0 $0x11B8D, s6;
	_ =	swait.eq @!p0 [sflag:s5], $0x1  }
0xb2: {  	s4 =	sor.u32 @!p0 s4, s6;
	[sflag:s5] =	ssyncadd.s32 @!p0 $0xFFFFFFFF  }
0xb3: {  	s25 =	simm.s32 $0x1B8E;
	s24 =	sld [smem:$0x3FFE];
	[sflag:s4] =	ssyncadd.remote.s32 @!p0 $0x1  }
0xb4: {  	s26 =	simm.s32 $execute0_lowered;
	[smem:$0x3FD2] =	sst s25  }
0xb5: {  	s5 =	sshll.u32 s26, $0x1;
	_ =	strace $0x8000004C;
	[dreg:$0x1] =	wrdreg $0xFFFFFFFF  }
0xb6: {  	s28 =	simm.s32 $_size_execute0_lowered;
	s3 =	sadd.s32 s3, s5;
	[dreg:$0x0] =	wrdreg $0x0  }
0xb7: {  	s5 =	sshll.u32 s28, $0x1;
	[dreg:$0x2] =	wrdreg s3  }
0xb8: {  	[dreg:$0x3] =	wrdreg s5  }
0xb9: {  	[dreg:$0x4] =	wrdreg $0xC0  }
0xba: {  	_ =	task [dreg:s22], $0x5FFFF  }
0xbb: {  	[dreg:$0x1] =	wrdreg $0xFFFFFFFF  }
0xbc: {  	[dreg:$0x0] =	wrdreg $0x60  }
0xbd: {  	[dreg:$0x2] =	wrdreg s24  }
0xbe: {  	[dreg:$0x3] =	wrdreg $0xB  }
0xbf: {  	_ =	task.clear_ibuf [dreg:s22], $0x4FFFF;
	_ =	strace $0x9000004C  }
0xc0: {  	s29 =	simm.s32 $0xB;
	_ =	strace $0x8000004E  }
0xc1: {  	_ =	swait.ge [sflag:s29], $0x1  }
0xc2: {  	[sflag:s29] =	ssyncadd.s32 $0xFFFFFFFF  }
0xc3: {  	_ =	strace $0x9000004E  }
0xc4: {  	_ =	sfence  }
0xc5: {  	s30 =	sld [smem:$0x0];
	_ =	sdelay $0x2  }
0xc6: {  	s31 =	sshll.u32 s1, $0xD;
	s1 =	sshrl.u32 s1, $0x2  }
0xc7: {  	s4 =	sand.u32 $0x4000, s31;
	s1 =	sadd.s32 s1, s30  }
0xc8: {  	s0 =	sor.u32 s4, s0;
	s1 =	sshll.u32 s1, $0x11  }
0xc9: {  	s0 =	sor.u32 s1, s0  }
0xca: {  	s0 =	sadd.s32 $0x8F2B, s0  }
0xcb: {  	[sflag:s0] =	ssyncadd.remote.s32 $0x1  }
0xcc: {  	_ =	sfence.sel $0xFFFF  }
0xcd: {  	[dreg:$0x0] =	wrdreg $0xFFFFFFFF;
	(pc) =	sbr.abs _section_cstart, $3  }
0xce: {  	[dreg:$0x1] =	wrdreg $0xFFFFFFFF  }
0xcf: {  	_ =	task.clear_ibuf [dreg:s22], $0x2FFFF;
	_ =	strace $0x9FFFFFFF  }
0xd0: {  	(tm) =	ssettm $0x7FFFFFFF  }
0xd1: {  	_ =	shalt  }
tec
execute0_lowered:
.L_overlay_start_1:
0x0: {  	(tag) =	ssettag $0x1  }
0x1: {  	s8 =	rddreg [dreg:$0x0]  }
0x2: {  	s0 =	rddreg [dreg:$0x1];
	_ =	strace $0x8000004D;
	s1 =	stileid.u32  }
0x3: {  	s3 =	srdreg.scid;
	s4 =	simm.s32 $0x1;
	s7 =	simm.s32 $0x1  }
0x4: {  	s9 =	simm.s32 $0x1;
	s10 =	simm.s32 $0x3;
	s13 =	simm.s32 $0x0  }
0x5: {  	s12 =	simm.s32 $0x0;
	s5 =	sand.u32 $0x1, s3;
	s6 =	sshll.u32 s1, $0x1  }
0x6: {  	s2 =	sadd.s32 $0x29E00, s8;
	s3 =	sadd.s32 $0x16200, s8;
	s5 =	sor.u32 s6, s5  }
.Ltmp0:
0x7: {  	[sflag:s4] =	ssyncpa.u1 $0x0;
	p0 =	slt.u32 s5, $0x9;
	(pc) =	sbr.rel .LBB2_1-.Ltmp0, $4  }
0x8: {  	s6 =	simm.s32 $0x2;
	s7 =	simm.s32 @!p0 $0x0;
	p0 =	sne.s32 s5, $0x8  }
0x9: {  	[sflag:s6] =	ssyncpa.u1 $0x0;
	s5 =	smul.u32 $0x1F40, s5;
	s9 =	simm.s32 @!p0 $0x0  }
0xa: {  	s8 =	sadd.s32 $0x3DA00, s8;
	[sflag:s10] =	ssyncpa.u1 $0x0;
	s7 =	sadd.s32 s9, s7  }
0xb: {  	vm0 =	vmmov $0xffff;
	s10 =	simm.s32 $0x0;
	s11 =	smov.u32 s5;
	s9 =	sadd.s32 $0x1, s7  }
.LBB2_4:
0xc: {  	v2 =	vnsel vm1, $0x0, v2  }
0xd: {  	vm1 =	vgt.s32 v0, $0x0;
	v2 =	vmin.u32 v2, $0x4E1FF  }
0xe: {  	v0 =	vnsel vm1, $0x0, v0  }
0xf: {  	v0 =	vmin.u32 v0, $0x4E1FF  }
0x10: {  	[tilespmem:s18], [sflag:$0x1] =	stream.indirect_vreg.gather [hbm4b:s2+s10], $0x1, v1, vm0, $0x4038;
	[tilespmem:$0x7D00] =	vst v63  }
0x11: {  	(ifvalue) =	ssetifvalue $0x7FFFFFFF  }
0x12: {  	[tilespmem:s15], [sflag:$0x1] =	stream.indirect_vreg.gather [hbm4b:s2+s10], $0x1, v2, vm0, $0x4038;
	[tilespmem:$0x7D00] =	vst v63  }
0x13: {  	s29 =	sadd.s32 $0x10, s15;
	(ifvalue) =	ssetifvalue $0x7FFFFFFF  }
0x14: {  	[tilespmem:s29], [sflag:$0x1] =	stream.indirect_vreg.gather [hbm4b:s2+s10], $0x1, v0, vm0, $0x4038;
	[tilespmem:$0x7D00] =	vst v63  }
0x15: {  	_ =	swait.ge [sflag:s4], $0x1F40  }
0x16: {  	s30 =	sshrl.u32 s13, $0x3;
	[sflag:s4] =	ssyncset.done $0x0  }
0x17: {  	s31 =	sand.u32 $0x7, s13;
	s15 =	sadd.s32 s8, s30;
	[sflag:s4] =	ssyncadd.s32 $0xFFFFE0C0  }
0x18: {  	[hbm4b:s15+s31] =	stream.linear.scatter [tilespmem:s14], [sflag:$0x3], $0x1F40, $0x38;
	[tilespmem:$0x7D00] =	vst v63  }
.LBB2_5:
0x19: {  	s15 =	sadd.s32 $0x3E800, s11  }
0x1a: {  	p1 =	sgt.s32 s15, $0x4E1FF  }
0x1b: {  	s15 =	smov.u32 @p1 s5;
	p1 =	sne.s32 s12, s9  }
.Ltmp1:
0x1c: {  	p0 =	slt.u32 s12, $0x2;
	(pc) =	sbr.rel @!p1 .LBB2_6-.Ltmp1, $4  }
0x1d: {  	s14 =	simm.s32 @!p0 $0x3  }
0x1e: {  	_ =	swait.ge @!p0 [sflag:s14], $0x1F40  }
0x1f: {  	s16 =	sadd.s32 $0x1, s12;
	s13 =	smov.u32 s11;
	[sflag:s14] =	ssyncset.done @!p0 $0x0  }
0x20: {  	s12 =	smov.u32 s16;
	s11 =	smov.u32 s15;
	[sflag:s14] =	ssyncadd.s32 @!p0 $0xFFFFE0C0  }
.LBB2_1:
0x21: {  	p0 =	sge.u32 s12, s7  }
0x22: {  	s14 =	sxor.u32 @!p0 $0x1, s12  }
0x23: {  	s14 =	smul.u32 @!p0 $0x7D00, s14  }
0x24: {  	s31 =	sadd.s32 $0xFFFFFFFF, s12;
	s15 =	sshrl.u32 @!p0 s11, $0x3  }
0x25: {  	s16 =	sand.u32 @!p0 $0x7, s11;
	s15 =	sadd.s32 @!p0 s3, s15;
	s14 =	sshra.s32 @!p0 s14, $0x2  }
0x26: {  	[tilespmem:s14], [sflag:$0x2] =	stream.linear.gather @!p0 [hbm4b:s15+s16], $0x1F40, $0x38;
	[tilespmem:$0x7D00] =	vst v63  }
0x27: {  	p0 =	sge.u32 s31, s7  }
.Ltmp2:
0x28: {  	_ = 	snop;
	(pc) =	sbr.rel @p0 .LBB2_5-.Ltmp2, $1  }
0x29: {  	_ =	sdelay $0x3  }
0x2a: {  	s14 =	sand.u32 $0x1, s12  }
0x2b: {  	_ =	swait.ge [sflag:s6], $0x1F40;
	p0 =	seq.s32 s14, $0x1;
	s14 =	simm.s32 $0x1F40  }
0x2c: {  	[sflag:s6] =	ssyncset.done $0x0;
	s14 =	simm.s32 @!p0 $0x0  }
0x2d: {  	[sflag:s6] =	ssyncadd.s32 $0xFFFFE0C0;
	(ifvalue) =	ssetifvalue $0x7FFFFFFF;
	v0 =	vld.msk [tilespmem:s14+$0x0 ss:$0x1], $0xffff;
	_ =	sdelay $0x4  }
0x2e: {  	s15 =	sadd.s32 $0x10, s14;
	vm1 =	vgt.s32 v0, $0x0  }
0x2f: {  	v2 =	vld.msk [tilespmem:s15+$0x0 ss:$0x1], $0xffff;
	v1 =	vnsel vm1, $0x0, v0  }
0x30: {  	v1 =	vmin.u32 v1, $0x4E1FF;
	_ =	sdelay $0x2  }
0x31: {  	s17 =	simm.s32 $0x20;
	s14 =	sadd.s32 $0x3E80, s14;
	s16 =	sadd.s32 $0x10, s15  }
0x32: {  	s15 =	sadd.s32 $0x10, s14;
	s18 =	smov.u32 s14;
	v0 =	vld.msk [tilespmem:s16+$0x0 ss:$0x1], $0xffff;
	vm1 =	vgt.s32 v2, $0x0;
	(ifvalue) =	ssetifvalue $0x7FFFFFFF  }
.LBB2_3:
0x33: {  	[tilespmem:s18], [sflag:$0x1] =	stream.indirect_vreg.gather [hbm4b:s2+s10], $0x1, v1, vm0, $0x4038;
	[tilespmem:$0x7D00] =	vst v63  }
0x34: {  	s17 =	sadd.s32 $0x10, s17  }
0x35: {  	v2 =	vnsel vm1, $0x0, v2;
	p0 =	slt.u32 s17, $0x1F30  }
.Ltmp3:
0x36: {  	s18 =	smov.u32 s15;
	v1 =	vmin.u32 v2, $0x4E1FF;
	(pc) =	sbr.rel @p0 .LBB2_3-.Ltmp3, $3  }
0x37: {  	_ =	sdelay $0x1  }
0x38: {  	s16 =	sadd.s32 $0x10, s16  }
0x39: {  	vm1 =	vgt.s32 v0, $0x0;
	s15 =	sadd.s32 $0x10, s15;
	v2 =	vmov v0;
	(ifvalue) =	ssetifvalue $0x7FFFFFFF;
	v0 =	vld.msk [tilespmem:s16+$0x0 ss:$0x1], $0xffff  }
.Ltmp4:
0x3a: {  	_ = 	snop;
	(pc) =	sbr.rel .LBB2_4-.Ltmp4, $1  }
0x3b: {  	_ =	sdelay $0x3  }
.LBB2_6:
0x3c: {  	_ =	sfence.sel $0x180000  }
0x3d: {  	s2 =	simm.s32 $0x2;
	[bflag:$0x0] =	sbarrier.arrive $0xFFFF  }
0x3e: {  	s30 =	simm.s32 $0x3;
	[sflag:s2] =	ssyncpa.u1 $0x1  }
0x3f: {  	s31 =	simm.s32 $0x1;
	[sflag:s30] =	ssyncpa.u1 $0x1  }
0x40: {  	[sflag:s31] =	ssyncpa.u1 $0x1  }
0x41: {  	p0 =	sne.s32 s1, $0x0;
	_ =	strace $0x9000004D  }
0x42: {  	s0 =	sadd.s32 @!p0 $0x100000, s0;
	[bflag:$0x2] =	sbarrier.arrive $0xFFFF  }
0x43: {  	[sflag:s0] =	ssyncadd.tile.s32 @!p0 $0x1;
	_ =	shalt  }
.Lfunc_end2:
_tile_overlayer_lowered:
.L_overlay_start_2:
0x44: {  	(tag) =	ssettag $0x2  }
0x45: {  	s0 =	rddreg [dreg:$0x0];
	s2 =	stileid.u32  }
0x46: {  	s1 =	rddreg [dreg:$0x1];
	p0 =	sne.s32 s2, $0x0  }
0x47: {  	s3 =	rddreg [dreg:$0x2];
	[bflag:$0x3] =	sbarrier.arrive $0xFFFF;
	s2 =	simm.s32 @!p0 $0x1C01  }
0x48: {  	[timem:s3], [sflag:s2] =	dma.local @!p0 [hbm:s0], s1  }
0x49: {  	s0 =	simm.s32 @!p0 $0x1  }
0x4a: {  	_ =	swait.ge @!p0 [sflag:s0], s1  }
0x4b: {  	s1 =	ssub.s32 @!p0 $0x0, s1;
	[sflag:s0] =	ssyncset.done @!p0 $0x0  }
0x4c: {  	[sflag:s0] =	ssyncadd.s32 @!p0 s1  }
0x4d: {  	[bflag:$0x3] =	sbarrier.arrive $0xFFFF  }
0x4e: {  	_ =	shalt  }

// kernel: gather_offload_async_start
scs
__scs_entry_jumppad:
0x0: {  	(pc) =	sbr.rel $0x88, $3  }
0x1: {  	(tag) =	ssettag $0x0;
	lr =	simm.s32 $0x1  }
0x2: {  	[smem:$0x3F87] =	sst lr;
	_ =	strace $0xD0000000  }
0x3: {  	_ = 	snop  }
0x4: {  	_ = 	snop  }
0x5: {  	_ = 	snop  }
0x6: {  	_ = 	snop  }
0x7: {  	_ = 	snop  }
__scs_overlays_trampoline_lowered:
0x8: {  	[smem:$0x3F96] =	sst s0  }
0x9: {  	[smem:$0x3F97] =	sst s1  }
0xa: {  	[smem:$0x3F98] =	sst s2  }
0xb: {  	[smem:$0x3F99] =	sst s3  }
0xc: {  	[smem:$0x3F9A] =	sst s4  }
0xd: {  	[smem:$0x3F9B] =	sst s5  }
0xe: {  	[smem:$0x3F9C] =	sst s6  }
0xf: {  	[smem:$0x3F9D] =	sst s7  }
0x10: {  	[smem:$0x3F9E] =	sst s8  }
0x11: {  	[smem:$0x3F9F] =	sst s9;
	s0 =	simm.s32 @!p0 $0x0  }
0x12: {  	s1 =	sld [smem:$0x3F85];
	s0 =	simm.s32 @p0 $0x1  }
0x13: {  	[smem:$0x3FA0] =	sst s0;
	s0 =	simm.s32 @!p1 $0x0  }
0x14: {  	s2 =	sld [smem:$0x3F84];
	s0 =	simm.s32 @p1 $0x1  }
0x15: {  	[smem:$0x3FA1] =	sst s0;
	s0 =	simm.s32 @!p2 $0x0  }
0x16: {  	s3 =	sld [smem:$0x3FDB];
	s0 =	simm.s32 @p2 $0x1  }
0x17: {  	s4 =	simm.s32 $0x1BF5;
	[smem:$0x3FA3] =	sst s0  }
0x18: {  	s0 =	sld [smem:$0x3F86];
	_ =	swait.ge [sflag:s4], $0x0  }
0x19: {  	s7 =	sld [smem:$0x3F87]  }
0x1a: {  	s8 =	sadd.s32 $0xFFFFE003, lr  }
0x1b: {  	s9 =	sadd.s32 $0xFFFFFEF7, lr;
	s5 =	simm.s32 $0xFFFFFFFF;
	p2 =	slt.u32 s8, $0xFFFFF086  }
0x1c: {  	p1 =	slt.u32 s9, $0xF7A;
	s5 =	simm.s32 @!p2 $0x0  }
0x1d: {  	s5 =	simm.s32 @p1 $0x1;
	p0 =	seq.s32 s7, s2  }
0x1e: {  	s7 =	smul.u32 @!p0 $0xF7A, s2;
	p2 =	seq.s32 @!p0 s5, $0x0  }
0x1f: {  	s9 =	smul.u32 $0xF7A, s1;
	s8 =	simm.s32 @!p0 $0x1BF5;
	p2 =	por !p2, p0  }
0x20: {  	[sflag:s8] =	ssyncset.s32 @!p0 $0xFFFFF086;
	s6 =	sadd.s32 @!p0 s3, s7;
	s7 =	simm.s32 @!p0 $0x108  }
0x21: {  	s3 =	sadd.s32 s3, s9;
	s6 =	sadd.s32 @!p0 $0x88, s6;
	s7 =	simm.s32 @p2 $0x1082  }
0x22: {  	[simem:s7], [sflag:s8] =	dma.local @!p0 [hbm:s6], $0xF7A  }
0x23: {  	s9 =	sor.u32 $0xD0000000, s2;
	s6 =	simm.s32 $0x108;
	_ =	swait.ge @!p0 [sflag:s8], $0x0  }
0x24: {  	s3 =	sadd.s32 $0x88, s3;
	s6 =	simm.s32 @!p1 $0x1082;
	[sflag:s4] =	ssyncset.s32 $0xFFFFF086  }
0x25: {  	[simem:s6], [sflag:s4] =	dma.local [hbm:s3], $0xF7A  }
0x26: {  	[smem:$0x3F87] =	sst s1;
	(tag) =	ssettag s2;
	_ =	strace s9  }
0x27: {  	s1 =	sld [smem:$0x3F97]  }
0x28: {  	s2 =	sld [smem:$0x3F98]  }
0x29: {  	s4 =	sld [smem:$0x3F9A]  }
0x2a: {  	p0 =	seq.s32 s5, $0x0;
	s5 =	sld [smem:$0x3F9B]  }
0x2b: {  	s6 =	sld [smem:$0x3F9C]  }
0x2c: {  	s7 =	sld [smem:$0x3F9D]  }
0x2d: {  	s3 =	simm.s32 $0x108;
	s8 =	sld [smem:$0x3F9E]  }
0x2e: {  	s3 =	simm.s32 @!p0 $0x1082;
	s9 =	sld [smem:$0x3F9F]  }
0x2f: {  	lr =	sadd.s32 s0, s3;
	s0 =	sld [smem:$0x3F96]  }
0x30: {  	s3 =	sld [smem:$0x3F99]  }
0x31: {  	[smem:$0x3FA2] =	sst s10  }
0x32: {  	s10 =	sld [smem:$0x3FA0];
	_ =	sdelay $0x3  }
0x33: {  	p0 =	seq.s32 s10, $0x1;
	s10 =	sld [smem:$0x3FA2];
	_ =	sdelay $0x3  }
0x34: {  	[smem:$0x3FA2] =	sst s10  }
0x35: {  	s10 =	sld [smem:$0x3FA1];
	_ =	sdelay $0x3  }
0x36: {  	p1 =	seq.s32 s10, $0x1;
	s10 =	sld [smem:$0x3FA2];
	_ =	sdelay $0x3  }
0x37: {  	[smem:$0x3FA2] =	sst s10  }
0x38: {  	s10 =	sld [smem:$0x3FA3]  }
0x39: {  	_ = 	snop;
	(pc) =	sbr.ind lr, $3  }
0x3a: {  	_ = 	snop  }
0x3b: {  	_ = 	snop  }
0x3c: {  	p2 =	seq.s32 s10, $0x1;
	s10 =	sld [smem:$0x3FA2]  }
0x3d: {  	_ =	shalt  }
0x3e: {  	_ =	shalt  }
0x3f: {  	_ =	shalt  }
0x40: {  	_ =	shalt  }
0x41: {  	_ =	shalt  }
0x42: {  	_ =	shalt  }
0x43: {  	_ =	shalt  }
0x44: {  	_ =	shalt  }
0x45: {  	_ =	shalt  }
0x46: {  	_ =	shalt  }
0x47: {  	_ =	shalt  }
0x48: {  	_ =	shalt  }
0x49: {  	_ =	shalt  }
0x4a: {  	_ =	shalt  }
0x4b: {  	_ =	shalt  }
0x4c: {  	_ =	shalt  }
0x4d: {  	_ =	shalt  }
0x4e: {  	_ =	shalt  }
0x4f: {  	_ =	shalt  }
0x50: {  	_ =	shalt  }
0x51: {  	_ =	shalt  }
0x52: {  	_ =	shalt  }
0x53: {  	_ =	shalt  }
0x54: {  	_ =	shalt  }
0x55: {  	_ =	shalt  }
0x56: {  	_ =	shalt  }
0x57: {  	_ =	shalt  }
0x58: {  	_ =	shalt  }
0x59: {  	_ =	shalt  }
0x5a: {  	_ =	shalt  }
0x5b: {  	_ =	shalt  }
0x5c: {  	_ =	shalt  }
0x5d: {  	_ =	shalt  }
0x5e: {  	_ =	shalt  }
0x5f: {  	_ =	shalt  }
0x60: {  	_ =	shalt  }
0x61: {  	_ =	shalt  }
0x62: {  	_ =	shalt  }
0x63: {  	_ =	shalt  }
0x64: {  	_ =	shalt  }
0x65: {  	_ =	shalt  }
0x66: {  	_ =	shalt  }
0x67: {  	_ =	shalt  }
0x68: {  	_ =	shalt  }
0x69: {  	_ =	shalt  }
0x6a: {  	_ =	shalt  }
0x6b: {  	_ =	shalt  }
0x6c: {  	_ =	shalt  }
0x6d: {  	_ =	shalt  }
0x6e: {  	_ =	shalt  }
0x6f: {  	_ =	shalt  }
0x70: {  	_ =	shalt  }
0x71: {  	_ =	shalt  }
0x72: {  	_ =	shalt  }
0x73: {  	_ =	shalt  }
0x74: {  	_ =	shalt  }
0x75: {  	_ =	shalt  }
0x76: {  	_ =	shalt  }
0x77: {  	_ =	shalt  }
0x78: {  	_ =	shalt  }
0x79: {  	_ =	shalt  }
0x7a: {  	_ =	shalt  }
0x7b: {  	_ =	shalt  }
0x7c: {  	_ =	shalt  }
0x7d: {  	_ =	shalt  }
0x7e: {  	_ =	shalt  }
0x7f: {  	_ =	shalt  }
0x80: {  	_ =	shalt  }
0x81: {  	_ =	shalt  }
0x82: {  	_ =	shalt  }
0x83: {  	_ =	shalt  }
0x84: {  	_ =	shalt  }
0x85: {  	_ =	shalt  }
0x86: {  	_ =	shalt  }
0x87: {  	_ =	shalt  }
.Lfunc_end0:
.L_simem_size_0:
called_computation_lowered:
.L_overlay_start_0:
0x88: {  	s2 =	sld [smem:$0x3FD9]  }
0x89: {  	s3 =	sld [smem:$0x3FFE];
	_ =	sdelay $0x1  }
0x8a: {  	s1 =	srdreg.scid  }
0x8b: {  	s0 =	sand.u32 $0x1, s1  }
0x8c: {  	s17 =	sshll.u32 s0, $0xA;
	s2 =	sadd.s32 s3, s2  }
0x8d: {  	s2 =	sadd.s32 s2, s17  }
0x8e: {  	[smem:$0x3FAE] =	sst s2  }
0x8f: {  	_ = 	snop  }
0x90: {  	(tm) =	ssettm $0x1  }
0x91: {  	s18 =	sld [smem:$0x3FFB];
	_ =	sdelay $0x3  }
0x92: {  	_ =	strace s18  }
0x93: {  	s2 =	sld [smem:$0x3FFC];
	_ =	sdelay $0x3  }
0x94: {  	_ =	strace s2  }
0x95: {  	s2 =	sld [smem:$0x3FFD];
	_ =	sdelay $0x3  }
0x96: {  	_ =	strace s2  }
0x97: {  	_ =	strace $0x8FFFFFFF  }
0x98: {  	s19 =	sld [smem:$0x3FDB];
	_ =	sdelay $0x1  }
0x99: {  	s20 =	simm.s32 $_scs_section_size  }
0x9a: {  	s4 =	simm.s32 $_size__tile_overlayer_lowered;
	s5 =	simm.s32 $_tile_overlayer_lowered  }
0x9b: {  	s6 =	simm.s32 $0x1BFF;
	s21 =	sshll.u32 s5, $0x1;
	s3 =	sadd.s32 s20, s19  }
0x9c: {  	s22 =	simm.s32 $0x0;
	s4 =	sshll.u32 s4, $0x1;
	s5 =	sadd.s32 s21, s3  }
0x9d: {  	[timem:s22], [sflag:s6] =	dma.local [hbm:s5], s4  }
0x9e: {  	_ =	swait.ge [sflag:s6], s4  }
0x9f: {  	s4 =	ssub.s32 $0x0, s4;
	[sflag:s6] =	ssyncset.done $0x0  }
0xa0: {  	[sflag:s6] =	ssyncadd.s32 s4;
	_ =	sdelay $0x1  }
0xa1: {  	s23 =	simm.s32 $0x1B8B  }
0xa2: {  	_ =	swait.ge [sflag:s23], $0x1  }
0xa3: {  	[sflag:s23] =	ssyncset.done $0x0  }
0xa4: {  	[sflag:s23] =	ssyncadd.s32 $0xFFFFFFFF  }
0xa5: {  	s4 =	sld [smem:$0x0]  }
0xa6: {  	s5 =	sand.u32 $0xFFFFFFFE, s1  }
0xa7: {  	p0 =	sne.s32 s1, s5  }
0xa8: {  	s5 =	sshll.u32 @p0 s5, $0xE  }
0xa9: {  	s5 =	sadd.s32 @p0 $0x11B8D, s5;
	s6 =	sshll.u32 @p0 s4, $0x11  }
0xaa: {  	s5 =	sor.u32 @p0 s6, s5  }
0xab: {  	[sflag:s5] =	ssyncadd.remote.s32 @p0 $0x1;
	_ =	sdelay $0x1  }
0xac: {  	s5 =	simm.s32 @p0 $0x1B8D  }
0xad: {  	_ =	swait.eq @p0 [sflag:s5], $0x1  }
0xae: {  	[sflag:s5] =	ssyncadd.s32 @p0 $0xFFFFFFFF  }
0xaf: {  	s6 =	sshll.u32 @!p0 s1, $0xE  }
0xb0: {  	s6 =	sor.u32 @!p0 $0x4000, s6;
	s5 =	simm.s32 @!p0 $0x1B8D  }
0xb1: {  	s4 =	sshll.u32 @!p0 s4, $0x11;
	s6 =	sadd.s32 @!p0 $0x11B8D, s6;
	_ =	swait.eq @!p0 [sflag:s5], $0x1  }
0xb2: {  	s4 =	sor.u32 @!p0 s4, s6;
	[sflag:s5] =	ssyncadd.s32 @!p0 $0xFFFFFFFF  }
0xb3: {  	s25 =	simm.s32 $0x1B8E;
	s24 =	sld [smem:$0x3FFE];
	[sflag:s4] =	ssyncadd.remote.s32 @!p0 $0x1  }
0xb4: {  	s26 =	simm.s32 $execute0_lowered;
	[smem:$0x3FD2] =	sst s25  }
0xb5: {  	s5 =	sshll.u32 s26, $0x1;
	_ =	strace $0x80000049;
	[dreg:$0x1] =	wrdreg $0xFFFFFFFF  }
0xb6: {  	s28 =	simm.s32 $_size_execute0_lowered;
	s3 =	sadd.s32 s3, s5;
	[dreg:$0x0] =	wrdreg $0x0  }
0xb7: {  	s5 =	sshll.u32 s28, $0x1;
	[dreg:$0x2] =	wrdreg s3  }
0xb8: {  	[dreg:$0x3] =	wrdreg s5  }
0xb9: {  	[dreg:$0x4] =	wrdreg $0xC0  }
0xba: {  	_ =	task [dreg:s22], $0x5FFFF  }
0xbb: {  	[dreg:$0x1] =	wrdreg $0xFFFFFFFF  }
0xbc: {  	[dreg:$0x0] =	wrdreg $0x60  }
0xbd: {  	[dreg:$0x2] =	wrdreg s24  }
0xbe: {  	[dreg:$0x3] =	wrdreg $0x9  }
0xbf: {  	_ =	task.clear_ibuf [dreg:s22], $0x4FFFF;
	_ =	strace $0x90000049  }
0xc0: {  	s29 =	simm.s32 $0x9;
	_ =	strace $0x8000004B  }
0xc1: {  	_ =	swait.ge [sflag:s29], $0x1  }
0xc2: {  	[sflag:s29] =	ssyncadd.s32 $0xFFFFFFFF  }
0xc3: {  	_ =	strace $0x9000004B  }
0xc4: {  	_ =	sfence  }
0xc5: {  	s30 =	sld [smem:$0x0];
	_ =	sdelay $0x2  }
0xc6: {  	s31 =	sshll.u32 s1, $0xD;
	s1 =	sshrl.u32 s1, $0x2  }
0xc7: {  	s4 =	sand.u32 $0x4000, s31;
	s1 =	sadd.s32 s1, s30  }
0xc8: {  	s0 =	sor.u32 s4, s0;
	s1 =	sshll.u32 s1, $0x11  }
0xc9: {  	s0 =	sor.u32 s1, s0  }
0xca: {  	s0 =	sadd.s32 $0x8F2B, s0  }
0xcb: {  	[sflag:s0] =	ssyncadd.remote.s32 $0x1  }
0xcc: {  	_ =	sfence.sel $0xFFFF  }
0xcd: {  	[dreg:$0x0] =	wrdreg $0xFFFFFFFF;
	(pc) =	sbr.abs _section_cstart, $3  }
0xce: {  	[dreg:$0x1] =	wrdreg $0xFFFFFFFF  }
0xcf: {  	_ =	task.clear_ibuf [dreg:s22], $0x2FFFF;
	_ =	strace $0x9FFFFFFF  }
0xd0: {  	(tm) =	ssettm $0x7FFFFFFF  }
0xd1: {  	_ =	shalt  }
tec
execute0_lowered:
.L_overlay_start_1:
0x0: {  	(tag) =	ssettag $0x1  }
0x1: {  	s8 =	rddreg [dreg:$0x0]  }
0x2: {  	s0 =	rddreg [dreg:$0x1];
	_ =	strace $0x8000004A;
	s1 =	stileid.u32  }
0x3: {  	s3 =	srdreg.scid;
	s4 =	simm.s32 $0x1;
	s7 =	simm.s32 $0x1  }
0x4: {  	s9 =	simm.s32 $0x1;
	s10 =	simm.s32 $0x3;
	s13 =	simm.s32 $0x0  }
0x5: {  	s12 =	simm.s32 $0x0;
	s5 =	sand.u32 $0x1, s3;
	s6 =	sshll.u32 s1, $0x1  }
0x6: {  	s2 =	sadd.s32 $0xC400, s8;
	s3 =	sadd.s32 $0x16200, s8;
	s5 =	sor.u32 s6, s5  }
.Ltmp0:
0x7: {  	[sflag:s4] =	ssyncpa.u1 $0x0;
	p0 =	slt.u32 s5, $0x9;
	(pc) =	sbr.rel .LBB2_1-.Ltmp0, $4  }
0x8: {  	s6 =	simm.s32 $0x2;
	s7 =	simm.s32 @!p0 $0x0;
	p0 =	sne.s32 s5, $0x8  }
0x9: {  	[sflag:s6] =	ssyncpa.u1 $0x0;
	s5 =	smul.u32 $0x1F40, s5;
	s9 =	simm.s32 @!p0 $0x0  }
0xa: {  	s8 =	sadd.s32 $0x33C00, s8;
	[sflag:s10] =	ssyncpa.u1 $0x0;
	s7 =	sadd.s32 s9, s7  }
0xb: {  	vm0 =	vmmov $0xffff;
	s10 =	simm.s32 $0x0;
	s11 =	smov.u32 s5;
	s9 =	sadd.s32 $0x1, s7  }
.LBB2_4:
0xc: {  	v2 =	vnsel vm1, $0x0, v2  }
0xd: {  	vm1 =	vgt.s32 v0, $0x0;
	v2 =	vmin.u32 v2, $0x4E1FF  }
0xe: {  	v0 =	vnsel vm1, $0x0, v0  }
0xf: {  	v0 =	vmin.u32 v0, $0x4E1FF  }
0x10: {  	[tilespmem:s18], [sflag:$0x1] =	stream.indirect_vreg.gather [hbm4b:s2+s10], $0x1, v1, vm0, $0x4038;
	[tilespmem:$0x7D00] =	vst v63  }
0x11: {  	(ifvalue) =	ssetifvalue $0x7FFFFFFF  }
0x12: {  	[tilespmem:s15], [sflag:$0x1] =	stream.indirect_vreg.gather [hbm4b:s2+s10], $0x1, v2, vm0, $0x4038;
	[tilespmem:$0x7D00] =	vst v63  }
0x13: {  	s29 =	sadd.s32 $0x10, s15;
	(ifvalue) =	ssetifvalue $0x7FFFFFFF  }
0x14: {  	[tilespmem:s29], [sflag:$0x1] =	stream.indirect_vreg.gather [hbm4b:s2+s10], $0x1, v0, vm0, $0x4038;
	[tilespmem:$0x7D00] =	vst v63  }
0x15: {  	_ =	swait.ge [sflag:s4], $0x1F40  }
0x16: {  	s30 =	sshrl.u32 s13, $0x3;
	[sflag:s4] =	ssyncset.done $0x0  }
0x17: {  	s31 =	sand.u32 $0x7, s13;
	s15 =	sadd.s32 s8, s30;
	[sflag:s4] =	ssyncadd.s32 $0xFFFFE0C0  }
0x18: {  	[hbm4b:s15+s31] =	stream.linear.scatter [tilespmem:s14], [sflag:$0x3], $0x1F40, $0x38;
	[tilespmem:$0x7D00] =	vst v63  }
.LBB2_5:
0x19: {  	s15 =	sadd.s32 $0x3E800, s11  }
0x1a: {  	p1 =	sgt.s32 s15, $0x4E1FF  }
0x1b: {  	s15 =	smov.u32 @p1 s5;
	p1 =	sne.s32 s12, s9  }
.Ltmp1:
0x1c: {  	p0 =	slt.u32 s12, $0x2;
	(pc) =	sbr.rel @!p1 .LBB2_6-.Ltmp1, $4  }
0x1d: {  	s14 =	simm.s32 @!p0 $0x3  }
0x1e: {  	_ =	swait.ge @!p0 [sflag:s14], $0x1F40  }
0x1f: {  	s16 =	sadd.s32 $0x1, s12;
	s13 =	smov.u32 s11;
	[sflag:s14] =	ssyncset.done @!p0 $0x0  }
0x20: {  	s12 =	smov.u32 s16;
	s11 =	smov.u32 s15;
	[sflag:s14] =	ssyncadd.s32 @!p0 $0xFFFFE0C0  }
.LBB2_1:
0x21: {  	p0 =	sge.u32 s12, s7  }
0x22: {  	s14 =	sxor.u32 @!p0 $0x1, s12  }
0x23: {  	s14 =	smul.u32 @!p0 $0x7D00, s14  }
0x24: {  	s31 =	sadd.s32 $0xFFFFFFFF, s12;
	s15 =	sshrl.u32 @!p0 s11, $0x3  }
0x25: {  	s16 =	sand.u32 @!p0 $0x7, s11;
	s15 =	sadd.s32 @!p0 s3, s15;
	s14 =	sshra.s32 @!p0 s14, $0x2  }
0x26: {  	[tilespmem:s14], [sflag:$0x2] =	stream.linear.gather @!p0 [hbm4b:s15+s16], $0x1F40, $0x38;
	[tilespmem:$0x7D00] =	vst v63  }
0x27: {  	p0 =	sge.u32 s31, s7  }
.Ltmp2:
0x28: {  	_ = 	snop;
	(pc) =	sbr.rel @p0 .LBB2_5-.Ltmp2, $1  }
0x29: {  	_ =	sdelay $0x3  }
0x2a: {  	s14 =	sand.u32 $0x1, s12  }
0x2b: {  	_ =	swait.ge [sflag:s6], $0x1F40;
	p0 =	seq.s32 s14, $0x1;
	s14 =	simm.s32 $0x1F40  }
0x2c: {  	[sflag:s6] =	ssyncset.done $0x0;
	s14 =	simm.s32 @!p0 $0x0  }
0x2d: {  	[sflag:s6] =	ssyncadd.s32 $0xFFFFE0C0;
	(ifvalue) =	ssetifvalue $0x7FFFFFFF;
	v0 =	vld.msk [tilespmem:s14+$0x0 ss:$0x1], $0xffff;
	_ =	sdelay $0x4  }
0x2e: {  	s15 =	sadd.s32 $0x10, s14;
	vm1 =	vgt.s32 v0, $0x0  }
0x2f: {  	v2 =	vld.msk [tilespmem:s15+$0x0 ss:$0x1], $0xffff;
	v1 =	vnsel vm1, $0x0, v0  }
0x30: {  	v1 =	vmin.u32 v1, $0x4E1FF;
	_ =	sdelay $0x2  }
0x31: {  	s17 =	simm.s32 $0x20;
	s14 =	sadd.s32 $0x3E80, s14;
	s16 =	sadd.s32 $0x10, s15  }
0x32: {  	s15 =	sadd.s32 $0x10, s14;
	s18 =	smov.u32 s14;
	v0 =	vld.msk [tilespmem:s16+$0x0 ss:$0x1], $0xffff;
	vm1 =	vgt.s32 v2, $0x0;
	(ifvalue) =	ssetifvalue $0x7FFFFFFF  }
.LBB2_3:
0x33: {  	[tilespmem:s18], [sflag:$0x1] =	stream.indirect_vreg.gather [hbm4b:s2+s10], $0x1, v1, vm0, $0x4038;
	[tilespmem:$0x7D00] =	vst v63  }
0x34: {  	s17 =	sadd.s32 $0x10, s17  }
0x35: {  	v2 =	vnsel vm1, $0x0, v2;
	p0 =	slt.u32 s17, $0x1F30  }
.Ltmp3:
0x36: {  	s18 =	smov.u32 s15;
	v1 =	vmin.u32 v2, $0x4E1FF;
	(pc) =	sbr.rel @p0 .LBB2_3-.Ltmp3, $3  }
0x37: {  	_ =	sdelay $0x1  }
0x38: {  	s16 =	sadd.s32 $0x10, s16  }
0x39: {  	vm1 =	vgt.s32 v0, $0x0;
	s15 =	sadd.s32 $0x10, s15;
	v2 =	vmov v0;
	(ifvalue) =	ssetifvalue $0x7FFFFFFF;
	v0 =	vld.msk [tilespmem:s16+$0x0 ss:$0x1], $0xffff  }
.Ltmp4:
0x3a: {  	_ = 	snop;
	(pc) =	sbr.rel .LBB2_4-.Ltmp4, $1  }
0x3b: {  	_ =	sdelay $0x3  }
.LBB2_6:
0x3c: {  	_ =	sfence.sel $0x180000  }
0x3d: {  	s2 =	simm.s32 $0x2;
	[bflag:$0x0] =	sbarrier.arrive $0xFFFF  }
0x3e: {  	s30 =	simm.s32 $0x3;
	[sflag:s2] =	ssyncpa.u1 $0x1  }
0x3f: {  	s31 =	simm.s32 $0x1;
	[sflag:s30] =	ssyncpa.u1 $0x1  }
0x40: {  	[sflag:s31] =	ssyncpa.u1 $0x1  }
0x41: {  	p0 =	sne.s32 s1, $0x0;
	_ =	strace $0x9000004A  }
0x42: {  	s0 =	sadd.s32 @!p0 $0x100000, s0;
	[bflag:$0x2] =	sbarrier.arrive $0xFFFF  }
0x43: {  	[sflag:s0] =	ssyncadd.tile.s32 @!p0 $0x1;
	_ =	shalt  }
.Lfunc_end2:
_tile_overlayer_lowered:
.L_overlay_start_2:
0x44: {  	(tag) =	ssettag $0x2  }
0x45: {  	s0 =	rddreg [dreg:$0x0];
	s2 =	stileid.u32  }
0x46: {  	s1 =	rddreg [dreg:$0x1];
	p0 =	sne.s32 s2, $0x0  }
0x47: {  	s3 =	rddreg [dreg:$0x2];
	[bflag:$0x3] =	sbarrier.arrive $0xFFFF;
	s2 =	simm.s32 @!p0 $0x1C01  }
0x48: {  	[timem:s3], [sflag:s2] =	dma.local @!p0 [hbm:s0], s1  }
0x49: {  	s0 =	simm.s32 @!p0 $0x1  }
0x4a: {  	_ =	swait.ge @!p0 [sflag:s0], s1  }
0x4b: {  	s1 =	ssub.s32 @!p0 $0x0, s1;
	[sflag:s0] =	ssyncset.done @!p0 $0x0  }
0x4c: {  	[sflag:s0] =	ssyncadd.s32 @!p0 s1  }
0x4d: {  	[bflag:$0x3] =	sbarrier.arrive $0xFFFF  }
0x4e: {  	_ =	shalt  }

// kernel: kernel.12.cloned.1.call-start
scs
__scs_entry_jumppad:
0x0: {  	(pc) =	sbr.rel $0x88, $3  }
0x1: {  	(tag) =	ssettag $0x0;
	lr =	simm.s32 $0x1  }
0x2: {  	[smem:$0x3F87] =	sst lr;
	_ =	strace $0xD0000000  }
0x3: {  	_ = 	snop  }
0x4: {  	_ = 	snop  }
0x5: {  	_ = 	snop  }
0x6: {  	_ = 	snop  }
0x7: {  	_ = 	snop  }
__scs_overlays_trampoline_lowered:
0x8: {  	[smem:$0x3F96] =	sst s0  }
0x9: {  	[smem:$0x3F97] =	sst s1  }
0xa: {  	[smem:$0x3F98] =	sst s2  }
0xb: {  	[smem:$0x3F99] =	sst s3  }
0xc: {  	[smem:$0x3F9A] =	sst s4  }
0xd: {  	[smem:$0x3F9B] =	sst s5  }
0xe: {  	[smem:$0x3F9C] =	sst s6  }
0xf: {  	[smem:$0x3F9D] =	sst s7  }
0x10: {  	[smem:$0x3F9E] =	sst s8  }
0x11: {  	[smem:$0x3F9F] =	sst s9;
	s0 =	simm.s32 @!p0 $0x0  }
0x12: {  	s1 =	sld [smem:$0x3F85];
	s0 =	simm.s32 @p0 $0x1  }
0x13: {  	[smem:$0x3FA0] =	sst s0;
	s0 =	simm.s32 @!p1 $0x0  }
0x14: {  	s2 =	sld [smem:$0x3F84];
	s0 =	simm.s32 @p1 $0x1  }
0x15: {  	[smem:$0x3FA1] =	sst s0;
	s0 =	simm.s32 @!p2 $0x0  }
0x16: {  	s3 =	sld [smem:$0x3FDB];
	s0 =	simm.s32 @p2 $0x1  }
0x17: {  	s4 =	simm.s32 $0x1BF5;
	[smem:$0x3FA3] =	sst s0  }
0x18: {  	s0 =	sld [smem:$0x3F86];
	_ =	swait.ge [sflag:s4], $0x0  }
0x19: {  	s7 =	sld [smem:$0x3F87]  }
0x1a: {  	s8 =	sadd.s32 $0xFFFFE003, lr  }
0x1b: {  	s9 =	sadd.s32 $0xFFFFFEF7, lr;
	s5 =	simm.s32 $0xFFFFFFFF;
	p2 =	slt.u32 s8, $0xFFFFF086  }
0x1c: {  	p1 =	slt.u32 s9, $0xF7A;
	s5 =	simm.s32 @!p2 $0x0  }
0x1d: {  	s5 =	simm.s32 @p1 $0x1;
	p0 =	seq.s32 s7, s2  }
0x1e: {  	s7 =	smul.u32 @!p0 $0xF7A, s2;
	p2 =	seq.s32 @!p0 s5, $0x0  }
0x1f: {  	s9 =	smul.u32 $0xF7A, s1;
	s8 =	simm.s32 @!p0 $0x1BF5;
	p2 =	por !p2, p0  }
0x20: {  	[sflag:s8] =	ssyncset.s32 @!p0 $0xFFFFF086;
	s6 =	sadd.s32 @!p0 s3, s7;
	s7 =	simm.s32 @!p0 $0x108  }
0x21: {  	s3 =	sadd.s32 s3, s9;
	s6 =	sadd.s32 @!p0 $0x88, s6;
	s7 =	simm.s32 @p2 $0x1082  }
0x22: {  	[simem:s7], [sflag:s8] =	dma.local @!p0 [hbm:s6], $0xF7A  }
0x23: {  	s9 =	sor.u32 $0xD0000000, s2;
	s6 =	simm.s32 $0x108;
	_ =	swait.ge @!p0 [sflag:s8], $0x0  }
0x24: {  	s3 =	sadd.s32 $0x88, s3;
	s6 =	simm.s32 @!p1 $0x1082;
	[sflag:s4] =	ssyncset.s32 $0xFFFFF086  }
0x25: {  	[simem:s6], [sflag:s4] =	dma.local [hbm:s3], $0xF7A  }
0x26: {  	[smem:$0x3F87] =	sst s1;
	(tag) =	ssettag s2;
	_ =	strace s9  }
0x27: {  	s1 =	sld [smem:$0x3F97]  }
0x28: {  	s2 =	sld [smem:$0x3F98]  }
0x29: {  	s4 =	sld [smem:$0x3F9A]  }
0x2a: {  	p0 =	seq.s32 s5, $0x0;
	s5 =	sld [smem:$0x3F9B]  }
0x2b: {  	s6 =	sld [smem:$0x3F9C]  }
0x2c: {  	s7 =	sld [smem:$0x3F9D]  }
0x2d: {  	s3 =	simm.s32 $0x108;
	s8 =	sld [smem:$0x3F9E]  }
0x2e: {  	s3 =	simm.s32 @!p0 $0x1082;
	s9 =	sld [smem:$0x3F9F]  }
0x2f: {  	lr =	sadd.s32 s0, s3;
	s0 =	sld [smem:$0x3F96]  }
0x30: {  	s3 =	sld [smem:$0x3F99]  }
0x31: {  	[smem:$0x3FA2] =	sst s10  }
0x32: {  	s10 =	sld [smem:$0x3FA0];
	_ =	sdelay $0x3  }
0x33: {  	p0 =	seq.s32 s10, $0x1;
	s10 =	sld [smem:$0x3FA2];
	_ =	sdelay $0x3  }
0x34: {  	[smem:$0x3FA2] =	sst s10  }
0x35: {  	s10 =	sld [smem:$0x3FA1];
	_ =	sdelay $0x3  }
0x36: {  	p1 =	seq.s32 s10, $0x1;
	s10 =	sld [smem:$0x3FA2];
	_ =	sdelay $0x3  }
0x37: {  	[smem:$0x3FA2] =	sst s10  }
0x38: {  	s10 =	sld [smem:$0x3FA3]  }
0x39: {  	_ = 	snop;
	(pc) =	sbr.ind lr, $3  }
0x3a: {  	_ = 	snop  }
0x3b: {  	_ = 	snop  }
0x3c: {  	p2 =	seq.s32 s10, $0x1;
	s10 =	sld [smem:$0x3FA2]  }
0x3d: {  	_ =	shalt  }
0x3e: {  	_ =	shalt  }
0x3f: {  	_ =	shalt  }
0x40: {  	_ =	shalt  }
0x41: {  	_ =	shalt  }
0x42: {  	_ =	shalt  }
0x43: {  	_ =	shalt  }
0x44: {  	_ =	shalt  }
0x45: {  	_ =	shalt  }
0x46: {  	_ =	shalt  }
0x47: {  	_ =	shalt  }
0x48: {  	_ =	shalt  }
0x49: {  	_ =	shalt  }
0x4a: {  	_ =	shalt  }
0x4b: {  	_ =	shalt  }
0x4c: {  	_ =	shalt  }
0x4d: {  	_ =	shalt  }
0x4e: {  	_ =	shalt  }
0x4f: {  	_ =	shalt  }
0x50: {  	_ =	shalt  }
0x51: {  	_ =	shalt  }
0x52: {  	_ =	shalt  }
0x53: {  	_ =	shalt  }
0x54: {  	_ =	shalt  }
0x55: {  	_ =	shalt  }
0x56: {  	_ =	shalt  }
0x57: {  	_ =	shalt  }
0x58: {  	_ =	shalt  }
0x59: {  	_ =	shalt  }
0x5a: {  	_ =	shalt  }
0x5b: {  	_ =	shalt  }
0x5c: {  	_ =	shalt  }
0x5d: {  	_ =	shalt  }
0x5e: {  	_ =	shalt  }
0x5f: {  	_ =	shalt  }
0x60: {  	_ =	shalt  }
0x61: {  	_ =	shalt  }
0x62: {  	_ =	shalt  }
0x63: {  	_ =	shalt  }
0x64: {  	_ =	shalt  }
0x65: {  	_ =	shalt  }
0x66: {  	_ =	shalt  }
0x67: {  	_ =	shalt  }
0x68: {  	_ =	shalt  }
0x69: {  	_ =	shalt  }
0x6a: {  	_ =	shalt  }
0x6b: {  	_ =	shalt  }
0x6c: {  	_ =	shalt  }
0x6d: {  	_ =	shalt  }
0x6e: {  	_ =	shalt  }
0x6f: {  	_ =	shalt  }
0x70: {  	_ =	shalt  }
0x71: {  	_ =	shalt  }
0x72: {  	_ =	shalt  }
0x73: {  	_ =	shalt  }
0x74: {  	_ =	shalt  }
0x75: {  	_ =	shalt  }
0x76: {  	_ =	shalt  }
0x77: {  	_ =	shalt  }
0x78: {  	_ =	shalt  }
0x79: {  	_ =	shalt  }
0x7a: {  	_ =	shalt  }
0x7b: {  	_ =	shalt  }
0x7c: {  	_ =	shalt  }
0x7d: {  	_ =	shalt  }
0x7e: {  	_ =	shalt  }
0x7f: {  	_ =	shalt  }
0x80: {  	_ =	shalt  }
0x81: {  	_ =	shalt  }
0x82: {  	_ =	shalt  }
0x83: {  	_ =	shalt  }
0x84: {  	_ =	shalt  }
0x85: {  	_ =	shalt  }
0x86: {  	_ =	shalt  }
0x87: {  	_ =	shalt  }
.Lfunc_end0:
.L_simem_size_0:
called_computation.4_lowered:
.L_overlay_start_0:
0x88: {  	s2 =	sld [smem:$0x3FD9]  }
0x89: {  	s3 =	sld [smem:$0x3FFE];
	_ =	sdelay $0x1  }
0x8a: {  	s1 =	srdreg.scid  }
0x8b: {  	s0 =	sand.u32 $0x1, s1  }
0x8c: {  	s16 =	sshll.u32 s0, $0xA;
	s2 =	sadd.s32 s3, s2  }
0x8d: {  	s2 =	sadd.s32 s2, s16  }
0x8e: {  	[smem:$0x3FAE] =	sst s2  }
0x8f: {  	_ = 	snop  }
0x90: {  	(tm) =	ssettm $0x1  }
0x91: {  	s17 =	sld [smem:$0x3FFB];
	_ =	sdelay $0x3  }
0x92: {  	_ =	strace s17  }
0x93: {  	s2 =	sld [smem:$0x3FFC];
	_ =	sdelay $0x3  }
0x94: {  	_ =	strace s2  }
0x95: {  	s2 =	sld [smem:$0x3FFD];
	_ =	sdelay $0x3  }
0x96: {  	_ =	strace s2  }
0x97: {  	_ =	strace $0x8FFFFFFF  }
0x98: {  	s18 =	sld [smem:$0x3FDB];
	_ =	sdelay $0x1  }
0x99: {  	s19 =	simm.s32 $_scs_section_size  }
0x9a: {  	s4 =	simm.s32 $_size__tile_overlayer_lowered;
	s5 =	simm.s32 $_tile_overlayer_lowered  }
0x9b: {  	s22 =	simm.s32 $0x1BFF;
	s21 =	sshll.u32 s5, $0x1;
	s2 =	sadd.s32 s19, s18  }
0x9c: {  	s6 =	simm.s32 $0x0;
	s20 =	sshll.u32 s4, $0x1;
	s4 =	sadd.s32 s21, s2  }
0x9d: {  	[timem:s6], [sflag:s22] =	dma.local [hbm:s4], s20  }
0x9e: {  	_ =	swait.ge [sflag:s22], s20  }
0x9f: {  	s3 =	ssub.s32 $0x0, s20;
	[sflag:s22] =	ssyncset.done $0x0  }
0xa0: {  	[sflag:s22] =	ssyncadd.s32 s3;
	_ =	sdelay $0x1  }
0xa1: {  	s23 =	simm.s32 $0x1B8B  }
0xa2: {  	_ =	swait.ge [sflag:s23], $0x1  }
0xa3: {  	[sflag:s23] =	ssyncset.done $0x0  }
0xa4: {  	s25 =	simm.s32 $0x1B8E;
	s24 =	sld [smem:$0x3FFE];
	[sflag:s23] =	ssyncadd.s32 $0xFFFFFFFF  }
0xa5: {  	s26 =	simm.s32 $execute0_lowered;
	[smem:$0x3FD2] =	sst s25  }
0xa6: {  	s4 =	sshll.u32 s26, $0x1;
	_ =	strace $0x80000052;
	[dreg:$0x1] =	wrdreg $0xFFFFFFFF  }
0xa7: {  	s28 =	simm.s32 $_size_execute0_lowered;
	s2 =	sadd.s32 s2, s4;
	[dreg:$0x0] =	wrdreg $0x0  }
0xa8: {  	s4 =	sshll.u32 s28, $0x1;
	[dreg:$0x2] =	wrdreg s2  }
0xa9: {  	[dreg:$0x3] =	wrdreg s4  }
0xaa: {  	[dreg:$0x4] =	wrdreg $0xC0  }
0xab: {  	_ =	task [dreg:s6], $0x5FFFF  }
0xac: {  	[dreg:$0x1] =	wrdreg $0xFFFFFFFF  }
0xad: {  	[dreg:$0x0] =	wrdreg $0x60  }
0xae: {  	[dreg:$0x2] =	wrdreg s24  }
0xaf: {  	[dreg:$0x3] =	wrdreg $0x0  }
0xb0: {  	[dreg:$0x4] =	wrdreg $0x9  }
0xb1: {  	_ =	task.clear_ibuf [dreg:s6], $0x5FFFF;
	_ =	strace $0x90000052  }
0xb2: {  	s29 =	simm.s32 $0x9;
	_ =	strace $0x80000054  }
0xb3: {  	_ =	swait.ge [sflag:s29], $0x1  }
0xb4: {  	[sflag:s29] =	ssyncadd.s32 $0xFFFFFFFF  }
0xb5: {  	_ =	strace $0x90000054  }
0xb6: {  	_ =	sfence  }
0xb7: {  	s30 =	sld [smem:$0x0];
	_ =	sdelay $0x2  }
0xb8: {  	s31 =	sshll.u32 s1, $0xD;
	s1 =	sshrl.u32 s1, $0x2  }
0xb9: {  	s3 =	sand.u32 $0x4000, s31;
	s1 =	sadd.s32 s1, s30  }
0xba: {  	s0 =	sor.u32 s3, s0;
	s1 =	sshll.u32 s1, $0x11  }
0xbb: {  	s0 =	sor.u32 s1, s0  }
0xbc: {  	s0 =	sadd.s32 $0x8F2B, s0  }
0xbd: {  	[sflag:s0] =	ssyncadd.remote.s32 $0x1  }
0xbe: {  	_ =	sfence.sel $0xFFFF  }
0xbf: {  	[dreg:$0x0] =	wrdreg $0xFFFFFFFF;
	(pc) =	sbr.abs _section_cstart, $3  }
0xc0: {  	[dreg:$0x1] =	wrdreg $0xFFFFFFFF  }
0xc1: {  	_ =	task.clear_ibuf [dreg:s6], $0x2FFFF;
	_ =	strace $0x9FFFFFFF  }
0xc2: {  	(tm) =	ssettm $0x7FFFFFFF  }
0xc3: {  	_ =	shalt  }
tec
execute0_lowered:
.L_overlay_start_1:
0x0: {  	(tag) =	ssettag $0x1  }
0x1: {  	s6 =	rddreg [dreg:$0x0]  }
0x2: {  	s2 =	rddreg [dreg:$0x1]  }
0x3: {  	s0 =	srdreg.scid;
	s1 =	rddreg [dreg:$0x2];
	s3 =	simm.s32 $0x0  }
0x4: {  	s13 =	simm.s32 $0x16200;
	s14 =	simm.s32 $0x2;
	s15 =	simm.s32 $0x13880  }
0x5: {  	s16 =	simm.s32 $0x13900;
	s17 =	simm.s32 $0x13980;
	s18 =	simm.s32 $0x50  }
0x6: {  	s19 =	simm.s32 $0x13A00;
	s7 =	sand.u32 $0x1, s0;
	s0 =	stileid.u32  }
0x7: {  	s20 =	simm.s32 $0x1;
	[smem:$0x7FF] =	sst s3;
	s8 =	smul.u32 $0x27100, s7  }
0x8: {  	s21 =	simm.s32 $0x0;
	s4 =	smul.u32 $0x2710, s0;
	_ =	strace $0x80000053  }
0x9: {  	s7 =	ssub.s32 $0x2, s7;
	s30 =	smul.u32 $0x19000, s0;
	s31 =	ssub.s32 $0x41, s0  }
0xa: {  	s12 =	smul.u32 $0xC80, s0;
	s29 =	sshrl.u32 s7, $0x1;
	s5 =	sadd.s32 s4, s8  }
0xb: {  	s4 =	sadd.s32 $0x47800, s6;
	s10 =	sadd.s32 s8, s6;
	s7 =	ssub.s32 s7, s29  }
0xc: {  	s8 =	sshrl.u32 s30, $0x2;
	s9 =	sshrl.u32 s5, $0x3;
	s5 =	sadd.s32 $0x6EA00, s6  }
0xd: {  	s7 =	smax.u32 s7, $0x1;
	s8 =	sadd.s32 s8, s2;
	s12 =	sadd.s32 s12, s10  }
0xe: {  	s11 =	sadd.s32 s9, s6;
	s6 =	sshrl.u32 s31, $0x4;
	s12 =	sadd.s32 $0x6F200, s12  }
0xf: {  	v0 =	vimm.f32 $0.0e+00;
	s9 =	sadd.s32 $0x3DA00, s11;
	s10 =	sadd.s32 $0x33C00, s11;
	s11 =	sadd.s32 $0x20000, s11  }
.LBB2_1:
0x10: {  	s22 =	simm.s32 $0x0;
	s23 =	simm.s32 $0x200  }
.LBB2_2:
0x11: {  	p0 =	sne.s32 s23, $0x18E00;
	[tilespmem:s22+$0x16270] =	vst v0  }
0x12: {  	[tilespmem:s22+$0x16200] =	vst v0  }
0x13: {  	[tilespmem:s22+$0x16210] =	vst v0  }
.Ltmp0:
0x14: {  	[tilespmem:s22+$0x16220] =	vst v0;
	(pc) =	sbr.rel @p0 .LBB2_2-.Ltmp0, $4  }
0x15: {  	[tilespmem:s22+$0x16230] =	vst v0  }
0x16: {  	[tilespmem:s22+$0x16240] =	vst v0  }
0x17: {  	[tilespmem:s22+$0x16250] =	vst v0  }
0x18: {  	[tilespmem:s22+$0x16260] =	vst v0;
	s22 =	sshra.s32 s23, $0x2;
	s23 =	sadd.s32 $0x200, s23  }
0x19: {  	[tilespmem:s22+$0x16270] =	vst v0  }
0x1a: {  	[tilespmem:s22+$0x16200] =	vst v0  }
0x1b: {  	[tilespmem:s22+$0x16210] =	vst v0  }
0x1c: {  	[tilespmem:s22+$0x16220] =	vst v0  }
0x1d: {  	[tilespmem:s22+$0x16230] =	vst v0  }
0x1e: {  	[tilespmem:s22+$0x16240] =	vst v0;
	p0 =	sne.s32 s6, $0x1  }
.Ltmp1:
0x1f: {  	[tilespmem:s22+$0x16250] =	vst v0;
	(pc) =	sbr.rel @!p0 .LBB2_5-.Ltmp1, $4  }
0x20: {  	[tilespmem:s22+$0x16260] =	vst v0  }
0x21: {  	[spmem:s8] =	stream.linear.scatter [tilespmem:s13], [sflag:$0x2], $0x6400, $0x38;
	[tilespmem:$0x1C600] =	vst v63  }
0x22: {  	_ =	swait.ge [sflag:s14], $0x6400  }
0x23: {  	s22 =	sadd.s32 $0xFFFFFFFF, s6;
	s23 =	smov.u32 s8;
	[sflag:s14] =	ssyncset.done $0x0  }
.LBB2_4:
0x24: {  	p1 =	sne.s32 s22, $0x1;
	[sflag:s14] =	ssyncadd.s32 $0xFFFF9C00;
	s23 =	sadd.s32 $0x64000, s23  }
.Ltmp2:
0x25: {  	s22 =	sadd.s32 $0xFFFFFFFF, s22;
	(pc) =	sbr.rel @p1 .LBB2_4-.Ltmp2, $4  }
0x26: {  	_ = 	snop  }
0x27: {  	[spmem:s23] =	stream.linear.scatter [tilespmem:s13], [sflag:$0x2], $0x6400, $0x38;
	[tilespmem:$0x1C600] =	vst v63  }
0x28: {  	_ =	swait.ge [sflag:s14], $0x6400  }
0x29: {  	[sflag:s14] =	ssyncset.done $0x0  }
.LBB2_5:
0x2a: {  	[sflag:s14] =	ssyncadd.s32 $0xFFFF9C00  }
0x2b: {  	s22 =	sadd.s32 $0x0, s11;
	[bflag:$0x0] =	sbarrier.arrive $0xFFFF  }
0x2c: {  	[tilespmem:s15], [sflag:$0x2] =	stream.linear.gather [hbm4b:s22+s3], $0x50, $0x38;
	[tilespmem:$0x1C600] =	vst v63  }
0x2d: {  	_ =	swait.ge [sflag:s14], $0x50  }
0x2e: {  	[sflag:s14] =	ssyncset.done $0x0  }
0x2f: {  	s30 =	sadd.s32 $0x0, s10;
	[sflag:s14] =	ssyncadd.s32 $0xFFFFFFB0  }
0x30: {  	[tilespmem:s16], [sflag:$0x2] =	stream.linear.gather [hbm4b:s30+s3], $0x50, $0x38;
	[tilespmem:$0x1C600] =	vst v63  }
0x31: {  	_ =	swait.ge [sflag:s14], $0x50  }
0x32: {  	[sflag:s14] =	ssyncset.done $0x0  }
0x33: {  	s31 =	sadd.s32 $0x0, s9;
	[sflag:s14] =	ssyncadd.s32 $0xFFFFFFB0  }
0x34: {  	[tilespmem:s17], [sflag:$0x2] =	stream.linear.gather [hbm4b:s31+s3], $0x50, $0x38;
	[tilespmem:$0x1C600] =	vst v63  }
0x35: {  	_ =	swait.ge [sflag:s14], $0x50  }
0x36: {  	[sflag:s14] =	ssyncset.done $0x0  }
0x37: {  	[sflag:s14] =	ssyncadd.s32 $0xFFFFFFB0  }
0x38: {  	[tilespmem:s19], [sflag:$0x1] =	stream.indirect.gather [hbm4b:s5+s18], $0x80, s17, s18, $0xb8;
	[tilespmem:$0x1C600] =	vst v63  }
0x39: {  	_ =	swait.ge [sflag:s20], $0x2800  }
0x3a: {  	[sflag:s20] =	ssyncset.done $0x0  }
0x3b: {  	[sflag:s20] =	ssyncadd.s32 $0xFFFFD800  }
0x3c: {  	[tilespmem:s19], [sflag:$0x1] =	stream.indirect.gather.add.f32 [hbm:s4], $0x80, s15, s18, $0xb8;
	[tilespmem:$0x1C600] =	vst v63  }
0x3d: {  	_ =	swait.ge [sflag:s20], $0x2800  }
0x3e: {  	[sflag:s20] =	ssyncset.done $0x0  }
0x3f: {  	[sflag:s20] =	ssyncadd.s32 $0xFFFFD800  }
0x40: {  	[spmem:s2] =	stream.indirect.scatter.add.f32 [tilespmem:s19], [sflag:$0x2], $0x80, s16, s18, $0xb8;
	[tilespmem:$0x1C600] =	vst v63  }
0x41: {  	_ =	swait.ge [sflag:s14], $0x2800  }
0x42: {  	s23 =	simm.s32 $0x14;
	s22 =	simm.s32 $0xA;
	[sflag:s14] =	ssyncset.done $0x0  }
.LBB2_6:
0x43: {  	s24 =	sadd.s32 s22, s11  }
0x44: {  	[sflag:s14] =	ssyncadd.s32 $0xFFFFD800;
	s25 =	smov.u32 s23;
	s26 =	sadd.s32 $0xA, s23  }
0x45: {  	[tilespmem:s15], [sflag:$0x2] =	stream.linear.gather [hbm4b:s24+s3], $0x50, $0x38;
	[tilespmem:$0x1C600] =	vst v63  }
0x46: {  	p1 =	sne.s32 s23, $0x4D8;
	_ =	swait.ge [sflag:s14], $0x50  }
0x47: {  	[sflag:s14] =	ssyncset.done $0x0  }
0x48: {  	s23 =	sadd.s32 s22, s10;
	[sflag:s14] =	ssyncadd.s32 $0xFFFFFFB0  }
0x49: {  	[tilespmem:s16], [sflag:$0x2] =	stream.linear.gather [hbm4b:s23+s3], $0x50, $0x38;
	[tilespmem:$0x1C600] =	vst v63  }
0x4a: {  	_ =	swait.ge [sflag:s14], $0x50  }
0x4b: {  	[sflag:s14] =	ssyncset.done $0x0  }
0x4c: {  	s23 =	sadd.s32 s22, s9;
	s22 =	smov.u32 s25;
	[sflag:s14] =	ssyncadd.s32 $0xFFFFFFB0  }
0x4d: {  	[tilespmem:s17], [sflag:$0x2] =	stream.linear.gather [hbm4b:s23+s3], $0x50, $0x38;
	[tilespmem:$0x1C600] =	vst v63  }
0x4e: {  	_ =	swait.ge [sflag:s14], $0x50  }
0x4f: {  	[sflag:s14] =	ssyncset.done $0x0  }
0x50: {  	[sflag:s14] =	ssyncadd.s32 $0xFFFFFFB0  }
0x51: {  	[tilespmem:s19], [sflag:$0x1] =	stream.indirect.gather [hbm4b:s5+s18], $0x80, s17, s18, $0xb8;
	[tilespmem:$0x1C600] =	vst v63  }
0x52: {  	_ =	swait.ge [sflag:s20], $0x2800  }
0x53: {  	[sflag:s20] =	ssyncset.done $0x0  }
0x54: {  	[sflag:s20] =	ssyncadd.s32 $0xFFFFD800  }
0x55: {  	[tilespmem:s19], [sflag:$0x1] =	stream.indirect.gather.add.f32 [hbm:s4], $0x80, s15, s18, $0xb8;
	[tilespmem:$0x1C600] =	vst v63  }
0x56: {  	_ =	swait.ge [sflag:s20], $0x2800  }
.Ltmp3:
0x57: {  	[sflag:s20] =	ssyncset.done $0x0;
	(pc) =	sbr.rel @p1 .LBB2_6-.Ltmp3, $4  }
0x58: {  	[sflag:s20] =	ssyncadd.s32 $0xFFFFD800  }
0x59: {  	[spmem:s2] =	stream.indirect.scatter.add.f32 [tilespmem:s19], [sflag:$0x2], $0x80, s16, s18, $0xb8;
	[tilespmem:$0x1C600] =	vst v63  }
0x5a: {  	_ =	swait.ge [sflag:s14], $0x2800  }
0x5b: {  	s23 =	smov.u32 s26;
	[sflag:s14] =	ssyncset.done $0x0  }
0x5c: {  	s23 =	sadd.s32 s22, s11;
	[sflag:s14] =	ssyncadd.s32 $0xFFFFD800  }
0x5d: {  	[tilespmem:s15], [sflag:$0x2] =	stream.linear.gather [hbm4b:s23+s3], $0x50, $0x38;
	[tilespmem:$0x1C600] =	vst v63  }
0x5e: {  	_ =	swait.ge [sflag:s14], $0x50  }
0x5f: {  	[sflag:s14] =	ssyncset.done $0x0  }
0x60: {  	s30 =	sadd.s32 s22, s10;
	[sflag:s14] =	ssyncadd.s32 $0xFFFFFFB0  }
0x61: {  	[tilespmem:s16], [sflag:$0x2] =	stream.linear.gather [hbm4b:s30+s3], $0x50, $0x38;
	[tilespmem:$0x1C600] =	vst v63  }
0x62: {  	_ =	swait.ge [sflag:s14], $0x50  }
0x63: {  	[sflag:s14] =	ssyncset.done $0x0  }
0x64: {  	s31 =	sadd.s32 s22, s9;
	[sflag:s14] =	ssyncadd.s32 $0xFFFFFFB0  }
0x65: {  	[tilespmem:s17], [sflag:$0x2] =	stream.linear.gather [hbm4b:s31+s3], $0x50, $0x38;
	[tilespmem:$0x1C600] =	vst v63  }
0x66: {  	_ =	swait.ge [sflag:s14], $0x50  }
0x67: {  	[sflag:s14] =	ssyncset.done $0x0  }
0x68: {  	[sflag:s14] =	ssyncadd.s32 $0xFFFFFFB0  }
0x69: {  	[tilespmem:s19], [sflag:$0x1] =	stream.indirect.gather [hbm4b:s5+s18], $0x80, s17, s18, $0xb8;
	[tilespmem:$0x1C600] =	vst v63  }
0x6a: {  	_ =	swait.ge [sflag:s20], $0x2800  }
0x6b: {  	[sflag:s20] =	ssyncset.done $0x0  }
0x6c: {  	[sflag:s20] =	ssyncadd.s32 $0xFFFFD800  }
0x6d: {  	[tilespmem:s19], [sflag:$0x1] =	stream.indirect.gather.add.f32 [hbm:s4], $0x80, s15, s18, $0xb8;
	[tilespmem:$0x1C600] =	vst v63  }
0x6e: {  	_ =	swait.ge [sflag:s20], $0x2800  }
0x6f: {  	[sflag:s20] =	ssyncset.done $0x0  }
0x70: {  	[sflag:s20] =	ssyncadd.s32 $0xFFFFD800  }
0x71: {  	[spmem:s2] =	stream.indirect.scatter.add.f32 [tilespmem:s19], [sflag:$0x2], $0x80, s16, s18, $0xb8;
	[tilespmem:$0x1C600] =	vst v63  }
0x72: {  	_ =	swait.ge [sflag:s14], $0x2800  }
0x73: {  	[sflag:s14] =	ssyncset.done $0x0  }
0x74: {  	[sflag:s14] =	ssyncadd.s32 $0xFFFFD800  }
0x75: {  	[bflag:$0x0] =	sbarrier.arrive $0xFFFF  }
0x76: {  	[tilespmem:s13], [sflag:$0x2] =	stream.linear.gather [spmem:s8], $0x6400, $0x38;
	[tilespmem:$0x1C600] =	vst v63  }
0x77: {  	_ =	swait.ge [sflag:s14], $0x6400  }
.Ltmp4:
0x78: {  	[sflag:s14] =	ssyncset.done $0x0;
	(pc) =	sbr.rel @!p0 .LBB2_9-.Ltmp4, $4  }
0x79: {  	[sflag:s14] =	ssyncadd.s32 $0xFFFF9C00  }
0x7a: {  	[hbm4b:s12+s3] =	stream.linear.scatter [tilespmem:s13], [sflag:$0x2], $0x6400, $0x38;
	[tilespmem:$0x1C600] =	vst v63  }
0x7b: {  	s22 =	sadd.s32 $0xFFFFFFFF, s6;
	_ =	swait.ge [sflag:s14], $0x6400  }
0x7c: {  	s24 =	smov.u32 s12;
	s23 =	smov.u32 s8;
	[sflag:s14] =	ssyncset.done $0x0  }
.LBB2_8:
0x7d: {  	[sflag:s14] =	ssyncadd.s32 $0xFFFF9C00;
	s23 =	sadd.s32 $0x64000, s23;
	s24 =	sadd.s32 $0xC800, s24  }
0x7e: {  	[tilespmem:s13], [sflag:$0x2] =	stream.linear.gather [spmem:s23], $0x6400, $0x38;
	[tilespmem:$0x1C600] =	vst v63  }
0x7f: {  	p0 =	sne.s32 s22, $0x1;
	s22 =	sadd.s32 $0xFFFFFFFF, s22;
	_ =	swait.ge [sflag:s14], $0x6400  }
.Ltmp5:
0x80: {  	[sflag:s14] =	ssyncset.done $0x0;
	(pc) =	sbr.rel @p0 .LBB2_8-.Ltmp5, $4  }
0x81: {  	[sflag:s14] =	ssyncadd.s32 $0xFFFF9C00  }
0x82: {  	[hbm4b:s24+s3] =	stream.linear.scatter [tilespmem:s13], [sflag:$0x2], $0x6400, $0x38;
	[tilespmem:$0x1C600] =	vst v63  }
0x83: {  	_ =	swait.ge [sflag:s14], $0x6400  }
0x84: {  	[sflag:s14] =	ssyncset.done $0x0  }
.LBB2_9:
0x85: {  	s21 =	sadd.s32 $0x1, s21  }
0x86: {  	p0 =	sne.s32 s21, s7  }
.Ltmp6:
0x87: {  	_ = 	snop;
	(pc) =	sbr.rel @p0 .LBB2_1-.Ltmp6, $2  }
0x88: {  	_ =	sdelay $0x2  }
0x89: {  	[sflag:s14] =	ssyncadd.s32 $0xFFFF9C00  }
0x8a: {  	_ =	sfence.sel $0x180000  }
0x8b: {  	[bflag:$0x0] =	sbarrier.arrive $0xFFFF  }
0x8c: {  	p0 =	sne.s32 s0, $0x0;
	_ =	strace $0x90000053  }
0x8d: {  	s0 =	sadd.s32 @!p0 $0x100000, s1;
	[bflag:$0x2] =	sbarrier.arrive $0xFFFF  }
0x8e: {  	[sflag:s0] =	ssyncadd.tile.s32 @!p0 $0x1;
	_ =	shalt  }
.Lfunc_end2:
_tile_overlayer_lowered:
.L_overlay_start_2:
0x8f: {  	(tag) =	ssettag $0x2  }
0x90: {  	s0 =	rddreg [dreg:$0x0];
	s2 =	stileid.u32  }
0x91: {  	s1 =	rddreg [dreg:$0x1];
	p0 =	sne.s32 s2, $0x0  }
0x92: {  	s3 =	rddreg [dreg:$0x2];
	[bflag:$0x3] =	sbarrier.arrive $0xFFFF;
	s2 =	simm.s32 @!p0 $0x1C02  }
0x93: {  	[timem:s3], [sflag:s2] =	dma.local @!p0 [hbm:s0], s1  }
0x94: {  	s0 =	simm.s32 @!p0 $0x2  }
0x95: {  	_ =	swait.ge @!p0 [sflag:s0], s1  }
0x96: {  	s1 =	ssub.s32 @!p0 $0x0, s1;
	[sflag:s0] =	ssyncset.done @!p0 $0x0  }
0x97: {  	[sflag:s0] =	ssyncadd.s32 @!p0 s1  }
0x98: {  	[bflag:$0x3] =	sbarrier.arrive $0xFFFF  }
0x99: {  	_ =	shalt  }

// kernel: kernel.15.cloned.1.call-start
scs
__scs_entry_jumppad:
0x0: {  	(pc) =	sbr.rel $0x88, $3  }
0x1: {  	(tag) =	ssettag $0x0;
	lr =	simm.s32 $0x1  }
0x2: {  	[smem:$0x3F87] =	sst lr;
	_ =	strace $0xD0000000  }
0x3: {  	_ = 	snop  }
0x4: {  	_ = 	snop  }
0x5: {  	_ = 	snop  }
0x6: {  	_ = 	snop  }
0x7: {  	_ = 	snop  }
__scs_overlays_trampoline_lowered:
0x8: {  	[smem:$0x3F96] =	sst s0  }
0x9: {  	[smem:$0x3F97] =	sst s1  }
0xa: {  	[smem:$0x3F98] =	sst s2  }
0xb: {  	[smem:$0x3F99] =	sst s3  }
0xc: {  	[smem:$0x3F9A] =	sst s4  }
0xd: {  	[smem:$0x3F9B] =	sst s5  }
0xe: {  	[smem:$0x3F9C] =	sst s6  }
0xf: {  	[smem:$0x3F9D] =	sst s7  }
0x10: {  	[smem:$0x3F9E] =	sst s8  }
0x11: {  	[smem:$0x3F9F] =	sst s9;
	s0 =	simm.s32 @!p0 $0x0  }
0x12: {  	s1 =	sld [smem:$0x3F85];
	s0 =	simm.s32 @p0 $0x1  }
0x13: {  	[smem:$0x3FA0] =	sst s0;
	s0 =	simm.s32 @!p1 $0x0  }
0x14: {  	s2 =	sld [smem:$0x3F84];
	s0 =	simm.s32 @p1 $0x1  }
0x15: {  	[smem:$0x3FA1] =	sst s0;
	s0 =	simm.s32 @!p2 $0x0  }
0x16: {  	s3 =	sld [smem:$0x3FDB];
	s0 =	simm.s32 @p2 $0x1  }
0x17: {  	s4 =	simm.s32 $0x1BF5;
	[smem:$0x3FA3] =	sst s0  }
0x18: {  	s0 =	sld [smem:$0x3F86];
	_ =	swait.ge [sflag:s4], $0x0  }
0x19: {  	s7 =	sld [smem:$0x3F87]  }
0x1a: {  	s8 =	sadd.s32 $0xFFFFE003, lr  }
0x1b: {  	s9 =	sadd.s32 $0xFFFFFEF7, lr;
	s5 =	simm.s32 $0xFFFFFFFF;
	p2 =	slt.u32 s8, $0xFFFFF086  }
0x1c: {  	p1 =	slt.u32 s9, $0xF7A;
	s5 =	simm.s32 @!p2 $0x0  }
0x1d: {  	s5 =	simm.s32 @p1 $0x1;
	p0 =	seq.s32 s7, s2  }
0x1e: {  	s7 =	smul.u32 @!p0 $0xF7A, s2;
	p2 =	seq.s32 @!p0 s5, $0x0  }
0x1f: {  	s9 =	smul.u32 $0xF7A, s1;
	s8 =	simm.s32 @!p0 $0x1BF5;
	p2 =	por !p2, p0  }
0x20: {  	[sflag:s8] =	ssyncset.s32 @!p0 $0xFFFFF086;
	s6 =	sadd.s32 @!p0 s3, s7;
	s7 =	simm.s32 @!p0 $0x108  }
0x21: {  	s3 =	sadd.s32 s3, s9;
	s6 =	sadd.s32 @!p0 $0x88, s6;
	s7 =	simm.s32 @p2 $0x1082  }
0x22: {  	[simem:s7], [sflag:s8] =	dma.local @!p0 [hbm:s6], $0xF7A  }
0x23: {  	s9 =	sor.u32 $0xD0000000, s2;
	s6 =	simm.s32 $0x108;
	_ =	swait.ge @!p0 [sflag:s8], $0x0  }
0x24: {  	s3 =	sadd.s32 $0x88, s3;
	s6 =	simm.s32 @!p1 $0x1082;
	[sflag:s4] =	ssyncset.s32 $0xFFFFF086  }
0x25: {  	[simem:s6], [sflag:s4] =	dma.local [hbm:s3], $0xF7A  }
0x26: {  	[smem:$0x3F87] =	sst s1;
	(tag) =	ssettag s2;
	_ =	strace s9  }
0x27: {  	s1 =	sld [smem:$0x3F97]  }
0x28: {  	s2 =	sld [smem:$0x3F98]  }
0x29: {  	s4 =	sld [smem:$0x3F9A]  }
0x2a: {  	p0 =	seq.s32 s5, $0x0;
	s5 =	sld [smem:$0x3F9B]  }
0x2b: {  	s6 =	sld [smem:$0x3F9C]  }
0x2c: {  	s7 =	sld [smem:$0x3F9D]  }
0x2d: {  	s3 =	simm.s32 $0x108;
	s8 =	sld [smem:$0x3F9E]  }
0x2e: {  	s3 =	simm.s32 @!p0 $0x1082;
	s9 =	sld [smem:$0x3F9F]  }
0x2f: {  	lr =	sadd.s32 s0, s3;
	s0 =	sld [smem:$0x3F96]  }
0x30: {  	s3 =	sld [smem:$0x3F99]  }
0x31: {  	[smem:$0x3FA2] =	sst s10  }
0x32: {  	s10 =	sld [smem:$0x3FA0];
	_ =	sdelay $0x3  }
0x33: {  	p0 =	seq.s32 s10, $0x1;
	s10 =	sld [smem:$0x3FA2];
	_ =	sdelay $0x3  }
0x34: {  	[smem:$0x3FA2] =	sst s10  }
0x35: {  	s10 =	sld [smem:$0x3FA1];
	_ =	sdelay $0x3  }
0x36: {  	p1 =	seq.s32 s10, $0x1;
	s10 =	sld [smem:$0x3FA2];
	_ =	sdelay $0x3  }
0x37: {  	[smem:$0x3FA2] =	sst s10  }
0x38: {  	s10 =	sld [smem:$0x3FA3]  }
0x39: {  	_ = 	snop;
	(pc) =	sbr.ind lr, $3  }
0x3a: {  	_ = 	snop  }
0x3b: {  	_ = 	snop  }
0x3c: {  	p2 =	seq.s32 s10, $0x1;
	s10 =	sld [smem:$0x3FA2]  }
0x3d: {  	_ =	shalt  }
0x3e: {  	_ =	shalt  }
0x3f: {  	_ =	shalt  }
0x40: {  	_ =	shalt  }
0x41: {  	_ =	shalt  }
0x42: {  	_ =	shalt  }
0x43: {  	_ =	shalt  }
0x44: {  	_ =	shalt  }
0x45: {  	_ =	shalt  }
0x46: {  	_ =	shalt  }
0x47: {  	_ =	shalt  }
0x48: {  	_ =	shalt  }
0x49: {  	_ =	shalt  }
0x4a: {  	_ =	shalt  }
0x4b: {  	_ =	shalt  }
0x4c: {  	_ =	shalt  }
0x4d: {  	_ =	shalt  }
0x4e: {  	_ =	shalt  }
0x4f: {  	_ =	shalt  }
0x50: {  	_ =	shalt  }
0x51: {  	_ =	shalt  }
0x52: {  	_ =	shalt  }
0x53: {  	_ =	shalt  }
0x54: {  	_ =	shalt  }
0x55: {  	_ =	shalt  }
0x56: {  	_ =	shalt  }
0x57: {  	_ =	shalt  }
0x58: {  	_ =	shalt  }
0x59: {  	_ =	shalt  }
0x5a: {  	_ =	shalt  }
0x5b: {  	_ =	shalt  }
0x5c: {  	_ =	shalt  }
0x5d: {  	_ =	shalt  }
0x5e: {  	_ =	shalt  }
0x5f: {  	_ =	shalt  }
0x60: {  	_ =	shalt  }
0x61: {  	_ =	shalt  }
0x62: {  	_ =	shalt  }
0x63: {  	_ =	shalt  }
0x64: {  	_ =	shalt  }
0x65: {  	_ =	shalt  }
0x66: {  	_ =	shalt  }
0x67: {  	_ =	shalt  }
0x68: {  	_ =	shalt  }
0x69: {  	_ =	shalt  }
0x6a: {  	_ =	shalt  }
0x6b: {  	_ =	shalt  }
0x6c: {  	_ =	shalt  }
0x6d: {  	_ =	shalt  }
0x6e: {  	_ =	shalt  }
0x6f: {  	_ =	shalt  }
0x70: {  	_ =	shalt  }
0x71: {  	_ =	shalt  }
0x72: {  	_ =	shalt  }
0x73: {  	_ =	shalt  }
0x74: {  	_ =	shalt  }
0x75: {  	_ =	shalt  }
0x76: {  	_ =	shalt  }
0x77: {  	_ =	shalt  }
0x78: {  	_ =	shalt  }
0x79: {  	_ =	shalt  }
0x7a: {  	_ =	shalt  }
0x7b: {  	_ =	shalt  }
0x7c: {  	_ =	shalt  }
0x7d: {  	_ =	shalt  }
0x7e: {  	_ =	shalt  }
0x7f: {  	_ =	shalt  }
0x80: {  	_ =	shalt  }
0x81: {  	_ =	shalt  }
0x82: {  	_ =	shalt  }
0x83: {  	_ =	shalt  }
0x84: {  	_ =	shalt  }
0x85: {  	_ =	shalt  }
0x86: {  	_ =	shalt  }
0x87: {  	_ =	shalt  }
.Lfunc_end0:
.L_simem_size_0:
called_computation.5_lowered:
.L_overlay_start_0:
0x88: {  	s2 =	sld [smem:$0x3FD9]  }
0x89: {  	s3 =	sld [smem:$0x3FFE];
	_ =	sdelay $0x1  }
0x8a: {  	s1 =	srdreg.scid  }
0x8b: {  	s0 =	sand.u32 $0x1, s1  }
0x8c: {  	s14 =	sshll.u32 s0, $0xA;
	s2 =	sadd.s32 s3, s2  }
0x8d: {  	s2 =	sadd.s32 s2, s14  }
0x8e: {  	[smem:$0x3FAE] =	sst s2  }
0x8f: {  	_ = 	snop  }
0x90: {  	s2 =	sld [smem:$0x3FD0];
	_ =	sdelay $0x2  }
0x91: {  	s15 =	simm.s32 $0xD;
	s4 =	simm.s32 $0x10  }
0x92: {  	[smem:s4], [sflag:s15] =	dma.local [hbm:s2], $0x1  }
0x93: {  	_ =	swait.eq [sflag:s15], $0x1  }
0x94: {  	[sflag:s15] =	ssyncset.done $0x0  }
0x95: {  	[sflag:s15] =	ssyncadd.s32 $0xFFFFFFFF  }
0x96: {  	s16 =	sld [smem:$0x10];
	(tm) =	ssettm $0x1  }
0x97: {  	s17 =	sld [smem:$0x3FFB];
	_ =	sdelay $0x3  }
0x98: {  	_ =	strace s17  }
0x99: {  	s3 =	sld [smem:$0x3FFC];
	_ =	sdelay $0x3  }
0x9a: {  	_ =	strace s3  }
0x9b: {  	s3 =	sld [smem:$0x3FFD];
	_ =	sdelay $0x3  }
0x9c: {  	_ =	strace s3  }
0x9d: {  	_ =	strace $0x8FFFFFFF  }
0x9e: {  	s18 =	sld [smem:$0x3FDB];
	_ =	sdelay $0x1  }
0x9f: {  	s19 =	simm.s32 $_scs_section_size  }
0xa0: {  	s5 =	simm.s32 $_size__tile_overlayer_lowered;
	s6 =	simm.s32 $_tile_overlayer_lowered  }
0xa1: {  	s22 =	simm.s32 $0x1BFF;
	s21 =	sshll.u32 s6, $0x1;
	s3 =	sadd.s32 s19, s18  }
0xa2: {  	s7 =	simm.s32 $0x0;
	s20 =	sshll.u32 s5, $0x1;
	s5 =	sadd.s32 s21, s3  }
0xa3: {  	[timem:s7], [sflag:s22] =	dma.local [hbm:s5], s20  }
0xa4: {  	_ =	swait.ge [sflag:s22], s20  }
0xa5: {  	s4 =	ssub.s32 $0x0, s20;
	[sflag:s22] =	ssyncset.done $0x0  }
0xa6: {  	[sflag:s22] =	ssyncadd.s32 s4;
	_ =	sdelay $0x1  }
0xa7: {  	s23 =	simm.s32 $0x1B8B  }
0xa8: {  	_ =	swait.ge [sflag:s23], $0x1  }
0xa9: {  	[sflag:s23] =	ssyncset.done $0x0  }
0xaa: {  	s25 =	simm.s32 $0x1B8E;
	s24 =	sld [smem:$0x3FFE];
	[sflag:s23] =	ssyncadd.s32 $0xFFFFFFFF  }
0xab: {  	s26 =	simm.s32 $execute0_lowered;
	[smem:$0x3FD2] =	sst s25  }
0xac: {  	s5 =	sshll.u32 s26, $0x1;
	_ =	strace $0x80000055;
	[dreg:$0x1] =	wrdreg $0xFFFFFFFF  }
0xad: {  	s28 =	simm.s32 $_size_execute0_lowered;
	s3 =	sadd.s32 s3, s5;
	[dreg:$0x0] =	wrdreg $0x0  }
0xae: {  	s5 =	sshll.u32 s28, $0x1;
	[dreg:$0x2] =	wrdreg s3  }
0xaf: {  	[dreg:$0x3] =	wrdreg s5  }
0xb0: {  	[dreg:$0x4] =	wrdreg $0xC0  }
0xb1: {  	_ =	task [dreg:s7], $0x5FFFF  }
0xb2: {  	[dreg:$0x1] =	wrdreg $0xFFFFFFFF  }
0xb3: {  	[dreg:$0x0] =	wrdreg $0x60  }
0xb4: {  	[dreg:$0x2] =	wrdreg s24  }
0xb5: {  	[dreg:$0x3] =	wrdreg s16  }
0xb6: {  	[dreg:$0x4] =	wrdreg $0x0  }
0xb7: {  	[dreg:$0x5] =	wrdreg $0x9  }
0xb8: {  	_ =	task.clear_ibuf [dreg:s7], $0x6FFFF;
	_ =	strace $0x90000055  }
0xb9: {  	s29 =	simm.s32 $0x9;
	_ =	strace $0x80000057  }
0xba: {  	_ =	swait.ge [sflag:s29], $0x1  }
0xbb: {  	[sflag:s29] =	ssyncadd.s32 $0xFFFFFFFF  }
0xbc: {  	_ =	strace $0x90000057  }
0xbd: {  	_ =	sfence  }
0xbe: {  	s30 =	sld [smem:$0x0];
	_ =	sdelay $0x2  }
0xbf: {  	s31 =	sshll.u32 s1, $0xD;
	s1 =	sshrl.u32 s1, $0x2  }
0xc0: {  	s3 =	sand.u32 $0x4000, s31;
	s1 =	sadd.s32 s1, s30  }
0xc1: {  	s0 =	sor.u32 s3, s0;
	s1 =	sshll.u32 s1, $0x11  }
0xc2: {  	s0 =	sor.u32 s1, s0  }
0xc3: {  	s0 =	sadd.s32 $0x8F2B, s0  }
0xc4: {  	[sflag:s0] =	ssyncadd.remote.s32 $0x1  }
0xc5: {  	_ =	sfence.sel $0xFFFF  }
0xc6: {  	[dreg:$0x0] =	wrdreg $0xFFFFFFFF;
	(pc) =	sbr.abs _section_cstart, $3  }
0xc7: {  	[dreg:$0x1] =	wrdreg $0xFFFFFFFF  }
0xc8: {  	_ =	task.clear_ibuf [dreg:s7], $0x2FFFF;
	_ =	strace $0x9FFFFFFF  }
0xc9: {  	(tm) =	ssettm $0x7FFFFFFF  }
tec
execute0_lowered:
.L_overlay_start_1:
0x0: {  	(tag) =	ssettag $0x1  }
0x1: {  	s6 =	rddreg [dreg:$0x0]  }
0x2: {  	s2 =	rddreg [dreg:$0x1]  }
0x3: {  	s3 =	rddreg [dreg:$0x2]  }
0x4: {  	s0 =	srdreg.scid;
	s1 =	rddreg [dreg:$0x3]  }
0x5: {  	s4 =	simm.s32 $0x0;
	s13 =	simm.s32 $0x16200;
	s14 =	simm.s32 $0x2  }
0x6: {  	s15 =	simm.s32 $0x13880;
	s16 =	simm.s32 $0x13900;
	s17 =	simm.s32 $0x13980  }
0x7: {  	s18 =	simm.s32 $0x50;
	s19 =	simm.s32 $0x13A00;
	s7 =	sand.u32 $0x1, s0  }
0x8: {  	s20 =	simm.s32 $0x1;
	s0 =	stileid.u32;
	s8 =	smul.u32 $0x27100, s7  }
0x9: {  	s21 =	simm.s32 $0x0;
	[smem:$0x7FF] =	sst s4;
	s5 =	smul.u32 $0x2710, s0  }
0xa: {  	_ =	strace $0x80000056;
	s7 =	ssub.s32 $0x2, s7;
	s30 =	smul.u32 $0x19000, s0  }
0xb: {  	s31 =	ssub.s32 $0x41, s0;
	s12 =	smul.u32 $0xC80, s0;
	s29 =	sshrl.u32 s7, $0x1  }
0xc: {  	s5 =	sadd.s32 s5, s8;
	s10 =	sadd.s32 s8, s6;
	s7 =	ssub.s32 s7, s29  }
0xd: {  	s8 =	sshrl.u32 s30, $0x2;
	s9 =	sshrl.u32 s5, $0x3;
	s5 =	sadd.s32 $0x47800, s6  }
0xe: {  	s7 =	smax.u32 s7, $0x1;
	s8 =	sadd.s32 s8, s3;
	s12 =	sadd.s32 s12, s10  }
0xf: {  	s11 =	sadd.s32 s9, s6;
	s6 =	sshrl.u32 s31, $0x4;
	s12 =	sadd.s32 $0x6F200, s12  }
0x10: {  	v0 =	vimm.f32 $0.0e+00;
	s9 =	sadd.s32 $0x3DA00, s11;
	s10 =	sadd.s32 $0x33C00, s11;
	s11 =	sadd.s32 $0x20000, s11  }
.LBB2_1:
0x11: {  	s22 =	simm.s32 $0x0;
	s23 =	simm.s32 $0x200  }
.LBB2_2:
0x12: {  	p0 =	sne.s32 s23, $0x18E00;
	[tilespmem:s22+$0x16270] =	vst v0  }
0x13: {  	[tilespmem:s22+$0x16200] =	vst v0  }
0x14: {  	[tilespmem:s22+$0x16210] =	vst v0  }
.Ltmp0:
0x15: {  	[tilespmem:s22+$0x16220] =	vst v0;
	(pc) =	sbr.rel @p0 .LBB2_2-.Ltmp0, $4  }
0x16: {  	[tilespmem:s22+$0x16230] =	vst v0  }
0x17: {  	[tilespmem:s22+$0x16240] =	vst v0  }
0x18: {  	[tilespmem:s22+$0x16250] =	vst v0  }
0x19: {  	[tilespmem:s22+$0x16260] =	vst v0;
	s22 =	sshra.s32 s23, $0x2;
	s23 =	sadd.s32 $0x200, s23  }
0x1a: {  	[tilespmem:s22+$0x16270] =	vst v0  }
0x1b: {  	[tilespmem:s22+$0x16200] =	vst v0  }
0x1c: {  	[tilespmem:s22+$0x16210] =	vst v0  }
0x1d: {  	[tilespmem:s22+$0x16220] =	vst v0  }
0x1e: {  	[tilespmem:s22+$0x16230] =	vst v0  }
0x1f: {  	[tilespmem:s22+$0x16240] =	vst v0;
	p0 =	sne.s32 s6, $0x1  }
.Ltmp1:
0x20: {  	[tilespmem:s22+$0x16250] =	vst v0;
	(pc) =	sbr.rel @!p0 .LBB2_5-.Ltmp1, $4  }
0x21: {  	[tilespmem:s22+$0x16260] =	vst v0  }
0x22: {  	[spmem:s8] =	stream.linear.scatter [tilespmem:s13], [sflag:$0x2], $0x6400, $0x38;
	[tilespmem:$0x1C600] =	vst v63  }
0x23: {  	_ =	swait.ge [sflag:s14], $0x6400  }
0x24: {  	s22 =	sadd.s32 $0xFFFFFFFF, s6;
	s23 =	smov.u32 s8;
	[sflag:s14] =	ssyncset.done $0x0  }
.LBB2_4:
0x25: {  	p1 =	sne.s32 s22, $0x1;
	[sflag:s14] =	ssyncadd.s32 $0xFFFF9C00;
	s23 =	sadd.s32 $0x64000, s23  }
.Ltmp2:
0x26: {  	s22 =	sadd.s32 $0xFFFFFFFF, s22;
	(pc) =	sbr.rel @p1 .LBB2_4-.Ltmp2, $4  }
0x27: {  	_ = 	snop  }
0x28: {  	[spmem:s23] =	stream.linear.scatter [tilespmem:s13], [sflag:$0x2], $0x6400, $0x38;
	[tilespmem:$0x1C600] =	vst v63  }
0x29: {  	_ =	swait.ge [sflag:s14], $0x6400  }
0x2a: {  	[sflag:s14] =	ssyncset.done $0x0  }
.LBB2_5:
0x2b: {  	[sflag:s14] =	ssyncadd.s32 $0xFFFF9C00  }
0x2c: {  	s22 =	sadd.s32 $0x0, s11;
	[bflag:$0x0] =	sbarrier.arrive $0xFFFF  }
0x2d: {  	[tilespmem:s15], [sflag:$0x2] =	stream.linear.gather [hbm4b:s22+s4], $0x50, $0x38;
	[tilespmem:$0x1C600] =	vst v63  }
0x2e: {  	_ =	swait.ge [sflag:s14], $0x50  }
0x2f: {  	[sflag:s14] =	ssyncset.done $0x0  }
0x30: {  	s30 =	sadd.s32 $0x0, s10;
	[sflag:s14] =	ssyncadd.s32 $0xFFFFFFB0  }
0x31: {  	[tilespmem:s16], [sflag:$0x2] =	stream.linear.gather [hbm4b:s30+s4], $0x50, $0x38;
	[tilespmem:$0x1C600] =	vst v63  }
0x32: {  	_ =	swait.ge [sflag:s14], $0x50  }
0x33: {  	[sflag:s14] =	ssyncset.done $0x0  }
0x34: {  	s31 =	sadd.s32 $0x0, s9;
	[sflag:s14] =	ssyncadd.s32 $0xFFFFFFB0  }
0x35: {  	[tilespmem:s17], [sflag:$0x2] =	stream.linear.gather [hbm4b:s31+s4], $0x50, $0x38;
	[tilespmem:$0x1C600] =	vst v63  }
0x36: {  	_ =	swait.ge [sflag:s14], $0x50  }
0x37: {  	[sflag:s14] =	ssyncset.done $0x0  }
0x38: {  	[sflag:s14] =	ssyncadd.s32 $0xFFFFFFB0  }
0x39: {  	[tilespmem:s19], [sflag:$0x1] =	stream.indirect.gather [hbm4b:s2+s18], $0x80, s17, s18, $0xb8;
	[tilespmem:$0x1C600] =	vst v63  }
0x3a: {  	_ =	swait.ge [sflag:s20], $0x2800  }
0x3b: {  	[sflag:s20] =	ssyncset.done $0x0  }
0x3c: {  	[sflag:s20] =	ssyncadd.s32 $0xFFFFD800  }
0x3d: {  	[tilespmem:s19], [sflag:$0x1] =	stream.indirect.gather.add.f32 [hbm:s5], $0x80, s15, s18, $0xb8;
	[tilespmem:$0x1C600] =	vst v63  }
0x3e: {  	_ =	swait.ge [sflag:s20], $0x2800  }
0x3f: {  	[sflag:s20] =	ssyncset.done $0x0  }
0x40: {  	[sflag:s20] =	ssyncadd.s32 $0xFFFFD800  }
0x41: {  	[spmem:s3] =	stream.indirect.scatter.add.f32 [tilespmem:s19], [sflag:$0x2], $0x80, s16, s18, $0xb8;
	[tilespmem:$0x1C600] =	vst v63  }
0x42: {  	_ =	swait.ge [sflag:s14], $0x2800  }
0x43: {  	s23 =	simm.s32 $0x14;
	s22 =	simm.s32 $0xA;
	[sflag:s14] =	ssyncset.done $0x0  }
.LBB2_6:
0x44: {  	s24 =	sadd.s32 s22, s11  }
0x45: {  	[sflag:s14] =	ssyncadd.s32 $0xFFFFD800;
	s25 =	smov.u32 s23;
	s26 =	sadd.s32 $0xA, s23  }
0x46: {  	[tilespmem:s15], [sflag:$0x2] =	stream.linear.gather [hbm4b:s24+s4], $0x50, $0x38;
	[tilespmem:$0x1C600] =	vst v63  }
0x47: {  	p1 =	sne.s32 s23, $0x4D8;
	_ =	swait.ge [sflag:s14], $0x50  }
0x48: {  	[sflag:s14] =	ssyncset.done $0x0  }
0x49: {  	s23 =	sadd.s32 s22, s10;
	[sflag:s14] =	ssyncadd.s32 $0xFFFFFFB0  }
0x4a: {  	[tilespmem:s16], [sflag:$0x2] =	stream.linear.gather [hbm4b:s23+s4], $0x50, $0x38;
	[tilespmem:$0x1C600] =	vst v63  }
0x4b: {  	_ =	swait.ge [sflag:s14], $0x50  }
0x4c: {  	[sflag:s14] =	ssyncset.done $0x0  }
0x4d: {  	s23 =	sadd.s32 s22, s9;
	s22 =	smov.u32 s25;
	[sflag:s14] =	ssyncadd.s32 $0xFFFFFFB0  }
0x4e: {  	[tilespmem:s17], [sflag:$0x2] =	stream.linear.gather [hbm4b:s23+s4], $0x50, $0x38;
	[tilespmem:$0x1C600] =	vst v63  }
0x4f: {  	_ =	swait.ge [sflag:s14], $0x50  }
0x50: {  	[sflag:s14] =	ssyncset.done $0x0  }
0x51: {  	[sflag:s14] =	ssyncadd.s32 $0xFFFFFFB0  }
0x52: {  	[tilespmem:s19], [sflag:$0x1] =	stream.indirect.gather [hbm4b:s2+s18], $0x80, s17, s18, $0xb8;
	[tilespmem:$0x1C600] =	vst v63  }
0x53: {  	_ =	swait.ge [sflag:s20], $0x2800  }
0x54: {  	[sflag:s20] =	ssyncset.done $0x0  }
0x55: {  	[sflag:s20] =	ssyncadd.s32 $0xFFFFD800  }
0x56: {  	[tilespmem:s19], [sflag:$0x1] =	stream.indirect.gather.add.f32 [hbm:s5], $0x80, s15, s18, $0xb8;
	[tilespmem:$0x1C600] =	vst v63  }
0x57: {  	_ =	swait.ge [sflag:s20], $0x2800  }
.Ltmp3:
0x58: {  	[sflag:s20] =	ssyncset.done $0x0;
	(pc) =	sbr.rel @p1 .LBB2_6-.Ltmp3, $4  }
0x59: {  	[sflag:s20] =	ssyncadd.s32 $0xFFFFD800  }
0x5a: {  	[spmem:s3] =	stream.indirect.scatter.add.f32 [tilespmem:s19], [sflag:$0x2], $0x80, s16, s18, $0xb8;
	[tilespmem:$0x1C600] =	vst v63  }
0x5b: {  	_ =	swait.ge [sflag:s14], $0x2800  }
0x5c: {  	s23 =	smov.u32 s26;
	[sflag:s14] =	ssyncset.done $0x0  }
0x5d: {  	s23 =	sadd.s32 s22, s11;
	[sflag:s14] =	ssyncadd.s32 $0xFFFFD800  }
0x5e: {  	[tilespmem:s15], [sflag:$0x2] =	stream.linear.gather [hbm4b:s23+s4], $0x50, $0x38;
	[tilespmem:$0x1C600] =	vst v63  }
0x5f: {  	_ =	swait.ge [sflag:s14], $0x50  }
0x60: {  	[sflag:s14] =	ssyncset.done $0x0  }
0x61: {  	s30 =	sadd.s32 s22, s10;
	[sflag:s14] =	ssyncadd.s32 $0xFFFFFFB0  }
0x62: {  	[tilespmem:s16], [sflag:$0x2] =	stream.linear.gather [hbm4b:s30+s4], $0x50, $0x38;
	[tilespmem:$0x1C600] =	vst v63  }
0x63: {  	_ =	swait.ge [sflag:s14], $0x50  }
0x64: {  	[sflag:s14] =	ssyncset.done $0x0  }
0x65: {  	s31 =	sadd.s32 s22, s9;
	[sflag:s14] =	ssyncadd.s32 $0xFFFFFFB0  }
0x66: {  	[tilespmem:s17], [sflag:$0x2] =	stream.linear.gather [hbm4b:s31+s4], $0x50, $0x38;
	[tilespmem:$0x1C600] =	vst v63  }
0x67: {  	_ =	swait.ge [sflag:s14], $0x50  }
0x68: {  	[sflag:s14] =	ssyncset.done $0x0  }
0x69: {  	[sflag:s14] =	ssyncadd.s32 $0xFFFFFFB0  }
0x6a: {  	[tilespmem:s19], [sflag:$0x1] =	stream.indirect.gather [hbm4b:s2+s18], $0x80, s17, s18, $0xb8;
	[tilespmem:$0x1C600] =	vst v63  }
0x6b: {  	_ =	swait.ge [sflag:s20], $0x2800  }
0x6c: {  	[sflag:s20] =	ssyncset.done $0x0  }
0x6d: {  	[sflag:s20] =	ssyncadd.s32 $0xFFFFD800  }
0x6e: {  	[tilespmem:s19], [sflag:$0x1] =	stream.indirect.gather.add.f32 [hbm:s5], $0x80, s15, s18, $0xb8;
	[tilespmem:$0x1C600] =	vst v63  }
0x6f: {  	_ =	swait.ge [sflag:s20], $0x2800  }
0x70: {  	[sflag:s20] =	ssyncset.done $0x0  }
0x71: {  	[sflag:s20] =	ssyncadd.s32 $0xFFFFD800  }
0x72: {  	[spmem:s3] =	stream.indirect.scatter.add.f32 [tilespmem:s19], [sflag:$0x2], $0x80, s16, s18, $0xb8;
	[tilespmem:$0x1C600] =	vst v63  }
0x73: {  	_ =	swait.ge [sflag:s14], $0x2800  }
0x74: {  	[sflag:s14] =	ssyncset.done $0x0  }
0x75: {  	[sflag:s14] =	ssyncadd.s32 $0xFFFFD800  }
0x76: {  	[bflag:$0x0] =	sbarrier.arrive $0xFFFF  }
0x77: {  	[tilespmem:s13], [sflag:$0x2] =	stream.linear.gather [spmem:s8], $0x6400, $0x38;
	[tilespmem:$0x1C600] =	vst v63  }
0x78: {  	_ =	swait.ge [sflag:s14], $0x6400  }
.Ltmp4:
0x79: {  	[sflag:s14] =	ssyncset.done $0x0;
	(pc) =	sbr.rel @!p0 .LBB2_9-.Ltmp4, $4  }
0x7a: {  	[sflag:s14] =	ssyncadd.s32 $0xFFFF9C00  }
0x7b: {  	[hbm4b:s12+s4] =	stream.linear.scatter [tilespmem:s13], [sflag:$0x2], $0x6400, $0x38;
	[tilespmem:$0x1C600] =	vst v63  }
0x7c: {  	s22 =	sadd.s32 $0xFFFFFFFF, s6;
	_ =	swait.ge [sflag:s14], $0x6400  }
0x7d: {  	s24 =	smov.u32 s12;
	s23 =	smov.u32 s8;
	[sflag:s14] =	ssyncset.done $0x0  }
.LBB2_8:
0x7e: {  	[sflag:s14] =	ssyncadd.s32 $0xFFFF9C00;
	s23 =	sadd.s32 $0x64000, s23;
	s24 =	sadd.s32 $0xC800, s24  }
0x7f: {  	[tilespmem:s13], [sflag:$0x2] =	stream.linear.gather [spmem:s23], $0x6400, $0x38;
	[tilespmem:$0x1C600] =	vst v63  }
0x80: {  	p0 =	sne.s32 s22, $0x1;
	s22 =	sadd.s32 $0xFFFFFFFF, s22;
	_ =	swait.ge [sflag:s14], $0x6400  }
.Ltmp5:
0x81: {  	[sflag:s14] =	ssyncset.done $0x0;
	(pc) =	sbr.rel @p0 .LBB2_8-.Ltmp5, $4  }
0x82: {  	[sflag:s14] =	ssyncadd.s32 $0xFFFF9C00  }
0x83: {  	[hbm4b:s24+s4] =	stream.linear.scatter [tilespmem:s13], [sflag:$0x2], $0x6400, $0x38;
	[tilespmem:$0x1C600] =	vst v63  }
0x84: {  	_ =	swait.ge [sflag:s14], $0x6400  }
0x85: {  	[sflag:s14] =	ssyncset.done $0x0  }
.LBB2_9:
0x86: {  	s21 =	sadd.s32 $0x1, s21  }
0x87: {  	p0 =	sne.s32 s21, s7  }
.Ltmp6:
0x88: {  	_ = 	snop;
	(pc) =	sbr.rel @p0 .LBB2_1-.Ltmp6, $2  }
0x89: {  	_ =	sdelay $0x2  }
0x8a: {  	[sflag:s14] =	ssyncadd.s32 $0xFFFF9C00  }
0x8b: {  	_ =	sfence.sel $0x180000  }
0x8c: {  	[bflag:$0x0] =	sbarrier.arrive $0xFFFF  }
0x8d: {  	p0 =	sne.s32 s0, $0x0;
	_ =	strace $0x90000056  }
0x8e: {  	s0 =	sadd.s32 @!p0 $0x100000, s1;
	[bflag:$0x2] =	sbarrier.arrive $0xFFFF  }
0x8f: {  	[sflag:s0] =	ssyncadd.tile.s32 @!p0 $0x1;
	_ =	shalt  }
.Lfunc_end2:
_tile_overlayer_lowered:
.L_overlay_start_2:
0x90: {  	(tag) =	ssettag $0x2  }
0x91: {  	s0 =	rddreg [dreg:$0x0];
	s2 =	stileid.u32  }
0x92: {  	s1 =	rddreg [dreg:$0x1];
	p0 =	sne.s32 s2, $0x0  }
0x93: {  	s3 =	rddreg [dreg:$0x2];
	[bflag:$0x3] =	sbarrier.arrive $0xFFFF;
	s2 =	simm.s32 @!p0 $0x1C02  }
0x94: {  	[timem:s3], [sflag:s2] =	dma.local @!p0 [hbm:s0], s1  }
0x95: {  	s0 =	simm.s32 @!p0 $0x2  }
0x96: {  	_ =	swait.ge @!p0 [sflag:s0], s1  }
0x97: {  	s1 =	ssub.s32 @!p0 $0x0, s1;
	[sflag:s0] =	ssyncset.done @!p0 $0x0  }
0x98: {  	[sflag:s0] =	ssyncadd.s32 @!p0 s1  }
0x99: {  	[bflag:$0x3] =	sbarrier.arrive $0xFFFF  }
0x9a: {  	_ =	shalt  }

// kernel: kernel.18.cloned.1.call-start
scs
__scs_entry_jumppad:
0x0: {  	(pc) =	sbr.rel $0x88, $3  }
0x1: {  	(tag) =	ssettag $0x0;
	lr =	simm.s32 $0x1  }
0x2: {  	[smem:$0x3F87] =	sst lr;
	_ =	strace $0xD0000000  }
0x3: {  	_ = 	snop  }
0x4: {  	_ = 	snop  }
0x5: {  	_ = 	snop  }
0x6: {  	_ = 	snop  }
0x7: {  	_ = 	snop  }
__scs_overlays_trampoline_lowered:
0x8: {  	[smem:$0x3F96] =	sst s0  }
0x9: {  	[smem:$0x3F97] =	sst s1  }
0xa: {  	[smem:$0x3F98] =	sst s2  }
0xb: {  	[smem:$0x3F99] =	sst s3  }
0xc: {  	[smem:$0x3F9A] =	sst s4  }
0xd: {  	[smem:$0x3F9B] =	sst s5  }
0xe: {  	[smem:$0x3F9C] =	sst s6  }
0xf: {  	[smem:$0x3F9D] =	sst s7  }
0x10: {  	[smem:$0x3F9E] =	sst s8  }
0x11: {  	[smem:$0x3F9F] =	sst s9;
	s0 =	simm.s32 @!p0 $0x0  }
0x12: {  	s1 =	sld [smem:$0x3F85];
	s0 =	simm.s32 @p0 $0x1  }
0x13: {  	[smem:$0x3FA0] =	sst s0;
	s0 =	simm.s32 @!p1 $0x0  }
0x14: {  	s2 =	sld [smem:$0x3F84];
	s0 =	simm.s32 @p1 $0x1  }
0x15: {  	[smem:$0x3FA1] =	sst s0;
	s0 =	simm.s32 @!p2 $0x0  }
0x16: {  	s3 =	sld [smem:$0x3FDB];
	s0 =	simm.s32 @p2 $0x1  }
0x17: {  	s4 =	simm.s32 $0x1BF5;
	[smem:$0x3FA3] =	sst s0  }
0x18: {  	s0 =	sld [smem:$0x3F86];
	_ =	swait.ge [sflag:s4], $0x0  }
0x19: {  	s7 =	sld [smem:$0x3F87]  }
0x1a: {  	s8 =	sadd.s32 $0xFFFFE003, lr  }
0x1b: {  	s9 =	sadd.s32 $0xFFFFFEF7, lr;
	s5 =	simm.s32 $0xFFFFFFFF;
	p2 =	slt.u32 s8, $0xFFFFF086  }
0x1c: {  	p1 =	slt.u32 s9, $0xF7A;
	s5 =	simm.s32 @!p2 $0x0  }
0x1d: {  	s5 =	simm.s32 @p1 $0x1;
	p0 =	seq.s32 s7, s2  }
0x1e: {  	s7 =	smul.u32 @!p0 $0xF7A, s2;
	p2 =	seq.s32 @!p0 s5, $0x0  }
0x1f: {  	s9 =	smul.u32 $0xF7A, s1;
	s8 =	simm.s32 @!p0 $0x1BF5;
	p2 =	por !p2, p0  }
0x20: {  	[sflag:s8] =	ssyncset.s32 @!p0 $0xFFFFF086;
	s6 =	sadd.s32 @!p0 s3, s7;
	s7 =	simm.s32 @!p0 $0x108  }
0x21: {  	s3 =	sadd.s32 s3, s9;
	s6 =	sadd.s32 @!p0 $0x88, s6;
	s7 =	simm.s32 @p2 $0x1082  }
0x22: {  	[simem:s7], [sflag:s8] =	dma.local @!p0 [hbm:s6], $0xF7A  }
0x23: {  	s9 =	sor.u32 $0xD0000000, s2;
	s6 =	simm.s32 $0x108;
	_ =	swait.ge @!p0 [sflag:s8], $0x0  }
0x24: {  	s3 =	sadd.s32 $0x88, s3;
	s6 =	simm.s32 @!p1 $0x1082;
	[sflag:s4] =	ssyncset.s32 $0xFFFFF086  }
0x25: {  	[simem:s6], [sflag:s4] =	dma.local [hbm:s3], $0xF7A  }
0x26: {  	[smem:$0x3F87] =	sst s1;
	(tag) =	ssettag s2;
	_ =	strace s9  }
0x27: {  	s1 =	sld [smem:$0x3F97]  }
0x28: {  	s2 =	sld [smem:$0x3F98]  }
0x29: {  	s4 =	sld [smem:$0x3F9A]  }
0x2a: {  	p0 =	seq.s32 s5, $0x0;
	s5 =	sld [smem:$0x3F9B]  }
0x2b: {  	s6 =	sld [smem:$0x3F9C]  }
0x2c: {  	s7 =	sld [smem:$0x3F9D]  }
0x2d: {  	s3 =	simm.s32 $0x108;
	s8 =	sld [smem:$0x3F9E]  }
0x2e: {  	s3 =	simm.s32 @!p0 $0x1082;
	s9 =	sld [smem:$0x3F9F]  }
0x2f: {  	lr =	sadd.s32 s0, s3;
	s0 =	sld [smem:$0x3F96]  }
0x30: {  	s3 =	sld [smem:$0x3F99]  }
0x31: {  	[smem:$0x3FA2] =	sst s10  }
0x32: {  	s10 =	sld [smem:$0x3FA0];
	_ =	sdelay $0x3  }
0x33: {  	p0 =	seq.s32 s10, $0x1;
	s10 =	sld [smem:$0x3FA2];
	_ =	sdelay $0x3  }
0x34: {  	[smem:$0x3FA2] =	sst s10  }
0x35: {  	s10 =	sld [smem:$0x3FA1];
	_ =	sdelay $0x3  }
0x36: {  	p1 =	seq.s32 s10, $0x1;
	s10 =	sld [smem:$0x3FA2];
	_ =	sdelay $0x3  }
0x37: {  	[smem:$0x3FA2] =	sst s10  }
0x38: {  	s10 =	sld [smem:$0x3FA3]  }
0x39: {  	_ = 	snop;
	(pc) =	sbr.ind lr, $3  }
0x3a: {  	_ = 	snop  }
0x3b: {  	_ = 	snop  }
0x3c: {  	p2 =	seq.s32 s10, $0x1;
	s10 =	sld [smem:$0x3FA2]  }
0x3d: {  	_ =	shalt  }
0x3e: {  	_ =	shalt  }
0x3f: {  	_ =	shalt  }
0x40: {  	_ =	shalt  }
0x41: {  	_ =	shalt  }
0x42: {  	_ =	shalt  }
0x43: {  	_ =	shalt  }
0x44: {  	_ =	shalt  }
0x45: {  	_ =	shalt  }
0x46: {  	_ =	shalt  }
0x47: {  	_ =	shalt  }
0x48: {  	_ =	shalt  }
0x49: {  	_ =	shalt  }
0x4a: {  	_ =	shalt  }
0x4b: {  	_ =	shalt  }
0x4c: {  	_ =	shalt  }
0x4d: {  	_ =	shalt  }
0x4e: {  	_ =	shalt  }
0x4f: {  	_ =	shalt  }
0x50: {  	_ =	shalt  }
0x51: {  	_ =	shalt  }
0x52: {  	_ =	shalt  }
0x53: {  	_ =	shalt  }
0x54: {  	_ =	shalt  }
0x55: {  	_ =	shalt  }
0x56: {  	_ =	shalt  }
0x57: {  	_ =	shalt  }
0x58: {  	_ =	shalt  }
0x59: {  	_ =	shalt  }
0x5a: {  	_ =	shalt  }
0x5b: {  	_ =	shalt  }
0x5c: {  	_ =	shalt  }
0x5d: {  	_ =	shalt  }
0x5e: {  	_ =	shalt  }
0x5f: {  	_ =	shalt  }
0x60: {  	_ =	shalt  }
0x61: {  	_ =	shalt  }
0x62: {  	_ =	shalt  }
0x63: {  	_ =	shalt  }
0x64: {  	_ =	shalt  }
0x65: {  	_ =	shalt  }
0x66: {  	_ =	shalt  }
0x67: {  	_ =	shalt  }
0x68: {  	_ =	shalt  }
0x69: {  	_ =	shalt  }
0x6a: {  	_ =	shalt  }
0x6b: {  	_ =	shalt  }
0x6c: {  	_ =	shalt  }
0x6d: {  	_ =	shalt  }
0x6e: {  	_ =	shalt  }
0x6f: {  	_ =	shalt  }
0x70: {  	_ =	shalt  }
0x71: {  	_ =	shalt  }
0x72: {  	_ =	shalt  }
0x73: {  	_ =	shalt  }
0x74: {  	_ =	shalt  }
0x75: {  	_ =	shalt  }
0x76: {  	_ =	shalt  }
0x77: {  	_ =	shalt  }
0x78: {  	_ =	shalt  }
0x79: {  	_ =	shalt  }
0x7a: {  	_ =	shalt  }
0x7b: {  	_ =	shalt  }
0x7c: {  	_ =	shalt  }
0x7d: {  	_ =	shalt  }
0x7e: {  	_ =	shalt  }
0x7f: {  	_ =	shalt  }
0x80: {  	_ =	shalt  }
0x81: {  	_ =	shalt  }
0x82: {  	_ =	shalt  }
0x83: {  	_ =	shalt  }
0x84: {  	_ =	shalt  }
0x85: {  	_ =	shalt  }
0x86: {  	_ =	shalt  }
0x87: {  	_ =	shalt  }
.Lfunc_end0:
.L_simem_size_0:
called_computation.6_lowered:
.L_overlay_start_0:
0x88: {  	s2 =	sld [smem:$0x3FD9]  }
0x89: {  	s3 =	sld [smem:$0x3FFE];
	_ =	sdelay $0x1  }
0x8a: {  	s1 =	srdreg.scid  }
0x8b: {  	s0 =	sand.u32 $0x1, s1  }
0x8c: {  	s16 =	sshll.u32 s0, $0xA;
	s2 =	sadd.s32 s3, s2  }
0x8d: {  	s2 =	sadd.s32 s2, s16  }
0x8e: {  	[smem:$0x3FAE] =	sst s2  }
0x8f: {  	_ = 	snop  }
0x90: {  	(tm) =	ssettm $0x1  }
0x91: {  	s17 =	sld [smem:$0x3FFB];
	_ =	sdelay $0x3  }
0x92: {  	_ =	strace s17  }
0x93: {  	s2 =	sld [smem:$0x3FFC];
	_ =	sdelay $0x3  }
0x94: {  	_ =	strace s2  }
0x95: {  	s2 =	sld [smem:$0x3FFD];
	_ =	sdelay $0x3  }
0x96: {  	_ =	strace s2  }
0x97: {  	_ =	strace $0x8FFFFFFF  }
0x98: {  	s18 =	sld [smem:$0x3FDB];
	_ =	sdelay $0x1  }
0x99: {  	s19 =	simm.s32 $_scs_section_size  }
0x9a: {  	s4 =	simm.s32 $_size__tile_overlayer_lowered;
	s5 =	simm.s32 $_tile_overlayer_lowered  }
0x9b: {  	s22 =	simm.s32 $0x1BFF;
	s21 =	sshll.u32 s5, $0x1;
	s2 =	sadd.s32 s19, s18  }
0x9c: {  	s6 =	simm.s32 $0x0;
	s20 =	sshll.u32 s4, $0x1;
	s4 =	sadd.s32 s21, s2  }
0x9d: {  	[timem:s6], [sflag:s22] =	dma.local [hbm:s4], s20  }
0x9e: {  	_ =	swait.ge [sflag:s22], s20  }
0x9f: {  	s3 =	ssub.s32 $0x0, s20;
	[sflag:s22] =	ssyncset.done $0x0  }
0xa0: {  	[sflag:s22] =	ssyncadd.s32 s3;
	_ =	sdelay $0x1  }
0xa1: {  	s23 =	simm.s32 $0x1B8B  }
0xa2: {  	_ =	swait.ge [sflag:s23], $0x1  }
0xa3: {  	[sflag:s23] =	ssyncset.done $0x0  }
0xa4: {  	s25 =	simm.s32 $0x1B8E;
	s24 =	sld [smem:$0x3FFE];
	[sflag:s23] =	ssyncadd.s32 $0xFFFFFFFF  }
0xa5: {  	s26 =	simm.s32 $execute0_lowered;
	[smem:$0x3FD2] =	sst s25  }
0xa6: {  	s4 =	sshll.u32 s26, $0x1;
	_ =	strace $0x80000058;
	[dreg:$0x1] =	wrdreg $0xFFFFFFFF  }
0xa7: {  	s28 =	simm.s32 $_size_execute0_lowered;
	s2 =	sadd.s32 s2, s4;
	[dreg:$0x0] =	wrdreg $0x0  }
0xa8: {  	s4 =	sshll.u32 s28, $0x1;
	[dreg:$0x2] =	wrdreg s2  }
0xa9: {  	[dreg:$0x3] =	wrdreg s4  }
0xaa: {  	[dreg:$0x4] =	wrdreg $0xC0  }
0xab: {  	_ =	task [dreg:s6], $0x5FFFF  }
0xac: {  	[dreg:$0x1] =	wrdreg $0xFFFFFFFF  }
0xad: {  	[dreg:$0x0] =	wrdreg $0x60  }
0xae: {  	[dreg:$0x2] =	wrdreg s24  }
0xaf: {  	[dreg:$0x3] =	wrdreg $0x0  }
0xb0: {  	[dreg:$0x4] =	wrdreg $0x9  }
0xb1: {  	_ =	task.clear_ibuf [dreg:s6], $0x5FFFF;
	_ =	strace $0x90000058  }
0xb2: {  	s29 =	simm.s32 $0x9;
	_ =	strace $0x8000005A  }
0xb3: {  	_ =	swait.ge [sflag:s29], $0x1  }
0xb4: {  	[sflag:s29] =	ssyncadd.s32 $0xFFFFFFFF  }
0xb5: {  	_ =	strace $0x9000005A  }
0xb6: {  	_ =	sfence  }
0xb7: {  	s30 =	sld [smem:$0x0];
	_ =	sdelay $0x2  }
0xb8: {  	s31 =	sshll.u32 s1, $0xD;
	s1 =	sshrl.u32 s1, $0x2  }
0xb9: {  	s3 =	sand.u32 $0x4000, s31;
	s1 =	sadd.s32 s1, s30  }
0xba: {  	s0 =	sor.u32 s3, s0;
	s1 =	sshll.u32 s1, $0x11  }
0xbb: {  	s0 =	sor.u32 s1, s0  }
0xbc: {  	s0 =	sadd.s32 $0x8F2B, s0  }
0xbd: {  	[sflag:s0] =	ssyncadd.remote.s32 $0x1  }
0xbe: {  	_ =	sfence.sel $0xFFFF  }
0xbf: {  	[dreg:$0x0] =	wrdreg $0xFFFFFFFF;
	(pc) =	sbr.abs _section_cstart, $3  }
0xc0: {  	[dreg:$0x1] =	wrdreg $0xFFFFFFFF  }
0xc1: {  	_ =	task.clear_ibuf [dreg:s6], $0x2FFFF;
	_ =	strace $0x9FFFFFFF  }
0xc2: {  	(tm) =	ssettm $0x7FFFFFFF  }
0xc3: {  	_ =	shalt  }
tec
execute0_lowered:
.L_overlay_start_1:
0x0: {  	(tag) =	ssettag $0x1  }
0x1: {  	s6 =	rddreg [dreg:$0x0]  }
0x2: {  	s2 =	rddreg [dreg:$0x1]  }
0x3: {  	s0 =	srdreg.scid;
	s1 =	rddreg [dreg:$0x2];
	s3 =	simm.s32 $0x0  }
0x4: {  	s13 =	simm.s32 $0x16200;
	s14 =	simm.s32 $0x2;
	s15 =	simm.s32 $0x13880  }
0x5: {  	s16 =	simm.s32 $0x13900;
	s17 =	simm.s32 $0x13980;
	s18 =	simm.s32 $0x50  }
0x6: {  	s19 =	simm.s32 $0x13A00;
	s7 =	sand.u32 $0x1, s0;
	s0 =	stileid.u32  }
0x7: {  	s20 =	simm.s32 $0x1;
	[smem:$0x7FF] =	sst s3;
	s8 =	smul.u32 $0x27100, s7  }
0x8: {  	s21 =	simm.s32 $0x0;
	s4 =	smul.u32 $0x2710, s0;
	_ =	strace $0x80000059  }
0x9: {  	s7 =	ssub.s32 $0x2, s7;
	s30 =	smul.u32 $0x19000, s0;
	s31 =	ssub.s32 $0x41, s0  }
0xa: {  	s12 =	smul.u32 $0xC80, s0;
	s29 =	sshrl.u32 s7, $0x1;
	s5 =	sadd.s32 s4, s8  }
0xb: {  	s4 =	sadd.s32 $0x47800, s6;
	s10 =	sadd.s32 s8, s6;
	s7 =	ssub.s32 s7, s29  }
0xc: {  	s8 =	sshrl.u32 s30, $0x2;
	s9 =	sshrl.u32 s5, $0x3;
	s5 =	sadd.s32 $0x6EE00, s6  }
0xd: {  	s7 =	smax.u32 s7, $0x1;
	s8 =	sadd.s32 s8, s2;
	s12 =	sadd.s32 s12, s10  }
0xe: {  	s11 =	sadd.s32 s9, s6;
	s6 =	sshrl.u32 s31, $0x4;
	s12 =	sadd.s32 $0x6F200, s12  }
0xf: {  	v0 =	vimm.f32 $0.0e+00;
	s9 =	sadd.s32 $0x3DA00, s11;
	s10 =	sadd.s32 $0x33C00, s11;
	s11 =	sadd.s32 $0x20000, s11  }
.LBB2_1:
0x10: {  	s22 =	simm.s32 $0x0;
	s23 =	simm.s32 $0x200  }
.LBB2_2:
0x11: {  	p0 =	sne.s32 s23, $0x18E00;
	[tilespmem:s22+$0x16270] =	vst v0  }
0x12: {  	[tilespmem:s22+$0x16200] =	vst v0  }
0x13: {  	[tilespmem:s22+$0x16210] =	vst v0  }
.Ltmp0:
0x14: {  	[tilespmem:s22+$0x16220] =	vst v0;
	(pc) =	sbr.rel @p0 .LBB2_2-.Ltmp0, $4  }
0x15: {  	[tilespmem:s22+$0x16230] =	vst v0  }
0x16: {  	[tilespmem:s22+$0x16240] =	vst v0  }
0x17: {  	[tilespmem:s22+$0x16250] =	vst v0  }
0x18: {  	[tilespmem:s22+$0x16260] =	vst v0;
	s22 =	sshra.s32 s23, $0x2;
	s23 =	sadd.s32 $0x200, s23  }
0x19: {  	[tilespmem:s22+$0x16270] =	vst v0  }
0x1a: {  	[tilespmem:s22+$0x16200] =	vst v0  }
0x1b: {  	[tilespmem:s22+$0x16210] =	vst v0  }
0x1c: {  	[tilespmem:s22+$0x16220] =	vst v0  }
0x1d: {  	[tilespmem:s22+$0x16230] =	vst v0  }
0x1e: {  	[tilespmem:s22+$0x16240] =	vst v0;
	p0 =	sne.s32 s6, $0x1  }
.Ltmp1:
0x1f: {  	[tilespmem:s22+$0x16250] =	vst v0;
	(pc) =	sbr.rel @!p0 .LBB2_5-.Ltmp1, $4  }
0x20: {  	[tilespmem:s22+$0x16260] =	vst v0  }
0x21: {  	[spmem:s8] =	stream.linear.scatter [tilespmem:s13], [sflag:$0x2], $0x6400, $0x38;
	[tilespmem:$0x1C600] =	vst v63  }
0x22: {  	_ =	swait.ge [sflag:s14], $0x6400  }
0x23: {  	s22 =	sadd.s32 $0xFFFFFFFF, s6;
	s23 =	smov.u32 s8;
	[sflag:s14] =	ssyncset.done $0x0  }
.LBB2_4:
0x24: {  	p1 =	sne.s32 s22, $0x1;
	[sflag:s14] =	ssyncadd.s32 $0xFFFF9C00;
	s23 =	sadd.s32 $0x64000, s23  }
.Ltmp2:
0x25: {  	s22 =	sadd.s32 $0xFFFFFFFF, s22;
	(pc) =	sbr.rel @p1 .LBB2_4-.Ltmp2, $4  }
0x26: {  	_ = 	snop  }
0x27: {  	[spmem:s23] =	stream.linear.scatter [tilespmem:s13], [sflag:$0x2], $0x6400, $0x38;
	[tilespmem:$0x1C600] =	vst v63  }
0x28: {  	_ =	swait.ge [sflag:s14], $0x6400  }
0x29: {  	[sflag:s14] =	ssyncset.done $0x0  }
.LBB2_5:
0x2a: {  	[sflag:s14] =	ssyncadd.s32 $0xFFFF9C00  }
0x2b: {  	s22 =	sadd.s32 $0x0, s11;
	[bflag:$0x0] =	sbarrier.arrive $0xFFFF  }
0x2c: {  	[tilespmem:s15], [sflag:$0x2] =	stream.linear.gather [hbm4b:s22+s3], $0x50, $0x38;
	[tilespmem:$0x1C600] =	vst v63  }
0x2d: {  	_ =	swait.ge [sflag:s14], $0x50  }
0x2e: {  	[sflag:s14] =	ssyncset.done $0x0  }
0x2f: {  	s30 =	sadd.s32 $0x0, s10;
	[sflag:s14] =	ssyncadd.s32 $0xFFFFFFB0  }
0x30: {  	[tilespmem:s16], [sflag:$0x2] =	stream.linear.gather [hbm4b:s30+s3], $0x50, $0x38;
	[tilespmem:$0x1C600] =	vst v63  }
0x31: {  	_ =	swait.ge [sflag:s14], $0x50  }
0x32: {  	[sflag:s14] =	ssyncset.done $0x0  }
0x33: {  	s31 =	sadd.s32 $0x0, s9;
	[sflag:s14] =	ssyncadd.s32 $0xFFFFFFB0  }
0x34: {  	[tilespmem:s17], [sflag:$0x2] =	stream.linear.gather [hbm4b:s31+s3], $0x50, $0x38;
	[tilespmem:$0x1C600] =	vst v63  }
0x35: {  	_ =	swait.ge [sflag:s14], $0x50  }
0x36: {  	[sflag:s14] =	ssyncset.done $0x0  }
0x37: {  	[sflag:s14] =	ssyncadd.s32 $0xFFFFFFB0  }
0x38: {  	[tilespmem:s19], [sflag:$0x1] =	stream.indirect.gather [hbm4b:s5+s18], $0x80, s17, s18, $0xb8;
	[tilespmem:$0x1C600] =	vst v63  }
0x39: {  	_ =	swait.ge [sflag:s20], $0x2800  }
0x3a: {  	[sflag:s20] =	ssyncset.done $0x0  }
0x3b: {  	[sflag:s20] =	ssyncadd.s32 $0xFFFFD800  }
0x3c: {  	[tilespmem:s19], [sflag:$0x1] =	stream.indirect.gather.add.f32 [hbm:s4], $0x80, s15, s18, $0xb8;
	[tilespmem:$0x1C600] =	vst v63  }
0x3d: {  	_ =	swait.ge [sflag:s20], $0x2800  }
0x3e: {  	[sflag:s20] =	ssyncset.done $0x0  }
0x3f: {  	[sflag:s20] =	ssyncadd.s32 $0xFFFFD800  }
0x40: {  	[spmem:s2] =	stream.indirect.scatter.add.f32 [tilespmem:s19], [sflag:$0x2], $0x80, s16, s18, $0xb8;
	[tilespmem:$0x1C600] =	vst v63  }
0x41: {  	_ =	swait.ge [sflag:s14], $0x2800  }
0x42: {  	s23 =	simm.s32 $0x14;
	s22 =	simm.s32 $0xA;
	[sflag:s14] =	ssyncset.done $0x0  }
.LBB2_6:
0x43: {  	s24 =	sadd.s32 s22, s11  }
0x44: {  	[sflag:s14] =	ssyncadd.s32 $0xFFFFD800;
	s25 =	smov.u32 s23;
	s26 =	sadd.s32 $0xA, s23  }
0x45: {  	[tilespmem:s15], [sflag:$0x2] =	stream.linear.gather [hbm4b:s24+s3], $0x50, $0x38;
	[tilespmem:$0x1C600] =	vst v63  }
0x46: {  	p1 =	sne.s32 s23, $0x4D8;
	_ =	swait.ge [sflag:s14], $0x50  }
0x47: {  	[sflag:s14] =	ssyncset.done $0x0  }
0x48: {  	s23 =	sadd.s32 s22, s10;
	[sflag:s14] =	ssyncadd.s32 $0xFFFFFFB0  }
0x49: {  	[tilespmem:s16], [sflag:$0x2] =	stream.linear.gather [hbm4b:s23+s3], $0x50, $0x38;
	[tilespmem:$0x1C600] =	vst v63  }
0x4a: {  	_ =	swait.ge [sflag:s14], $0x50  }
0x4b: {  	[sflag:s14] =	ssyncset.done $0x0  }
0x4c: {  	s23 =	sadd.s32 s22, s9;
	s22 =	smov.u32 s25;
	[sflag:s14] =	ssyncadd.s32 $0xFFFFFFB0  }
0x4d: {  	[tilespmem:s17], [sflag:$0x2] =	stream.linear.gather [hbm4b:s23+s3], $0x50, $0x38;
	[tilespmem:$0x1C600] =	vst v63  }
0x4e: {  	_ =	swait.ge [sflag:s14], $0x50  }
0x4f: {  	[sflag:s14] =	ssyncset.done $0x0  }
0x50: {  	[sflag:s14] =	ssyncadd.s32 $0xFFFFFFB0  }
0x51: {  	[tilespmem:s19], [sflag:$0x1] =	stream.indirect.gather [hbm4b:s5+s18], $0x80, s17, s18, $0xb8;
	[tilespmem:$0x1C600] =	vst v63  }
0x52: {  	_ =	swait.ge [sflag:s20], $0x2800  }
0x53: {  	[sflag:s20] =	ssyncset.done $0x0  }
0x54: {  	[sflag:s20] =	ssyncadd.s32 $0xFFFFD800  }
0x55: {  	[tilespmem:s19], [sflag:$0x1] =	stream.indirect.gather.add.f32 [hbm:s4], $0x80, s15, s18, $0xb8;
	[tilespmem:$0x1C600] =	vst v63  }
0x56: {  	_ =	swait.ge [sflag:s20], $0x2800  }
.Ltmp3:
0x57: {  	[sflag:s20] =	ssyncset.done $0x0;
	(pc) =	sbr.rel @p1 .LBB2_6-.Ltmp3, $4  }
0x58: {  	[sflag:s20] =	ssyncadd.s32 $0xFFFFD800  }
0x59: {  	[spmem:s2] =	stream.indirect.scatter.add.f32 [tilespmem:s19], [sflag:$0x2], $0x80, s16, s18, $0xb8;
	[tilespmem:$0x1C600] =	vst v63  }
0x5a: {  	_ =	swait.ge [sflag:s14], $0x2800  }
0x5b: {  	s23 =	smov.u32 s26;
	[sflag:s14] =	ssyncset.done $0x0  }
0x5c: {  	s23 =	sadd.s32 s22, s11;
	[sflag:s14] =	ssyncadd.s32 $0xFFFFD800  }
0x5d: {  	[tilespmem:s15], [sflag:$0x2] =	stream.linear.gather [hbm4b:s23+s3], $0x50, $0x38;
	[tilespmem:$0x1C600] =	vst v63  }
0x5e: {  	_ =	swait.ge [sflag:s14], $0x50  }
0x5f: {  	[sflag:s14] =	ssyncset.done $0x0  }
0x60: {  	s30 =	sadd.s32 s22, s10;
	[sflag:s14] =	ssyncadd.s32 $0xFFFFFFB0  }
0x61: {  	[tilespmem:s16], [sflag:$0x2] =	stream.linear.gather [hbm4b:s30+s3], $0x50, $0x38;
	[tilespmem:$0x1C600] =	vst v63  }
0x62: {  	_ =	swait.ge [sflag:s14], $0x50  }
0x63: {  	[sflag:s14] =	ssyncset.done $0x0  }
0x64: {  	s31 =	sadd.s32 s22, s9;
	[sflag:s14] =	ssyncadd.s32 $0xFFFFFFB0  }
0x65: {  	[tilespmem:s17], [sflag:$0x2] =	stream.linear.gather [hbm4b:s31+s3], $0x50, $0x38;
	[tilespmem:$0x1C600] =	vst v63  }
0x66: {  	_ =	swait.ge [sflag:s14], $0x50  }
0x67: {  	[sflag:s14] =	ssyncset.done $0x0  }
0x68: {  	[sflag:s14] =	ssyncadd.s32 $0xFFFFFFB0  }
0x69: {  	[tilespmem:s19], [sflag:$0x1] =	stream.indirect.gather [hbm4b:s5+s18], $0x80, s17, s18, $0xb8;
	[tilespmem:$0x1C600] =	vst v63  }
0x6a: {  	_ =	swait.ge [sflag:s20], $0x2800  }
0x6b: {  	[sflag:s20] =	ssyncset.done $0x0  }
0x6c: {  	[sflag:s20] =	ssyncadd.s32 $0xFFFFD800  }
0x6d: {  	[tilespmem:s19], [sflag:$0x1] =	stream.indirect.gather.add.f32 [hbm:s4], $0x80, s15, s18, $0xb8;
	[tilespmem:$0x1C600] =	vst v63  }
0x6e: {  	_ =	swait.ge [sflag:s20], $0x2800  }
0x6f: {  	[sflag:s20] =	ssyncset.done $0x0  }
0x70: {  	[sflag:s20] =	ssyncadd.s32 $0xFFFFD800  }
0x71: {  	[spmem:s2] =	stream.indirect.scatter.add.f32 [tilespmem:s19], [sflag:$0x2], $0x80, s16, s18, $0xb8;
	[tilespmem:$0x1C600] =	vst v63  }
0x72: {  	_ =	swait.ge [sflag:s14], $0x2800  }
0x73: {  	[sflag:s14] =	ssyncset.done $0x0  }
0x74: {  	[sflag:s14] =	ssyncadd.s32 $0xFFFFD800  }
0x75: {  	[bflag:$0x0] =	sbarrier.arrive $0xFFFF  }
0x76: {  	[tilespmem:s13], [sflag:$0x2] =	stream.linear.gather [spmem:s8], $0x6400, $0x38;
	[tilespmem:$0x1C600] =	vst v63  }
0x77: {  	_ =	swait.ge [sflag:s14], $0x6400  }
.Ltmp4:
0x78: {  	[sflag:s14] =	ssyncset.done $0x0;
	(pc) =	sbr.rel @!p0 .LBB2_9-.Ltmp4, $4  }
0x79: {  	[sflag:s14] =	ssyncadd.s32 $0xFFFF9C00  }
0x7a: {  	[hbm4b:s12+s3] =	stream.linear.scatter [tilespmem:s13], [sflag:$0x2], $0x6400, $0x38;
	[tilespmem:$0x1C600] =	vst v63  }
0x7b: {  	s22 =	sadd.s32 $0xFFFFFFFF, s6;
	_ =	swait.ge [sflag:s14], $0x6400  }
0x7c: {  	s24 =	smov.u32 s12;
	s23 =	smov.u32 s8;
	[sflag:s14] =	ssyncset.done $0x0  }
.LBB2_8:
0x7d: {  	[sflag:s14] =	ssyncadd.s32 $0xFFFF9C00;
	s23 =	sadd.s32 $0x64000, s23;
	s24 =	sadd.s32 $0xC800, s24  }
0x7e: {  	[tilespmem:s13], [sflag:$0x2] =	stream.linear.gather [spmem:s23], $0x6400, $0x38;
	[tilespmem:$0x1C600] =	vst v63  }
0x7f: {  	p0 =	sne.s32 s22, $0x1;
	s22 =	sadd.s32 $0xFFFFFFFF, s22;
	_ =	swait.ge [sflag:s14], $0x6400  }
.Ltmp5:
0x80: {  	[sflag:s14] =	ssyncset.done $0x0;
	(pc) =	sbr.rel @p0 .LBB2_8-.Ltmp5, $4  }
0x81: {  	[sflag:s14] =	ssyncadd.s32 $0xFFFF9C00  }
0x82: {  	[hbm4b:s24+s3] =	stream.linear.scatter [tilespmem:s13], [sflag:$0x2], $0x6400, $0x38;
	[tilespmem:$0x1C600] =	vst v63  }
0x83: {  	_ =	swait.ge [sflag:s14], $0x6400  }
0x84: {  	[sflag:s14] =	ssyncset.done $0x0  }
.LBB2_9:
0x85: {  	s21 =	sadd.s32 $0x1, s21  }
0x86: {  	p0 =	sne.s32 s21, s7  }
.Ltmp6:
0x87: {  	_ = 	snop;
	(pc) =	sbr.rel @p0 .LBB2_1-.Ltmp6, $2  }
0x88: {  	_ =	sdelay $0x2  }
0x89: {  	[sflag:s14] =	ssyncadd.s32 $0xFFFF9C00  }
0x8a: {  	_ =	sfence.sel $0x180000  }
0x8b: {  	[bflag:$0x0] =	sbarrier.arrive $0xFFFF  }
0x8c: {  	p0 =	sne.s32 s0, $0x0;
	_ =	strace $0x90000059  }
0x8d: {  	s0 =	sadd.s32 @!p0 $0x100000, s1;
	[bflag:$0x2] =	sbarrier.arrive $0xFFFF  }
0x8e: {  	[sflag:s0] =	ssyncadd.tile.s32 @!p0 $0x1;
	_ =	shalt  }
.Lfunc_end2:
_tile_overlayer_lowered:
.L_overlay_start_2:
0x8f: {  	(tag) =	ssettag $0x2  }
0x90: {  	s0 =	rddreg [dreg:$0x0];
	s2 =	stileid.u32  }
0x91: {  	s1 =	rddreg [dreg:$0x1];
	p0 =	sne.s32 s2, $0x0  }
0x92: {  	s3 =	rddreg [dreg:$0x2];
	[bflag:$0x3] =	sbarrier.arrive $0xFFFF;
	s2 =	simm.s32 @!p0 $0x1C02  }
0x93: {  	[timem:s3], [sflag:s2] =	dma.local @!p0 [hbm:s0], s1  }
0x94: {  	s0 =	simm.s32 @!p0 $0x2  }
0x95: {  	_ =	swait.ge @!p0 [sflag:s0], s1  }
0x96: {  	s1 =	ssub.s32 @!p0 $0x0, s1;
	[sflag:s0] =	ssyncset.done @!p0 $0x0  }
0x97: {  	[sflag:s0] =	ssyncadd.s32 @!p0 s1  }
0x98: {  	[bflag:$0x3] =	sbarrier.arrive $0xFFFF  }
0x99: {  	_ =	shalt  }

// kernel: kernel.21.cloned.1.call-start
scs
__scs_entry_jumppad:
0x0: {  	(pc) =	sbr.rel $0x88, $3  }
0x1: {  	(tag) =	ssettag $0x0;
	lr =	simm.s32 $0x1  }
0x2: {  	[smem:$0x3F87] =	sst lr;
	_ =	strace $0xD0000000  }
0x3: {  	_ = 	snop  }
0x4: {  	_ = 	snop  }
0x5: {  	_ = 	snop  }
0x6: {  	_ = 	snop  }
0x7: {  	_ = 	snop  }
__scs_overlays_trampoline_lowered:
0x8: {  	[smem:$0x3F96] =	sst s0  }
0x9: {  	[smem:$0x3F97] =	sst s1  }
0xa: {  	[smem:$0x3F98] =	sst s2  }
0xb: {  	[smem:$0x3F99] =	sst s3  }
0xc: {  	[smem:$0x3F9A] =	sst s4  }
0xd: {  	[smem:$0x3F9B] =	sst s5  }
0xe: {  	[smem:$0x3F9C] =	sst s6  }
0xf: {  	[smem:$0x3F9D] =	sst s7  }
0x10: {  	[smem:$0x3F9E] =	sst s8  }
0x11: {  	[smem:$0x3F9F] =	sst s9;
	s0 =	simm.s32 @!p0 $0x0  }
0x12: {  	s1 =	sld [smem:$0x3F85];
	s0 =	simm.s32 @p0 $0x1  }
0x13: {  	[smem:$0x3FA0] =	sst s0;
	s0 =	simm.s32 @!p1 $0x0  }
0x14: {  	s2 =	sld [smem:$0x3F84];
	s0 =	simm.s32 @p1 $0x1  }
0x15: {  	[smem:$0x3FA1] =	sst s0;
	s0 =	simm.s32 @!p2 $0x0  }
0x16: {  	s3 =	sld [smem:$0x3FDB];
	s0 =	simm.s32 @p2 $0x1  }
0x17: {  	s4 =	simm.s32 $0x1BF5;
	[smem:$0x3FA3] =	sst s0  }
0x18: {  	s0 =	sld [smem:$0x3F86];
	_ =	swait.ge [sflag:s4], $0x0  }
0x19: {  	s7 =	sld [smem:$0x3F87]  }
0x1a: {  	s8 =	sadd.s32 $0xFFFFE003, lr  }
0x1b: {  	s9 =	sadd.s32 $0xFFFFFEF7, lr;
	s5 =	simm.s32 $0xFFFFFFFF;
	p2 =	slt.u32 s8, $0xFFFFF086  }
0x1c: {  	p1 =	slt.u32 s9, $0xF7A;
	s5 =	simm.s32 @!p2 $0x0  }
0x1d: {  	s5 =	simm.s32 @p1 $0x1;
	p0 =	seq.s32 s7, s2  }
0x1e: {  	s7 =	smul.u32 @!p0 $0xF7A, s2;
	p2 =	seq.s32 @!p0 s5, $0x0  }
0x1f: {  	s9 =	smul.u32 $0xF7A, s1;
	s8 =	simm.s32 @!p0 $0x1BF5;
	p2 =	por !p2, p0  }
0x20: {  	[sflag:s8] =	ssyncset.s32 @!p0 $0xFFFFF086;
	s6 =	sadd.s32 @!p0 s3, s7;
	s7 =	simm.s32 @!p0 $0x108  }
0x21: {  	s3 =	sadd.s32 s3, s9;
	s6 =	sadd.s32 @!p0 $0x88, s6;
	s7 =	simm.s32 @p2 $0x1082  }
0x22: {  	[simem:s7], [sflag:s8] =	dma.local @!p0 [hbm:s6], $0xF7A  }
0x23: {  	s9 =	sor.u32 $0xD0000000, s2;
	s6 =	simm.s32 $0x108;
	_ =	swait.ge @!p0 [sflag:s8], $0x0  }
0x24: {  	s3 =	sadd.s32 $0x88, s3;
	s6 =	simm.s32 @!p1 $0x1082;
	[sflag:s4] =	ssyncset.s32 $0xFFFFF086  }
0x25: {  	[simem:s6], [sflag:s4] =	dma.local [hbm:s3], $0xF7A  }
0x26: {  	[smem:$0x3F87] =	sst s1;
	(tag) =	ssettag s2;
	_ =	strace s9  }
0x27: {  	s1 =	sld [smem:$0x3F97]  }
0x28: {  	s2 =	sld [smem:$0x3F98]  }
0x29: {  	s4 =	sld [smem:$0x3F9A]  }
0x2a: {  	p0 =	seq.s32 s5, $0x0;
	s5 =	sld [smem:$0x3F9B]  }
0x2b: {  	s6 =	sld [smem:$0x3F9C]  }
0x2c: {  	s7 =	sld [smem:$0x3F9D]  }
0x2d: {  	s3 =	simm.s32 $0x108;
	s8 =	sld [smem:$0x3F9E]  }
0x2e: {  	s3 =	simm.s32 @!p0 $0x1082;
	s9 =	sld [smem:$0x3F9F]  }
0x2f: {  	lr =	sadd.s32 s0, s3;
	s0 =	sld [smem:$0x3F96]  }
0x30: {  	s3 =	sld [smem:$0x3F99]  }
0x31: {  	[smem:$0x3FA2] =	sst s10  }
0x32: {  	s10 =	sld [smem:$0x3FA0];
	_ =	sdelay $0x3  }
0x33: {  	p0 =	seq.s32 s10, $0x1;
	s10 =	sld [smem:$0x3FA2];
	_ =	sdelay $0x3  }
0x34: {  	[smem:$0x3FA2] =	sst s10  }
0x35: {  	s10 =	sld [smem:$0x3FA1];
	_ =	sdelay $0x3  }
0x36: {  	p1 =	seq.s32 s10, $0x1;
	s10 =	sld [smem:$0x3FA2];
	_ =	sdelay $0x3  }
0x37: {  	[smem:$0x3FA2] =	sst s10  }
0x38: {  	s10 =	sld [smem:$0x3FA3]  }
0x39: {  	_ = 	snop;
	(pc) =	sbr.ind lr, $3  }
0x3a: {  	_ = 	snop  }
0x3b: {  	_ = 	snop  }
0x3c: {  	p2 =	seq.s32 s10, $0x1;
	s10 =	sld [smem:$0x3FA2]  }
0x3d: {  	_ =	shalt  }
0x3e: {  	_ =	shalt  }
0x3f: {  	_ =	shalt  }
0x40: {  	_ =	shalt  }
0x41: {  	_ =	shalt  }
0x42: {  	_ =	shalt  }
0x43: {  	_ =	shalt  }
0x44: {  	_ =	shalt  }
0x45: {  	_ =	shalt  }
0x46: {  	_ =	shalt  }
0x47: {  	_ =	shalt  }
0x48: {  	_ =	shalt  }
0x49: {  	_ =	shalt  }
0x4a: {  	_ =	shalt  }
0x4b: {  	_ =	shalt  }
0x4c: {  	_ =	shalt  }
0x4d: {  	_ =	shalt  }
0x4e: {  	_ =	shalt  }
0x4f: {  	_ =	shalt  }
0x50: {  	_ =	shalt  }
0x51: {  	_ =	shalt  }
0x52: {  	_ =	shalt  }
0x53: {  	_ =	shalt  }
0x54: {  	_ =	shalt  }
0x55: {  	_ =	shalt  }
0x56: {  	_ =	shalt  }
0x57: {  	_ =	shalt  }
0x58: {  	_ =	shalt  }
0x59: {  	_ =	shalt  }
0x5a: {  	_ =	shalt  }
0x5b: {  	_ =	shalt  }
0x5c: {  	_ =	shalt  }
0x5d: {  	_ =	shalt  }
0x5e: {  	_ =	shalt  }
0x5f: {  	_ =	shalt  }
0x60: {  	_ =	shalt  }
0x61: {  	_ =	shalt  }
0x62: {  	_ =	shalt  }
0x63: {  	_ =	shalt  }
0x64: {  	_ =	shalt  }
0x65: {  	_ =	shalt  }
0x66: {  	_ =	shalt  }
0x67: {  	_ =	shalt  }
0x68: {  	_ =	shalt  }
0x69: {  	_ =	shalt  }
0x6a: {  	_ =	shalt  }
0x6b: {  	_ =	shalt  }
0x6c: {  	_ =	shalt  }
0x6d: {  	_ =	shalt  }
0x6e: {  	_ =	shalt  }
0x6f: {  	_ =	shalt  }
0x70: {  	_ =	shalt  }
0x71: {  	_ =	shalt  }
0x72: {  	_ =	shalt  }
0x73: {  	_ =	shalt  }
0x74: {  	_ =	shalt  }
0x75: {  	_ =	shalt  }
0x76: {  	_ =	shalt  }
0x77: {  	_ =	shalt  }
0x78: {  	_ =	shalt  }
0x79: {  	_ =	shalt  }
0x7a: {  	_ =	shalt  }
0x7b: {  	_ =	shalt  }
0x7c: {  	_ =	shalt  }
0x7d: {  	_ =	shalt  }
0x7e: {  	_ =	shalt  }
0x7f: {  	_ =	shalt  }
0x80: {  	_ =	shalt  }
0x81: {  	_ =	shalt  }
0x82: {  	_ =	shalt  }
0x83: {  	_ =	shalt  }
0x84: {  	_ =	shalt  }
0x85: {  	_ =	shalt  }
0x86: {  	_ =	shalt  }
0x87: {  	_ =	shalt  }
.Lfunc_end0:
.L_simem_size_0:
called_computation.7_lowered:
.L_overlay_start_0:
0x88: {  	s2 =	sld [smem:$0x3FD9]  }
0x89: {  	s3 =	sld [smem:$0x3FFE];
	_ =	sdelay $0x1  }
0x8a: {  	s1 =	srdreg.scid  }
0x8b: {  	s0 =	sand.u32 $0x1, s1  }
0x8c: {  	s16 =	sshll.u32 s0, $0xA;
	s2 =	sadd.s32 s3, s2  }
0x8d: {  	s2 =	sadd.s32 s2, s16  }
0x8e: {  	[smem:$0x3FAE] =	sst s2  }
0x8f: {  	_ = 	snop  }
0x90: {  	(tm) =	ssettm $0x1  }
0x91: {  	s17 =	sld [smem:$0x3FFB];
	_ =	sdelay $0x3  }
0x92: {  	_ =	strace s17  }
0x93: {  	s2 =	sld [smem:$0x3FFC];
	_ =	sdelay $0x3  }
0x94: {  	_ =	strace s2  }
0x95: {  	s2 =	sld [smem:$0x3FFD];
	_ =	sdelay $0x3  }
0x96: {  	_ =	strace s2  }
0x97: {  	_ =	strace $0x8FFFFFFF  }
0x98: {  	s18 =	sld [smem:$0x3FDB];
	_ =	sdelay $0x1  }
0x99: {  	s19 =	simm.s32 $_scs_section_size  }
0x9a: {  	s4 =	simm.s32 $_size__tile_overlayer_lowered;
	s5 =	simm.s32 $_tile_overlayer_lowered  }
0x9b: {  	s22 =	simm.s32 $0x1BFF;
	s21 =	sshll.u32 s5, $0x1;
	s2 =	sadd.s32 s19, s18  }
0x9c: {  	s6 =	simm.s32 $0x0;
	s20 =	sshll.u32 s4, $0x1;
	s4 =	sadd.s32 s21, s2  }
0x9d: {  	[timem:s6], [sflag:s22] =	dma.local [hbm:s4], s20  }
0x9e: {  	_ =	swait.ge [sflag:s22], s20  }
0x9f: {  	s3 =	ssub.s32 $0x0, s20;
	[sflag:s22] =	ssyncset.done $0x0  }
0xa0: {  	[sflag:s22] =	ssyncadd.s32 s3;
	_ =	sdelay $0x1  }
0xa1: {  	s23 =	simm.s32 $0x1B8B  }
0xa2: {  	_ =	swait.ge [sflag:s23], $0x1  }
0xa3: {  	[sflag:s23] =	ssyncset.done $0x0  }
0xa4: {  	s25 =	simm.s32 $0x1B8E;
	s24 =	sld [smem:$0x3FFE];
	[sflag:s23] =	ssyncadd.s32 $0xFFFFFFFF  }
0xa5: {  	s26 =	simm.s32 $execute0_lowered;
	[smem:$0x3FD2] =	sst s25  }
0xa6: {  	s4 =	sshll.u32 s26, $0x1;
	_ =	strace $0x8000005B;
	[dreg:$0x1] =	wrdreg $0xFFFFFFFF  }
0xa7: {  	s28 =	simm.s32 $_size_execute0_lowered;
	s2 =	sadd.s32 s2, s4;
	[dreg:$0x0] =	wrdreg $0x0  }
0xa8: {  	s4 =	sshll.u32 s28, $0x1;
	[dreg:$0x2] =	wrdreg s2  }
0xa9: {  	[dreg:$0x3] =	wrdreg s4  }
0xaa: {  	[dreg:$0x4] =	wrdreg $0xC0  }
0xab: {  	_ =	task [dreg:s6], $0x5FFFF  }
0xac: {  	[dreg:$0x1] =	wrdreg $0xFFFFFFFF  }
0xad: {  	[dreg:$0x0] =	wrdreg $0x60  }
0xae: {  	[dreg:$0x2] =	wrdreg s24  }
0xaf: {  	[dreg:$0x3] =	wrdreg $0x0  }
0xb0: {  	[dreg:$0x4] =	wrdreg $0x9  }
0xb1: {  	_ =	task.clear_ibuf [dreg:s6], $0x5FFFF;
	_ =	strace $0x9000005B  }
0xb2: {  	s29 =	simm.s32 $0x9;
	_ =	strace $0x8000005D  }
0xb3: {  	_ =	swait.ge [sflag:s29], $0x1  }
0xb4: {  	[sflag:s29] =	ssyncadd.s32 $0xFFFFFFFF  }
0xb5: {  	_ =	strace $0x9000005D  }
0xb6: {  	_ =	sfence  }
0xb7: {  	s30 =	sld [smem:$0x0];
	_ =	sdelay $0x2  }
0xb8: {  	s31 =	sshll.u32 s1, $0xD;
	s1 =	sshrl.u32 s1, $0x2  }
0xb9: {  	s3 =	sand.u32 $0x4000, s31;
	s1 =	sadd.s32 s1, s30  }
0xba: {  	s0 =	sor.u32 s3, s0;
	s1 =	sshll.u32 s1, $0x11  }
0xbb: {  	s0 =	sor.u32 s1, s0  }
0xbc: {  	s0 =	sadd.s32 $0x8F2B, s0  }
0xbd: {  	[sflag:s0] =	ssyncadd.remote.s32 $0x1  }
0xbe: {  	_ =	sfence.sel $0xFFFF  }
0xbf: {  	[dreg:$0x0] =	wrdreg $0xFFFFFFFF;
	(pc) =	sbr.abs _section_cstart, $3  }
0xc0: {  	[dreg:$0x1] =	wrdreg $0xFFFFFFFF  }
0xc1: {  	_ =	task.clear_ibuf [dreg:s6], $0x2FFFF;
	_ =	strace $0x9FFFFFFF  }
0xc2: {  	(tm) =	ssettm $0x7FFFFFFF  }
0xc3: {  	_ =	shalt  }
tec
execute0_lowered:
.L_overlay_start_1:
0x0: {  	(tag) =	ssettag $0x1  }
0x1: {  	s6 =	rddreg [dreg:$0x0]  }
0x2: {  	s2 =	rddreg [dreg:$0x1]  }
0x3: {  	s0 =	srdreg.scid;
	s1 =	rddreg [dreg:$0x2];
	s3 =	simm.s32 $0x0  }
0x4: {  	s13 =	simm.s32 $0x16200;
	s14 =	simm.s32 $0x2;
	s15 =	simm.s32 $0x13880  }
0x5: {  	s16 =	simm.s32 $0x13900;
	s17 =	simm.s32 $0x13980;
	s18 =	simm.s32 $0x50  }
0x6: {  	s19 =	simm.s32 $0x13A00;
	s7 =	sand.u32 $0x1, s0;
	s0 =	stileid.u32  }
0x7: {  	s20 =	simm.s32 $0x1;
	[smem:$0x7FF] =	sst s3;
	s8 =	smul.u32 $0x27100, s7  }
0x8: {  	s21 =	simm.s32 $0x0;
	s4 =	smul.u32 $0x2710, s0;
	_ =	strace $0x8000005C  }
0x9: {  	s7 =	ssub.s32 $0x2, s7;
	s30 =	smul.u32 $0x19000, s0;
	s31 =	ssub.s32 $0x41, s0  }
0xa: {  	s12 =	smul.u32 $0xC80, s0;
	s29 =	sshrl.u32 s7, $0x1;
	s5 =	sadd.s32 s4, s8  }
0xb: {  	s4 =	sadd.s32 $0x47800, s6;
	s10 =	sadd.s32 s8, s6;
	s7 =	ssub.s32 s7, s29  }
0xc: {  	s8 =	sshrl.u32 s30, $0x2;
	s9 =	sshrl.u32 s5, $0x3;
	s5 =	sadd.s32 $0x6EC00, s6  }
0xd: {  	s7 =	smax.u32 s7, $0x1;
	s8 =	sadd.s32 s8, s2;
	s12 =	sadd.s32 s12, s10  }
0xe: {  	s11 =	sadd.s32 s9, s6;
	s6 =	sshrl.u32 s31, $0x4;
	s12 =	sadd.s32 $0x6F200, s12  }
0xf: {  	v0 =	vimm.f32 $0.0e+00;
	s9 =	sadd.s32 $0x3DA00, s11;
	s10 =	sadd.s32 $0x33C00, s11;
	s11 =	sadd.s32 $0x20000, s11  }
.LBB2_1:
0x10: {  	s22 =	simm.s32 $0x0;
	s23 =	simm.s32 $0x200  }
.LBB2_2:
0x11: {  	p0 =	sne.s32 s23, $0x18E00;
	[tilespmem:s22+$0x16270] =	vst v0  }
0x12: {  	[tilespmem:s22+$0x16200] =	vst v0  }
0x13: {  	[tilespmem:s22+$0x16210] =	vst v0  }
.Ltmp0:
0x14: {  	[tilespmem:s22+$0x16220] =	vst v0;
	(pc) =	sbr.rel @p0 .LBB2_2-.Ltmp0, $4  }
0x15: {  	[tilespmem:s22+$0x16230] =	vst v0  }
0x16: {  	[tilespmem:s22+$0x16240] =	vst v0  }
0x17: {  	[tilespmem:s22+$0x16250] =	vst v0  }
0x18: {  	[tilespmem:s22+$0x16260] =	vst v0;
	s22 =	sshra.s32 s23, $0x2;
	s23 =	sadd.s32 $0x200, s23  }
0x19: {  	[tilespmem:s22+$0x16270] =	vst v0  }
0x1a: {  	[tilespmem:s22+$0x16200] =	vst v0  }
0x1b: {  	[tilespmem:s22+$0x16210] =	vst v0  }
0x1c: {  	[tilespmem:s22+$0x16220] =	vst v0  }
0x1d: {  	[tilespmem:s22+$0x16230] =	vst v0  }
0x1e: {  	[tilespmem:s22+$0x16240] =	vst v0;
	p0 =	sne.s32 s6, $0x1  }
.Ltmp1:
0x1f: {  	[tilespmem:s22+$0x16250] =	vst v0;
	(pc) =	sbr.rel @!p0 .LBB2_5-.Ltmp1, $4  }
0x20: {  	[tilespmem:s22+$0x16260] =	vst v0  }
0x21: {  	[spmem:s8] =	stream.linear.scatter [tilespmem:s13], [sflag:$0x2], $0x6400, $0x38;
	[tilespmem:$0x1C600] =	vst v63  }
0x22: {  	_ =	swait.ge [sflag:s14], $0x6400  }
0x23: {  	s22 =	sadd.s32 $0xFFFFFFFF, s6;
	s23 =	smov.u32 s8;
	[sflag:s14] =	ssyncset.done $0x0  }
.LBB2_4:
0x24: {  	p1 =	sne.s32 s22, $0x1;
	[sflag:s14] =	ssyncadd.s32 $0xFFFF9C00;
	s23 =	sadd.s32 $0x64000, s23  }
.Ltmp2:
0x25: {  	s22 =	sadd.s32 $0xFFFFFFFF, s22;
	(pc) =	sbr.rel @p1 .LBB2_4-.Ltmp2, $4  }
0x26: {  	_ = 	snop  }
0x27: {  	[spmem:s23] =	stream.linear.scatter [tilespmem:s13], [sflag:$0x2], $0x6400, $0x38;
	[tilespmem:$0x1C600] =	vst v63  }
0x28: {  	_ =	swait.ge [sflag:s14], $0x6400  }
0x29: {  	[sflag:s14] =	ssyncset.done $0x0  }
.LBB2_5:
0x2a: {  	[sflag:s14] =	ssyncadd.s32 $0xFFFF9C00  }
0x2b: {  	s22 =	sadd.s32 $0x0, s11;
	[bflag:$0x0] =	sbarrier.arrive $0xFFFF  }
0x2c: {  	[tilespmem:s15], [sflag:$0x2] =	stream.linear.gather [hbm4b:s22+s3], $0x50, $0x38;
	[tilespmem:$0x1C600] =	vst v63  }
0x2d: {  	_ =	swait.ge [sflag:s14], $0x50  }
0x2e: {  	[sflag:s14] =	ssyncset.done $0x0  }
0x2f: {  	s30 =	sadd.s32 $0x0, s10;
	[sflag:s14] =	ssyncadd.s32 $0xFFFFFFB0  }
0x30: {  	[tilespmem:s16], [sflag:$0x2] =	stream.linear.gather [hbm4b:s30+s3], $0x50, $0x38;
	[tilespmem:$0x1C600] =	vst v63  }
0x31: {  	_ =	swait.ge [sflag:s14], $0x50  }
0x32: {  	[sflag:s14] =	ssyncset.done $0x0  }
0x33: {  	s31 =	sadd.s32 $0x0, s9;
	[sflag:s14] =	ssyncadd.s32 $0xFFFFFFB0  }
0x34: {  	[tilespmem:s17], [sflag:$0x2] =	stream.linear.gather [hbm4b:s31+s3], $0x50, $0x38;
	[tilespmem:$0x1C600] =	vst v63  }
0x35: {  	_ =	swait.ge [sflag:s14], $0x50  }
0x36: {  	[sflag:s14] =	ssyncset.done $0x0  }
0x37: {  	[sflag:s14] =	ssyncadd.s32 $0xFFFFFFB0  }
0x38: {  	[tilespmem:s19], [sflag:$0x1] =	stream.indirect.gather [hbm4b:s5+s18], $0x80, s17, s18, $0xb8;
	[tilespmem:$0x1C600] =	vst v63  }
0x39: {  	_ =	swait.ge [sflag:s20], $0x2800  }
0x3a: {  	[sflag:s20] =	ssyncset.done $0x0  }
0x3b: {  	[sflag:s20] =	ssyncadd.s32 $0xFFFFD800  }
0x3c: {  	[tilespmem:s19], [sflag:$0x1] =	stream.indirect.gather.add.f32 [hbm:s4], $0x80, s15, s18, $0xb8;
	[tilespmem:$0x1C600] =	vst v63  }
0x3d: {  	_ =	swait.ge [sflag:s20], $0x2800  }
0x3e: {  	[sflag:s20] =	ssyncset.done $0x0  }
0x3f: {  	[sflag:s20] =	ssyncadd.s32 $0xFFFFD800  }
0x40: {  	[spmem:s2] =	stream.indirect.scatter.add.f32 [tilespmem:s19], [sflag:$0x2], $0x80, s16, s18, $0xb8;
	[tilespmem:$0x1C600] =	vst v63  }
0x41: {  	_ =	swait.ge [sflag:s14], $0x2800  }
0x42: {  	s23 =	simm.s32 $0x14;
	s22 =	simm.s32 $0xA;
	[sflag:s14] =	ssyncset.done $0x0  }
.LBB2_6:
0x43: {  	s24 =	sadd.s32 s22, s11  }
0x44: {  	[sflag:s14] =	ssyncadd.s32 $0xFFFFD800;
	s25 =	smov.u32 s23;
	s26 =	sadd.s32 $0xA, s23  }
0x45: {  	[tilespmem:s15], [sflag:$0x2] =	stream.linear.gather [hbm4b:s24+s3], $0x50, $0x38;
	[tilespmem:$0x1C600] =	vst v63  }
0x46: {  	p1 =	sne.s32 s23, $0x4D8;
	_ =	swait.ge [sflag:s14], $0x50  }
0x47: {  	[sflag:s14] =	ssyncset.done $0x0  }
0x48: {  	s23 =	sadd.s32 s22, s10;
	[sflag:s14] =	ssyncadd.s32 $0xFFFFFFB0  }
0x49: {  	[tilespmem:s16], [sflag:$0x2] =	stream.linear.gather [hbm4b:s23+s3], $0x50, $0x38;
	[tilespmem:$0x1C600] =	vst v63  }
0x4a: {  	_ =	swait.ge [sflag:s14], $0x50  }
0x4b: {  	[sflag:s14] =	ssyncset.done $0x0  }
0x4c: {  	s23 =	sadd.s32 s22, s9;
	s22 =	smov.u32 s25;
	[sflag:s14] =	ssyncadd.s32 $0xFFFFFFB0  }
0x4d: {  	[tilespmem:s17], [sflag:$0x2] =	stream.linear.gather [hbm4b:s23+s3], $0x50, $0x38;
	[tilespmem:$0x1C600] =	vst v63  }
0x4e: {  	_ =	swait.ge [sflag:s14], $0x50  }
0x4f: {  	[sflag:s14] =	ssyncset.done $0x0  }
0x50: {  	[sflag:s14] =	ssyncadd.s32 $0xFFFFFFB0  }
0x51: {  	[tilespmem:s19], [sflag:$0x1] =	stream.indirect.gather [hbm4b:s5+s18], $0x80, s17, s18, $0xb8;
	[tilespmem:$0x1C600] =	vst v63  }
0x52: {  	_ =	swait.ge [sflag:s20], $0x2800  }
0x53: {  	[sflag:s20] =	ssyncset.done $0x0  }
0x54: {  	[sflag:s20] =	ssyncadd.s32 $0xFFFFD800  }
0x55: {  	[tilespmem:s19], [sflag:$0x1] =	stream.indirect.gather.add.f32 [hbm:s4], $0x80, s15, s18, $0xb8;
	[tilespmem:$0x1C600] =	vst v63  }
0x56: {  	_ =	swait.ge [sflag:s20], $0x2800  }
.Ltmp3:
0x57: {  	[sflag:s20] =	ssyncset.done $0x0;
	(pc) =	sbr.rel @p1 .LBB2_6-.Ltmp3, $4  }
0x58: {  	[sflag:s20] =	ssyncadd.s32 $0xFFFFD800  }
0x59: {  	[spmem:s2] =	stream.indirect.scatter.add.f32 [tilespmem:s19], [sflag:$0x2], $0x80, s16, s18, $0xb8;
	[tilespmem:$0x1C600] =	vst v63  }
0x5a: {  	_ =	swait.ge [sflag:s14], $0x2800  }
0x5b: {  	s23 =	smov.u32 s26;
	[sflag:s14] =	ssyncset.done $0x0  }
0x5c: {  	s23 =	sadd.s32 s22, s11;
	[sflag:s14] =	ssyncadd.s32 $0xFFFFD800  }
0x5d: {  	[tilespmem:s15], [sflag:$0x2] =	stream.linear.gather [hbm4b:s23+s3], $0x50, $0x38;
	[tilespmem:$0x1C600] =	vst v63  }
0x5e: {  	_ =	swait.ge [sflag:s14], $0x50  }
0x5f: {  	[sflag:s14] =	ssyncset.done $0x0  }
0x60: {  	s30 =	sadd.s32 s22, s10;
	[sflag:s14] =	ssyncadd.s32 $0xFFFFFFB0  }
0x61: {  	[tilespmem:s16], [sflag:$0x2] =	stream.linear.gather [hbm4b:s30+s3], $0x50, $0x38;
	[tilespmem:$0x1C600] =	vst v63  }
0x62: {  	_ =	swait.ge [sflag:s14], $0x50  }
0x63: {  	[sflag:s14] =	ssyncset.done $0x0  }
0x64: {  	s31 =	sadd.s32 s22, s9;
	[sflag:s14] =	ssyncadd.s32 $0xFFFFFFB0  }
0x65: {  	[tilespmem:s17], [sflag:$0x2] =	stream.linear.gather [hbm4b:s31+s3], $0x50, $0x38;
	[tilespmem:$0x1C600] =	vst v63  }
0x66: {  	_ =	swait.ge [sflag:s14], $0x50  }
0x67: {  	[sflag:s14] =	ssyncset.done $0x0  }
0x68: {  	[sflag:s14] =	ssyncadd.s32 $0xFFFFFFB0  }
0x69: {  	[tilespmem:s19], [sflag:$0x1] =	stream.indirect.gather [hbm4b:s5+s18], $0x80, s17, s18, $0xb8;
	[tilespmem:$0x1C600] =	vst v63  }
0x6a: {  	_ =	swait.ge [sflag:s20], $0x2800  }
0x6b: {  	[sflag:s20] =	ssyncset.done $0x0  }
0x6c: {  	[sflag:s20] =	ssyncadd.s32 $0xFFFFD800  }
0x6d: {  	[tilespmem:s19], [sflag:$0x1] =	stream.indirect.gather.add.f32 [hbm:s4], $0x80, s15, s18, $0xb8;
	[tilespmem:$0x1C600] =	vst v63  }
0x6e: {  	_ =	swait.ge [sflag:s20], $0x2800  }
0x6f: {  	[sflag:s20] =	ssyncset.done $0x0  }
0x70: {  	[sflag:s20] =	ssyncadd.s32 $0xFFFFD800  }
0x71: {  	[spmem:s2] =	stream.indirect.scatter.add.f32 [tilespmem:s19], [sflag:$0x2], $0x80, s16, s18, $0xb8;
	[tilespmem:$0x1C600] =	vst v63  }
0x72: {  	_ =	swait.ge [sflag:s14], $0x2800  }
0x73: {  	[sflag:s14] =	ssyncset.done $0x0  }
0x74: {  	[sflag:s14] =	ssyncadd.s32 $0xFFFFD800  }
0x75: {  	[bflag:$0x0] =	sbarrier.arrive $0xFFFF  }
0x76: {  	[tilespmem:s13], [sflag:$0x2] =	stream.linear.gather [spmem:s8], $0x6400, $0x38;
	[tilespmem:$0x1C600] =	vst v63  }
0x77: {  	_ =	swait.ge [sflag:s14], $0x6400  }
.Ltmp4:
0x78: {  	[sflag:s14] =	ssyncset.done $0x0;
	(pc) =	sbr.rel @!p0 .LBB2_9-.Ltmp4, $4  }
0x79: {  	[sflag:s14] =	ssyncadd.s32 $0xFFFF9C00  }
0x7a: {  	[hbm4b:s12+s3] =	stream.linear.scatter [tilespmem:s13], [sflag:$0x2], $0x6400, $0x38;
	[tilespmem:$0x1C600] =	vst v63  }
0x7b: {  	s22 =	sadd.s32 $0xFFFFFFFF, s6;
	_ =	swait.ge [sflag:s14], $0x6400  }
0x7c: {  	s24 =	smov.u32 s12;
	s23 =	smov.u32 s8;
	[sflag:s14] =	ssyncset.done $0x0  }
.LBB2_8:
0x7d: {  	[sflag:s14] =	ssyncadd.s32 $0xFFFF9C00;
	s23 =	sadd.s32 $0x64000, s23;
	s24 =	sadd.s32 $0xC800, s24  }
0x7e: {  	[tilespmem:s13], [sflag:$0x2] =	stream.linear.gather [spmem:s23], $0x6400, $0x38;
	[tilespmem:$0x1C600] =	vst v63  }
0x7f: {  	p0 =	sne.s32 s22, $0x1;
	s22 =	sadd.s32 $0xFFFFFFFF, s22;
	_ =	swait.ge [sflag:s14], $0x6400  }
.Ltmp5:
0x80: {  	[sflag:s14] =	ssyncset.done $0x0;
	(pc) =	sbr.rel @p0 .LBB2_8-.Ltmp5, $4  }
0x81: {  	[sflag:s14] =	ssyncadd.s32 $0xFFFF9C00  }
0x82: {  	[hbm4b:s24+s3] =	stream.linear.scatter [tilespmem:s13], [sflag:$0x2], $0x6400, $0x38;
	[tilespmem:$0x1C600] =	vst v63  }
0x83: {  	_ =	swait.ge [sflag:s14], $0x6400  }
0x84: {  	[sflag:s14] =	ssyncset.done $0x0  }
.LBB2_9:
0x85: {  	s21 =	sadd.s32 $0x1, s21  }
0x86: {  	p0 =	sne.s32 s21, s7  }
.Ltmp6:
0x87: {  	_ = 	snop;
	(pc) =	sbr.rel @p0 .LBB2_1-.Ltmp6, $2  }
0x88: {  	_ =	sdelay $0x2  }
0x89: {  	[sflag:s14] =	ssyncadd.s32 $0xFFFF9C00  }
0x8a: {  	_ =	sfence.sel $0x180000  }
0x8b: {  	[bflag:$0x0] =	sbarrier.arrive $0xFFFF  }
0x8c: {  	p0 =	sne.s32 s0, $0x0;
	_ =	strace $0x9000005C  }
0x8d: {  	s0 =	sadd.s32 @!p0 $0x100000, s1;
	[bflag:$0x2] =	sbarrier.arrive $0xFFFF  }
0x8e: {  	[sflag:s0] =	ssyncadd.tile.s32 @!p0 $0x1;
	_ =	shalt  }
.Lfunc_end2:
_tile_overlayer_lowered:
.L_overlay_start_2:
0x8f: {  	(tag) =	ssettag $0x2  }
0x90: {  	s0 =	rddreg [dreg:$0x0];
	s2 =	stileid.u32  }
0x91: {  	s1 =	rddreg [dreg:$0x1];
	p0 =	sne.s32 s2, $0x0  }
0x92: {  	s3 =	rddreg [dreg:$0x2];
	[bflag:$0x3] =	sbarrier.arrive $0xFFFF;
	s2 =	simm.s32 @!p0 $0x1C02  }
0x93: {  	[timem:s3], [sflag:s2] =	dma.local @!p0 [hbm:s0], s1  }
0x94: {  	s0 =	simm.s32 @!p0 $0x2  }
0x95: {  	_ =	swait.ge @!p0 [sflag:s0], s1  }
0x96: {  	s1 =	ssub.s32 @!p0 $0x0, s1;
	[sflag:s0] =	ssyncset.done @!p0 $0x0  }
0x97: {  	[sflag:s0] =	ssyncadd.s32 @!p0 s1  }
0x98: {  	[bflag:$0x3] =	sbarrier.arrive $0xFFFF  }
0x99: {  	_ =	shalt  }

// kernel: kernel.24.cloned.1.call-start
scs
__scs_entry_jumppad:
0x0: {  	(pc) =	sbr.rel $0x88, $3  }
0x1: {  	(tag) =	ssettag $0x0;
	lr =	simm.s32 $0x1  }
0x2: {  	[smem:$0x3F87] =	sst lr;
	_ =	strace $0xD0000000  }
0x3: {  	_ = 	snop  }
0x4: {  	_ = 	snop  }
0x5: {  	_ = 	snop  }
0x6: {  	_ = 	snop  }
0x7: {  	_ = 	snop  }
__scs_overlays_trampoline_lowered:
0x8: {  	[smem:$0x3F96] =	sst s0  }
0x9: {  	[smem:$0x3F97] =	sst s1  }
0xa: {  	[smem:$0x3F98] =	sst s2  }
0xb: {  	[smem:$0x3F99] =	sst s3  }
0xc: {  	[smem:$0x3F9A] =	sst s4  }
0xd: {  	[smem:$0x3F9B] =	sst s5  }
0xe: {  	[smem:$0x3F9C] =	sst s6  }
0xf: {  	[smem:$0x3F9D] =	sst s7  }
0x10: {  	[smem:$0x3F9E] =	sst s8  }
0x11: {  	[smem:$0x3F9F] =	sst s9;
	s0 =	simm.s32 @!p0 $0x0  }
0x12: {  	s1 =	sld [smem:$0x3F85];
	s0 =	simm.s32 @p0 $0x1  }
0x13: {  	[smem:$0x3FA0] =	sst s0;
	s0 =	simm.s32 @!p1 $0x0  }
0x14: {  	s2 =	sld [smem:$0x3F84];
	s0 =	simm.s32 @p1 $0x1  }
0x15: {  	[smem:$0x3FA1] =	sst s0;
	s0 =	simm.s32 @!p2 $0x0  }
0x16: {  	s3 =	sld [smem:$0x3FDB];
	s0 =	simm.s32 @p2 $0x1  }
0x17: {  	s4 =	simm.s32 $0x1BF5;
	[smem:$0x3FA3] =	sst s0  }
0x18: {  	s0 =	sld [smem:$0x3F86];
	_ =	swait.ge [sflag:s4], $0x0  }
0x19: {  	s7 =	sld [smem:$0x3F87]  }
0x1a: {  	s8 =	sadd.s32 $0xFFFFE003, lr  }
0x1b: {  	s9 =	sadd.s32 $0xFFFFFEF7, lr;
	s5 =	simm.s32 $0xFFFFFFFF;
	p2 =	slt.u32 s8, $0xFFFFF086  }
0x1c: {  	p1 =	slt.u32 s9, $0xF7A;
	s5 =	simm.s32 @!p2 $0x0  }
0x1d: {  	s5 =	simm.s32 @p1 $0x1;
	p0 =	seq.s32 s7, s2  }
0x1e: {  	s7 =	smul.u32 @!p0 $0xF7A, s2;
	p2 =	seq.s32 @!p0 s5, $0x0  }
0x1f: {  	s9 =	smul.u32 $0xF7A, s1;
	s8 =	simm.s32 @!p0 $0x1BF5;
	p2 =	por !p2, p0  }
0x20: {  	[sflag:s8] =	ssyncset.s32 @!p0 $0xFFFFF086;
	s6 =	sadd.s32 @!p0 s3, s7;
	s7 =	simm.s32 @!p0 $0x108  }
0x21: {  	s3 =	sadd.s32 s3, s9;
	s6 =	sadd.s32 @!p0 $0x88, s6;
	s7 =	simm.s32 @p2 $0x1082  }
0x22: {  	[simem:s7], [sflag:s8] =	dma.local @!p0 [hbm:s6], $0xF7A  }
0x23: {  	s9 =	sor.u32 $0xD0000000, s2;
	s6 =	simm.s32 $0x108;
	_ =	swait.ge @!p0 [sflag:s8], $0x0  }
0x24: {  	s3 =	sadd.s32 $0x88, s3;
	s6 =	simm.s32 @!p1 $0x1082;
	[sflag:s4] =	ssyncset.s32 $0xFFFFF086  }
0x25: {  	[simem:s6], [sflag:s4] =	dma.local [hbm:s3], $0xF7A  }
0x26: {  	[smem:$0x3F87] =	sst s1;
	(tag) =	ssettag s2;
	_ =	strace s9  }
0x27: {  	s1 =	sld [smem:$0x3F97]  }
0x28: {  	s2 =	sld [smem:$0x3F98]  }
0x29: {  	s4 =	sld [smem:$0x3F9A]  }
0x2a: {  	p0 =	seq.s32 s5, $0x0;
	s5 =	sld [smem:$0x3F9B]  }
0x2b: {  	s6 =	sld [smem:$0x3F9C]  }
0x2c: {  	s7 =	sld [smem:$0x3F9D]  }
0x2d: {  	s3 =	simm.s32 $0x108;
	s8 =	sld [smem:$0x3F9E]  }
0x2e: {  	s3 =	simm.s32 @!p0 $0x1082;
	s9 =	sld [smem:$0x3F9F]  }
0x2f: {  	lr =	sadd.s32 s0, s3;
	s0 =	sld [smem:$0x3F96]  }
0x30: {  	s3 =	sld [smem:$0x3F99]  }
0x31: {  	[smem:$0x3FA2] =	sst s10  }
0x32: {  	s10 =	sld [smem:$0x3FA0];
	_ =	sdelay $0x3  }
0x33: {  	p0 =	seq.s32 s10, $0x1;
	s10 =	sld [smem:$0x3FA2];
	_ =	sdelay $0x3  }
0x34: {  	[smem:$0x3FA2] =	sst s10  }
0x35: {  	s10 =	sld [smem:$0x3FA1];
	_ =	sdelay $0x3  }
0x36: {  	p1 =	seq.s32 s10, $0x1;
	s10 =	sld [smem:$0x3FA2];
	_ =	sdelay $0x3  }
0x37: {  	[smem:$0x3FA2] =	sst s10  }
0x38: {  	s10 =	sld [smem:$0x3FA3]  }
0x39: {  	_ = 	snop;
	(pc) =	sbr.ind lr, $3  }
0x3a: {  	_ = 	snop  }
0x3b: {  	_ = 	snop  }
0x3c: {  	p2 =	seq.s32 s10, $0x1;
	s10 =	sld [smem:$0x3FA2]  }
0x3d: {  	_ =	shalt  }
0x3e: {  	_ =	shalt  }
0x3f: {  	_ =	shalt  }
0x40: {  	_ =	shalt  }
0x41: {  	_ =	shalt  }
0x42: {  	_ =	shalt  }
0x43: {  	_ =	shalt  }
0x44: {  	_ =	shalt  }
0x45: {  	_ =	shalt  }
0x46: {  	_ =	shalt  }
0x47: {  	_ =	shalt  }
0x48: {  	_ =	shalt  }
0x49: {  	_ =	shalt  }
0x4a: {  	_ =	shalt  }
0x4b: {  	_ =	shalt  }
0x4c: {  	_ =	shalt  }
0x4d: {  	_ =	shalt  }
0x4e: {  	_ =	shalt  }
0x4f: {  	_ =	shalt  }
0x50: {  	_ =	shalt  }
0x51: {  	_ =	shalt  }
0x52: {  	_ =	shalt  }
0x53: {  	_ =	shalt  }
0x54: {  	_ =	shalt  }
0x55: {  	_ =	shalt  }
0x56: {  	_ =	shalt  }
0x57: {  	_ =	shalt  }
0x58: {  	_ =	shalt  }
0x59: {  	_ =	shalt  }
0x5a: {  	_ =	shalt  }
0x5b: {  	_ =	shalt  }
0x5c: {  	_ =	shalt  }
0x5d: {  	_ =	shalt  }
0x5e: {  	_ =	shalt  }
0x5f: {  	_ =	shalt  }
0x60: {  	_ =	shalt  }
0x61: {  	_ =	shalt  }
0x62: {  	_ =	shalt  }
0x63: {  	_ =	shalt  }
0x64: {  	_ =	shalt  }
0x65: {  	_ =	shalt  }
0x66: {  	_ =	shalt  }
0x67: {  	_ =	shalt  }
0x68: {  	_ =	shalt  }
0x69: {  	_ =	shalt  }
0x6a: {  	_ =	shalt  }
0x6b: {  	_ =	shalt  }
0x6c: {  	_ =	shalt  }
0x6d: {  	_ =	shalt  }
0x6e: {  	_ =	shalt  }
0x6f: {  	_ =	shalt  }
0x70: {  	_ =	shalt  }
0x71: {  	_ =	shalt  }
0x72: {  	_ =	shalt  }
0x73: {  	_ =	shalt  }
0x74: {  	_ =	shalt  }
0x75: {  	_ =	shalt  }
0x76: {  	_ =	shalt  }
0x77: {  	_ =	shalt  }
0x78: {  	_ =	shalt  }
0x79: {  	_ =	shalt  }
0x7a: {  	_ =	shalt  }
0x7b: {  	_ =	shalt  }
0x7c: {  	_ =	shalt  }
0x7d: {  	_ =	shalt  }
0x7e: {  	_ =	shalt  }
0x7f: {  	_ =	shalt  }
0x80: {  	_ =	shalt  }
0x81: {  	_ =	shalt  }
0x82: {  	_ =	shalt  }
0x83: {  	_ =	shalt  }
0x84: {  	_ =	shalt  }
0x85: {  	_ =	shalt  }
0x86: {  	_ =	shalt  }
0x87: {  	_ =	shalt  }
.Lfunc_end0:
.L_simem_size_0:
called_computation.8_lowered:
.L_overlay_start_0:
0x88: {  	s2 =	sld [smem:$0x3FD9]  }
0x89: {  	s3 =	sld [smem:$0x3FFE];
	_ =	sdelay $0x1  }
0x8a: {  	s1 =	srdreg.scid  }
0x8b: {  	s0 =	sand.u32 $0x1, s1  }
0x8c: {  	s16 =	sshll.u32 s0, $0xA;
	s2 =	sadd.s32 s3, s2  }
0x8d: {  	s2 =	sadd.s32 s2, s16  }
0x8e: {  	[smem:$0x3FAE] =	sst s2  }
0x8f: {  	_ = 	snop  }
0x90: {  	(tm) =	ssettm $0x1  }
0x91: {  	s17 =	sld [smem:$0x3FFB];
	_ =	sdelay $0x3  }
0x92: {  	_ =	strace s17  }
0x93: {  	s2 =	sld [smem:$0x3FFC];
	_ =	sdelay $0x3  }
0x94: {  	_ =	strace s2  }
0x95: {  	s2 =	sld [smem:$0x3FFD];
	_ =	sdelay $0x3  }
0x96: {  	_ =	strace s2  }
0x97: {  	_ =	strace $0x8FFFFFFF  }
0x98: {  	s18 =	sld [smem:$0x3FDB];
	_ =	sdelay $0x1  }
0x99: {  	s19 =	simm.s32 $_scs_section_size  }
0x9a: {  	s4 =	simm.s32 $_size__tile_overlayer_lowered;
	s5 =	simm.s32 $_tile_overlayer_lowered  }
0x9b: {  	s22 =	simm.s32 $0x1BFF;
	s21 =	sshll.u32 s5, $0x1;
	s2 =	sadd.s32 s19, s18  }
0x9c: {  	s6 =	simm.s32 $0x0;
	s20 =	sshll.u32 s4, $0x1;
	s4 =	sadd.s32 s21, s2  }
0x9d: {  	[timem:s6], [sflag:s22] =	dma.local [hbm:s4], s20  }
0x9e: {  	_ =	swait.ge [sflag:s22], s20  }
0x9f: {  	s3 =	ssub.s32 $0x0, s20;
	[sflag:s22] =	ssyncset.done $0x0  }
0xa0: {  	[sflag:s22] =	ssyncadd.s32 s3;
	_ =	sdelay $0x1  }
0xa1: {  	s23 =	simm.s32 $0x1B8B  }
0xa2: {  	_ =	swait.ge [sflag:s23], $0x1  }
0xa3: {  	[sflag:s23] =	ssyncset.done $0x0  }
0xa4: {  	s25 =	simm.s32 $0x1B8E;
	s24 =	sld [smem:$0x3FFE];
	[sflag:s23] =	ssyncadd.s32 $0xFFFFFFFF  }
0xa5: {  	s26 =	simm.s32 $execute0_lowered;
	[smem:$0x3FD2] =	sst s25  }
0xa6: {  	s4 =	sshll.u32 s26, $0x1;
	_ =	strace $0x8000005E;
	[dreg:$0x1] =	wrdreg $0xFFFFFFFF  }
0xa7: {  	s28 =	simm.s32 $_size_execute0_lowered;
	s2 =	sadd.s32 s2, s4;
	[dreg:$0x0] =	wrdreg $0x0  }
0xa8: {  	s4 =	sshll.u32 s28, $0x1;
	[dreg:$0x2] =	wrdreg s2  }
0xa9: {  	[dreg:$0x3] =	wrdreg s4  }
0xaa: {  	[dreg:$0x4] =	wrdreg $0xC0  }
0xab: {  	_ =	task [dreg:s6], $0x5FFFF  }
0xac: {  	[dreg:$0x1] =	wrdreg $0xFFFFFFFF  }
0xad: {  	[dreg:$0x0] =	wrdreg $0x60  }
0xae: {  	[dreg:$0x2] =	wrdreg s24  }
0xaf: {  	[dreg:$0x3] =	wrdreg $0x0  }
0xb0: {  	[dreg:$0x4] =	wrdreg $0x9  }
0xb1: {  	_ =	task.clear_ibuf [dreg:s6], $0x5FFFF;
	_ =	strace $0x9000005E  }
0xb2: {  	s29 =	simm.s32 $0x9;
	_ =	strace $0x80000060  }
0xb3: {  	_ =	swait.ge [sflag:s29], $0x1  }
0xb4: {  	[sflag:s29] =	ssyncadd.s32 $0xFFFFFFFF  }
0xb5: {  	_ =	strace $0x90000060  }
0xb6: {  	_ =	sfence  }
0xb7: {  	s30 =	sld [smem:$0x0];
	_ =	sdelay $0x2  }
0xb8: {  	s31 =	sshll.u32 s1, $0xD;
	s1 =	sshrl.u32 s1, $0x2  }
0xb9: {  	s3 =	sand.u32 $0x4000, s31;
	s1 =	sadd.s32 s1, s30  }
0xba: {  	s0 =	sor.u32 s3, s0;
	s1 =	sshll.u32 s1, $0x11  }
0xbb: {  	s0 =	sor.u32 s1, s0  }
0xbc: {  	s0 =	sadd.s32 $0x8F2B, s0  }
0xbd: {  	[sflag:s0] =	ssyncadd.remote.s32 $0x1  }
0xbe: {  	_ =	sfence.sel $0xFFFF  }
0xbf: {  	[dreg:$0x0] =	wrdreg $0xFFFFFFFF;
	(pc) =	sbr.abs _section_cstart, $3  }
0xc0: {  	[dreg:$0x1] =	wrdreg $0xFFFFFFFF  }
0xc1: {  	_ =	task.clear_ibuf [dreg:s6], $0x2FFFF;
	_ =	strace $0x9FFFFFFF  }
0xc2: {  	(tm) =	ssettm $0x7FFFFFFF  }
0xc3: {  	_ =	shalt  }
tec
execute0_lowered:
.L_overlay_start_1:
0x0: {  	(tag) =	ssettag $0x1  }
0x1: {  	s6 =	rddreg [dreg:$0x0]  }
0x2: {  	s2 =	rddreg [dreg:$0x1]  }
0x3: {  	s0 =	srdreg.scid;
	s1 =	rddreg [dreg:$0x2];
	s3 =	simm.s32 $0x0  }
0x4: {  	s13 =	simm.s32 $0x16200;
	s14 =	simm.s32 $0x2;
	s15 =	simm.s32 $0x13880  }
0x5: {  	s16 =	simm.s32 $0x13900;
	s17 =	simm.s32 $0x13980;
	s18 =	simm.s32 $0x50  }
0x6: {  	s19 =	simm.s32 $0x13A00;
	s7 =	sand.u32 $0x1, s0;
	s0 =	stileid.u32  }
0x7: {  	s20 =	simm.s32 $0x1;
	[smem:$0x7FF] =	sst s3;
	s8 =	smul.u32 $0x27100, s7  }
0x8: {  	s21 =	simm.s32 $0x0;
	s4 =	smul.u32 $0x2710, s0;
	_ =	strace $0x8000005F  }
0x9: {  	s7 =	ssub.s32 $0x2, s7;
	s30 =	smul.u32 $0x19000, s0;
	s31 =	ssub.s32 $0x41, s0  }
0xa: {  	s12 =	smul.u32 $0xC80, s0;
	s29 =	sshrl.u32 s7, $0x1;
	s5 =	sadd.s32 s4, s8  }
0xb: {  	s4 =	sadd.s32 $0x47800, s6;
	s10 =	sadd.s32 s8, s6;
	s7 =	ssub.s32 s7, s29  }
0xc: {  	s8 =	sshrl.u32 s30, $0x2;
	s9 =	sshrl.u32 s5, $0x3;
	s5 =	sadd.s32 $0x6F000, s6  }
0xd: {  	s7 =	smax.u32 s7, $0x1;
	s8 =	sadd.s32 s8, s2;
	s12 =	sadd.s32 s12, s10  }
0xe: {  	s11 =	sadd.s32 s9, s6;
	s6 =	sshrl.u32 s31, $0x4;
	s12 =	sadd.s32 $0x6F200, s12  }
0xf: {  	v0 =	vimm.f32 $0.0e+00;
	s9 =	sadd.s32 $0x3DA00, s11;
	s10 =	sadd.s32 $0x33C00, s11;
	s11 =	sadd.s32 $0x20000, s11  }
.LBB2_1:
0x10: {  	s22 =	simm.s32 $0x0;
	s23 =	simm.s32 $0x200  }
.LBB2_2:
0x11: {  	p0 =	sne.s32 s23, $0x18E00;
	[tilespmem:s22+$0x16270] =	vst v0  }
0x12: {  	[tilespmem:s22+$0x16200] =	vst v0  }
0x13: {  	[tilespmem:s22+$0x16210] =	vst v0  }
.Ltmp0:
0x14: {  	[tilespmem:s22+$0x16220] =	vst v0;
	(pc) =	sbr.rel @p0 .LBB2_2-.Ltmp0, $4  }
0x15: {  	[tilespmem:s22+$0x16230] =	vst v0  }
0x16: {  	[tilespmem:s22+$0x16240] =	vst v0  }
0x17: {  	[tilespmem:s22+$0x16250] =	vst v0  }
0x18: {  	[tilespmem:s22+$0x16260] =	vst v0;
	s22 =	sshra.s32 s23, $0x2;
	s23 =	sadd.s32 $0x200, s23  }
0x19: {  	[tilespmem:s22+$0x16270] =	vst v0  }
0x1a: {  	[tilespmem:s22+$0x16200] =	vst v0  }
0x1b: {  	[tilespmem:s22+$0x16210] =	vst v0  }
0x1c: {  	[tilespmem:s22+$0x16220] =	vst v0  }
0x1d: {  	[tilespmem:s22+$0x16230] =	vst v0  }
0x1e: {  	[tilespmem:s22+$0x16240] =	vst v0;
	p0 =	sne.s32 s6, $0x1  }
.Ltmp1:
0x1f: {  	[tilespmem:s22+$0x16250] =	vst v0;
	(pc) =	sbr.rel @!p0 .LBB2_5-.Ltmp1, $4  }
0x20: {  	[tilespmem:s22+$0x16260] =	vst v0  }
0x21: {  	[spmem:s8] =	stream.linear.scatter [tilespmem:s13], [sflag:$0x2], $0x6400, $0x38;
	[tilespmem:$0x1C600] =	vst v63  }
0x22: {  	_ =	swait.ge [sflag:s14], $0x6400  }
0x23: {  	s22 =	sadd.s32 $0xFFFFFFFF, s6;
	s23 =	smov.u32 s8;
	[sflag:s14] =	ssyncset.done $0x0  }
.LBB2_4:
0x24: {  	p1 =	sne.s32 s22, $0x1;
	[sflag:s14] =	ssyncadd.s32 $0xFFFF9C00;
	s23 =	sadd.s32 $0x64000, s23  }
.Ltmp2:
0x25: {  	s22 =	sadd.s32 $0xFFFFFFFF, s22;
	(pc) =	sbr.rel @p1 .LBB2_4-.Ltmp2, $4  }
0x26: {  	_ = 	snop  }
0x27: {  	[spmem:s23] =	stream.linear.scatter [tilespmem:s13], [sflag:$0x2], $0x6400, $0x38;
	[tilespmem:$0x1C600] =	vst v63  }
0x28: {  	_ =	swait.ge [sflag:s14], $0x6400  }
0x29: {  	[sflag:s14] =	ssyncset.done $0x0  }
.LBB2_5:
0x2a: {  	[sflag:s14] =	ssyncadd.s32 $0xFFFF9C00  }
0x2b: {  	s22 =	sadd.s32 $0x0, s11;
	[bflag:$0x0] =	sbarrier.arrive $0xFFFF  }
0x2c: {  	[tilespmem:s15], [sflag:$0x2] =	stream.linear.gather [hbm4b:s22+s3], $0x50, $0x38;
	[tilespmem:$0x1C600] =	vst v63  }
0x2d: {  	_ =	swait.ge [sflag:s14], $0x50  }
0x2e: {  	[sflag:s14] =	ssyncset.done $0x0  }
0x2f: {  	s30 =	sadd.s32 $0x0, s10;
	[sflag:s14] =	ssyncadd.s32 $0xFFFFFFB0  }
0x30: {  	[tilespmem:s16], [sflag:$0x2] =	stream.linear.gather [hbm4b:s30+s3], $0x50, $0x38;
	[tilespmem:$0x1C600] =	vst v63  }
0x31: {  	_ =	swait.ge [sflag:s14], $0x50  }
0x32: {  	[sflag:s14] =	ssyncset.done $0x0  }
0x33: {  	s31 =	sadd.s32 $0x0, s9;
	[sflag:s14] =	ssyncadd.s32 $0xFFFFFFB0  }
0x34: {  	[tilespmem:s17], [sflag:$0x2] =	stream.linear.gather [hbm4b:s31+s3], $0x50, $0x38;
	[tilespmem:$0x1C600] =	vst v63  }
0x35: {  	_ =	swait.ge [sflag:s14], $0x50  }
0x36: {  	[sflag:s14] =	ssyncset.done $0x0  }
0x37: {  	[sflag:s14] =	ssyncadd.s32 $0xFFFFFFB0  }
0x38: {  	[tilespmem:s19], [sflag:$0x1] =	stream.indirect.gather [hbm4b:s5+s18], $0x80, s17, s18, $0xb8;
	[tilespmem:$0x1C600] =	vst v63  }
0x39: {  	_ =	swait.ge [sflag:s20], $0x2800  }
0x3a: {  	[sflag:s20] =	ssyncset.done $0x0  }
0x3b: {  	[sflag:s20] =	ssyncadd.s32 $0xFFFFD800  }
0x3c: {  	[tilespmem:s19], [sflag:$0x1] =	stream.indirect.gather.add.f32 [hbm:s4], $0x80, s15, s18, $0xb8;
	[tilespmem:$0x1C600] =	vst v63  }
0x3d: {  	_ =	swait.ge [sflag:s20], $0x2800  }
0x3e: {  	[sflag:s20] =	ssyncset.done $0x0  }
0x3f: {  	[sflag:s20] =	ssyncadd.s32 $0xFFFFD800  }
0x40: {  	[spmem:s2] =	stream.indirect.scatter.add.f32 [tilespmem:s19], [sflag:$0x2], $0x80, s16, s18, $0xb8;
	[tilespmem:$0x1C600] =	vst v63  }
0x41: {  	_ =	swait.ge [sflag:s14], $0x2800  }
0x42: {  	s23 =	simm.s32 $0x14;
	s22 =	simm.s32 $0xA;
	[sflag:s14] =	ssyncset.done $0x0  }
.LBB2_6:
0x43: {  	s24 =	sadd.s32 s22, s11  }
0x44: {  	[sflag:s14] =	ssyncadd.s32 $0xFFFFD800;
	s25 =	smov.u32 s23;
	s26 =	sadd.s32 $0xA, s23  }
0x45: {  	[tilespmem:s15], [sflag:$0x2] =	stream.linear.gather [hbm4b:s24+s3], $0x50, $0x38;
	[tilespmem:$0x1C600] =	vst v63  }
0x46: {  	p1 =	sne.s32 s23, $0x4D8;
	_ =	swait.ge [sflag:s14], $0x50  }
0x47: {  	[sflag:s14] =	ssyncset.done $0x0  }
0x48: {  	s23 =	sadd.s32 s22, s10;
	[sflag:s14] =	ssyncadd.s32 $0xFFFFFFB0  }
0x49: {  	[tilespmem:s16], [sflag:$0x2] =	stream.linear.gather [hbm4b:s23+s3], $0x50, $0x38;
	[tilespmem:$0x1C600] =	vst v63  }
0x4a: {  	_ =	swait.ge [sflag:s14], $0x50  }
0x4b: {  	[sflag:s14] =	ssyncset.done $0x0  }
0x4c: {  	s23 =	sadd.s32 s22, s9;
	s22 =	smov.u32 s25;
	[sflag:s14] =	ssyncadd.s32 $0xFFFFFFB0  }
0x4d: {  	[tilespmem:s17], [sflag:$0x2] =	stream.linear.gather [hbm4b:s23+s3], $0x50, $0x38;
	[tilespmem:$0x1C600] =	vst v63  }
0x4e: {  	_ =	swait.ge [sflag:s14], $0x50  }
0x4f: {  	[sflag:s14] =	ssyncset.done $0x0  }
0x50: {  	[sflag:s14] =	ssyncadd.s32 $0xFFFFFFB0  }
0x51: {  	[tilespmem:s19], [sflag:$0x1] =	stream.indirect.gather [hbm4b:s5+s18], $0x80, s17, s18, $0xb8;
	[tilespmem:$0x1C600] =	vst v63  }
0x52: {  	_ =	swait.ge [sflag:s20], $0x2800  }
0x53: {  	[sflag:s20] =	ssyncset.done $0x0  }
0x54: {  	[sflag:s20] =	ssyncadd.s32 $0xFFFFD800  }
0x55: {  	[tilespmem:s19], [sflag:$0x1] =	stream.indirect.gather.add.f32 [hbm:s4], $0x80, s15, s18, $0xb8;
	[tilespmem:$0x1C600] =	vst v63  }
0x56: {  	_ =	swait.ge [sflag:s20], $0x2800  }
.Ltmp3:
0x57: {  	[sflag:s20] =	ssyncset.done $0x0;
	(pc) =	sbr.rel @p1 .LBB2_6-.Ltmp3, $4  }
0x58: {  	[sflag:s20] =	ssyncadd.s32 $0xFFFFD800  }
0x59: {  	[spmem:s2] =	stream.indirect.scatter.add.f32 [tilespmem:s19], [sflag:$0x2], $0x80, s16, s18, $0xb8;
	[tilespmem:$0x1C600] =	vst v63  }
0x5a: {  	_ =	swait.ge [sflag:s14], $0x2800  }
0x5b: {  	s23 =	smov.u32 s26;
	[sflag:s14] =	ssyncset.done $0x0  }
0x5c: {  	s23 =	sadd.s32 s22, s11;
	[sflag:s14] =	ssyncadd.s32 $0xFFFFD800  }
0x5d: {  	[tilespmem:s15], [sflag:$0x2] =	stream.linear.gather [hbm4b:s23+s3], $0x50, $0x38;
	[tilespmem:$0x1C600] =	vst v63  }
0x5e: {  	_ =	swait.ge [sflag:s14], $0x50  }
0x5f: {  	[sflag:s14] =	ssyncset.done $0x0  }
0x60: {  	s30 =	sadd.s32 s22, s10;
	[sflag:s14] =	ssyncadd.s32 $0xFFFFFFB0  }
0x61: {  	[tilespmem:s16], [sflag:$0x2] =	stream.linear.gather [hbm4b:s30+s3], $0x50, $0x38;
	[tilespmem:$0x1C600] =	vst v63  }
0x62: {  	_ =	swait.ge [sflag:s14], $0x50  }
0x63: {  	[sflag:s14] =	ssyncset.done $0x0  }
0x64: {  	s31 =	sadd.s32 s22, s9;
	[sflag:s14] =	ssyncadd.s32 $0xFFFFFFB0  }
0x65: {  	[tilespmem:s17], [sflag:$0x2] =	stream.linear.gather [hbm4b:s31+s3], $0x50, $0x38;
	[tilespmem:$0x1C600] =	vst v63  }
0x66: {  	_ =	swait.ge [sflag:s14], $0x50  }
0x67: {  	[sflag:s14] =	ssyncset.done $0x0  }
0x68: {  	[sflag:s14] =	ssyncadd.s32 $0xFFFFFFB0  }
0x69: {  	[tilespmem:s19], [sflag:$0x1] =	stream.indirect.gather [hbm4b:s5+s18], $0x80, s17, s18, $0xb8;
	[tilespmem:$0x1C600] =	vst v63  }
0x6a: {  	_ =	swait.ge [sflag:s20], $0x2800  }
0x6b: {  	[sflag:s20] =	ssyncset.done $0x0  }
0x6c: {  	[sflag:s20] =	ssyncadd.s32 $0xFFFFD800  }
0x6d: {  	[tilespmem:s19], [sflag:$0x1] =	stream.indirect.gather.add.f32 [hbm:s4], $0x80, s15, s18, $0xb8;
	[tilespmem:$0x1C600] =	vst v63  }
0x6e: {  	_ =	swait.ge [sflag:s20], $0x2800  }
0x6f: {  	[sflag:s20] =	ssyncset.done $0x0  }
0x70: {  	[sflag:s20] =	ssyncadd.s32 $0xFFFFD800  }
0x71: {  	[spmem:s2] =	stream.indirect.scatter.add.f32 [tilespmem:s19], [sflag:$0x2], $0x80, s16, s18, $0xb8;
	[tilespmem:$0x1C600] =	vst v63  }
0x72: {  	_ =	swait.ge [sflag:s14], $0x2800  }
0x73: {  	[sflag:s14] =	ssyncset.done $0x0  }
0x74: {  	[sflag:s14] =	ssyncadd.s32 $0xFFFFD800  }
0x75: {  	[bflag:$0x0] =	sbarrier.arrive $0xFFFF  }
0x76: {  	[tilespmem:s13], [sflag:$0x2] =	stream.linear.gather [spmem:s8], $0x6400, $0x38;
	[tilespmem:$0x1C600] =	vst v63  }
0x77: {  	_ =	swait.ge [sflag:s14], $0x6400  }
.Ltmp4:
0x78: {  	[sflag:s14] =	ssyncset.done $0x0;
	(pc) =	sbr.rel @!p0 .LBB2_9-.Ltmp4, $4  }
0x79: {  	[sflag:s14] =	ssyncadd.s32 $0xFFFF9C00  }
0x7a: {  	[hbm4b:s12+s3] =	stream.linear.scatter [tilespmem:s13], [sflag:$0x2], $0x6400, $0x38;
	[tilespmem:$0x1C600] =	vst v63  }
0x7b: {  	s22 =	sadd.s32 $0xFFFFFFFF, s6;
	_ =	swait.ge [sflag:s14], $0x6400  }
0x7c: {  	s24 =	smov.u32 s12;
	s23 =	smov.u32 s8;
	[sflag:s14] =	ssyncset.done $0x0  }
.LBB2_8:
0x7d: {  	[sflag:s14] =	ssyncadd.s32 $0xFFFF9C00;
	s23 =	sadd.s32 $0x64000, s23;
	s24 =	sadd.s32 $0xC800, s24  }
0x7e: {  	[tilespmem:s13], [sflag:$0x2] =	stream.linear.gather [spmem:s23], $0x6400, $0x38;
	[tilespmem:$0x1C600] =	vst v63  }
0x7f: {  	p0 =	sne.s32 s22, $0x1;
	s22 =	sadd.s32 $0xFFFFFFFF, s22;
	_ =	swait.ge [sflag:s14], $0x6400  }
.Ltmp5:
0x80: {  	[sflag:s14] =	ssyncset.done $0x0;
	(pc) =	sbr.rel @p0 .LBB2_8-.Ltmp5, $4  }
0x81: {  	[sflag:s14] =	ssyncadd.s32 $0xFFFF9C00  }
0x82: {  	[hbm4b:s24+s3] =	stream.linear.scatter [tilespmem:s13], [sflag:$0x2], $0x6400, $0x38;
	[tilespmem:$0x1C600] =	vst v63  }
0x83: {  	_ =	swait.ge [sflag:s14], $0x6400  }
0x84: {  	[sflag:s14] =	ssyncset.done $0x0  }
.LBB2_9:
0x85: {  	s21 =	sadd.s32 $0x1, s21  }
0x86: {  	p0 =	sne.s32 s21, s7  }
.Ltmp6:
0x87: {  	_ = 	snop;
	(pc) =	sbr.rel @p0 .LBB2_1-.Ltmp6, $2  }
0x88: {  	_ =	sdelay $0x2  }
0x89: {  	[sflag:s14] =	ssyncadd.s32 $0xFFFF9C00  }
0x8a: {  	_ =	sfence.sel $0x180000  }
0x8b: {  	[bflag:$0x0] =	sbarrier.arrive $0xFFFF  }
0x8c: {  	p0 =	sne.s32 s0, $0x0;
	_ =	strace $0x9000005F  }
0x8d: {  	s0 =	sadd.s32 @!p0 $0x100000, s1;
	[bflag:$0x2] =	sbarrier.arrive $0xFFFF  }
0x8e: {  	[sflag:s0] =	ssyncadd.tile.s32 @!p0 $0x1;
	_ =	shalt  }
.Lfunc_end2:
_tile_overlayer_lowered:
.L_overlay_start_2:
0x8f: {  	(tag) =	ssettag $0x2  }
0x90: {  	s0 =	rddreg [dreg:$0x0];
	s2 =	stileid.u32  }
0x91: {  	s1 =	rddreg [dreg:$0x1];
	p0 =	sne.s32 s2, $0x0  }
0x92: {  	s3 =	rddreg [dreg:$0x2];
	[bflag:$0x3] =	sbarrier.arrive $0xFFFF;
	s2 =	simm.s32 @!p0 $0x1C02  }
0x93: {  	[timem:s3], [sflag:s2] =	dma.local @!p0 [hbm:s0], s1  }
0x94: {  	s0 =	simm.s32 @!p0 $0x2  }
0x95: {  	_ =	swait.ge @!p0 [sflag:s0], s1  }
0x96: {  	s1 =	ssub.s32 @!p0 $0x0, s1;
	[sflag:s0] =	ssyncset.done @!p0 $0x0  }
0x97: {  	[sflag:s0] =	ssyncadd.s32 @!p0 s1  }
0x98: {  	[bflag:$0x3] =	sbarrier.arrive $0xFFFF  }
0x99: {  	_ =	shalt  }

// kernel: kernel.9.cloned.1.call-start
scs
__scs_entry_jumppad:
0x0: {  	(pc) =	sbr.rel $0x88, $3  }
0x1: {  	(tag) =	ssettag $0x0;
	lr =	simm.s32 $0x1  }
0x2: {  	[smem:$0x3F87] =	sst lr;
	_ =	strace $0xD0000000  }
0x3: {  	_ = 	snop  }
0x4: {  	_ = 	snop  }
0x5: {  	_ = 	snop  }
0x6: {  	_ = 	snop  }
0x7: {  	_ = 	snop  }
__scs_overlays_trampoline_lowered:
0x8: {  	[smem:$0x3F96] =	sst s0  }
0x9: {  	[smem:$0x3F97] =	sst s1  }
0xa: {  	[smem:$0x3F98] =	sst s2  }
0xb: {  	[smem:$0x3F99] =	sst s3  }
0xc: {  	[smem:$0x3F9A] =	sst s4  }
0xd: {  	[smem:$0x3F9B] =	sst s5  }
0xe: {  	[smem:$0x3F9C] =	sst s6  }
0xf: {  	[smem:$0x3F9D] =	sst s7  }
0x10: {  	[smem:$0x3F9E] =	sst s8  }
0x11: {  	[smem:$0x3F9F] =	sst s9;
	s0 =	simm.s32 @!p0 $0x0  }
0x12: {  	s1 =	sld [smem:$0x3F85];
	s0 =	simm.s32 @p0 $0x1  }
0x13: {  	[smem:$0x3FA0] =	sst s0;
	s0 =	simm.s32 @!p1 $0x0  }
0x14: {  	s2 =	sld [smem:$0x3F84];
	s0 =	simm.s32 @p1 $0x1  }
0x15: {  	[smem:$0x3FA1] =	sst s0;
	s0 =	simm.s32 @!p2 $0x0  }
0x16: {  	s3 =	sld [smem:$0x3FDB];
	s0 =	simm.s32 @p2 $0x1  }
0x17: {  	s4 =	simm.s32 $0x1BF5;
	[smem:$0x3FA3] =	sst s0  }
0x18: {  	s0 =	sld [smem:$0x3F86];
	_ =	swait.ge [sflag:s4], $0x0  }
0x19: {  	s7 =	sld [smem:$0x3F87]  }
0x1a: {  	s8 =	sadd.s32 $0xFFFFE003, lr  }
0x1b: {  	s9 =	sadd.s32 $0xFFFFFEF7, lr;
	s5 =	simm.s32 $0xFFFFFFFF;
	p2 =	slt.u32 s8, $0xFFFFF086  }
0x1c: {  	p1 =	slt.u32 s9, $0xF7A;
	s5 =	simm.s32 @!p2 $0x0  }
0x1d: {  	s5 =	simm.s32 @p1 $0x1;
	p0 =	seq.s32 s7, s2  }
0x1e: {  	s7 =	smul.u32 @!p0 $0xF7A, s2;
	p2 =	seq.s32 @!p0 s5, $0x0  }
0x1f: {  	s9 =	smul.u32 $0xF7A, s1;
	s8 =	simm.s32 @!p0 $0x1BF5;
	p2 =	por !p2, p0  }
0x20: {  	[sflag:s8] =	ssyncset.s32 @!p0 $0xFFFFF086;
	s6 =	sadd.s32 @!p0 s3, s7;
	s7 =	simm.s32 @!p0 $0x108  }
0x21: {  	s3 =	sadd.s32 s3, s9;
	s6 =	sadd.s32 @!p0 $0x88, s6;
	s7 =	simm.s32 @p2 $0x1082  }
0x22: {  	[simem:s7], [sflag:s8] =	dma.local @!p0 [hbm:s6], $0xF7A  }
0x23: {  	s9 =	sor.u32 $0xD0000000, s2;
	s6 =	simm.s32 $0x108;
	_ =	swait.ge @!p0 [sflag:s8], $0x0  }
0x24: {  	s3 =	sadd.s32 $0x88, s3;
	s6 =	simm.s32 @!p1 $0x1082;
	[sflag:s4] =	ssyncset.s32 $0xFFFFF086  }
0x25: {  	[simem:s6], [sflag:s4] =	dma.local [hbm:s3], $0xF7A  }
0x26: {  	[smem:$0x3F87] =	sst s1;
	(tag) =	ssettag s2;
	_ =	strace s9  }
0x27: {  	s1 =	sld [smem:$0x3F97]  }
0x28: {  	s2 =	sld [smem:$0x3F98]  }
0x29: {  	s4 =	sld [smem:$0x3F9A]  }
0x2a: {  	p0 =	seq.s32 s5, $0x0;
	s5 =	sld [smem:$0x3F9B]  }
0x2b: {  	s6 =	sld [smem:$0x3F9C]  }
0x2c: {  	s7 =	sld [smem:$0x3F9D]  }
0x2d: {  	s3 =	simm.s32 $0x108;
	s8 =	sld [smem:$0x3F9E]  }
0x2e: {  	s3 =	simm.s32 @!p0 $0x1082;
	s9 =	sld [smem:$0x3F9F]  }
0x2f: {  	lr =	sadd.s32 s0, s3;
	s0 =	sld [smem:$0x3F96]  }
0x30: {  	s3 =	sld [smem:$0x3F99]  }
0x31: {  	[smem:$0x3FA2] =	sst s10  }
0x32: {  	s10 =	sld [smem:$0x3FA0];
	_ =	sdelay $0x3  }
0x33: {  	p0 =	seq.s32 s10, $0x1;
	s10 =	sld [smem:$0x3FA2];
	_ =	sdelay $0x3  }
0x34: {  	[smem:$0x3FA2] =	sst s10  }
0x35: {  	s10 =	sld [smem:$0x3FA1];
	_ =	sdelay $0x3  }
0x36: {  	p1 =	seq.s32 s10, $0x1;
	s10 =	sld [smem:$0x3FA2];
	_ =	sdelay $0x3  }
0x37: {  	[smem:$0x3FA2] =	sst s10  }
0x38: {  	s10 =	sld [smem:$0x3FA3]  }
0x39: {  	_ = 	snop;
	(pc) =	sbr.ind lr, $3  }
0x3a: {  	_ = 	snop  }
0x3b: {  	_ = 	snop  }
0x3c: {  	p2 =	seq.s32 s10, $0x1;
	s10 =	sld [smem:$0x3FA2]  }
0x3d: {  	_ =	shalt  }
0x3e: {  	_ =	shalt  }
0x3f: {  	_ =	shalt  }
0x40: {  	_ =	shalt  }
0x41: {  	_ =	shalt  }
0x42: {  	_ =	shalt  }
0x43: {  	_ =	shalt  }
0x44: {  	_ =	shalt  }
0x45: {  	_ =	shalt  }
0x46: {  	_ =	shalt  }
0x47: {  	_ =	shalt  }
0x48: {  	_ =	shalt  }
0x49: {  	_ =	shalt  }
0x4a: {  	_ =	shalt  }
0x4b: {  	_ =	shalt  }
0x4c: {  	_ =	shalt  }
0x4d: {  	_ =	shalt  }
0x4e: {  	_ =	shalt  }
0x4f: {  	_ =	shalt  }
0x50: {  	_ =	shalt  }
0x51: {  	_ =	shalt  }
0x52: {  	_ =	shalt  }
0x53: {  	_ =	shalt  }
0x54: {  	_ =	shalt  }
0x55: {  	_ =	shalt  }
0x56: {  	_ =	shalt  }
0x57: {  	_ =	shalt  }
0x58: {  	_ =	shalt  }
0x59: {  	_ =	shalt  }
0x5a: {  	_ =	shalt  }
0x5b: {  	_ =	shalt  }
0x5c: {  	_ =	shalt  }
0x5d: {  	_ =	shalt  }
0x5e: {  	_ =	shalt  }
0x5f: {  	_ =	shalt  }
0x60: {  	_ =	shalt  }
0x61: {  	_ =	shalt  }
0x62: {  	_ =	shalt  }
0x63: {  	_ =	shalt  }
0x64: {  	_ =	shalt  }
0x65: {  	_ =	shalt  }
0x66: {  	_ =	shalt  }
0x67: {  	_ =	shalt  }
0x68: {  	_ =	shalt  }
0x69: {  	_ =	shalt  }
0x6a: {  	_ =	shalt  }
0x6b: {  	_ =	shalt  }
0x6c: {  	_ =	shalt  }
0x6d: {  	_ =	shalt  }
0x6e: {  	_ =	shalt  }
0x6f: {  	_ =	shalt  }
0x70: {  	_ =	shalt  }
0x71: {  	_ =	shalt  }
0x72: {  	_ =	shalt  }
0x73: {  	_ =	shalt  }
0x74: {  	_ =	shalt  }
0x75: {  	_ =	shalt  }
0x76: {  	_ =	shalt  }
0x77: {  	_ =	shalt  }
0x78: {  	_ =	shalt  }
0x79: {  	_ =	shalt  }
0x7a: {  	_ =	shalt  }
0x7b: {  	_ =	shalt  }
0x7c: {  	_ =	shalt  }
0x7d: {  	_ =	shalt  }
0x7e: {  	_ =	shalt  }
0x7f: {  	_ =	shalt  }
0x80: {  	_ =	shalt  }
0x81: {  	_ =	shalt  }
0x82: {  	_ =	shalt  }
0x83: {  	_ =	shalt  }
0x84: {  	_ =	shalt  }
0x85: {  	_ =	shalt  }
0x86: {  	_ =	shalt  }
0x87: {  	_ =	shalt  }
.Lfunc_end0:
.L_simem_size_0:
called_computation.3_lowered:
.L_overlay_start_0:
0x88: {  	s2 =	sld [smem:$0x3FD9]  }
0x89: {  	s3 =	sld [smem:$0x3FFE];
	_ =	sdelay $0x1  }
0x8a: {  	s1 =	srdreg.scid  }
0x8b: {  	s0 =	sand.u32 $0x1, s1  }
0x8c: {  	s15 =	sshll.u32 s0, $0xA;
	s2 =	sadd.s32 s3, s2  }
0x8d: {  	s2 =	sadd.s32 s2, s15  }
0x8e: {  	[smem:$0x3FAE] =	sst s2  }
0x8f: {  	_ = 	snop  }
0x90: {  	s16 =	sld [smem:$0x3FD0];
	_ =	sdelay $0x2  }
0x91: {  	s4 =	simm.s32 $0xD;
	s5 =	simm.s32 $0x10;
	s2 =	sld [smem:$0x3FC4]  }
0x92: {  	[smem:s5], [sflag:s4] =	dma.local [hbm:s16], $0x1  }
0x93: {  	_ =	swait.eq [sflag:s4], $0x1  }
0x94: {  	[sflag:s4] =	ssyncset.done $0x0  }
0x95: {  	[sflag:s4] =	ssyncadd.s32 $0xFFFFFFFF  }
0x96: {  	s17 =	sld [smem:$0x11];
	(tm) =	ssettm $0x1  }
0x97: {  	s18 =	sld [smem:$0x3FFB];
	_ =	sdelay $0x3  }
0x98: {  	_ =	strace s18  }
0x99: {  	s3 =	sld [smem:$0x3FFC];
	_ =	sdelay $0x3  }
0x9a: {  	_ =	strace s3  }
0x9b: {  	s3 =	sld [smem:$0x3FFD];
	_ =	sdelay $0x3  }
0x9c: {  	_ =	strace s3  }
0x9d: {  	_ =	strace $0x8FFFFFFF  }
0x9e: {  	s19 =	sld [smem:$0x3FDB];
	_ =	sdelay $0x1  }
0x9f: {  	s20 =	simm.s32 $_scs_section_size  }
0xa0: {  	s6 =	simm.s32 $_size__tile_overlayer_lowered;
	s7 =	simm.s32 $_tile_overlayer_lowered  }
0xa1: {  	s8 =	simm.s32 $0x1BFF;
	s21 =	sshll.u32 s7, $0x1;
	s5 =	sadd.s32 s20, s19  }
0xa2: {  	s22 =	simm.s32 $0x0;
	s6 =	sshll.u32 s6, $0x1;
	s7 =	sadd.s32 s21, s5  }
0xa3: {  	[timem:s22], [sflag:s8] =	dma.local [hbm:s7], s6  }
0xa4: {  	_ =	swait.ge [sflag:s8], s6  }
0xa5: {  	s6 =	ssub.s32 $0x0, s6;
	[sflag:s8] =	ssyncset.done $0x0  }
0xa6: {  	[sflag:s8] =	ssyncadd.s32 s6;
	_ =	sdelay $0x1  }
0xa7: {  	s23 =	simm.s32 $0x1B8B  }
0xa8: {  	_ =	swait.ge [sflag:s23], $0x1  }
0xa9: {  	[sflag:s23] =	ssyncset.done $0x0  }
0xaa: {  	[sflag:s23] =	ssyncadd.s32 $0xFFFFFFFF  }
0xab: {  	s6 =	sld [smem:$0x0]  }
0xac: {  	s7 =	sand.u32 $0xFFFFFFFE, s1  }
0xad: {  	p0 =	sne.s32 s1, s7  }
0xae: {  	s7 =	sshll.u32 @p0 s7, $0xE  }
0xaf: {  	s7 =	sadd.s32 @p0 $0x11B8D, s7;
	s8 =	sshll.u32 @p0 s6, $0x11  }
0xb0: {  	s7 =	sor.u32 @p0 s8, s7  }
0xb1: {  	[sflag:s7] =	ssyncadd.remote.s32 @p0 $0x1;
	_ =	sdelay $0x1  }
0xb2: {  	s7 =	simm.s32 @p0 $0x1B8D  }
0xb3: {  	_ =	swait.eq @p0 [sflag:s7], $0x1  }
0xb4: {  	[sflag:s7] =	ssyncadd.s32 @p0 $0xFFFFFFFF  }
0xb5: {  	s8 =	sshll.u32 @!p0 s1, $0xE  }
0xb6: {  	s8 =	sor.u32 @!p0 $0x4000, s8;
	s7 =	simm.s32 @!p0 $0x1B8D  }
0xb7: {  	s6 =	sshll.u32 @!p0 s6, $0x11;
	s8 =	sadd.s32 @!p0 $0x11B8D, s8;
	_ =	swait.eq @!p0 [sflag:s7], $0x1  }
0xb8: {  	s6 =	sor.u32 @!p0 s6, s8;
	[sflag:s7] =	ssyncadd.s32 @!p0 $0xFFFFFFFF  }
0xb9: {  	s25 =	simm.s32 $0x1B8E;
	s24 =	sld [smem:$0x3FFE];
	[sflag:s6] =	ssyncadd.remote.s32 @!p0 $0x1  }
0xba: {  	s26 =	simm.s32 $execute0_lowered;
	[smem:$0x3FD2] =	sst s25  }
0xbb: {  	s7 =	sshll.u32 s26, $0x1;
	_ =	strace $0x8000004F;
	[dreg:$0x1] =	wrdreg $0xFFFFFFFF  }
0xbc: {  	s28 =	simm.s32 $_size_execute0_lowered;
	s5 =	sadd.s32 s5, s7;
	[dreg:$0x0] =	wrdreg $0x0  }
0xbd: {  	s7 =	sshll.u32 s28, $0x1;
	[dreg:$0x2] =	wrdreg s5  }
0xbe: {  	[dreg:$0x3] =	wrdreg s7  }
0xbf: {  	[dreg:$0x4] =	wrdreg $0xC0  }
0xc0: {  	_ =	task [dreg:s22], $0x5FFFF  }
0xc1: {  	[dreg:$0x1] =	wrdreg $0xFFFFFFFF  }
0xc2: {  	[dreg:$0x0] =	wrdreg $0x60  }
0xc3: {  	[dreg:$0x2] =	wrdreg s24  }
0xc4: {  	[dreg:$0x3] =	wrdreg s17  }
0xc5: {  	[dreg:$0x4] =	wrdreg s2  }
0xc6: {  	[dreg:$0x5] =	wrdreg $0xC  }
0xc7: {  	_ =	task.clear_ibuf [dreg:s22], $0x6FFFF;
	_ =	strace $0x9000004F  }
0xc8: {  	s29 =	simm.s32 $0xC;
	_ =	strace $0x80000051  }
0xc9: {  	_ =	swait.ge [sflag:s29], $0x1  }
0xca: {  	[sflag:s29] =	ssyncadd.s32 $0xFFFFFFFF  }
0xcb: {  	_ =	strace $0x90000051  }
0xcc: {  	_ =	sfence  }
0xcd: {  	s30 =	sld [smem:$0x0];
	_ =	sdelay $0x2  }
0xce: {  	s31 =	sshll.u32 s1, $0xD;
	s1 =	sshrl.u32 s1, $0x2  }
0xcf: {  	s4 =	sand.u32 $0x4000, s31;
	s1 =	sadd.s32 s1, s30  }
0xd0: {  	s0 =	sor.u32 s4, s0;
	s1 =	sshll.u32 s1, $0x11  }
0xd1: {  	s0 =	sor.u32 s1, s0  }
0xd2: {  	s0 =	sadd.s32 $0x8F2B, s0  }
0xd3: {  	[sflag:s0] =	ssyncadd.remote.s32 $0x1  }
0xd4: {  	_ =	sfence.sel $0xFFFF  }
0xd5: {  	[dreg:$0x0] =	wrdreg $0xFFFFFFFF;
	(pc) =	sbr.abs _section_cstart, $3  }
0xd6: {  	[dreg:$0x1] =	wrdreg $0xFFFFFFFF  }
0xd7: {  	_ =	task.clear_ibuf [dreg:s22], $0x2FFFF;
	_ =	strace $0x9FFFFFFF  }
0xd8: {  	(tm) =	ssettm $0x7FFFFFFF  }
0xd9: {  	_ =	shalt  }
tec
execute0_lowered:
.L_overlay_start_1:
0x0: {  	(tag) =	ssettag $0x1  }
0x1: {  	s7 =	rddreg [dreg:$0x0]  }
0x2: {  	s1 =	rddreg [dreg:$0x1]  }
0x3: {  	s2 =	rddreg [dreg:$0x2]  }
0x4: {  	s0 =	rddreg [dreg:$0x3];
	s3 =	simm.s32 $0x0;
	s4 =	srdreg.scid  }
0x5: {  	s15 =	simm.s32 $0x100;
	s16 =	simm.s32 $0x1;
	s17 =	simm.s32 $0x0  }
0x6: {  	[smem:$0x7FF] =	sst s3;
	s8 =	sand.u32 $0x1, s4;
	s5 =	sadd.s32 $0x2000, s7  }
0x7: {  	s4 =	stileid.u32;
	s6 =	sadd.s32 $0x1A00, s7;
	s10 =	smul.u32 $0x500, s8  }
0x8: {  	s7 =	sadd.s32 $0x47800, s7;
	_ =	strace $0x80000050;
	s11 =	smul.u32 $0x50, s4  }
0x9: {  	s9 =	ssub.s32 $0x2, s8;
	s13 =	sshll.u32 s8, $0x4;
	s14 =	smul.u32 $0x28000, s8  }
0xa: {  	s31 =	smul.u32 $0x2800, s4;
	s12 =	sshrl.u32 s9, $0x1;
	s30 =	sor.u32 s13, s4  }
0xb: {  	s13 =	simm.s32 $0x80;
	s29 =	ssub.s32 s9, s12;
	s9 =	ssub.s32 $0x9C, s30  }
0xc: {  	s10 =	sadd.s32 s11, s10;
	s11 =	sadd.s32 s31, s14;
	s12 =	simm.s32 $0x2  }
0xd: {  	s14 =	simm.s32 $0x50;
	s8 =	smax.u32 s29, $0x1;
	s9 =	sshrl.u32 s9, $0x5  }
.LBB2_1:
0xe: {  	p1 =	sne.s32 s9, $0x1  }
.Ltmp0:
0xf: {  	_ = 	snop;
	(pc) =	sbr.rel @!p1 .LBB2_2-.Ltmp0, $2  }
0x10: {  	_ =	sdelay $0x2  }
0x11: {  	s18 =	sadd.s32 $0xFFFFFFFF, s9;
	s21 =	sshrl.u32 s10, $0x3;
	p0 =	por $0x0, $0x0  }
0x12: {  	s19 =	sadd.s32 s5, s21  }
0x13: {  	[tilespmem:s3], [sflag:$0x2] =	stream.linear.gather [hbm4b:s19+s3], $0x50, $0x38;
	[tilespmem:$0x2900] =	vst v63  }
0x14: {  	_ =	swait.ge [sflag:s12], $0x50  }
0x15: {  	[sflag:s12] =	ssyncset.done $0x0  }
0x16: {  	s30 =	sadd.s32 s6, s21;
	[sflag:s12] =	ssyncadd.s32 $0xFFFFFFB0  }
0x17: {  	[tilespmem:s13], [sflag:$0x2] =	stream.linear.gather [hbm4b:s30+s3], $0x50, $0x38;
	[tilespmem:$0x2900] =	vst v63  }
0x18: {  	_ =	swait.ge [sflag:s12], $0x50  }
0x19: {  	[sflag:s12] =	ssyncset.done $0x0  }
0x1a: {  	[sflag:s12] =	ssyncadd.s32 $0xFFFFFFB0  }
0x1b: {  	[tilespmem:s15], [sflag:$0x1] =	stream.indirect.gather [hbm4b:s1+s14], $0x80, s3, s14, $0xb8;
	[tilespmem:$0x2900] =	vst v63  }
0x1c: {  	_ =	swait.ge [sflag:s16], $0x2800  }
0x1d: {  	[sflag:s16] =	ssyncset.done $0x0  }
0x1e: {  	[sflag:s16] =	ssyncadd.s32 $0xFFFFD800  }
0x1f: {  	[tilespmem:s15], [sflag:$0x1] =	stream.indirect.gather.add.f32 [hbm:s2], $0x80, s13, s14, $0xb8;
	[tilespmem:$0x2900] =	vst v63  }
0x20: {  	p1 =	sne.s32 s18, $0x1;
	_ =	swait.ge [sflag:s16], $0x2800  }
.Ltmp1:
0x21: {  	s31 =	sshrl.u32 s11, $0x3;
	[sflag:s16] =	ssyncset.done $0x0;
	(pc) =	sbr.rel @!p1 .LBB2_4-.Ltmp1, $4  }
0x22: {  	s20 =	sadd.s32 $0xA00, s10;
	s19 =	sadd.s32 s7, s31;
	[sflag:s16] =	ssyncadd.s32 $0xFFFFD800  }
0x23: {  	[hbm4b:s19+s3] =	stream.linear.scatter [tilespmem:s15], [sflag:$0x2], $0x2800, $0x38;
	[tilespmem:$0x2900] =	vst v63  }
0x24: {  	p0 =	por $0x1, $0x1;
	s21 =	sshrl.u32 s20, $0x3;
	_ =	swait.ge [sflag:s12], $0x2800  }
0x25: {  	s19 =	sadd.s32 $0xFFFFFFFF, s18;
	s18 =	smov.u32 s11;
	[sflag:s12] =	ssyncset.done $0x0  }
.LBB2_5:
0x26: {  	s22 =	sadd.s32 s5, s21;
	[sflag:s12] =	ssyncadd.s32 $0xFFFFD800;
	s18 =	sadd.s32 $0x50000, s18  }
0x27: {  	[tilespmem:s3], [sflag:$0x2] =	stream.linear.gather [hbm4b:s22+s3], $0x50, $0x38;
	[tilespmem:$0x2900] =	vst v63  }
0x28: {  	p1 =	sne.s32 s19, $0x1;
	s19 =	sadd.s32 $0xFFFFFFFF, s19;
	_ =	swait.ge [sflag:s12], $0x50  }
0x29: {  	[sflag:s12] =	ssyncset.done $0x0  }
0x2a: {  	s21 =	sadd.s32 s6, s21;
	[sflag:s12] =	ssyncadd.s32 $0xFFFFFFB0  }
0x2b: {  	[tilespmem:s13], [sflag:$0x2] =	stream.linear.gather [hbm4b:s21+s3], $0x50, $0x38;
	[tilespmem:$0x2900] =	vst v63  }
0x2c: {  	_ =	swait.ge [sflag:s12], $0x50  }
0x2d: {  	[sflag:s12] =	ssyncset.done $0x0  }
0x2e: {  	[sflag:s12] =	ssyncadd.s32 $0xFFFFFFB0  }
0x2f: {  	[tilespmem:s15], [sflag:$0x1] =	stream.indirect.gather [hbm4b:s1+s14], $0x80, s3, s14, $0xb8;
	[tilespmem:$0x2900] =	vst v63  }
0x30: {  	_ =	swait.ge [sflag:s16], $0x2800  }
0x31: {  	[sflag:s16] =	ssyncset.done $0x0  }
0x32: {  	[sflag:s16] =	ssyncadd.s32 $0xFFFFD800  }
0x33: {  	[tilespmem:s15], [sflag:$0x1] =	stream.indirect.gather.add.f32 [hbm:s2], $0x80, s13, s14, $0xb8;
	[tilespmem:$0x2900] =	vst v63  }
0x34: {  	_ =	swait.ge [sflag:s16], $0x2800  }
.Ltmp2:
0x35: {  	s21 =	sshrl.u32 s18, $0x3;
	[sflag:s16] =	ssyncset.done $0x0;
	(pc) =	sbr.rel @p1 .LBB2_5-.Ltmp2, $4  }
0x36: {  	s21 =	sadd.s32 s7, s21;
	[sflag:s16] =	ssyncadd.s32 $0xFFFFD800  }
0x37: {  	[hbm4b:s21+s3] =	stream.linear.scatter [tilespmem:s15], [sflag:$0x2], $0x2800, $0x38;
	[tilespmem:$0x2900] =	vst v63  }
0x38: {  	s20 =	sadd.s32 $0xA00, s20;
	_ =	swait.ge [sflag:s12], $0x2800  }
0x39: {  	s21 =	sshrl.u32 s20, $0x3;
	[sflag:s12] =	ssyncset.done $0x0  }
.LBB2_6:
0x3a: {  	s19 =	sadd.s32 s5, s21;
	[sflag:s12] =	ssyncadd.s32 @p0 $0xFFFFD800  }
0x3b: {  	[tilespmem:s3], [sflag:$0x2] =	stream.linear.gather [hbm4b:s19+s3], $0x50, $0x38;
	[tilespmem:$0x2900] =	vst v63  }
0x3c: {  	_ =	swait.ge [sflag:s12], $0x50  }
0x3d: {  	[sflag:s12] =	ssyncset.done $0x0  }
0x3e: {  	s31 =	sadd.s32 s6, s21;
	[sflag:s12] =	ssyncadd.s32 $0xFFFFFFB0  }
0x3f: {  	[tilespmem:s13], [sflag:$0x2] =	stream.linear.gather [hbm4b:s31+s3], $0x50, $0x38;
	[tilespmem:$0x2900] =	vst v63  }
0x40: {  	_ =	swait.ge [sflag:s12], $0x50  }
0x41: {  	[sflag:s12] =	ssyncset.done $0x0  }
0x42: {  	[sflag:s12] =	ssyncadd.s32 $0xFFFFFFB0  }
0x43: {  	[tilespmem:s15], [sflag:$0x1] =	stream.indirect.gather [hbm4b:s1+s14], $0x80, s3, s14, $0xb8;
	[tilespmem:$0x2900] =	vst v63  }
0x44: {  	_ =	swait.ge [sflag:s16], $0x2800  }
0x45: {  	[sflag:s16] =	ssyncset.done $0x0  }
0x46: {  	s18 =	sadd.s32 @p0 $0x50000, s18;
	s19 =	smov.u32 s11;
	[sflag:s16] =	ssyncadd.s32 $0xFFFFD800  }
0x47: {  	[tilespmem:s15], [sflag:$0x1] =	stream.indirect.gather.add.f32 [hbm:s2], $0x80, s13, s14, $0xb8;
	[tilespmem:$0x2900] =	vst v63  }
0x48: {  	s19 =	smov.u32 @p0 s18;
	_ =	swait.ge [sflag:s16], $0x2800  }
0x49: {  	s17 =	sadd.s32 $0x1, s17;
	s18 =	sshrl.u32 s19, $0x3;
	[sflag:s16] =	ssyncset.done $0x0  }
0x4a: {  	p0 =	sne.s32 s17, s8;
	s18 =	sadd.s32 s7, s18;
	[sflag:s16] =	ssyncadd.s32 $0xFFFFD800  }
0x4b: {  	[hbm4b:s18+s3] =	stream.linear.scatter [tilespmem:s15], [sflag:$0x2], $0x2800, $0x38;
	[tilespmem:$0x2900] =	vst v63  }
.Ltmp3:
0x4c: {  	_ = 	snop;
	(pc) =	sbr.rel @p0 .LBB2_1-.Ltmp3, $4  }
.Ltmp4:
0x4d: {  	_ = 	snop;
	(pc) =	sbr.rel @!p0 .LBB2_7-.Ltmp4, $4  }
0x4e: {  	_ =	swait.ge [sflag:s12], $0x2800  }
0x4f: {  	[sflag:s12] =	ssyncset.done $0x0  }
0x50: {  	[sflag:s12] =	ssyncadd.s32 $0xFFFFD800  }
0x51: {  	_ = 	snop  }
.LBB2_2:
.Ltmp5:
0x52: {  	(pc) =	sbr.rel .LBB2_6-.Ltmp5, $2  }
0x53: {  	_ =	sdelay $0x2  }
0x54: {  	s18 =	smov.u32 s11  }
.LBB2_4:
.Ltmp6:
0x55: {  	(pc) =	sbr.rel .LBB2_6-.Ltmp6, $2  }
0x56: {  	_ =	sdelay $0x2  }
0x57: {  	s18 =	smov.u32 s11  }
.LBB2_7:
0x58: {  	_ =	sfence.sel $0x180000  }
0x59: {  	[bflag:$0x0] =	sbarrier.arrive $0xFFFF  }
0x5a: {  	p0 =	sne.s32 s4, $0x0;
	_ =	strace $0x90000050  }
0x5b: {  	s0 =	sadd.s32 @!p0 $0x100000, s0;
	[bflag:$0x2] =	sbarrier.arrive $0xFFFF  }
0x5c: {  	[sflag:s0] =	ssyncadd.tile.s32 @!p0 $0x1;
	_ =	shalt  }
.Lfunc_end2:
_tile_overlayer_lowered:
.L_overlay_start_2:
0x5d: {  	(tag) =	ssettag $0x2  }
0x5e: {  	s0 =	rddreg [dreg:$0x0];
	s2 =	stileid.u32  }
0x5f: {  	s1 =	rddreg [dreg:$0x1];
	p0 =	sne.s32 s2, $0x0  }
0x60: {  	s3 =	rddreg [dreg:$0x2];
	[bflag:$0x3] =	sbarrier.arrive $0xFFFF;
	s2 =	simm.s32 @!p0 $0x1C02  }
0x61: {  	[timem:s3], [sflag:s2] =	dma.local @!p0 [hbm:s0], s1  }
0x62: {  	s0 =	simm.s32 @!p0 $0x2  }
0x63: {  	_ =	swait.ge @!p0 [sflag:s0], s1  }
0x64: {  	s1 =	ssub.s32 @!p0 $0x0, s1;
	[sflag:s0] =	ssyncset.done @!p0 $0x0  }
0x65: {  	[sflag:s0] =	ssyncadd.s32 @!p0 s1  }
0x66: {  	[bflag:$0x3] =	sbarrier.arrive $0xFFFF  }
0x67: {  	_ =	shalt  }

</sc_bundles>
